<compile_context>
chip_gen: v7x
topology: tpu7x:2x2x1
jax: 0.10.2.dev20260603
libtpu: 0.0.44.dev20260713+nightly
codegen_flags: <defaults>
</compile_context>

<pallas_src>
import functools

import jax
import jax.numpy as jnp
from jax import lax
from jax.experimental import pallas as pl
from jax.experimental.pallas import tpu as pltpu
from jax.experimental.pallas import tpu_sc as plsc

N_NODES = 10000
IN_F = 128
OUT_F = 128
N_REL = 4
N_EDGES = 320000

NC = 2
NS = 16
CH = 80
NSLOT = 4
SUP = 5 * CH
_DEG_PAD = 40960



def _mm_body(x_ref, w_ref, y_ref):
    x = x_ref[...]
    for r in range(N_REL + 1):
        y_ref[r] = jnp.dot(x, w_ref[r], preferred_element_type=jnp.float32)


def _relation_matmul(x, w5):
    nb = 10
    bs = N_NODES // nb
    r = w5.shape[0]
    return pl.pallas_call(
        _mm_body,
        grid=(nb,),
        in_specs=[
            pl.BlockSpec((bs, IN_F), lambda i: (i, 0)),
            pl.BlockSpec((r, IN_F, OUT_F), lambda i: (0, 0, 0)),
        ],
        out_specs=pl.BlockSpec((r, bs, OUT_F), lambda i: (0, i, 0)),
        out_shape=jax.ShapeDtypeStruct((r, N_NODES, OUT_F), jnp.float32),
    )(x, w5)



def _fin_body(a_ref, y5_ref, b_ref, o_ref):
    o_ref[...] = jnp.maximum(
        a_ref[0] + a_ref[1] + y5_ref[0] + b_ref[...], 0.0)


def _finale(acc2, y5, bias):
    nb = 10
    bs = N_NODES // nb
    return pl.pallas_call(
        _fin_body,
        grid=(nb,),
        in_specs=[
            pl.BlockSpec((2, bs, OUT_F), lambda i: (0, i, 0)),
            pl.BlockSpec((1, bs, OUT_F), lambda i: (N_REL, i, 0)),
            pl.BlockSpec((1, OUT_F), lambda i: (0, 0)),
        ],
        out_specs=pl.BlockSpec((bs, OUT_F), lambda i: (i, 0)),
        out_shape=jax.ShapeDtypeStruct((N_NODES, OUT_F), jnp.float32),
    )(acc2, y5, bias)



def _sc_deg_kernel(dst, et):
    mesh = plsc.VectorSubcoreMesh(core_axis_name="c", subcore_axis_name="s")
    esub = N_EDGES // NS
    nch_a = esub // CH
    nsup_a = esub // SUP
    deg_slice = _DEG_PAD // NS

    @functools.partial(
        pl.kernel,
        out_type=jax.ShapeDtypeStruct((NC * _DEG_PAD,), jnp.float32),
        mesh=mesh,
        scratch_types=[
            pltpu.VMEM_SHARED((_DEG_PAD,), jnp.float32),
            pltpu.VMEM((2 * SUP,), jnp.int32),
            pltpu.VMEM((2 * SUP,), jnp.int32),
            pltpu.VMEM((NSLOT, CH), jnp.int32),
            pltpu.VMEM((CH,), jnp.float32),
            pltpu.VMEM((deg_slice,), jnp.float32),
            pltpu.SemaphoreType.DMA((NSLOT,)),
            pltpu.SemaphoreType.DMA,
        ],
        compiler_params=pltpu.CompilerParams(needs_layout_passes=False),
    )
    def k(dst_hbm, et_hbm, winv_hbm,
          deg_sh, t_big, d_big, cs_st, ones_st, wsl_v, sem_s, sem_e):
        cid = lax.axis_index("c")
        tid = lax.axis_index("s")
        zeros16 = jnp.zeros((16,), jnp.float32)
        ones16 = jnp.ones((16,), jnp.float32)

        def esup_start(base, eb):
            o = eb * SUP
            pltpu.async_copy(et_hbm.at[pl.ds(base, SUP)],
                             t_big.at[pl.ds(o, SUP)], sem_e)
            pltpu.async_copy(dst_hbm.at[pl.ds(base, SUP)],
                             d_big.at[pl.ds(o, SUP)], sem_e)

        def esup_wait(base, eb):
            o = eb * SUP
            pltpu.make_async_copy(et_hbm.at[pl.ds(base, SUP)],
                                  t_big.at[pl.ds(o, SUP)], sem_e).wait()
            pltpu.make_async_copy(dst_hbm.at[pl.ds(base, SUP)],
                                  d_big.at[pl.ds(o, SUP)], sem_e).wait()

        for kk in range(CH // 16):
            ones_st[pl.ds(kk * 16, 16)] = ones16

        @pl.loop(0, deg_slice // 16)
        def _zw(i):
            wsl_v[pl.ds(i * 16, 16)] = zeros16

        pltpu.sync_copy(wsl_v, deg_sh.at[pl.ds(tid * deg_slice, deg_slice)])
        plsc.subcore_barrier()

        def deg_scat_wait(b):
            pltpu.make_async_copy(
                ones_st, deg_sh.at[cs_st.at[b]], sem_s.at[b]).wait()

        esup_start(tid * esub, 0)

        @pl.loop(0, nch_a)
        def _deg(c):
            k5 = c // 5
            eb = lax.rem(k5, 2)
            b = lax.rem(c, NSLOT)

            @pl.when(lax.rem(c, 5) == 0)
            def _():
                esup_wait(tid * esub + k5 * SUP, eb)

                @pl.when(k5 < nsup_a - 1)
                def _():
                    esup_start(tid * esub + (k5 + 1) * SUP, lax.rem(k5 + 1, 2))

            @pl.when(c >= NSLOT)
            def _():
                deg_scat_wait(b)

            off = eb * SUP + lax.rem(c, 5) * CH
            for kk in range(CH // 16):
                sle = pl.ds(off + kk * 16, 16)
                slb = pl.ds(kk * 16, 16)
                cs_st[b, slb] = t_big[sle] * N_NODES + d_big[sle]
            pltpu.async_copy(ones_st, deg_sh.at[cs_st.at[b]],
                             sem_s.at[b], add=True)

        for b in range(NSLOT):
            deg_scat_wait(b)
        plsc.subcore_barrier()

        pltpu.sync_copy(deg_sh.at[pl.ds(tid * deg_slice, deg_slice)], wsl_v)

        @pl.loop(0, deg_slice // 16)
        def _winv(i):
            sl = pl.ds(i * 16, 16)
            wsl_v[sl] = 1.0 / jnp.maximum(wsl_v[sl], 1.0)

        pltpu.sync_copy(
            wsl_v,
            winv_hbm.at[pl.ds(cid * _DEG_PAD + tid * deg_slice, deg_slice)])

    return k(dst, et)



def _sc_edge_kernel(yflat, src, dst, et, winv):
    mesh = plsc.VectorSubcoreMesh(core_axis_name="c", subcore_axis_name="s")
    ept = N_EDGES // (NC * NS)
    nch_c = ept // CH
    nsup_c = ept // SUP
    deg_slice = _DEG_PAD // NS

    @functools.partial(
        pl.kernel,
        out_type=jax.ShapeDtypeStruct((NC, N_NODES, OUT_F), jnp.float32),
        mesh=mesh,
        scratch_types=[
            pltpu.VMEM_SHARED((N_NODES, OUT_F), jnp.float32),
            pltpu.VMEM_SHARED((_DEG_PAD,), jnp.float32),
            pltpu.VMEM((NSLOT * CH, OUT_F), jnp.float32),
            pltpu.VMEM((2 * SUP,), jnp.int32),
            pltpu.VMEM((2 * SUP,), jnp.int32),
            pltpu.VMEM((2 * SUP,), jnp.int32),
            pltpu.VMEM((NSLOT, CH), jnp.int32),
            pltpu.VMEM((NSLOT, CH), jnp.int32),
            pltpu.VMEM((NSLOT, CH), jnp.int32),
            pltpu.VMEM((NSLOT * CH,), jnp.float32),
            pltpu.VMEM((deg_slice,), jnp.float32),
            pltpu.SemaphoreType.DMA((NSLOT,)),
            pltpu.SemaphoreType.DMA((NSLOT,)),
            pltpu.SemaphoreType.DMA((NSLOT,)),
            pltpu.SemaphoreType.DMA,
        ],
        compiler_params=pltpu.CompilerParams(needs_layout_passes=False),
    )
    def k(y_hbm, src_hbm, dst_hbm, et_hbm, winv_hbm, out_hbm,
          acc_sh, winv_sh, rows2, s_big, t_big, d_big,
          cs_st, id_st, d_ix, w_st, wsl_v,
          sem_r, sem_w, sem_s, sem_e):
        cid = lax.axis_index("c")
        tid = lax.axis_index("s")
        wid = cid * NS + tid
        zeros16 = jnp.zeros((16,), jnp.float32)
        i16 = lambda v: jnp.broadcast_to(v, (16,)).astype(jnp.int32)

        def esup_start(base, eb):
            o = eb * SUP
            pltpu.async_copy(src_hbm.at[pl.ds(base, SUP)],
                             s_big.at[pl.ds(o, SUP)], sem_e)
            pltpu.async_copy(et_hbm.at[pl.ds(base, SUP)],
                             t_big.at[pl.ds(o, SUP)], sem_e)
            pltpu.async_copy(dst_hbm.at[pl.ds(base, SUP)],
                             d_big.at[pl.ds(o, SUP)], sem_e)

        def esup_wait(base, eb):
            o = eb * SUP
            pltpu.make_async_copy(src_hbm.at[pl.ds(base, SUP)],
                                  s_big.at[pl.ds(o, SUP)], sem_e).wait()
            pltpu.make_async_copy(et_hbm.at[pl.ds(base, SUP)],
                                  t_big.at[pl.ds(o, SUP)], sem_e).wait()
            pltpu.make_async_copy(dst_hbm.at[pl.ds(base, SUP)],
                                  d_big.at[pl.ds(o, SUP)], sem_e).wait()

        @pl.loop(0, CH)
        def _zr(e):
            for j in range(OUT_F // 16):
                rows2[e, pl.ds(j * 16, 16)] = zeros16

        pltpu.sync_copy(
            winv_hbm.at[pl.ds(cid * _DEG_PAD + tid * deg_slice, deg_slice)],
            wsl_v)
        pltpu.sync_copy(wsl_v, winv_sh.at[pl.ds(tid * deg_slice, deg_slice)])

        @pl.loop(0, 8)
        def _zacc(kk):
            off = tid * 640 + kk * CH

            @pl.when(off < N_NODES)
            def _():
                pltpu.sync_copy(rows2.at[pl.ds(0, CH)],
                                acc_sh.at[pl.ds(off, CH)])

        plsc.subcore_barrier()

        def prep(c):
            b = lax.rem(c, NSLOT)
            eb = lax.rem(c // 5, 2)
            off = eb * SUP + lax.rem(c, 5) * CH
            for kk in range(CH // 16):
                sle = pl.ds(off + kk * 16, 16)
                slb = pl.ds(kk * 16, 16)
                t16 = t_big[sle]
                cs_st[b, slb] = t16 * N_NODES + s_big[sle]
                id_st[b, slb] = t16 * N_NODES + d_big[sle]
                d_ix[b, slb] = d_big[sle]
            pltpu.async_copy(y_hbm.at[cs_st.at[b]],
                             rows2.at[pl.ds(b * CH, CH)], sem_r.at[b])
            pltpu.async_copy(winv_sh.at[id_st.at[b]],
                             w_st.at[pl.ds(b * CH, CH)], sem_w.at[b])

        def process(c):
            b = lax.rem(c, NSLOT)
            pltpu.make_async_copy(y_hbm.at[cs_st.at[b]],
                                  rows2.at[pl.ds(b * CH, CH)],
                                  sem_r.at[b]).wait()
            pltpu.make_async_copy(winv_sh.at[id_st.at[b]],
                                  w_st.at[pl.ds(b * CH, CH)],
                                  sem_w.at[b]).wait()

            @plsc.parallel_loop(0, CH, unroll=4)
            def _scale(e):
                rb = b * CH + e
                wspl = plsc.load_gather(w_st, [i16(rb)])
                for j in range(OUT_F // 16):
                    sl2 = pl.ds(j * 16, 16)
                    rows2[rb, sl2] = rows2[rb, sl2] * wspl

            pltpu.async_copy(rows2.at[pl.ds(b * CH, CH)],
                             acc_sh.at[d_ix.at[b]], sem_s.at[b], add=True)

        def scat_wait(b):
            pltpu.make_async_copy(rows2.at[pl.ds(b * CH, CH)],
                                  acc_sh.at[d_ix.at[b]], sem_s.at[b]).wait()

        cbase = wid * ept
        esup_start(cbase, 0)
        esup_wait(cbase, 0)
        esup_start(cbase + SUP, 1)
        prep(jnp.int32(0))
        prep(jnp.int32(1))
        prep(jnp.int32(2))
        prep(jnp.int32(3))
        process(jnp.int32(0))
        process(jnp.int32(1))

        @pl.loop(NSLOT, nch_c)
        def _mc(c):
            k5 = c // 5

            @pl.when(lax.rem(c, 5) == 0)
            def _():
                esup_wait(cbase + k5 * SUP, lax.rem(k5, 2))

                @pl.when(k5 < nsup_c - 1)
                def _():
                    esup_start(cbase + (k5 + 1) * SUP, lax.rem(k5 + 1, 2))

            scat_wait(lax.rem(c, NSLOT))
            prep(c)
            process(c - 2)

        process(jnp.int32(nch_c - 2))
        process(jnp.int32(nch_c - 1))
        for b in range(NSLOT):
            scat_wait(jnp.int32(b))
        plsc.subcore_barrier()

        @pl.loop(0, 8)
        def _wb(kk):
            off = tid * 640 + kk * CH

            @pl.when(off < N_NODES)
            def _():
                pltpu.sync_copy(acc_sh.at[pl.ds(off, CH)],
                                rows2.at[pl.ds(0, CH)])
                pltpu.sync_copy(rows2.at[pl.ds(0, CH)],
                                out_hbm.at[cid, pl.ds(off, CH)])

    return k(yflat, src, dst, et, winv)


def kernel(x, edge_index, edge_type, weight, loop_weight, h_bias):
    src = edge_index[0].astype(jnp.int32)
    dst = edge_index[1].astype(jnp.int32)
    et = edge_type.astype(jnp.int32)
    w5 = jnp.concatenate([weight, loop_weight[None]], axis=0)
    winv = _sc_deg_kernel(dst, et)
    y5 = _relation_matmul(x, w5)
    yflat = y5.reshape((N_REL + 1) * N_NODES, OUT_F)
    acc2 = _sc_edge_kernel(yflat, src, dst, et, winv)
    return _finale(acc2, y5, h_bias.reshape(1, OUT_F))

# --- scband reference (transcript-rebuilt; emitter-appended) ---
"""Pipeline reference for scband-rgcnencoder-4861902979425 (READ-ONLY COPY).

The authoritative reference and input builder live on the scoring server;
editing this copy changes nothing except your own understanding.
"""

import jax, jax.numpy as jnp
import numpy as np

N_NODES = 10000
N_EDGES = 320000
IN_FEAT = 128
OUT_FEAT = 128
NUM_RELS = 4


def setup_inputs(seed: int = 0) -> dict:
    key = jax.random.key(seed)
    k1, k2, k3, k4, k5, k6 = jax.random.split(key, 6)
    x = jax.random.normal(k1, (N_NODES, IN_FEAT), dtype=jnp.float32)
    edge_index = jax.random.randint(k2, (2, N_EDGES), 0, N_NODES, dtype=jnp.int64)
    edge_type = jax.random.randint(k3, (N_EDGES,), 0, NUM_RELS, dtype=jnp.int64)
    # learned params (xavier-ish scale for 128->128)
    scale = float(np.sqrt(2.0 / (IN_FEAT + OUT_FEAT)))
    weight = jax.random.normal(k4, (NUM_RELS, IN_FEAT, OUT_FEAT), dtype=jnp.float32) * scale
    loop_weight = jax.random.normal(k5, (IN_FEAT, OUT_FEAT), dtype=jnp.float32) * scale
    h_bias = jnp.zeros((OUT_FEAT,), dtype=jnp.float32)
    return {"x": x, "edge_index": edge_index, "edge_type": edge_type,
            "weight": weight, "loop_weight": loop_weight, "h_bias": h_bias}


def reference(x, edge_index, edge_type, weight, loop_weight, h_bias):
    # RelGraphConvLayer forward on a homogeneous graph with typed edges.
    # Per relation r: GraphConv(norm='right', weight from basis dict):
    #   agg[dst] = sum_{e: type(e)==r, dst(e)==dst} x[src(e)]
    #   agg = agg / in_degree_r(dst)   (norm='right')
    #   h_r = agg @ W_r
    # HeteroGraphConv aggregates relations by sum; then self-loop, bias, relu.
    src = edge_index[0]
    dst = edge_index[1]
    n = x.shape[0]
    out = jnp.zeros((n, weight.shape[2]), dtype=x.dtype)
    gathered = jnp.take(x, src, axis=0)  # [E, in_feat]
    for r in range(NUM_RELS):
        mask = (edge_type == r)
        msg = jnp.where(mask[:, None], gathered, 0.0)
        agg = jnp.zeros((n, x.shape[1]), dtype=x.dtype).at[dst].add(msg)
        deg = jnp.zeros((n,), dtype=x.dtype).at[dst].add(mask.astype(x.dtype))
        agg = agg / jnp.clip(deg, 1.0, None)[:, None]
        out = out + agg @ weight[r]
    out = out + x @ loop_weight
    out = out + h_bias
    out = jax.nn.relu(out)
    return out

if __name__ == "__main__":
    import jax
    _d = setup_inputs()
    print(jax.jit(kernel)(*tuple(_d.values())))

</pallas_src>

<mosaic_0001>
#map = affine_map<(d0, d1) -> (0)>
module attributes {stable_mosaic.version = 14 : i64} {
  func.func @k(%arg0: i32, %arg1: i32, %arg2: memref<320000xi32, #tpu.memory_space<hbm>>, %arg3: memref<320000xi32, #tpu.memory_space<hbm>>, %arg4: memref<81920xf32, #tpu.memory_space<hbm>>, %arg5: memref<40960xf32, #tpu.memory_space<vmem_shared>>, %arg6: memref<800xi32, #tpu.memory_space<vmem>>, %arg7: memref<800xi32, #tpu.memory_space<vmem>>, %arg8: memref<4x80xi32, #tpu.memory_space<vmem>>, %arg9: memref<80xf32, #tpu.memory_space<vmem>>, %arg10: memref<2560xf32, #tpu.memory_space<vmem>>, %arg11: memref<4x!tpu.dma_semaphore, #tpu.memory_space<semaphore_mem>>, %arg12: memref<!tpu.dma_semaphore, #tpu.memory_space<semaphore_mem>>) attributes {dimension_semantics = [#tpu.dimension_semantics<core_parallel>, #tpu.dimension_semantics<subcore_parallel>], iteration_bounds = array<i64: 2, 16>, scalar_prefetch = 0 : i64, scratch_operands = 8 : i64, tpu.core_type = #tpu.core_type<sc_vector_subcore>, window_params = [{transform_indices = #map}, {transform_indices = #map}, {transform_indices = #map}]} {
    %broadcast_in_dim3A = arith.constant 0.000000e+00 : f32
    %broadcast_in_dim3A_0 = vector.broadcast %broadcast_in_dim3A : f32 to vector<16xf32>
    %broadcast_in_dim3A_1 = arith.constant 1.000000e+00 : f32
    %broadcast_in_dim3A_2 = vector.broadcast %broadcast_in_dim3A_1 : f32 to vector<16xf32>
    %swap3A = arith.constant 0 : index
    %swap3A_3 = tpu.vector_load %arg9[%swap3A] {strides = array<i32>} : memref<80xf32, #tpu.memory_space<vmem>>, vector<16xf32>,
    tpu.vector_store %arg9[%swap3A], %broadcast_in_dim3A_2 {strides = array<i32>} : memref<80xf32, #tpu.memory_space<vmem>>, vector<16xf32>,
    %swap3A_4 = arith.constant 16 : index
    %swap3A_5 = tpu.vector_load %arg9[%swap3A_4] {strides = array<i32>} : memref<80xf32, #tpu.memory_space<vmem>>, vector<16xf32>,
    tpu.vector_store %arg9[%swap3A_4], %broadcast_in_dim3A_2 {strides = array<i32>} : memref<80xf32, #tpu.memory_space<vmem>>, vector<16xf32>,
    %swap3A_6 = arith.constant 32 : index
    %swap3A_7 = tpu.vector_load %arg9[%swap3A_6] {strides = array<i32>} : memref<80xf32, #tpu.memory_space<vmem>>, vector<16xf32>,
    tpu.vector_store %arg9[%swap3A_6], %broadcast_in_dim3A_2 {strides = array<i32>} : memref<80xf32, #tpu.memory_space<vmem>>, vector<16xf32>,
    %swap3A_8 = arith.constant 48 : index
    %swap3A_9 = tpu.vector_load %arg9[%swap3A_8] {strides = array<i32>} : memref<80xf32, #tpu.memory_space<vmem>>, vector<16xf32>,
    tpu.vector_store %arg9[%swap3A_8], %broadcast_in_dim3A_2 {strides = array<i32>} : memref<80xf32, #tpu.memory_space<vmem>>, vector<16xf32>,
    %swap3A_10 = arith.constant 64 : index
    %swap3A_11 = tpu.vector_load %arg9[%swap3A_10] {strides = array<i32>} : memref<80xf32, #tpu.memory_space<vmem>>, vector<16xf32>,
    tpu.vector_store %arg9[%swap3A_10], %broadcast_in_dim3A_2 {strides = array<i32>} : memref<80xf32, #tpu.memory_space<vmem>>, vector<16xf32>,
    %scan3A = arith.constant 0 : i32
    %scan3A_12 = arith.constant 160 : i32
    %scan3A_13 = arith.addi %scan3A, %scan3A_12 : i32
    %scan3A_14 = arith.constant 1 : i32
    scf.for %scan3A_82 = %scan3A to %scan3A_13 step %scan3A_14  : i32 {
      %mul3A_83 = arith.constant 1 : i32
      %mul3A_84 = arith.muli %scan3A_82, %mul3A_83 : i32
      %add3A_85 = arith.constant 0 : i32
      %add3A_86 = arith.addi %add3A_85, %mul3A_84 : i32
      %mul3A_87 = arith.constant 16 : i32
      %mul3A_88 = arith.muli %add3A_86, %mul3A_87 : i32
      %swap3A_89 = arith.index_cast %mul3A_88 : i32 to index
      %swap3A_90 = tpu.vector_load %arg10[%swap3A_89] {strides = array<i32>} : memref<2560xf32, #tpu.memory_space<vmem>>, vector<16xf32>,
      tpu.vector_store %arg10[%swap3A_89], %broadcast_in_dim3A_0 {strides = array<i32>} : memref<2560xf32, #tpu.memory_space<vmem>>, vector<16xf32>,
    }
    %scan3A_15 = arith.constant 160 : i32
    %mul3A = arith.constant 2560 : i32
    %mul3A_16 = arith.muli %arg1, %mul3A : i32
    "tpu.region"() ({
      %run_scoped3A = tpu.sem_alloc : memref<!tpu.dma_semaphore, #tpu.memory_space<semaphore_mem>>
      %dma_start3A_82 = tpu.memref_slice %arg5[%mul3A_16] : memref<40960xf32, #tpu.memory_space<vmem_shared>> -> memref<2560xf32, #tpu.memory_space<vmem_shared>>
      %dma_start3A_83 = tpu.memref_slice %arg5[%mul3A_16] : memref<40960xf32, #tpu.memory_space<vmem_shared>> -> memref<2560xf32, #tpu.memory_space<vmem_shared>>
      tpu.enqueue_dma source(%arg10 : memref<2560xf32, #tpu.memory_space<vmem>>) target(%dma_start3A_83 : memref<2560xf32, #tpu.memory_space<vmem_shared>>) target_semaphore(%run_scoped3A : memref<!tpu.dma_semaphore, #tpu.memory_space<semaphore_mem>>)
      %dma_wait3A_84 = tpu.memref_slice %arg5[%mul3A_16] : memref<40960xf32, #tpu.memory_space<vmem_shared>> -> memref<2560xf32, #tpu.memory_space<vmem_shared>>
      %dma_wait3A_85 = tpu.memref_slice %arg5[%mul3A_16] : memref<40960xf32, #tpu.memory_space<vmem_shared>> -> memref<2560xf32, #tpu.memory_space<vmem_shared>>
      tpu.wait_dma2 semaphore(%run_scoped3A : memref<!tpu.dma_semaphore, #tpu.memory_space<semaphore_mem>>) src(%arg10 : memref<2560xf32, #tpu.memory_space<vmem>>) dst(%dma_wait3A_85 : memref<2560xf32, #tpu.memory_space<vmem_shared>>)
      tpu.yield
    }) : () -> ()
    %barrier3A = arith.constant 0 : index
    tpu.barrier barrier_id(%barrier3A)
    %mul3A_17 = arith.constant 20000 : i32
    %mul3A_18 = arith.muli %arg1, %mul3A_17 : i32
    %dma_start3A = arith.constant 0 : i32
    %dma_start3A_19 = tpu.memref_slice %arg6[%dma_start3A] : memref<800xi32, #tpu.memory_space<vmem>> -> memref<400xi32, #tpu.memory_space<vmem>>
    %dma_start3A_20 = tpu.memref_slice %arg3[%mul3A_18] : memref<320000xi32, #tpu.memory_space<hbm>> -> memref<400xi32, #tpu.memory_space<hbm>>
    %dma_start3A_21 = arith.constant 0 : i32
    %dma_start3A_22 = tpu.memref_slice %arg6[%dma_start3A_21] : memref<800xi32, #tpu.memory_space<vmem>> -> memref<400xi32, #tpu.memory_space<vmem>>
    %dma_start3A_23 = tpu.memref_slice %arg3[%mul3A_18] : memref<320000xi32, #tpu.memory_space<hbm>> -> memref<400xi32, #tpu.memory_space<hbm>>
    tpu.enqueue_dma source(%dma_start3A_23 : memref<400xi32, #tpu.memory_space<hbm>>) target(%dma_start3A_22 : memref<400xi32, #tpu.memory_space<vmem>>) target_semaphore(%arg12 : memref<!tpu.dma_semaphore, #tpu.memory_space<semaphore_mem>>)
    %dma_start3A_24 = arith.constant 0 : i32
    %dma_start3A_25 = tpu.memref_slice %arg7[%dma_start3A_24] : memref<800xi32, #tpu.memory_space<vmem>> -> memref<400xi32, #tpu.memory_space<vmem>>
    %dma_start3A_26 = tpu.memref_slice %arg2[%mul3A_18] : memref<320000xi32, #tpu.memory_space<hbm>> -> memref<400xi32, #tpu.memory_space<hbm>>
    %dma_start3A_27 = arith.constant 0 : i32
    %dma_start3A_28 = tpu.memref_slice %arg7[%dma_start3A_27] : memref<800xi32, #tpu.memory_space<vmem>> -> memref<400xi32, #tpu.memory_space<vmem>>
    %dma_start3A_29 = tpu.memref_slice %arg2[%mul3A_18] : memref<320000xi32, #tpu.memory_space<hbm>> -> memref<400xi32, #tpu.memory_space<hbm>>
    tpu.enqueue_dma source(%dma_start3A_29 : memref<400xi32, #tpu.memory_space<hbm>>) target(%dma_start3A_28 : memref<400xi32, #tpu.memory_space<vmem>>) target_semaphore(%arg12 : memref<!tpu.dma_semaphore, #tpu.memory_space<semaphore_mem>>)
    %scan3A_30 = arith.constant 0 : i32
    %scan3A_31 = arith.constant 250 : i32
    %scan3A_32 = arith.addi %scan3A_30, %scan3A_31 : i32
    %scan3A_33 = arith.constant 1 : i32
    scf.for %scan3A_82 = %scan3A_30 to %scan3A_32 step %scan3A_33  : i32 {
      %mul3A_83 = arith.constant 1 : i32
      %mul3A_84 = arith.muli %scan3A_82, %mul3A_83 : i32
      %add3A_85 = arith.constant 0 : i32
      %add3A_86 = arith.addi %add3A_85, %mul3A_84 : i32
      %jit3A = arith.constant 5 : i32
      %div3A = arith.divsi %add3A_86, %jit3A : i32
      %sign3A = arith.constant 0 : i32
      %sign3A_87 = arith.cmpi sgt, %add3A_86, %sign3A : i32
      %sign3A_88 = arith.extui %sign3A_87 : i1 to i32
      %sign3A_89 = arith.constant 0 : i32
      %sign3A_90 = arith.cmpi slt, %add3A_86, %sign3A_89 : i32
      %sign3A_91 = arith.extui %sign3A_90 : i1 to i32
      %sign3A_92 = arith.subi %sign3A_88, %sign3A_91 : i32
      %sign3A_93 = arith.constant 0 : i32
      %sign3A_94 = arith.cmpi sgt, %jit3A, %sign3A_93 : i32
      %sign3A_95 = arith.extui %sign3A_94 : i1 to i32
      %sign3A_96 = arith.constant 0 : i32
      %sign3A_97 = arith.cmpi slt, %jit3A, %sign3A_96 : i32
      %sign3A_98 = arith.extui %sign3A_97 : i1 to i32
      %sign3A_99 = arith.subi %sign3A_95, %sign3A_98 : i32
      %ne3A = arith.cmpi ne, %sign3A_92, %sign3A_99 : i32
      %rem3A = arith.remsi %add3A_86, %jit3A : i32
      %ne3A_100 = arith.constant 0 : i32
      %ne3A_101 = arith.cmpi ne, %rem3A, %ne3A_100 : i32
      %and3A = arith.andi %ne3A, %ne3A_101 : i1
      %sub3A = arith.constant 1 : i32
      %sub3A_102 = arith.subi %div3A, %sub3A : i32
      %select_n3A = arith.select %and3A, %sub3A_102, %div3A : i32
      %rem3A_103 = arith.constant 2 : i32
      %rem3A_104 = arith.remsi %select_n3A, %rem3A_103 : i32
      %rem3A_105 = arith.constant 4 : i32
      %rem3A_106 = arith.remsi %add3A_86, %rem3A_105 : i32
      %rem3A_107 = arith.constant 5 : i32
      %rem3A_108 = arith.remsi %add3A_86, %rem3A_107 : i32
      %eq3A = arith.constant 0 : i32
      %eq3A_109 = arith.cmpi eq, %rem3A_108, %eq3A : i32
      %convert_element_type3A = arith.extui %eq3A_109 : i1 to i32
      %cond3A = arith.constant 0 : i32
      %cond3A_110 = arith.cmpi ne, %convert_element_type3A, %cond3A : i32
      scf.if %cond3A_110 {
        %mul3A_193 = arith.constant 20000 : i32
        %mul3A_194 = arith.muli %arg1, %mul3A_193 : i32
        %mul3A_195 = arith.constant 400 : i32
        %mul3A_196 = arith.muli %select_n3A, %mul3A_195 : i32
        %add3A_197 = arith.addi %mul3A_194, %mul3A_196 : i32
        %mul3A_198 = arith.constant 400 : i32
        %mul3A_199 = arith.muli %rem3A_104, %mul3A_198 : i32
        %dma_wait3A_200 = tpu.memref_slice %arg6[%mul3A_199] : memref<800xi32, #tpu.memory_space<vmem>> -> memref<400xi32, #tpu.memory_space<vmem>>
        %dma_wait3A_201 = tpu.memref_slice %arg3[%add3A_197] : memref<320000xi32, #tpu.memory_space<hbm>> -> memref<400xi32, #tpu.memory_space<hbm>>
        %dma_wait3A_202 = tpu.memref_slice %arg6[%mul3A_199] : memref<800xi32, #tpu.memory_space<vmem>> -> memref<400xi32, #tpu.memory_space<vmem>>
        %dma_wait3A_203 = tpu.memref_slice %arg3[%add3A_197] : memref<320000xi32, #tpu.memory_space<hbm>> -> memref<400xi32, #tpu.memory_space<hbm>>
        tpu.wait_dma2 semaphore(%arg12 : memref<!tpu.dma_semaphore, #tpu.memory_space<semaphore_mem>>) src(%dma_wait3A_203 : memref<400xi32, #tpu.memory_space<hbm>>) dst(%dma_wait3A_202 : memref<400xi32, #tpu.memory_space<vmem>>)
        %dma_wait3A_204 = tpu.memref_slice %arg7[%mul3A_199] : memref<800xi32, #tpu.memory_space<vmem>> -> memref<400xi32, #tpu.memory_space<vmem>>
        %dma_wait3A_205 = tpu.memref_slice %arg2[%add3A_197] : memref<320000xi32, #tpu.memory_space<hbm>> -> memref<400xi32, #tpu.memory_space<hbm>>
        %dma_wait3A_206 = tpu.memref_slice %arg7[%mul3A_199] : memref<800xi32, #tpu.memory_space<vmem>> -> memref<400xi32, #tpu.memory_space<vmem>>
        %dma_wait3A_207 = tpu.memref_slice %arg2[%add3A_197] : memref<320000xi32, #tpu.memory_space<hbm>> -> memref<400xi32, #tpu.memory_space<hbm>>
        tpu.wait_dma2 semaphore(%arg12 : memref<!tpu.dma_semaphore, #tpu.memory_space<semaphore_mem>>) src(%dma_wait3A_207 : memref<400xi32, #tpu.memory_space<hbm>>) dst(%dma_wait3A_206 : memref<400xi32, #tpu.memory_space<vmem>>)
        %lt3A = arith.constant 49 : i32
        %lt3A_208 = arith.cmpi slt, %select_n3A, %lt3A : i32
        %convert_element_type3A_209 = arith.extui %lt3A_208 : i1 to i32
        %cond3A_210 = arith.constant 0 : i32
        %cond3A_211 = arith.cmpi ne, %convert_element_type3A_209, %cond3A_210 : i32
        scf.if %cond3A_211 {
          %mul3A_212 = arith.constant 20000 : i32
          %mul3A_213 = arith.muli %arg1, %mul3A_212 : i32
          %add3A_214 = arith.constant 1 : i32
          %add3A_215 = arith.addi %select_n3A, %add3A_214 : i32
          %mul3A_216 = arith.constant 400 : i32
          %mul3A_217 = arith.muli %add3A_215, %mul3A_216 : i32
          %add3A_218 = arith.addi %mul3A_213, %mul3A_217 : i32
          %add3A_219 = arith.constant 1 : i32
          %add3A_220 = arith.addi %select_n3A, %add3A_219 : i32
          %rem3A_221 = arith.constant 2 : i32
          %rem3A_222 = arith.remsi %add3A_220, %rem3A_221 : i32
          %mul3A_223 = arith.constant 400 : i32
          %mul3A_224 = arith.muli %rem3A_222, %mul3A_223 : i32
          %dma_start3A_225 = tpu.memref_slice %arg6[%mul3A_224] : memref<800xi32, #tpu.memory_space<vmem>> -> memref<400xi32, #tpu.memory_space<vmem>>
          %dma_start3A_226 = tpu.memref_slice %arg3[%add3A_218] : memref<320000xi32, #tpu.memory_space<hbm>> -> memref<400xi32, #tpu.memory_space<hbm>>
          %dma_start3A_227 = tpu.memref_slice %arg6[%mul3A_224] : memref<800xi32, #tpu.memory_space<vmem>> -> memref<400xi32, #tpu.memory_space<vmem>>
          %dma_start3A_228 = tpu.memref_slice %arg3[%add3A_218] : memref<320000xi32, #tpu.memory_space<hbm>> -> memref<400xi32, #tpu.memory_space<hbm>>
          tpu.enqueue_dma source(%dma_start3A_228 : memref<400xi32, #tpu.memory_space<hbm>>) target(%dma_start3A_227 : memref<400xi32, #tpu.memory_space<vmem>>) target_semaphore(%arg12 : memref<!tpu.dma_semaphore, #tpu.memory_space<semaphore_mem>>)
          %dma_start3A_229 = tpu.memref_slice %arg7[%mul3A_224] : memref<800xi32, #tpu.memory_space<vmem>> -> memref<400xi32, #tpu.memory_space<vmem>>
          %dma_start3A_230 = tpu.memref_slice %arg2[%add3A_218] : memref<320000xi32, #tpu.memory_space<hbm>> -> memref<400xi32, #tpu.memory_space<hbm>>
          %dma_start3A_231 = tpu.memref_slice %arg7[%mul3A_224] : memref<800xi32, #tpu.memory_space<vmem>> -> memref<400xi32, #tpu.memory_space<vmem>>
          %dma_start3A_232 = tpu.memref_slice %arg2[%add3A_218] : memref<320000xi32, #tpu.memory_space<hbm>> -> memref<400xi32, #tpu.memory_space<hbm>>
          tpu.enqueue_dma source(%dma_start3A_232 : memref<400xi32, #tpu.memory_space<hbm>>) target(%dma_start3A_231 : memref<400xi32, #tpu.memory_space<vmem>>) target_semaphore(%arg12 : memref<!tpu.dma_semaphore, #tpu.memory_space<semaphore_mem>>)
        } else {
        }
      } else {
      }
      %ge3A = arith.constant 4 : i32
      %ge3A_111 = arith.cmpi sge, %add3A_86, %ge3A : i32
      %convert_element_type3A_112 = arith.extui %ge3A_111 : i1 to i32
      %cond3A_113 = arith.constant 0 : i32
      %cond3A_114 = arith.cmpi ne, %convert_element_type3A_112, %cond3A_113 : i32
      scf.if %cond3A_114 {
        %dma_wait3A_193 = arith.constant 0 : i32
        %dma_wait3A_194 = tpu.memref_slice %arg8[%rem3A_106, %dma_wait3A_193] : memref<4x80xi32, #tpu.memory_space<vmem>> -> memref<1x80xi32, #tpu.memory_space<vmem>>
        %dma_wait3A_195 = tpu.memref_squeeze %dma_wait3A_194 : memref<1x80xi32, #tpu.memory_space<vmem>> -> memref<80xi32, #tpu.memory_space<vmem>>
        %dma_wait3A_196 = arith.constant 0 : i32
        %dma_wait3A_197 = tpu.memref_slice %arg5[%dma_wait3A_196] : memref<40960xf32, #tpu.memory_space<vmem_shared>> -> memref<40960xf32, #tpu.memory_space<vmem_shared>>
        %dma_wait3A_198 = tpu.memref_slice %arg11[%rem3A_106] : memref<4x!tpu.dma_semaphore, #tpu.memory_space<semaphore_mem>> -> memref<1x!tpu.dma_semaphore, #tpu.memory_space<semaphore_mem>>
        %dma_wait3A_199 = tpu.memref_squeeze %dma_wait3A_198 : memref<1x!tpu.dma_semaphore, #tpu.memory_space<semaphore_mem>> -> memref<!tpu.dma_semaphore, #tpu.memory_space<semaphore_mem>>
        tpu.wait_indirect_dma semaphore(%dma_wait3A_199 : memref<!tpu.dma_semaphore, #tpu.memory_space<semaphore_mem>>) src(%arg9 : memref<80xf32, #tpu.memory_space<vmem>>) dst(%dma_wait3A_197 : memref<40960xf32, #tpu.memory_space<vmem_shared>>)
      } else {
      }
      %mul3A_115 = arith.constant 400 : i32
      %mul3A_116 = arith.muli %rem3A_104, %mul3A_115 : i32
      %rem3A_117 = arith.constant 5 : i32
      %rem3A_118 = arith.remsi %add3A_86, %rem3A_117 : i32
      %mul3A_119 = arith.constant 80 : i32
      %mul3A_120 = arith.muli %rem3A_118, %mul3A_119 : i32
      %add3A_121 = arith.addi %mul3A_116, %mul3A_120 : i32
      %add3A_122 = arith.constant 0 : i32
      %add3A_123 = arith.addi %add3A_121, %add3A_122 : i32
      %get3A = arith.index_cast %add3A_123 : i32 to index
      %get3A_124 = tpu.vector_load %arg6[%get3A] {strides = array<i32>} : memref<800xi32, #tpu.memory_space<vmem>>, vector<16xi32>,
      %mul3A_125 = arith.constant 10000 : i32
      %mul3A_126 = vector.broadcast %mul3A_125 : i32 to vector<16xi32>
      %mul3A_127 = arith.muli %get3A_124, %mul3A_126 : vector<16xi32>
      %get3A_128 = arith.index_cast %add3A_123 : i32 to index
      %get3A_129 = tpu.vector_load %arg7[%get3A_128] {strides = array<i32>} : memref<800xi32, #tpu.memory_space<vmem>>, vector<16xi32>,
      %add3A_130 = arith.addi %mul3A_127, %get3A_129 : vector<16xi32>
      %swap3A_131 = arith.index_cast %rem3A_106 : i32 to index
      %swap3A_132 = arith.constant 0 : index
      %swap3A_133 = tpu.vector_load %arg8[%swap3A_131, %swap3A_132] {strides = array<i32>} : memref<4x80xi32, #tpu.memory_space<vmem>>, vector<16xi32>,
      tpu.vector_store %arg8[%swap3A_131, %swap3A_132], %add3A_130 {strides = array<i32>} : memref<4x80xi32, #tpu.memory_space<vmem>>, vector<16xi32>,
      %add3A_134 = arith.constant 16 : i32
      %add3A_135 = arith.addi %add3A_121, %add3A_134 : i32
      %get3A_136 = arith.index_cast %add3A_135 : i32 to index
      %get3A_137 = tpu.vector_load %arg6[%get3A_136] {strides = array<i32>} : memref<800xi32, #tpu.memory_space<vmem>>, vector<16xi32>,
      %mul3A_138 = arith.constant 10000 : i32
      %mul3A_139 = vector.broadcast %mul3A_138 : i32 to vector<16xi32>
      %mul3A_140 = arith.muli %get3A_137, %mul3A_139 : vector<16xi32>
      %get3A_141 = arith.index_cast %add3A_135 : i32 to index
      %get3A_142 = tpu.vector_load %arg7[%get3A_141] {strides = array<i32>} : memref<800xi32, #tpu.memory_space<vmem>>, vector<16xi32>,
      %add3A_143 = arith.addi %mul3A_140, %get3A_142 : vector<16xi32>
      %swap3A_144 = arith.index_cast %rem3A_106 : i32 to index
      %swap3A_145 = arith.constant 16 : index
      %swap3A_146 = tpu.vector_load %arg8[%swap3A_144, %swap3A_145] {strides = array<i32>} : memref<4x80xi32, #tpu.memory_space<vmem>>, vector<16xi32>,
      tpu.vector_store %arg8[%swap3A_144, %swap3A_145], %add3A_143 {strides = array<i32>} : memref<4x80xi32, #tpu.memory_space<vmem>>, vector<16xi32>,
      %add3A_147 = arith.constant 32 : i32
      %add3A_148 = arith.addi %add3A_121, %add3A_147 : i32
      %get3A_149 = arith.index_cast %add3A_148 : i32 to index
      %get3A_150 = tpu.vector_load %arg6[%get3A_149] {strides = array<i32>} : memref<800xi32, #tpu.memory_space<vmem>>, vector<16xi32>,
      %mul3A_151 = arith.constant 10000 : i32
      %mul3A_152 = vector.broadcast %mul3A_151 : i32 to vector<16xi32>
      %mul3A_153 = arith.muli %get3A_150, %mul3A_152 : vector<16xi32>
      %get3A_154 = arith.index_cast %add3A_148 : i32 to index
      %get3A_155 = tpu.vector_load %arg7[%get3A_154] {strides = array<i32>} : memref<800xi32, #tpu.memory_space<vmem>>, vector<16xi32>,
      %add3A_156 = arith.addi %mul3A_153, %get3A_155 : vector<16xi32>
      %swap3A_157 = arith.index_cast %rem3A_106 : i32 to index
      %swap3A_158 = arith.constant 32 : index
      %swap3A_159 = tpu.vector_load %arg8[%swap3A_157, %swap3A_158] {strides = array<i32>} : memref<4x80xi32, #tpu.memory_space<vmem>>, vector<16xi32>,
      tpu.vector_store %arg8[%swap3A_157, %swap3A_158], %add3A_156 {strides = array<i32>} : memref<4x80xi32, #tpu.memory_space<vmem>>, vector<16xi32>,
      %add3A_160 = arith.constant 48 : i32
      %add3A_161 = arith.addi %add3A_121, %add3A_160 : i32
      %get3A_162 = arith.index_cast %add3A_161 : i32 to index
      %get3A_163 = tpu.vector_load %arg6[%get3A_162] {strides = array<i32>} : memref<800xi32, #tpu.memory_space<vmem>>, vector<16xi32>,
      %mul3A_164 = arith.constant 10000 : i32
      %mul3A_165 = vector.broadcast %mul3A_164 : i32 to vector<16xi32>
      %mul3A_166 = arith.muli %get3A_163, %mul3A_165 : vector<16xi32>
      %get3A_167 = arith.index_cast %add3A_161 : i32 to index
      %get3A_168 = tpu.vector_load %arg7[%get3A_167] {strides = array<i32>} : memref<800xi32, #tpu.memory_space<vmem>>, vector<16xi32>,
      %add3A_169 = arith.addi %mul3A_166, %get3A_168 : vector<16xi32>
      %swap3A_170 = arith.index_cast %rem3A_106 : i32 to index
      %swap3A_171 = arith.constant 48 : index
      %swap3A_172 = tpu.vector_load %arg8[%swap3A_170, %swap3A_171] {strides = array<i32>} : memref<4x80xi32, #tpu.memory_space<vmem>>, vector<16xi32>,
      tpu.vector_store %arg8[%swap3A_170, %swap3A_171], %add3A_169 {strides = array<i32>} : memref<4x80xi32, #tpu.memory_space<vmem>>, vector<16xi32>,
      %add3A_173 = arith.constant 64 : i32
      %add3A_174 = arith.addi %add3A_121, %add3A_173 : i32
      %get3A_175 = arith.index_cast %add3A_174 : i32 to index
      %get3A_176 = tpu.vector_load %arg6[%get3A_175] {strides = array<i32>} : memref<800xi32, #tpu.memory_space<vmem>>, vector<16xi32>,
      %mul3A_177 = arith.constant 10000 : i32
      %mul3A_178 = vector.broadcast %mul3A_177 : i32 to vector<16xi32>
      %mul3A_179 = arith.muli %get3A_176, %mul3A_178 : vector<16xi32>
      %get3A_180 = arith.index_cast %add3A_174 : i32 to index
      %get3A_181 = tpu.vector_load %arg7[%get3A_180] {strides = array<i32>} : memref<800xi32, #tpu.memory_space<vmem>>, vector<16xi32>,
      %add3A_182 = arith.addi %mul3A_179, %get3A_181 : vector<16xi32>
      %swap3A_183 = arith.index_cast %rem3A_106 : i32 to index
      %swap3A_184 = arith.constant 64 : index
      %swap3A_185 = tpu.vector_load %arg8[%swap3A_183, %swap3A_184] {strides = array<i32>} : memref<4x80xi32, #tpu.memory_space<vmem>>, vector<16xi32>,
      tpu.vector_store %arg8[%swap3A_183, %swap3A_184], %add3A_182 {strides = array<i32>} : memref<4x80xi32, #tpu.memory_space<vmem>>, vector<16xi32>,
      %dma_start3A_186 = arith.constant 0 : i32
      %dma_start3A_187 = tpu.memref_slice %arg8[%rem3A_106, %dma_start3A_186] : memref<4x80xi32, #tpu.memory_space<vmem>> -> memref<1x80xi32, #tpu.memory_space<vmem>>
      %dma_start3A_188 = tpu.memref_squeeze %dma_start3A_187 : memref<1x80xi32, #tpu.memory_space<vmem>> -> memref<80xi32, #tpu.memory_space<vmem>>
      %dma_start3A_189 = arith.constant 0 : i32
      %dma_start3A_190 = tpu.memref_slice %arg5[%dma_start3A_189] : memref<40960xf32, #tpu.memory_space<vmem_shared>> -> memref<40960xf32, #tpu.memory_space<vmem_shared>>
      %dma_start3A_191 = tpu.memref_slice %arg11[%rem3A_106] : memref<4x!tpu.dma_semaphore, #tpu.memory_space<semaphore_mem>> -> memref<1x!tpu.dma_semaphore, #tpu.memory_space<semaphore_mem>>
      %dma_start3A_192 = tpu.memref_squeeze %dma_start3A_191 : memref<1x!tpu.dma_semaphore, #tpu.memory_space<semaphore_mem>> -> memref<!tpu.dma_semaphore, #tpu.memory_space<semaphore_mem>>
      tpu.enqueue_indirect_dma source(%arg9 : memref<80xf32, #tpu.memory_space<vmem>>) target(%dma_start3A_190 : memref<40960xf32, #tpu.memory_space<vmem_shared>>) offsets(%dma_start3A_188 : memref<80xi32, #tpu.memory_space<vmem>>) semaphore(%dma_start3A_192 : memref<!tpu.dma_semaphore, #tpu.memory_space<semaphore_mem>>) {add = true}
    }
    %scan3A_34 = arith.constant 250 : i32
    %dma_wait3A = arith.constant 0 : i32
    %dma_wait3A_35 = arith.constant 0 : i32
    %dma_wait3A_36 = arith.constant 0 : i32
    %dma_wait3A_37 = tpu.memref_slice %arg8[%dma_wait3A, %dma_wait3A_36] : memref<4x80xi32, #tpu.memory_space<vmem>> -> memref<1x80xi32, #tpu.memory_space<vmem>>
    %dma_wait3A_38 = tpu.memref_squeeze %dma_wait3A_37 : memref<1x80xi32, #tpu.memory_space<vmem>> -> memref<80xi32, #tpu.memory_space<vmem>>
    %dma_wait3A_39 = arith.constant 0 : i32
    %dma_wait3A_40 = tpu.memref_slice %arg5[%dma_wait3A_39] : memref<40960xf32, #tpu.memory_space<vmem_shared>> -> memref<40960xf32, #tpu.memory_space<vmem_shared>>
    %dma_wait3A_41 = tpu.memref_slice %arg11[%dma_wait3A_35] : memref<4x!tpu.dma_semaphore, #tpu.memory_space<semaphore_mem>> -> memref<1x!tpu.dma_semaphore, #tpu.memory_space<semaphore_mem>>
    %dma_wait3A_42 = tpu.memref_squeeze %dma_wait3A_41 : memref<1x!tpu.dma_semaphore, #tpu.memory_space<semaphore_mem>> -> memref<!tpu.dma_semaphore, #tpu.memory_space<semaphore_mem>>
    tpu.wait_indirect_dma semaphore(%dma_wait3A_42 : memref<!tpu.dma_semaphore, #tpu.memory_space<semaphore_mem>>) src(%arg9 : memref<80xf32, #tpu.memory_space<vmem>>) dst(%dma_wait3A_40 : memref<40960xf32, #tpu.memory_space<vmem_shared>>)
    %dma_wait3A_43 = arith.constant 1 : i32
    %dma_wait3A_44 = arith.constant 1 : i32
    %dma_wait3A_45 = arith.constant 0 : i32
    %dma_wait3A_46 = tpu.memref_slice %arg8[%dma_wait3A_43, %dma_wait3A_45] : memref<4x80xi32, #tpu.memory_space<vmem>> -> memref<1x80xi32, #tpu.memory_space<vmem>>
    %dma_wait3A_47 = tpu.memref_squeeze %dma_wait3A_46 : memref<1x80xi32, #tpu.memory_space<vmem>> -> memref<80xi32, #tpu.memory_space<vmem>>
    %dma_wait3A_48 = arith.constant 0 : i32
    %dma_wait3A_49 = tpu.memref_slice %arg5[%dma_wait3A_48] : memref<40960xf32, #tpu.memory_space<vmem_shared>> -> memref<40960xf32, #tpu.memory_space<vmem_shared>>
    %dma_wait3A_50 = tpu.memref_slice %arg11[%dma_wait3A_44] : memref<4x!tpu.dma_semaphore, #tpu.memory_space<semaphore_mem>> -> memref<1x!tpu.dma_semaphore, #tpu.memory_space<semaphore_mem>>
    %dma_wait3A_51 = tpu.memref_squeeze %dma_wait3A_50 : memref<1x!tpu.dma_semaphore, #tpu.memory_space<semaphore_mem>> -> memref<!tpu.dma_semaphore, #tpu.memory_space<semaphore_mem>>
    tpu.wait_indirect_dma semaphore(%dma_wait3A_51 : memref<!tpu.dma_semaphore, #tpu.memory_space<semaphore_mem>>) src(%arg9 : memref<80xf32, #tpu.memory_space<vmem>>) dst(%dma_wait3A_49 : memref<40960xf32, #tpu.memory_space<vmem_shared>>)
    %dma_wait3A_52 = arith.constant 2 : i32
    %dma_wait3A_53 = arith.constant 2 : i32
    %dma_wait3A_54 = arith.constant 0 : i32
    %dma_wait3A_55 = tpu.memref_slice %arg8[%dma_wait3A_52, %dma_wait3A_54] : memref<4x80xi32, #tpu.memory_space<vmem>> -> memref<1x80xi32, #tpu.memory_space<vmem>>
    %dma_wait3A_56 = tpu.memref_squeeze %dma_wait3A_55 : memref<1x80xi32, #tpu.memory_space<vmem>> -> memref<80xi32, #tpu.memory_space<vmem>>
    %dma_wait3A_57 = arith.constant 0 : i32
    %dma_wait3A_58 = tpu.memref_slice %arg5[%dma_wait3A_57] : memref<40960xf32, #tpu.memory_space<vmem_shared>> -> memref<40960xf32, #tpu.memory_space<vmem_shared>>
    %dma_wait3A_59 = tpu.memref_slice %arg11[%dma_wait3A_53] : memref<4x!tpu.dma_semaphore, #tpu.memory_space<semaphore_mem>> -> memref<1x!tpu.dma_semaphore, #tpu.memory_space<semaphore_mem>>
    %dma_wait3A_60 = tpu.memref_squeeze %dma_wait3A_59 : memref<1x!tpu.dma_semaphore, #tpu.memory_space<semaphore_mem>> -> memref<!tpu.dma_semaphore, #tpu.memory_space<semaphore_mem>>
    tpu.wait_indirect_dma semaphore(%dma_wait3A_60 : memref<!tpu.dma_semaphore, #tpu.memory_space<semaphore_mem>>) src(%arg9 : memref<80xf32, #tpu.memory_space<vmem>>) dst(%dma_wait3A_58 : memref<40960xf32, #tpu.memory_space<vmem_shared>>)
    %dma_wait3A_61 = arith.constant 3 : i32
    %dma_wait3A_62 = arith.constant 3 : i32
    %dma_wait3A_63 = arith.constant 0 : i32
    %dma_wait3A_64 = tpu.memref_slice %arg8[%dma_wait3A_61, %dma_wait3A_63] : memref<4x80xi32, #tpu.memory_space<vmem>> -> memref<1x80xi32, #tpu.memory_space<vmem>>
    %dma_wait3A_65 = tpu.memref_squeeze %dma_wait3A_64 : memref<1x80xi32, #tpu.memory_space<vmem>> -> memref<80xi32, #tpu.memory_space<vmem>>
    %dma_wait3A_66 = arith.constant 0 : i32
    %dma_wait3A_67 = tpu.memref_slice %arg5[%dma_wait3A_66] : memref<40960xf32, #tpu.memory_space<vmem_shared>> -> memref<40960xf32, #tpu.memory_space<vmem_shared>>
    %dma_wait3A_68 = tpu.memref_slice %arg11[%dma_wait3A_62] : memref<4x!tpu.dma_semaphore, #tpu.memory_space<semaphore_mem>> -> memref<1x!tpu.dma_semaphore, #tpu.memory_space<semaphore_mem>>
    %dma_wait3A_69 = tpu.memref_squeeze %dma_wait3A_68 : memref<1x!tpu.dma_semaphore, #tpu.memory_space<semaphore_mem>> -> memref<!tpu.dma_semaphore, #tpu.memory_space<semaphore_mem>>
    tpu.wait_indirect_dma semaphore(%dma_wait3A_69 : memref<!tpu.dma_semaphore, #tpu.memory_space<semaphore_mem>>) src(%arg9 : memref<80xf32, #tpu.memory_space<vmem>>) dst(%dma_wait3A_67 : memref<40960xf32, #tpu.memory_space<vmem_shared>>)
    %barrier3A_70 = arith.constant 0 : index
    tpu.barrier barrier_id(%barrier3A_70)
    %mul3A_71 = arith.constant 2560 : i32
    %mul3A_72 = arith.muli %arg1, %mul3A_71 : i32
    "tpu.region"() ({
      %run_scoped3A = tpu.sem_alloc : memref<!tpu.dma_semaphore, #tpu.memory_space<semaphore_mem>>
      %dma_start3A_82 = tpu.memref_slice %arg5[%mul3A_72] : memref<40960xf32, #tpu.memory_space<vmem_shared>> -> memref<2560xf32, #tpu.memory_space<vmem_shared>>
      %dma_start3A_83 = tpu.memref_slice %arg5[%mul3A_72] : memref<40960xf32, #tpu.memory_space<vmem_shared>> -> memref<2560xf32, #tpu.memory_space<vmem_shared>>
      tpu.enqueue_dma source(%dma_start3A_83 : memref<2560xf32, #tpu.memory_space<vmem_shared>>) target(%arg10 : memref<2560xf32, #tpu.memory_space<vmem>>) target_semaphore(%run_scoped3A : memref<!tpu.dma_semaphore, #tpu.memory_space<semaphore_mem>>)
      %dma_wait3A_84 = tpu.memref_slice %arg5[%mul3A_72] : memref<40960xf32, #tpu.memory_space<vmem_shared>> -> memref<2560xf32, #tpu.memory_space<vmem_shared>>
      %dma_wait3A_85 = tpu.memref_slice %arg5[%mul3A_72] : memref<40960xf32, #tpu.memory_space<vmem_shared>> -> memref<2560xf32, #tpu.memory_space<vmem_shared>>
      tpu.wait_dma2 semaphore(%run_scoped3A : memref<!tpu.dma_semaphore, #tpu.memory_space<semaphore_mem>>) src(%dma_wait3A_85 : memref<2560xf32, #tpu.memory_space<vmem_shared>>) dst(%arg10 : memref<2560xf32, #tpu.memory_space<vmem>>)
      tpu.yield
    }) : () -> ()
    %scan3A_73 = arith.constant 0 : i32
    %scan3A_74 = arith.constant 160 : i32
    %scan3A_75 = arith.addi %scan3A_73, %scan3A_74 : i32
    %scan3A_76 = arith.constant 1 : i32
    scf.for %scan3A_82 = %scan3A_73 to %scan3A_75 step %scan3A_76  : i32 {
      %mul3A_83 = arith.constant 1 : i32
      %mul3A_84 = arith.muli %scan3A_82, %mul3A_83 : i32
      %add3A_85 = arith.constant 0 : i32
      %add3A_86 = arith.addi %add3A_85, %mul3A_84 : i32
      %mul3A_87 = arith.constant 16 : i32
      %mul3A_88 = arith.muli %add3A_86, %mul3A_87 : i32
      %get3A = arith.index_cast %mul3A_88 : i32 to index
      %get3A_89 = tpu.vector_load %arg10[%get3A] {strides = array<i32>} : memref<2560xf32, #tpu.memory_space<vmem>>, vector<16xf32>,
      %max3A = arith.constant 1.000000e+00 : f32
      %max3A_90 = vector.broadcast %max3A : f32 to vector<16xf32>
      %max3A_91 = arith.maximumf %get3A_89, %max3A_90 : vector<16xf32>
      %div3A = arith.constant 1.000000e+00 : f32
      %div3A_92 = vector.broadcast %div3A : f32 to vector<16xf32>
      %div3A_93 = arith.divf %div3A_92, %max3A_91 : vector<16xf32>
      %swap3A_94 = arith.index_cast %mul3A_88 : i32 to index
      %swap3A_95 = tpu.vector_load %arg10[%swap3A_94] {strides = array<i32>} : memref<2560xf32, #tpu.memory_space<vmem>>, vector<16xf32>,
      tpu.vector_store %arg10[%swap3A_94], %div3A_93 {strides = array<i32>} : memref<2560xf32, #tpu.memory_space<vmem>>, vector<16xf32>,
    }
    %scan3A_77 = arith.constant 160 : i32
    %mul3A_78 = arith.constant 40960 : i32
    %mul3A_79 = arith.muli %arg0, %mul3A_78 : i32
    %mul3A_80 = arith.constant 2560 : i32
    %mul3A_81 = arith.muli %arg1, %mul3A_80 : i32
    %add3A = arith.addi %mul3A_79, %mul3A_81 : i32
    "tpu.region"() ({
      %run_scoped3A = tpu.sem_alloc : memref<!tpu.dma_semaphore, #tpu.memory_space<semaphore_mem>>
      %dma_start3A_82 = tpu.memref_slice %arg4[%add3A] : memref<81920xf32, #tpu.memory_space<hbm>> -> memref<2560xf32, #tpu.memory_space<hbm>>
      %dma_start3A_83 = tpu.memref_slice %arg4[%add3A] : memref<81920xf32, #tpu.memory_space<hbm>> -> memref<2560xf32, #tpu.memory_space<hbm>>
      tpu.enqueue_dma source(%arg10 : memref<2560xf32, #tpu.memory_space<vmem>>) target(%dma_start3A_83 : memref<2560xf32, #tpu.memory_space<hbm>>) target_semaphore(%run_scoped3A : memref<!tpu.dma_semaphore, #tpu.memory_space<semaphore_mem>>)
      %dma_wait3A_84 = tpu.memref_slice %arg4[%add3A] : memref<81920xf32, #tpu.memory_space<hbm>> -> memref<2560xf32, #tpu.memory_space<hbm>>
      %dma_wait3A_85 = tpu.memref_slice %arg4[%add3A] : memref<81920xf32, #tpu.memory_space<hbm>> -> memref<2560xf32, #tpu.memory_space<hbm>>
      tpu.wait_dma2 semaphore(%run_scoped3A : memref<!tpu.dma_semaphore, #tpu.memory_space<semaphore_mem>>) src(%arg10 : memref<2560xf32, #tpu.memory_space<vmem>>) dst(%dma_wait3A_85 : memref<2560xf32, #tpu.memory_space<hbm>>)
      tpu.yield
    }) : () -> ()
    return
  }
}

#map = affine_map<(d0, d1) -> (0, 0)>
#map1 = affine_map<(d0, d1) -> (0)>
#map2 = affine_map<(d0, d1) -> (0, 0, 0)>
module attributes {stable_mosaic.version = 14 : i64} {
  func.func @k(%arg0: i32, %arg1: i32, %arg2: memref<50000x128xf32, #tpu.memory_space<hbm>>, %arg3: memref<320000xi32, #tpu.memory_space<hbm>>, %arg4: memref<320000xi32, #tpu.memory_space<hbm>>, %arg5: memref<320000xi32, #tpu.memory_space<hbm>>, %arg6: memref<81920xf32, #tpu.memory_space<hbm>>, %arg7: memref<2x10000x128xf32, #tpu.memory_space<hbm>>, %arg8: memref<10000x128xf32, #tpu.memory_space<vmem_shared>>, %arg9: memref<40960xf32, #tpu.memory_space<vmem_shared>>, %arg10: memref<320x128xf32, #tpu.memory_space<vmem>>, %arg11: memref<800xi32, #tpu.memory_space<vmem>>, %arg12: memref<800xi32, #tpu.memory_space<vmem>>, %arg13: memref<800xi32, #tpu.memory_space<vmem>>, %arg14: memref<4x80xi32, #tpu.memory_space<vmem>>, %arg15: memref<4x80xi32, #tpu.memory_space<vmem>>, %arg16: memref<4x80xi32, #tpu.memory_space<vmem>>, %arg17: memref<320xf32, #tpu.memory_space<vmem>>, %arg18: memref<2560xf32, #tpu.memory_space<vmem>>, %arg19: memref<4x!tpu.dma_semaphore, #tpu.memory_space<semaphore_mem>>, %arg20: memref<4x!tpu.dma_semaphore, #tpu.memory_space<semaphore_mem>>, %arg21: memref<4x!tpu.dma_semaphore, #tpu.memory_space<semaphore_mem>>, %arg22: memref<!tpu.dma_semaphore, #tpu.memory_space<semaphore_mem>>) attributes {dimension_semantics = [#tpu.dimension_semantics<core_parallel>, #tpu.dimension_semantics<subcore_parallel>], iteration_bounds = array<i64: 2, 16>, scalar_prefetch = 0 : i64, scratch_operands = 15 : i64, tpu.core_type = #tpu.core_type<sc_vector_subcore>, window_params = [{transform_indices = #map}, {transform_indices = #map1}, {transform_indices = #map1}, {transform_indices = #map1}, {transform_indices = #map1}, {transform_indices = #map2}]} {
    %mul3A = arith.constant 16 : i32
    %mul3A_0 = arith.muli %arg0, %mul3A : i32
    %add3A = arith.addi %mul3A_0, %arg1 : i32
    %broadcast_in_dim3A = arith.constant 0.000000e+00 : f32
    %broadcast_in_dim3A_1 = vector.broadcast %broadcast_in_dim3A : f32 to vector<16xf32>
    %scan3A = arith.constant 0 : i32
    %scan3A_2 = arith.constant 80 : i32
    %scan3A_3 = arith.addi %scan3A, %scan3A_2 : i32
    %scan3A_4 = arith.constant 1 : i32
    scf.for %scan3A_1074 = %scan3A to %scan3A_3 step %scan3A_4  : i32 {
      %mul3A_1075 = arith.constant 1 : i32
      %mul3A_1076 = arith.muli %scan3A_1074, %mul3A_1075 : i32
      %add3A_1077 = arith.constant 0 : i32
      %add3A_1078 = arith.addi %add3A_1077, %mul3A_1076 : i32
      %swap3A_1079 = arith.index_cast %add3A_1078 : i32 to index
      %swap3A_1080 = arith.constant 0 : index
      %swap3A_1081 = tpu.vector_load %arg10[%swap3A_1079, %swap3A_1080] {strides = array<i32>} : memref<320x128xf32, #tpu.memory_space<vmem>>, vector<16xf32>,
      tpu.vector_store %arg10[%swap3A_1079, %swap3A_1080], %broadcast_in_dim3A_1 {strides = array<i32>} : memref<320x128xf32, #tpu.memory_space<vmem>>, vector<16xf32>,
      %swap3A_1082 = arith.index_cast %add3A_1078 : i32 to index
      %swap3A_1083 = arith.constant 16 : index
      %swap3A_1084 = tpu.vector_load %arg10[%swap3A_1082, %swap3A_1083] {strides = array<i32>} : memref<320x128xf32, #tpu.memory_space<vmem>>, vector<16xf32>,
      tpu.vector_store %arg10[%swap3A_1082, %swap3A_1083], %broadcast_in_dim3A_1 {strides = array<i32>} : memref<320x128xf32, #tpu.memory_space<vmem>>, vector<16xf32>,
      %swap3A_1085 = arith.index_cast %add3A_1078 : i32 to index
      %swap3A_1086 = arith.constant 32 : index
      %swap3A_1087 = tpu.vector_load %arg10[%swap3A_1085, %swap3A_1086] {strides = array<i32>} : memref<320x128xf32, #tpu.memory_space<vmem>>, vector<16xf32>,
      tpu.vector_store %arg10[%swap3A_1085, %swap3A_1086], %broadcast_in_dim3A_1 {strides = array<i32>} : memref<320x128xf32, #tpu.memory_space<vmem>>, vector<16xf32>,
      %swap3A_1088 = arith.index_cast %add3A_1078 : i32 to index
      %swap3A_1089 = arith.constant 48 : index
      %swap3A_1090 = tpu.vector_load %arg10[%swap3A_1088, %swap3A_1089] {strides = array<i32>} : memref<320x128xf32, #tpu.memory_space<vmem>>, vector<16xf32>,
      tpu.vector_store %arg10[%swap3A_1088, %swap3A_1089], %broadcast_in_dim3A_1 {strides = array<i32>} : memref<320x128xf32, #tpu.memory_space<vmem>>, vector<16xf32>,
      %swap3A_1091 = arith.index_cast %add3A_1078 : i32 to index
      %swap3A_1092 = arith.constant 64 : index
      %swap3A_1093 = tpu.vector_load %arg10[%swap3A_1091, %swap3A_1092] {strides = array<i32>} : memref<320x128xf32, #tpu.memory_space<vmem>>, vector<16xf32>,
      tpu.vector_store %arg10[%swap3A_1091, %swap3A_1092], %broadcast_in_dim3A_1 {strides = array<i32>} : memref<320x128xf32, #tpu.memory_space<vmem>>, vector<16xf32>,
      %swap3A_1094 = arith.index_cast %add3A_1078 : i32 to index
      %swap3A_1095 = arith.constant 80 : index
      %swap3A_1096 = tpu.vector_load %arg10[%swap3A_1094, %swap3A_1095] {strides = array<i32>} : memref<320x128xf32, #tpu.memory_space<vmem>>, vector<16xf32>,
      tpu.vector_store %arg10[%swap3A_1094, %swap3A_1095], %broadcast_in_dim3A_1 {strides = array<i32>} : memref<320x128xf32, #tpu.memory_space<vmem>>, vector<16xf32>,
      %swap3A_1097 = arith.index_cast %add3A_1078 : i32 to index
      %swap3A_1098 = arith.constant 96 : index
      %swap3A_1099 = tpu.vector_load %arg10[%swap3A_1097, %swap3A_1098] {strides = array<i32>} : memref<320x128xf32, #tpu.memory_space<vmem>>, vector<16xf32>,
      tpu.vector_store %arg10[%swap3A_1097, %swap3A_1098], %broadcast_in_dim3A_1 {strides = array<i32>} : memref<320x128xf32, #tpu.memory_space<vmem>>, vector<16xf32>,
      %swap3A_1100 = arith.index_cast %add3A_1078 : i32 to index
      %swap3A_1101 = arith.constant 112 : index
      %swap3A_1102 = tpu.vector_load %arg10[%swap3A_1100, %swap3A_1101] {strides = array<i32>} : memref<320x128xf32, #tpu.memory_space<vmem>>, vector<16xf32>,
      tpu.vector_store %arg10[%swap3A_1100, %swap3A_1101], %broadcast_in_dim3A_1 {strides = array<i32>} : memref<320x128xf32, #tpu.memory_space<vmem>>, vector<16xf32>,
    }
    %scan3A_5 = arith.constant 80 : i32
    %mul3A_6 = arith.constant 40960 : i32
    %mul3A_7 = arith.muli %arg0, %mul3A_6 : i32
    %mul3A_8 = arith.constant 2560 : i32
    %mul3A_9 = arith.muli %arg1, %mul3A_8 : i32
    %add3A_10 = arith.addi %mul3A_7, %mul3A_9 : i32
    "tpu.region"() ({
      %run_scoped3A = tpu.sem_alloc : memref<!tpu.dma_semaphore, #tpu.memory_space<semaphore_mem>>
      %dma_start3A_1074 = tpu.memref_slice %arg6[%add3A_10] : memref<81920xf32, #tpu.memory_space<hbm>> -> memref<2560xf32, #tpu.memory_space<hbm>>
      %dma_start3A_1075 = tpu.memref_slice %arg6[%add3A_10] : memref<81920xf32, #tpu.memory_space<hbm>> -> memref<2560xf32, #tpu.memory_space<hbm>>
      tpu.enqueue_dma source(%dma_start3A_1075 : memref<2560xf32, #tpu.memory_space<hbm>>) target(%arg18 : memref<2560xf32, #tpu.memory_space<vmem>>) target_semaphore(%run_scoped3A : memref<!tpu.dma_semaphore, #tpu.memory_space<semaphore_mem>>)
      %dma_wait3A_1076 = tpu.memref_slice %arg6[%add3A_10] : memref<81920xf32, #tpu.memory_space<hbm>> -> memref<2560xf32, #tpu.memory_space<hbm>>
      %dma_wait3A_1077 = tpu.memref_slice %arg6[%add3A_10] : memref<81920xf32, #tpu.memory_space<hbm>> -> memref<2560xf32, #tpu.memory_space<hbm>>
      tpu.wait_dma2 semaphore(%run_scoped3A : memref<!tpu.dma_semaphore, #tpu.memory_space<semaphore_mem>>) src(%dma_wait3A_1077 : memref<2560xf32, #tpu.memory_space<hbm>>) dst(%arg18 : memref<2560xf32, #tpu.memory_space<vmem>>)
      tpu.yield
    }) : () -> ()
    %mul3A_11 = arith.constant 2560 : i32
    %mul3A_12 = arith.muli %arg1, %mul3A_11 : i32
    "tpu.region"() ({
      %run_scoped3A = tpu.sem_alloc : memref<!tpu.dma_semaphore, #tpu.memory_space<semaphore_mem>>
      %dma_start3A_1074 = tpu.memref_slice %arg9[%mul3A_12] : memref<40960xf32, #tpu.memory_space<vmem_shared>> -> memref<2560xf32, #tpu.memory_space<vmem_shared>>
      %dma_start3A_1075 = tpu.memref_slice %arg9[%mul3A_12] : memref<40960xf32, #tpu.memory_space<vmem_shared>> -> memref<2560xf32, #tpu.memory_space<vmem_shared>>
      tpu.enqueue_dma source(%arg18 : memref<2560xf32, #tpu.memory_space<vmem>>) target(%dma_start3A_1075 : memref<2560xf32, #tpu.memory_space<vmem_shared>>) target_semaphore(%run_scoped3A : memref<!tpu.dma_semaphore, #tpu.memory_space<semaphore_mem>>)
      %dma_wait3A_1076 = tpu.memref_slice %arg9[%mul3A_12] : memref<40960xf32, #tpu.memory_space<vmem_shared>> -> memref<2560xf32, #tpu.memory_space<vmem_shared>>
      %dma_wait3A_1077 = tpu.memref_slice %arg9[%mul3A_12] : memref<40960xf32, #tpu.memory_space<vmem_shared>> -> memref<2560xf32, #tpu.memory_space<vmem_shared>>
      tpu.wait_dma2 semaphore(%run_scoped3A : memref<!tpu.dma_semaphore, #tpu.memory_space<semaphore_mem>>) src(%arg18 : memref<2560xf32, #tpu.memory_space<vmem>>) dst(%dma_wait3A_1077 : memref<2560xf32, #tpu.memory_space<vmem_shared>>)
      tpu.yield
    }) : () -> ()
    %scan3A_13 = arith.constant 0 : i32
    %scan3A_14 = arith.constant 8 : i32
    %scan3A_15 = arith.addi %scan3A_13, %scan3A_14 : i32
    %scan3A_16 = arith.constant 1 : i32
    scf.for %scan3A_1074 = %scan3A_13 to %scan3A_15 step %scan3A_16  : i32 {
      %mul3A_1075 = arith.constant 1 : i32
      %mul3A_1076 = arith.muli %scan3A_1074, %mul3A_1075 : i32
      %add3A_1077 = arith.constant 0 : i32
      %add3A_1078 = arith.addi %add3A_1077, %mul3A_1076 : i32
      %mul3A_1079 = arith.constant 640 : i32
      %mul3A_1080 = arith.muli %arg1, %mul3A_1079 : i32
      %mul3A_1081 = arith.constant 80 : i32
      %mul3A_1082 = arith.muli %add3A_1078, %mul3A_1081 : i32
      %add3A_1083 = arith.addi %mul3A_1080, %mul3A_1082 : i32
      %lt3A = arith.constant 10000 : i32
      %lt3A_1084 = arith.cmpi slt, %add3A_1083, %lt3A : i32
      %convert_element_type3A = arith.extui %lt3A_1084 : i1 to i32
      %cond3A = arith.constant 0 : i32
      %cond3A_1085 = arith.cmpi ne, %convert_element_type3A, %cond3A : i32
      scf.if %cond3A_1085 {
        "tpu.region"() ({
          %run_scoped3A = tpu.sem_alloc : memref<!tpu.dma_semaphore, #tpu.memory_space<semaphore_mem>>
          %dma_start3A_1086 = arith.constant 0 : i32
          %dma_start3A_1087 = arith.constant 0 : i32
          %dma_start3A_1088 = tpu.memref_slice %arg10[%dma_start3A_1086, %dma_start3A_1087] : memref<320x128xf32, #tpu.memory_space<vmem>> -> memref<80x128xf32, #tpu.memory_space<vmem>>
          %dma_start3A_1089 = arith.constant 0 : i32
          %dma_start3A_1090 = tpu.memref_slice %arg8[%add3A_1083, %dma_start3A_1089] : memref<10000x128xf32, #tpu.memory_space<vmem_shared>> -> memref<80x128xf32, #tpu.memory_space<vmem_shared>>
          %dma_start3A_1091 = arith.constant 0 : i32
          %dma_start3A_1092 = tpu.memref_slice %arg8[%add3A_1083, %dma_start3A_1091] : memref<10000x128xf32, #tpu.memory_space<vmem_shared>> -> memref<80x128xf32, #tpu.memory_space<vmem_shared>>
          %dma_start3A_1093 = arith.constant 0 : i32
          %dma_start3A_1094 = arith.constant 0 : i32
          %dma_start3A_1095 = tpu.memref_slice %arg10[%dma_start3A_1093, %dma_start3A_1094] : memref<320x128xf32, #tpu.memory_space<vmem>> -> memref<80x128xf32, #tpu.memory_space<vmem>>
          tpu.enqueue_dma source(%dma_start3A_1095 : memref<80x128xf32, #tpu.memory_space<vmem>>) target(%dma_start3A_1092 : memref<80x128xf32, #tpu.memory_space<vmem_shared>>) target_semaphore(%run_scoped3A : memref<!tpu.dma_semaphore, #tpu.memory_space<semaphore_mem>>)
          %dma_wait3A_1096 = arith.constant 0 : i32
          %dma_wait3A_1097 = arith.constant 0 : i32
          %dma_wait3A_1098 = tpu.memref_slice %arg10[%dma_wait3A_1096, %dma_wait3A_1097] : memref<320x128xf32, #tpu.memory_space<vmem>> -> memref<80x128xf32, #tpu.memory_space<vmem>>
          %dma_wait3A_1099 = arith.constant 0 : i32
          %dma_wait3A_1100 = tpu.memref_slice %arg8[%add3A_1083, %dma_wait3A_1099] : memref<10000x128xf32, #tpu.memory_space<vmem_shared>> -> memref<80x128xf32, #tpu.memory_space<vmem_shared>>
          %dma_wait3A_1101 = arith.constant 0 : i32
          %dma_wait3A_1102 = tpu.memref_slice %arg8[%add3A_1083, %dma_wait3A_1101] : memref<10000x128xf32, #tpu.memory_space<vmem_shared>> -> memref<80x128xf32, #tpu.memory_space<vmem_shared>>
          %dma_wait3A_1103 = arith.constant 0 : i32
          %dma_wait3A_1104 = arith.constant 0 : i32
          %dma_wait3A_1105 = tpu.memref_slice %arg10[%dma_wait3A_1103, %dma_wait3A_1104] : memref<320x128xf32, #tpu.memory_space<vmem>> -> memref<80x128xf32, #tpu.memory_space<vmem>>
          tpu.wait_dma2 semaphore(%run_scoped3A : memref<!tpu.dma_semaphore, #tpu.memory_space<semaphore_mem>>) src(%dma_wait3A_1105 : memref<80x128xf32, #tpu.memory_space<vmem>>) dst(%dma_wait3A_1102 : memref<80x128xf32, #tpu.memory_space<vmem_shared>>)
          tpu.yield
        }) : () -> ()
      } else {
      }
    }
    %scan3A_17 = arith.constant 8 : i32
    %barrier3A = arith.constant 0 : index
    tpu.barrier barrier_id(%barrier3A)
    %mul3A_18 = arith.constant 10000 : i32
    %mul3A_19 = arith.muli %add3A, %mul3A_18 : i32
    %dma_start3A = arith.constant 0 : i32
    %dma_start3A_20 = tpu.memref_slice %arg11[%dma_start3A] : memref<800xi32, #tpu.memory_space<vmem>> -> memref<400xi32, #tpu.memory_space<vmem>>
    %dma_start3A_21 = tpu.memref_slice %arg3[%mul3A_19] : memref<320000xi32, #tpu.memory_space<hbm>> -> memref<400xi32, #tpu.memory_space<hbm>>
    %dma_start3A_22 = arith.constant 0 : i32
    %dma_start3A_23 = tpu.memref_slice %arg11[%dma_start3A_22] : memref<800xi32, #tpu.memory_space<vmem>> -> memref<400xi32, #tpu.memory_space<vmem>>
    %dma_start3A_24 = tpu.memref_slice %arg3[%mul3A_19] : memref<320000xi32, #tpu.memory_space<hbm>> -> memref<400xi32, #tpu.memory_space<hbm>>
    tpu.enqueue_dma source(%dma_start3A_24 : memref<400xi32, #tpu.memory_space<hbm>>) target(%dma_start3A_23 : memref<400xi32, #tpu.memory_space<vmem>>) target_semaphore(%arg22 : memref<!tpu.dma_semaphore, #tpu.memory_space<semaphore_mem>>)
    %dma_start3A_25 = arith.constant 0 : i32
    %dma_start3A_26 = tpu.memref_slice %arg12[%dma_start3A_25] : memref<800xi32, #tpu.memory_space<vmem>> -> memref<400xi32, #tpu.memory_space<vmem>>
    %dma_start3A_27 = tpu.memref_slice %arg5[%mul3A_19] : memref<320000xi32, #tpu.memory_space<hbm>> -> memref<400xi32, #tpu.memory_space<hbm>>
    %dma_start3A_28 = arith.constant 0 : i32
    %dma_start3A_29 = tpu.memref_slice %arg12[%dma_start3A_28] : memref<800xi32, #tpu.memory_space<vmem>> -> memref<400xi32, #tpu.memory_space<vmem>>
    %dma_start3A_30 = tpu.memref_slice %arg5[%mul3A_19] : memref<320000xi32, #tpu.memory_space<hbm>> -> memref<400xi32, #tpu.memory_space<hbm>>
    tpu.enqueue_dma source(%dma_start3A_30 : memref<400xi32, #tpu.memory_space<hbm>>) target(%dma_start3A_29 : memref<400xi32, #tpu.memory_space<vmem>>) target_semaphore(%arg22 : memref<!tpu.dma_semaphore, #tpu.memory_space<semaphore_mem>>)
    %dma_start3A_31 = arith.constant 0 : i32
    %dma_start3A_32 = tpu.memref_slice %arg13[%dma_start3A_31] : memref<800xi32, #tpu.memory_space<vmem>> -> memref<400xi32, #tpu.memory_space<vmem>>
    %dma_start3A_33 = tpu.memref_slice %arg4[%mul3A_19] : memref<320000xi32, #tpu.memory_space<hbm>> -> memref<400xi32, #tpu.memory_space<hbm>>
    %dma_start3A_34 = arith.constant 0 : i32
    %dma_start3A_35 = tpu.memref_slice %arg13[%dma_start3A_34] : memref<800xi32, #tpu.memory_space<vmem>> -> memref<400xi32, #tpu.memory_space<vmem>>
    %dma_start3A_36 = tpu.memref_slice %arg4[%mul3A_19] : memref<320000xi32, #tpu.memory_space<hbm>> -> memref<400xi32, #tpu.memory_space<hbm>>
    tpu.enqueue_dma source(%dma_start3A_36 : memref<400xi32, #tpu.memory_space<hbm>>) target(%dma_start3A_35 : memref<400xi32, #tpu.memory_space<vmem>>) target_semaphore(%arg22 : memref<!tpu.dma_semaphore, #tpu.memory_space<semaphore_mem>>)
    %dma_wait3A = arith.constant 0 : i32
    %dma_wait3A_37 = tpu.memref_slice %arg11[%dma_wait3A] : memref<800xi32, #tpu.memory_space<vmem>> -> memref<400xi32, #tpu.memory_space<vmem>>
    %dma_wait3A_38 = tpu.memref_slice %arg3[%mul3A_19] : memref<320000xi32, #tpu.memory_space<hbm>> -> memref<400xi32, #tpu.memory_space<hbm>>
    %dma_wait3A_39 = arith.constant 0 : i32
    %dma_wait3A_40 = tpu.memref_slice %arg11[%dma_wait3A_39] : memref<800xi32, #tpu.memory_space<vmem>> -> memref<400xi32, #tpu.memory_space<vmem>>
    %dma_wait3A_41 = tpu.memref_slice %arg3[%mul3A_19] : memref<320000xi32, #tpu.memory_space<hbm>> -> memref<400xi32, #tpu.memory_space<hbm>>
    tpu.wait_dma2 semaphore(%arg22 : memref<!tpu.dma_semaphore, #tpu.memory_space<semaphore_mem>>) src(%dma_wait3A_41 : memref<400xi32, #tpu.memory_space<hbm>>) dst(%dma_wait3A_40 : memref<400xi32, #tpu.memory_space<vmem>>)
    %dma_wait3A_42 = arith.constant 0 : i32
    %dma_wait3A_43 = tpu.memref_slice %arg12[%dma_wait3A_42] : memref<800xi32, #tpu.memory_space<vmem>> -> memref<400xi32, #tpu.memory_space<vmem>>
    %dma_wait3A_44 = tpu.memref_slice %arg5[%mul3A_19] : memref<320000xi32, #tpu.memory_space<hbm>> -> memref<400xi32, #tpu.memory_space<hbm>>
    %dma_wait3A_45 = arith.constant 0 : i32
    %dma_wait3A_46 = tpu.memref_slice %arg12[%dma_wait3A_45] : memref<800xi32, #tpu.memory_space<vmem>> -> memref<400xi32, #tpu.memory_space<vmem>>
    %dma_wait3A_47 = tpu.memref_slice %arg5[%mul3A_19] : memref<320000xi32, #tpu.memory_space<hbm>> -> memref<400xi32, #tpu.memory_space<hbm>>
    tpu.wait_dma2 semaphore(%arg22 : memref<!tpu.dma_semaphore, #tpu.memory_space<semaphore_mem>>) src(%dma_wait3A_47 : memref<400xi32, #tpu.memory_space<hbm>>) dst(%dma_wait3A_46 : memref<400xi32, #tpu.memory_space<vmem>>)
    %dma_wait3A_48 = arith.constant 0 : i32
    %dma_wait3A_49 = tpu.memref_slice %arg13[%dma_wait3A_48] : memref<800xi32, #tpu.memory_space<vmem>> -> memref<400xi32, #tpu.memory_space<vmem>>
    %dma_wait3A_50 = tpu.memref_slice %arg4[%mul3A_19] : memref<320000xi32, #tpu.memory_space<hbm>> -> memref<400xi32, #tpu.memory_space<hbm>>
    %dma_wait3A_51 = arith.constant 0 : i32
    %dma_wait3A_52 = tpu.memref_slice %arg13[%dma_wait3A_51] : memref<800xi32, #tpu.memory_space<vmem>> -> memref<400xi32, #tpu.memory_space<vmem>>
    %dma_wait3A_53 = tpu.memref_slice %arg4[%mul3A_19] : memref<320000xi32, #tpu.memory_space<hbm>> -> memref<400xi32, #tpu.memory_space<hbm>>
    tpu.wait_dma2 semaphore(%arg22 : memref<!tpu.dma_semaphore, #tpu.memory_space<semaphore_mem>>) src(%dma_wait3A_53 : memref<400xi32, #tpu.memory_space<hbm>>) dst(%dma_wait3A_52 : memref<400xi32, #tpu.memory_space<vmem>>)
    %add3A_54 = arith.constant 400 : i32
    %add3A_55 = arith.addi %mul3A_19, %add3A_54 : i32
    %dma_start3A_56 = arith.constant 400 : i32
    %dma_start3A_57 = tpu.memref_slice %arg11[%dma_start3A_56] : memref<800xi32, #tpu.memory_space<vmem>> -> memref<400xi32, #tpu.memory_space<vmem>>
    %dma_start3A_58 = tpu.memref_slice %arg3[%add3A_55] : memref<320000xi32, #tpu.memory_space<hbm>> -> memref<400xi32, #tpu.memory_space<hbm>>
    %dma_start3A_59 = arith.constant 400 : i32
    %dma_start3A_60 = tpu.memref_slice %arg11[%dma_start3A_59] : memref<800xi32, #tpu.memory_space<vmem>> -> memref<400xi32, #tpu.memory_space<vmem>>
    %dma_start3A_61 = tpu.memref_slice %arg3[%add3A_55] : memref<320000xi32, #tpu.memory_space<hbm>> -> memref<400xi32, #tpu.memory_space<hbm>>
    tpu.enqueue_dma source(%dma_start3A_61 : memref<400xi32, #tpu.memory_space<hbm>>) target(%dma_start3A_60 : memref<400xi32, #tpu.memory_space<vmem>>) target_semaphore(%arg22 : memref<!tpu.dma_semaphore, #tpu.memory_space<semaphore_mem>>)
    %dma_start3A_62 = arith.constant 400 : i32
    %dma_start3A_63 = tpu.memref_slice %arg12[%dma_start3A_62] : memref<800xi32, #tpu.memory_space<vmem>> -> memref<400xi32, #tpu.memory_space<vmem>>
    %dma_start3A_64 = tpu.memref_slice %arg5[%add3A_55] : memref<320000xi32, #tpu.memory_space<hbm>> -> memref<400xi32, #tpu.memory_space<hbm>>
    %dma_start3A_65 = arith.constant 400 : i32
    %dma_start3A_66 = tpu.memref_slice %arg12[%dma_start3A_65] : memref<800xi32, #tpu.memory_space<vmem>> -> memref<400xi32, #tpu.memory_space<vmem>>
    %dma_start3A_67 = tpu.memref_slice %arg5[%add3A_55] : memref<320000xi32, #tpu.memory_space<hbm>> -> memref<400xi32, #tpu.memory_space<hbm>>
    tpu.enqueue_dma source(%dma_start3A_67 : memref<400xi32, #tpu.memory_space<hbm>>) target(%dma_start3A_66 : memref<400xi32, #tpu.memory_space<vmem>>) target_semaphore(%arg22 : memref<!tpu.dma_semaphore, #tpu.memory_space<semaphore_mem>>)
    %dma_start3A_68 = arith.constant 400 : i32
    %dma_start3A_69 = tpu.memref_slice %arg13[%dma_start3A_68] : memref<800xi32, #tpu.memory_space<vmem>> -> memref<400xi32, #tpu.memory_space<vmem>>
    %dma_start3A_70 = tpu.memref_slice %arg4[%add3A_55] : memref<320000xi32, #tpu.memory_space<hbm>> -> memref<400xi32, #tpu.memory_space<hbm>>
    %dma_start3A_71 = arith.constant 400 : i32
    %dma_start3A_72 = tpu.memref_slice %arg13[%dma_start3A_71] : memref<800xi32, #tpu.memory_space<vmem>> -> memref<400xi32, #tpu.memory_space<vmem>>
    %dma_start3A_73 = tpu.memref_slice %arg4[%add3A_55] : memref<320000xi32, #tpu.memory_space<hbm>> -> memref<400xi32, #tpu.memory_space<hbm>>
    tpu.enqueue_dma source(%dma_start3A_73 : memref<400xi32, #tpu.memory_space<hbm>>) target(%dma_start3A_72 : memref<400xi32, #tpu.memory_space<vmem>>) target_semaphore(%arg22 : memref<!tpu.dma_semaphore, #tpu.memory_space<semaphore_mem>>)
    %rem3A = arith.constant 0 : i32
    %rem3A_74 = arith.constant 4 : i32
    %rem3A_75 = arith.remsi %rem3A, %rem3A_74 : i32
    %jit3A = arith.constant 0 : i32
    %jit3A_76 = arith.constant 5 : i32
    %div3A = arith.divsi %jit3A, %jit3A_76 : i32
    %sign3A = arith.constant 0 : i32
    %sign3A_77 = arith.cmpi sgt, %jit3A, %sign3A : i32
    %sign3A_78 = arith.extui %sign3A_77 : i1 to i32
    %sign3A_79 = arith.constant 0 : i32
    %sign3A_80 = arith.cmpi slt, %jit3A, %sign3A_79 : i32
    %sign3A_81 = arith.extui %sign3A_80 : i1 to i32
    %sign3A_82 = arith.subi %sign3A_78, %sign3A_81 : i32
    %sign3A_83 = arith.constant 0 : i32
    %sign3A_84 = arith.cmpi sgt, %jit3A_76, %sign3A_83 : i32
    %sign3A_85 = arith.extui %sign3A_84 : i1 to i32
    %sign3A_86 = arith.constant 0 : i32
    %sign3A_87 = arith.cmpi slt, %jit3A_76, %sign3A_86 : i32
    %sign3A_88 = arith.extui %sign3A_87 : i1 to i32
    %sign3A_89 = arith.subi %sign3A_85, %sign3A_88 : i32
    %ne3A = arith.cmpi ne, %sign3A_82, %sign3A_89 : i32
    %rem3A_90 = arith.remsi %jit3A, %jit3A_76 : i32
    %ne3A_91 = arith.constant 0 : i32
    %ne3A_92 = arith.cmpi ne, %rem3A_90, %ne3A_91 : i32
    %and3A = arith.andi %ne3A, %ne3A_92 : i1
    %sub3A = arith.constant 1 : i32
    %sub3A_93 = arith.subi %div3A, %sub3A : i32
    %select_n3A = arith.select %and3A, %sub3A_93, %div3A : i32
    %rem3A_94 = arith.constant 2 : i32
    %rem3A_95 = arith.remsi %select_n3A, %rem3A_94 : i32
    %mul3A_96 = arith.constant 400 : i32
    %mul3A_97 = arith.muli %rem3A_95, %mul3A_96 : i32
    %rem3A_98 = arith.constant 0 : i32
    %rem3A_99 = arith.constant 5 : i32
    %rem3A_100 = arith.remsi %rem3A_98, %rem3A_99 : i32
    %mul3A_101 = arith.constant 80 : i32
    %mul3A_102 = arith.muli %rem3A_100, %mul3A_101 : i32
    %add3A_103 = arith.addi %mul3A_97, %mul3A_102 : i32
    %add3A_104 = arith.constant 0 : i32
    %add3A_105 = arith.addi %add3A_103, %add3A_104 : i32
    %get3A = arith.index_cast %add3A_105 : i32 to index
    %get3A_106 = tpu.vector_load %arg12[%get3A] {strides = array<i32>} : memref<800xi32, #tpu.memory_space<vmem>>, vector<16xi32>,
    %mul3A_107 = arith.constant 10000 : i32
    %mul3A_108 = vector.broadcast %mul3A_107 : i32 to vector<16xi32>
    %mul3A_109 = arith.muli %get3A_106, %mul3A_108 : vector<16xi32>
    %get3A_110 = arith.index_cast %add3A_105 : i32 to index
    %get3A_111 = tpu.vector_load %arg11[%get3A_110] {strides = array<i32>} : memref<800xi32, #tpu.memory_space<vmem>>, vector<16xi32>,
    %add3A_112 = arith.addi %mul3A_109, %get3A_111 : vector<16xi32>
    %swap3A = arith.index_cast %rem3A_75 : i32 to index
    %swap3A_113 = arith.constant 0 : index
    %swap3A_114 = tpu.vector_load %arg14[%swap3A, %swap3A_113] {strides = array<i32>} : memref<4x80xi32, #tpu.memory_space<vmem>>, vector<16xi32>,
    tpu.vector_store %arg14[%swap3A, %swap3A_113], %add3A_112 {strides = array<i32>} : memref<4x80xi32, #tpu.memory_space<vmem>>, vector<16xi32>,
    %mul3A_115 = arith.constant 10000 : i32
    %mul3A_116 = vector.broadcast %mul3A_115 : i32 to vector<16xi32>
    %mul3A_117 = arith.muli %get3A_106, %mul3A_116 : vector<16xi32>
    %get3A_118 = arith.index_cast %add3A_105 : i32 to index
    %get3A_119 = tpu.vector_load %arg13[%get3A_118] {strides = array<i32>} : memref<800xi32, #tpu.memory_space<vmem>>, vector<16xi32>,
    %add3A_120 = arith.addi %mul3A_117, %get3A_119 : vector<16xi32>
    %swap3A_121 = arith.index_cast %rem3A_75 : i32 to index
    %swap3A_122 = arith.constant 0 : index
    %swap3A_123 = tpu.vector_load %arg15[%swap3A_121, %swap3A_122] {strides = array<i32>} : memref<4x80xi32, #tpu.memory_space<vmem>>, vector<16xi32>,
    tpu.vector_store %arg15[%swap3A_121, %swap3A_122], %add3A_120 {strides = array<i32>} : memref<4x80xi32, #tpu.memory_space<vmem>>, vector<16xi32>,
    %get3A_124 = arith.index_cast %add3A_105 : i32 to index
    %get3A_125 = tpu.vector_load %arg13[%get3A_124] {strides = array<i32>} : memref<800xi32, #tpu.memory_space<vmem>>, vector<16xi32>,
    %swap3A_126 = arith.index_cast %rem3A_75 : i32 to index
    %swap3A_127 = arith.constant 0 : index
    %swap3A_128 = tpu.vector_load %arg16[%swap3A_126, %swap3A_127] {strides = array<i32>} : memref<4x80xi32, #tpu.memory_space<vmem>>, vector<16xi32>,
    tpu.vector_store %arg16[%swap3A_126, %swap3A_127], %get3A_125 {strides = array<i32>} : memref<4x80xi32, #tpu.memory_space<vmem>>, vector<16xi32>,
    %add3A_129 = arith.constant 16 : i32
    %add3A_130 = arith.addi %add3A_103, %add3A_129 : i32
    %get3A_131 = arith.index_cast %add3A_130 : i32 to index
    %get3A_132 = tpu.vector_load %arg12[%get3A_131] {strides = array<i32>} : memref<800xi32, #tpu.memory_space<vmem>>, vector<16xi32>,
    %mul3A_133 = arith.constant 10000 : i32
    %mul3A_134 = vector.broadcast %mul3A_133 : i32 to vector<16xi32>
    %mul3A_135 = arith.muli %get3A_132, %mul3A_134 : vector<16xi32>
    %get3A_136 = arith.index_cast %add3A_130 : i32 to index
    %get3A_137 = tpu.vector_load %arg11[%get3A_136] {strides = array<i32>} : memref<800xi32, #tpu.memory_space<vmem>>, vector<16xi32>,
    %add3A_138 = arith.addi %mul3A_135, %get3A_137 : vector<16xi32>
    %swap3A_139 = arith.index_cast %rem3A_75 : i32 to index
    %swap3A_140 = arith.constant 16 : index
    %swap3A_141 = tpu.vector_load %arg14[%swap3A_139, %swap3A_140] {strides = array<i32>} : memref<4x80xi32, #tpu.memory_space<vmem>>, vector<16xi32>,
    tpu.vector_store %arg14[%swap3A_139, %swap3A_140], %add3A_138 {strides = array<i32>} : memref<4x80xi32, #tpu.memory_space<vmem>>, vector<16xi32>,
    %mul3A_142 = arith.constant 10000 : i32
    %mul3A_143 = vector.broadcast %mul3A_142 : i32 to vector<16xi32>
    %mul3A_144 = arith.muli %get3A_132, %mul3A_143 : vector<16xi32>
    %get3A_145 = arith.index_cast %add3A_130 : i32 to index
    %get3A_146 = tpu.vector_load %arg13[%get3A_145] {strides = array<i32>} : memref<800xi32, #tpu.memory_space<vmem>>, vector<16xi32>,
    %add3A_147 = arith.addi %mul3A_144, %get3A_146 : vector<16xi32>
    %swap3A_148 = arith.index_cast %rem3A_75 : i32 to index
    %swap3A_149 = arith.constant 16 : index
    %swap3A_150 = tpu.vector_load %arg15[%swap3A_148, %swap3A_149] {strides = array<i32>} : memref<4x80xi32, #tpu.memory_space<vmem>>, vector<16xi32>,
    tpu.vector_store %arg15[%swap3A_148, %swap3A_149], %add3A_147 {strides = array<i32>} : memref<4x80xi32, #tpu.memory_space<vmem>>, vector<16xi32>,
    %get3A_151 = arith.index_cast %add3A_130 : i32 to index
    %get3A_152 = tpu.vector_load %arg13[%get3A_151] {strides = array<i32>} : memref<800xi32, #tpu.memory_space<vmem>>, vector<16xi32>,
    %swap3A_153 = arith.index_cast %rem3A_75 : i32 to index
    %swap3A_154 = arith.constant 16 : index
    %swap3A_155 = tpu.vector_load %arg16[%swap3A_153, %swap3A_154] {strides = array<i32>} : memref<4x80xi32, #tpu.memory_space<vmem>>, vector<16xi32>,
    tpu.vector_store %arg16[%swap3A_153, %swap3A_154], %get3A_152 {strides = array<i32>} : memref<4x80xi32, #tpu.memory_space<vmem>>, vector<16xi32>,
    %add3A_156 = arith.constant 32 : i32
    %add3A_157 = arith.addi %add3A_103, %add3A_156 : i32
    %get3A_158 = arith.index_cast %add3A_157 : i32 to index
    %get3A_159 = tpu.vector_load %arg12[%get3A_158] {strides = array<i32>} : memref<800xi32, #tpu.memory_space<vmem>>, vector<16xi32>,
    %mul3A_160 = arith.constant 10000 : i32
    %mul3A_161 = vector.broadcast %mul3A_160 : i32 to vector<16xi32>
    %mul3A_162 = arith.muli %get3A_159, %mul3A_161 : vector<16xi32>
    %get3A_163 = arith.index_cast %add3A_157 : i32 to index
    %get3A_164 = tpu.vector_load %arg11[%get3A_163] {strides = array<i32>} : memref<800xi32, #tpu.memory_space<vmem>>, vector<16xi32>,
    %add3A_165 = arith.addi %mul3A_162, %get3A_164 : vector<16xi32>
    %swap3A_166 = arith.index_cast %rem3A_75 : i32 to index
    %swap3A_167 = arith.constant 32 : index
    %swap3A_168 = tpu.vector_load %arg14[%swap3A_166, %swap3A_167] {strides = array<i32>} : memref<4x80xi32, #tpu.memory_space<vmem>>, vector<16xi32>,
    tpu.vector_store %arg14[%swap3A_166, %swap3A_167], %add3A_165 {strides = array<i32>} : memref<4x80xi32, #tpu.memory_space<vmem>>, vector<16xi32>,
    %mul3A_169 = arith.constant 10000 : i32
    %mul3A_170 = vector.broadcast %mul3A_169 : i32 to vector<16xi32>
    %mul3A_171 = arith.muli %get3A_159, %mul3A_170 : vector<16xi32>
    %get3A_172 = arith.index_cast %add3A_157 : i32 to index
    %get3A_173 = tpu.vector_load %arg13[%get3A_172] {strides = array<i32>} : memref<800xi32, #tpu.memory_space<vmem>>, vector<16xi32>,
    %add3A_174 = arith.addi %mul3A_171, %get3A_173 : vector<16xi32>
    %swap3A_175 = arith.index_cast %rem3A_75 : i32 to index
    %swap3A_176 = arith.constant 32 : index
    %swap3A_177 = tpu.vector_load %arg15[%swap3A_175, %swap3A_176] {strides = array<i32>} : memref<4x80xi32, #tpu.memory_space<vmem>>, vector<16xi32>,
    tpu.vector_store %arg15[%swap3A_175, %swap3A_176], %add3A_174 {strides = array<i32>} : memref<4x80xi32, #tpu.memory_space<vmem>>, vector<16xi32>,
    %get3A_178 = arith.index_cast %add3A_157 : i32 to index
    %get3A_179 = tpu.vector_load %arg13[%get3A_178] {strides = array<i32>} : memref<800xi32, #tpu.memory_space<vmem>>, vector<16xi32>,
    %swap3A_180 = arith.index_cast %rem3A_75 : i32 to index
    %swap3A_181 = arith.constant 32 : index
    %swap3A_182 = tpu.vector_load %arg16[%swap3A_180, %swap3A_181] {strides = array<i32>} : memref<4x80xi32, #tpu.memory_space<vmem>>, vector<16xi32>,
    tpu.vector_store %arg16[%swap3A_180, %swap3A_181], %get3A_179 {strides = array<i32>} : memref<4x80xi32, #tpu.memory_space<vmem>>, vector<16xi32>,
    %add3A_183 = arith.constant 48 : i32
    %add3A_184 = arith.addi %add3A_103, %add3A_183 : i32
    %get3A_185 = arith.index_cast %add3A_184 : i32 to index
    %get3A_186 = tpu.vector_load %arg12[%get3A_185] {strides = array<i32>} : memref<800xi32, #tpu.memory_space<vmem>>, vector<16xi32>,
    %mul3A_187 = arith.constant 10000 : i32
    %mul3A_188 = vector.broadcast %mul3A_187 : i32 to vector<16xi32>
    %mul3A_189 = arith.muli %get3A_186, %mul3A_188 : vector<16xi32>
    %get3A_190 = arith.index_cast %add3A_184 : i32 to index
    %get3A_191 = tpu.vector_load %arg11[%get3A_190] {strides = array<i32>} : memref<800xi32, #tpu.memory_space<vmem>>, vector<16xi32>,
    %add3A_192 = arith.addi %mul3A_189, %get3A_191 : vector<16xi32>
    %swap3A_193 = arith.index_cast %rem3A_75 : i32 to index
    %swap3A_194 = arith.constant 48 : index
    %swap3A_195 = tpu.vector_load %arg14[%swap3A_193, %swap3A_194] {strides = array<i32>} : memref<4x80xi32, #tpu.memory_space<vmem>>, vector<16xi32>,
    tpu.vector_store %arg14[%swap3A_193, %swap3A_194], %add3A_192 {strides = array<i32>} : memref<4x80xi32, #tpu.memory_space<vmem>>, vector<16xi32>,
    %mul3A_196 = arith.constant 10000 : i32
    %mul3A_197 = vector.broadcast %mul3A_196 : i32 to vector<16xi32>
    %mul3A_198 = arith.muli %get3A_186, %mul3A_197 : vector<16xi32>
    %get3A_199 = arith.index_cast %add3A_184 : i32 to index
    %get3A_200 = tpu.vector_load %arg13[%get3A_199] {strides = array<i32>} : memref<800xi32, #tpu.memory_space<vmem>>, vector<16xi32>,
    %add3A_201 = arith.addi %mul3A_198, %get3A_200 : vector<16xi32>
    %swap3A_202 = arith.index_cast %rem3A_75 : i32 to index
    %swap3A_203 = arith.constant 48 : index
    %swap3A_204 = tpu.vector_load %arg15[%swap3A_202, %swap3A_203] {strides = array<i32>} : memref<4x80xi32, #tpu.memory_space<vmem>>, vector<16xi32>,
    tpu.vector_store %arg15[%swap3A_202, %swap3A_203], %add3A_201 {strides = array<i32>} : memref<4x80xi32, #tpu.memory_space<vmem>>, vector<16xi32>,
    %get3A_205 = arith.index_cast %add3A_184 : i32 to index
    %get3A_206 = tpu.vector_load %arg13[%get3A_205] {strides = array<i32>} : memref<800xi32, #tpu.memory_space<vmem>>, vector<16xi32>,
    %swap3A_207 = arith.index_cast %rem3A_75 : i32 to index
    %swap3A_208 = arith.constant 48 : index
    %swap3A_209 = tpu.vector_load %arg16[%swap3A_207, %swap3A_208] {strides = array<i32>} : memref<4x80xi32, #tpu.memory_space<vmem>>, vector<16xi32>,
    tpu.vector_store %arg16[%swap3A_207, %swap3A_208], %get3A_206 {strides = array<i32>} : memref<4x80xi32, #tpu.memory_space<vmem>>, vector<16xi32>,
    %add3A_210 = arith.constant 64 : i32
    %add3A_211 = arith.addi %add3A_103, %add3A_210 : i32
    %get3A_212 = arith.index_cast %add3A_211 : i32 to index
    %get3A_213 = tpu.vector_load %arg12[%get3A_212] {strides = array<i32>} : memref<800xi32, #tpu.memory_space<vmem>>, vector<16xi32>,
    %mul3A_214 = arith.constant 10000 : i32
    %mul3A_215 = vector.broadcast %mul3A_214 : i32 to vector<16xi32>
    %mul3A_216 = arith.muli %get3A_213, %mul3A_215 : vector<16xi32>
    %get3A_217 = arith.index_cast %add3A_211 : i32 to index
    %get3A_218 = tpu.vector_load %arg11[%get3A_217] {strides = array<i32>} : memref<800xi32, #tpu.memory_space<vmem>>, vector<16xi32>,
    %add3A_219 = arith.addi %mul3A_216, %get3A_218 : vector<16xi32>
    %swap3A_220 = arith.index_cast %rem3A_75 : i32 to index
    %swap3A_221 = arith.constant 64 : index
    %swap3A_222 = tpu.vector_load %arg14[%swap3A_220, %swap3A_221] {strides = array<i32>} : memref<4x80xi32, #tpu.memory_space<vmem>>, vector<16xi32>,
    tpu.vector_store %arg14[%swap3A_220, %swap3A_221], %add3A_219 {strides = array<i32>} : memref<4x80xi32, #tpu.memory_space<vmem>>, vector<16xi32>,
    %mul3A_223 = arith.constant 10000 : i32
    %mul3A_224 = vector.broadcast %mul3A_223 : i32 to vector<16xi32>
    %mul3A_225 = arith.muli %get3A_213, %mul3A_224 : vector<16xi32>
    %get3A_226 = arith.index_cast %add3A_211 : i32 to index
    %get3A_227 = tpu.vector_load %arg13[%get3A_226] {strides = array<i32>} : memref<800xi32, #tpu.memory_space<vmem>>, vector<16xi32>,
    %add3A_228 = arith.addi %mul3A_225, %get3A_227 : vector<16xi32>
    %swap3A_229 = arith.index_cast %rem3A_75 : i32 to index
    %swap3A_230 = arith.constant 64 : index
    %swap3A_231 = tpu.vector_load %arg15[%swap3A_229, %swap3A_230] {strides = array<i32>} : memref<4x80xi32, #tpu.memory_space<vmem>>, vector<16xi32>,
    tpu.vector_store %arg15[%swap3A_229, %swap3A_230], %add3A_228 {strides = array<i32>} : memref<4x80xi32, #tpu.memory_space<vmem>>, vector<16xi32>,
    %get3A_232 = arith.index_cast %add3A_211 : i32 to index
    %get3A_233 = tpu.vector_load %arg13[%get3A_232] {strides = array<i32>} : memref<800xi32, #tpu.memory_space<vmem>>, vector<16xi32>,
    %swap3A_234 = arith.index_cast %rem3A_75 : i32 to index
    %swap3A_235 = arith.constant 64 : index
    %swap3A_236 = tpu.vector_load %arg16[%swap3A_234, %swap3A_235] {strides = array<i32>} : memref<4x80xi32, #tpu.memory_space<vmem>>, vector<16xi32>,
    tpu.vector_store %arg16[%swap3A_234, %swap3A_235], %get3A_233 {strides = array<i32>} : memref<4x80xi32, #tpu.memory_space<vmem>>, vector<16xi32>,
    %mul3A_237 = arith.constant 80 : i32
    %mul3A_238 = arith.muli %rem3A_75, %mul3A_237 : i32
    %dma_start3A_239 = arith.constant 0 : i32
    %dma_start3A_240 = tpu.memref_slice %arg10[%mul3A_238, %dma_start3A_239] : memref<320x128xf32, #tpu.memory_space<vmem>> -> memref<80x128xf32, #tpu.memory_space<vmem>>
    %dma_start3A_241 = arith.constant 0 : i32
    %dma_start3A_242 = tpu.memref_slice %arg14[%rem3A_75, %dma_start3A_241] : memref<4x80xi32, #tpu.memory_space<vmem>> -> memref<1x80xi32, #tpu.memory_space<vmem>>
    %dma_start3A_243 = tpu.memref_squeeze %dma_start3A_242 : memref<1x80xi32, #tpu.memory_space<vmem>> -> memref<80xi32, #tpu.memory_space<vmem>>
    %dma_start3A_244 = arith.constant 0 : i32
    %dma_start3A_245 = arith.constant 0 : i32
    %dma_start3A_246 = tpu.memref_slice %arg2[%dma_start3A_244, %dma_start3A_245] : memref<50000x128xf32, #tpu.memory_space<hbm>> -> memref<50000x128xf32, #tpu.memory_space<hbm>>
    %dma_start3A_247 = tpu.memref_slice %arg19[%rem3A_75] : memref<4x!tpu.dma_semaphore, #tpu.memory_space<semaphore_mem>> -> memref<1x!tpu.dma_semaphore, #tpu.memory_space<semaphore_mem>>
    %dma_start3A_248 = tpu.memref_squeeze %dma_start3A_247 : memref<1x!tpu.dma_semaphore, #tpu.memory_space<semaphore_mem>> -> memref<!tpu.dma_semaphore, #tpu.memory_space<semaphore_mem>>
    tpu.enqueue_indirect_dma source(%dma_start3A_246 : memref<50000x128xf32, #tpu.memory_space<hbm>>) target(%dma_start3A_240 : memref<80x128xf32, #tpu.memory_space<vmem>>) offsets(%dma_start3A_243 : memref<80xi32, #tpu.memory_space<vmem>>) semaphore(%dma_start3A_248 : memref<!tpu.dma_semaphore, #tpu.memory_space<semaphore_mem>>)
    %mul3A_249 = arith.constant 80 : i32
    %mul3A_250 = arith.muli %rem3A_75, %mul3A_249 : i32
    %dma_start3A_251 = tpu.memref_slice %arg17[%mul3A_250] : memref<320xf32, #tpu.memory_space<vmem>> -> memref<80xf32, #tpu.memory_space<vmem>>
    %dma_start3A_252 = arith.constant 0 : i32
    %dma_start3A_253 = tpu.memref_slice %arg15[%rem3A_75, %dma_start3A_252] : memref<4x80xi32, #tpu.memory_space<vmem>> -> memref<1x80xi32, #tpu.memory_space<vmem>>
    %dma_start3A_254 = tpu.memref_squeeze %dma_start3A_253 : memref<1x80xi32, #tpu.memory_space<vmem>> -> memref<80xi32, #tpu.memory_space<vmem>>
    %dma_start3A_255 = arith.constant 0 : i32
    %dma_start3A_256 = tpu.memref_slice %arg9[%dma_start3A_255] : memref<40960xf32, #tpu.memory_space<vmem_shared>> -> memref<40960xf32, #tpu.memory_space<vmem_shared>>
    %dma_start3A_257 = tpu.memref_slice %arg20[%rem3A_75] : memref<4x!tpu.dma_semaphore, #tpu.memory_space<semaphore_mem>> -> memref<1x!tpu.dma_semaphore, #tpu.memory_space<semaphore_mem>>
    %dma_start3A_258 = tpu.memref_squeeze %dma_start3A_257 : memref<1x!tpu.dma_semaphore, #tpu.memory_space<semaphore_mem>> -> memref<!tpu.dma_semaphore, #tpu.memory_space<semaphore_mem>>
    tpu.enqueue_indirect_dma source(%dma_start3A_256 : memref<40960xf32, #tpu.memory_space<vmem_shared>>) target(%dma_start3A_251 : memref<80xf32, #tpu.memory_space<vmem>>) offsets(%dma_start3A_254 : memref<80xi32, #tpu.memory_space<vmem>>) semaphore(%dma_start3A_258 : memref<!tpu.dma_semaphore, #tpu.memory_space<semaphore_mem>>)
    %rem3A_259 = arith.constant 1 : i32
    %rem3A_260 = arith.constant 4 : i32
    %rem3A_261 = arith.remsi %rem3A_259, %rem3A_260 : i32
    %jit3A_262 = arith.constant 1 : i32
    %jit3A_263 = arith.constant 5 : i32
    %div3A_264 = arith.divsi %jit3A_262, %jit3A_263 : i32
    %sign3A_265 = arith.constant 0 : i32
    %sign3A_266 = arith.cmpi sgt, %jit3A_262, %sign3A_265 : i32
    %sign3A_267 = arith.extui %sign3A_266 : i1 to i32
    %sign3A_268 = arith.constant 0 : i32
    %sign3A_269 = arith.cmpi slt, %jit3A_262, %sign3A_268 : i32
    %sign3A_270 = arith.extui %sign3A_269 : i1 to i32
    %sign3A_271 = arith.subi %sign3A_267, %sign3A_270 : i32
    %sign3A_272 = arith.constant 0 : i32
    %sign3A_273 = arith.cmpi sgt, %jit3A_263, %sign3A_272 : i32
    %sign3A_274 = arith.extui %sign3A_273 : i1 to i32
    %sign3A_275 = arith.constant 0 : i32
    %sign3A_276 = arith.cmpi slt, %jit3A_263, %sign3A_275 : i32
    %sign3A_277 = arith.extui %sign3A_276 : i1 to i32
    %sign3A_278 = arith.subi %sign3A_274, %sign3A_277 : i32
    %ne3A_279 = arith.cmpi ne, %sign3A_271, %sign3A_278 : i32
    %rem3A_280 = arith.remsi %jit3A_262, %jit3A_263 : i32
    %ne3A_281 = arith.constant 0 : i32
    %ne3A_282 = arith.cmpi ne, %rem3A_280, %ne3A_281 : i32
    %and3A_283 = arith.andi %ne3A_279, %ne3A_282 : i1
    %sub3A_284 = arith.constant 1 : i32
    %sub3A_285 = arith.subi %div3A_264, %sub3A_284 : i32
    %select_n3A_286 = arith.select %and3A_283, %sub3A_285, %div3A_264 : i32
    %rem3A_287 = arith.constant 2 : i32
    %rem3A_288 = arith.remsi %select_n3A_286, %rem3A_287 : i32
    %mul3A_289 = arith.constant 400 : i32
    %mul3A_290 = arith.muli %rem3A_288, %mul3A_289 : i32
    %rem3A_291 = arith.constant 1 : i32
    %rem3A_292 = arith.constant 5 : i32
    %rem3A_293 = arith.remsi %rem3A_291, %rem3A_292 : i32
    %mul3A_294 = arith.constant 80 : i32
    %mul3A_295 = arith.muli %rem3A_293, %mul3A_294 : i32
    %add3A_296 = arith.addi %mul3A_290, %mul3A_295 : i32
    %add3A_297 = arith.constant 0 : i32
    %add3A_298 = arith.addi %add3A_296, %add3A_297 : i32
    %get3A_299 = arith.index_cast %add3A_298 : i32 to index
    %get3A_300 = tpu.vector_load %arg12[%get3A_299] {strides = array<i32>} : memref<800xi32, #tpu.memory_space<vmem>>, vector<16xi32>,
    %mul3A_301 = arith.constant 10000 : i32
    %mul3A_302 = vector.broadcast %mul3A_301 : i32 to vector<16xi32>
    %mul3A_303 = arith.muli %get3A_300, %mul3A_302 : vector<16xi32>
    %get3A_304 = arith.index_cast %add3A_298 : i32 to index
    %get3A_305 = tpu.vector_load %arg11[%get3A_304] {strides = array<i32>} : memref<800xi32, #tpu.memory_space<vmem>>, vector<16xi32>,
    %add3A_306 = arith.addi %mul3A_303, %get3A_305 : vector<16xi32>
    %swap3A_307 = arith.index_cast %rem3A_261 : i32 to index
    %swap3A_308 = arith.constant 0 : index
    %swap3A_309 = tpu.vector_load %arg14[%swap3A_307, %swap3A_308] {strides = array<i32>} : memref<4x80xi32, #tpu.memory_space<vmem>>, vector<16xi32>,
    tpu.vector_store %arg14[%swap3A_307, %swap3A_308], %add3A_306 {strides = array<i32>} : memref<4x80xi32, #tpu.memory_space<vmem>>, vector<16xi32>,
    %mul3A_310 = arith.constant 10000 : i32
    %mul3A_311 = vector.broadcast %mul3A_310 : i32 to vector<16xi32>
    %mul3A_312 = arith.muli %get3A_300, %mul3A_311 : vector<16xi32>
    %get3A_313 = arith.index_cast %add3A_298 : i32 to index
    %get3A_314 = tpu.vector_load %arg13[%get3A_313] {strides = array<i32>} : memref<800xi32, #tpu.memory_space<vmem>>, vector<16xi32>,
    %add3A_315 = arith.addi %mul3A_312, %get3A_314 : vector<16xi32>
    %swap3A_316 = arith.index_cast %rem3A_261 : i32 to index
    %swap3A_317 = arith.constant 0 : index
    %swap3A_318 = tpu.vector_load %arg15[%swap3A_316, %swap3A_317] {strides = array<i32>} : memref<4x80xi32, #tpu.memory_space<vmem>>, vector<16xi32>,
    tpu.vector_store %arg15[%swap3A_316, %swap3A_317], %add3A_315 {strides = array<i32>} : memref<4x80xi32, #tpu.memory_space<vmem>>, vector<16xi32>,
    %get3A_319 = arith.index_cast %add3A_298 : i32 to index
    %get3A_320 = tpu.vector_load %arg13[%get3A_319] {strides = array<i32>} : memref<800xi32, #tpu.memory_space<vmem>>, vector<16xi32>,
    %swap3A_321 = arith.index_cast %rem3A_261 : i32 to index
    %swap3A_322 = arith.constant 0 : index
    %swap3A_323 = tpu.vector_load %arg16[%swap3A_321, %swap3A_322] {strides = array<i32>} : memref<4x80xi32, #tpu.memory_space<vmem>>, vector<16xi32>,
    tpu.vector_store %arg16[%swap3A_321, %swap3A_322], %get3A_320 {strides = array<i32>} : memref<4x80xi32, #tpu.memory_space<vmem>>, vector<16xi32>,
    %add3A_324 = arith.constant 16 : i32
    %add3A_325 = arith.addi %add3A_296, %add3A_324 : i32
    %get3A_326 = arith.index_cast %add3A_325 : i32 to index
    %get3A_327 = tpu.vector_load %arg12[%get3A_326] {strides = array<i32>} : memref<800xi32, #tpu.memory_space<vmem>>, vector<16xi32>,
    %mul3A_328 = arith.constant 10000 : i32
    %mul3A_329 = vector.broadcast %mul3A_328 : i32 to vector<16xi32>
    %mul3A_330 = arith.muli %get3A_327, %mul3A_329 : vector<16xi32>
    %get3A_331 = arith.index_cast %add3A_325 : i32 to index
    %get3A_332 = tpu.vector_load %arg11[%get3A_331] {strides = array<i32>} : memref<800xi32, #tpu.memory_space<vmem>>, vector<16xi32>,
    %add3A_333 = arith.addi %mul3A_330, %get3A_332 : vector<16xi32>
    %swap3A_334 = arith.index_cast %rem3A_261 : i32 to index
    %swap3A_335 = arith.constant 16 : index
    %swap3A_336 = tpu.vector_load %arg14[%swap3A_334, %swap3A_335] {strides = array<i32>} : memref<4x80xi32, #tpu.memory_space<vmem>>, vector<16xi32>,
    tpu.vector_store %arg14[%swap3A_334, %swap3A_335], %add3A_333 {strides = array<i32>} : memref<4x80xi32, #tpu.memory_space<vmem>>, vector<16xi32>,
    %mul3A_337 = arith.constant 10000 : i32
    %mul3A_338 = vector.broadcast %mul3A_337 : i32 to vector<16xi32>
    %mul3A_339 = arith.muli %get3A_327, %mul3A_338 : vector<16xi32>
    %get3A_340 = arith.index_cast %add3A_325 : i32 to index
    %get3A_341 = tpu.vector_load %arg13[%get3A_340] {strides = array<i32>} : memref<800xi32, #tpu.memory_space<vmem>>, vector<16xi32>,
    %add3A_342 = arith.addi %mul3A_339, %get3A_341 : vector<16xi32>
    %swap3A_343 = arith.index_cast %rem3A_261 : i32 to index
    %swap3A_344 = arith.constant 16 : index
    %swap3A_345 = tpu.vector_load %arg15[%swap3A_343, %swap3A_344] {strides = array<i32>} : memref<4x80xi32, #tpu.memory_space<vmem>>, vector<16xi32>,
    tpu.vector_store %arg15[%swap3A_343, %swap3A_344], %add3A_342 {strides = array<i32>} : memref<4x80xi32, #tpu.memory_space<vmem>>, vector<16xi32>,
    %get3A_346 = arith.index_cast %add3A_325 : i32 to index
    %get3A_347 = tpu.vector_load %arg13[%get3A_346] {strides = array<i32>} : memref<800xi32, #tpu.memory_space<vmem>>, vector<16xi32>,
    %swap3A_348 = arith.index_cast %rem3A_261 : i32 to index
    %swap3A_349 = arith.constant 16 : index
    %swap3A_350 = tpu.vector_load %arg16[%swap3A_348, %swap3A_349] {strides = array<i32>} : memref<4x80xi32, #tpu.memory_space<vmem>>, vector<16xi32>,
    tpu.vector_store %arg16[%swap3A_348, %swap3A_349], %get3A_347 {strides = array<i32>} : memref<4x80xi32, #tpu.memory_space<vmem>>, vector<16xi32>,
    %add3A_351 = arith.constant 32 : i32
    %add3A_352 = arith.addi %add3A_296, %add3A_351 : i32
    %get3A_353 = arith.index_cast %add3A_352 : i32 to index
    %get3A_354 = tpu.vector_load %arg12[%get3A_353] {strides = array<i32>} : memref<800xi32, #tpu.memory_space<vmem>>, vector<16xi32>,
    %mul3A_355 = arith.constant 10000 : i32
    %mul3A_356 = vector.broadcast %mul3A_355 : i32 to vector<16xi32>
    %mul3A_357 = arith.muli %get3A_354, %mul3A_356 : vector<16xi32>
    %get3A_358 = arith.index_cast %add3A_352 : i32 to index
    %get3A_359 = tpu.vector_load %arg11[%get3A_358] {strides = array<i32>} : memref<800xi32, #tpu.memory_space<vmem>>, vector<16xi32>,
    %add3A_360 = arith.addi %mul3A_357, %get3A_359 : vector<16xi32>
    %swap3A_361 = arith.index_cast %rem3A_261 : i32 to index
    %swap3A_362 = arith.constant 32 : index
    %swap3A_363 = tpu.vector_load %arg14[%swap3A_361, %swap3A_362] {strides = array<i32>} : memref<4x80xi32, #tpu.memory_space<vmem>>, vector<16xi32>,
    tpu.vector_store %arg14[%swap3A_361, %swap3A_362], %add3A_360 {strides = array<i32>} : memref<4x80xi32, #tpu.memory_space<vmem>>, vector<16xi32>,
    %mul3A_364 = arith.constant 10000 : i32
    %mul3A_365 = vector.broadcast %mul3A_364 : i32 to vector<16xi32>
    %mul3A_366 = arith.muli %get3A_354, %mul3A_365 : vector<16xi32>
    %get3A_367 = arith.index_cast %add3A_352 : i32 to index
    %get3A_368 = tpu.vector_load %arg13[%get3A_367] {strides = array<i32>} : memref<800xi32, #tpu.memory_space<vmem>>, vector<16xi32>,
    %add3A_369 = arith.addi %mul3A_366, %get3A_368 : vector<16xi32>
    %swap3A_370 = arith.index_cast %rem3A_261 : i32 to index
    %swap3A_371 = arith.constant 32 : index
    %swap3A_372 = tpu.vector_load %arg15[%swap3A_370, %swap3A_371] {strides = array<i32>} : memref<4x80xi32, #tpu.memory_space<vmem>>, vector<16xi32>,
    tpu.vector_store %arg15[%swap3A_370, %swap3A_371], %add3A_369 {strides = array<i32>} : memref<4x80xi32, #tpu.memory_space<vmem>>, vector<16xi32>,
    %get3A_373 = arith.index_cast %add3A_352 : i32 to index
    %get3A_374 = tpu.vector_load %arg13[%get3A_373] {strides = array<i32>} : memref<800xi32, #tpu.memory_space<vmem>>, vector<16xi32>,
    %swap3A_375 = arith.index_cast %rem3A_261 : i32 to index
    %swap3A_376 = arith.constant 32 : index
    %swap3A_377 = tpu.vector_load %arg16[%swap3A_375, %swap3A_376] {strides = array<i32>} : memref<4x80xi32, #tpu.memory_space<vmem>>, vector<16xi32>,
    tpu.vector_store %arg16[%swap3A_375, %swap3A_376], %get3A_374 {strides = array<i32>} : memref<4x80xi32, #tpu.memory_space<vmem>>, vector<16xi32>,
    %add3A_378 = arith.constant 48 : i32
    %add3A_379 = arith.addi %add3A_296, %add3A_378 : i32
    %get3A_380 = arith.index_cast %add3A_379 : i32 to index
    %get3A_381 = tpu.vector_load %arg12[%get3A_380] {strides = array<i32>} : memref<800xi32, #tpu.memory_space<vmem>>, vector<16xi32>,
    %mul3A_382 = arith.constant 10000 : i32
    %mul3A_383 = vector.broadcast %mul3A_382 : i32 to vector<16xi32>
    %mul3A_384 = arith.muli %get3A_381, %mul3A_383 : vector<16xi32>
    %get3A_385 = arith.index_cast %add3A_379 : i32 to index
    %get3A_386 = tpu.vector_load %arg11[%get3A_385] {strides = array<i32>} : memref<800xi32, #tpu.memory_space<vmem>>, vector<16xi32>,
    %add3A_387 = arith.addi %mul3A_384, %get3A_386 : vector<16xi32>
    %swap3A_388 = arith.index_cast %rem3A_261 : i32 to index
    %swap3A_389 = arith.constant 48 : index
    %swap3A_390 = tpu.vector_load %arg14[%swap3A_388, %swap3A_389] {strides = array<i32>} : memref<4x80xi32, #tpu.memory_space<vmem>>, vector<16xi32>,
    tpu.vector_store %arg14[%swap3A_388, %swap3A_389], %add3A_387 {strides = array<i32>} : memref<4x80xi32, #tpu.memory_space<vmem>>, vector<16xi32>,
    %mul3A_391 = arith.constant 10000 : i32
    %mul3A_392 = vector.broadcast %mul3A_391 : i32 to vector<16xi32>
    %mul3A_393 = arith.muli %get3A_381, %mul3A_392 : vector<16xi32>
    %get3A_394 = arith.index_cast %add3A_379 : i32 to index
    %get3A_395 = tpu.vector_load %arg13[%get3A_394] {strides = array<i32>} : memref<800xi32, #tpu.memory_space<vmem>>, vector<16xi32>,
    %add3A_396 = arith.addi %mul3A_393, %get3A_395 : vector<16xi32>
    %swap3A_397 = arith.index_cast %rem3A_261 : i32 to index
    %swap3A_398 = arith.constant 48 : index
    %swap3A_399 = tpu.vector_load %arg15[%swap3A_397, %swap3A_398] {strides = array<i32>} : memref<4x80xi32, #tpu.memory_space<vmem>>, vector<16xi32>,
    tpu.vector_store %arg15[%swap3A_397, %swap3A_398], %add3A_396 {strides = array<i32>} : memref<4x80xi32, #tpu.memory_space<vmem>>, vector<16xi32>,
    %get3A_400 = arith.index_cast %add3A_379 : i32 to index
    %get3A_401 = tpu.vector_load %arg13[%get3A_400] {strides = array<i32>} : memref<800xi32, #tpu.memory_space<vmem>>, vector<16xi32>,
    %swap3A_402 = arith.index_cast %rem3A_261 : i32 to index
    %swap3A_403 = arith.constant 48 : index
    %swap3A_404 = tpu.vector_load %arg16[%swap3A_402, %swap3A_403] {strides = array<i32>} : memref<4x80xi32, #tpu.memory_space<vmem>>, vector<16xi32>,
    tpu.vector_store %arg16[%swap3A_402, %swap3A_403], %get3A_401 {strides = array<i32>} : memref<4x80xi32, #tpu.memory_space<vmem>>, vector<16xi32>,
    %add3A_405 = arith.constant 64 : i32
    %add3A_406 = arith.addi %add3A_296, %add3A_405 : i32
    %get3A_407 = arith.index_cast %add3A_406 : i32 to index
    %get3A_408 = tpu.vector_load %arg12[%get3A_407] {strides = array<i32>} : memref<800xi32, #tpu.memory_space<vmem>>, vector<16xi32>,
    %mul3A_409 = arith.constant 10000 : i32
    %mul3A_410 = vector.broadcast %mul3A_409 : i32 to vector<16xi32>
    %mul3A_411 = arith.muli %get3A_408, %mul3A_410 : vector<16xi32>
    %get3A_412 = arith.index_cast %add3A_406 : i32 to index
    %get3A_413 = tpu.vector_load %arg11[%get3A_412] {strides = array<i32>} : memref<800xi32, #tpu.memory_space<vmem>>, vector<16xi32>,
    %add3A_414 = arith.addi %mul3A_411, %get3A_413 : vector<16xi32>
    %swap3A_415 = arith.index_cast %rem3A_261 : i32 to index
    %swap3A_416 = arith.constant 64 : index
    %swap3A_417 = tpu.vector_load %arg14[%swap3A_415, %swap3A_416] {strides = array<i32>} : memref<4x80xi32, #tpu.memory_space<vmem>>, vector<16xi32>,
    tpu.vector_store %arg14[%swap3A_415, %swap3A_416], %add3A_414 {strides = array<i32>} : memref<4x80xi32, #tpu.memory_space<vmem>>, vector<16xi32>,
    %mul3A_418 = arith.constant 10000 : i32
    %mul3A_419 = vector.broadcast %mul3A_418 : i32 to vector<16xi32>
    %mul3A_420 = arith.muli %get3A_408, %mul3A_419 : vector<16xi32>
    %get3A_421 = arith.index_cast %add3A_406 : i32 to index
    %get3A_422 = tpu.vector_load %arg13[%get3A_421] {strides = array<i32>} : memref<800xi32, #tpu.memory_space<vmem>>, vector<16xi32>,
    %add3A_423 = arith.addi %mul3A_420, %get3A_422 : vector<16xi32>
    %swap3A_424 = arith.index_cast %rem3A_261 : i32 to index
    %swap3A_425 = arith.constant 64 : index
    %swap3A_426 = tpu.vector_load %arg15[%swap3A_424, %swap3A_425] {strides = array<i32>} : memref<4x80xi32, #tpu.memory_space<vmem>>, vector<16xi32>,
    tpu.vector_store %arg15[%swap3A_424, %swap3A_425], %add3A_423 {strides = array<i32>} : memref<4x80xi32, #tpu.memory_space<vmem>>, vector<16xi32>,
    %get3A_427 = arith.index_cast %add3A_406 : i32 to index
    %get3A_428 = tpu.vector_load %arg13[%get3A_427] {strides = array<i32>} : memref<800xi32, #tpu.memory_space<vmem>>, vector<16xi32>,
    %swap3A_429 = arith.index_cast %rem3A_261 : i32 to index
    %swap3A_430 = arith.constant 64 : index
    %swap3A_431 = tpu.vector_load %arg16[%swap3A_429, %swap3A_430] {strides = array<i32>} : memref<4x80xi32, #tpu.memory_space<vmem>>, vector<16xi32>,
    tpu.vector_store %arg16[%swap3A_429, %swap3A_430], %get3A_428 {strides = array<i32>} : memref<4x80xi32, #tpu.memory_space<vmem>>, vector<16xi32>,
    %mul3A_432 = arith.constant 80 : i32
    %mul3A_433 = arith.muli %rem3A_261, %mul3A_432 : i32
    %dma_start3A_434 = arith.constant 0 : i32
    %dma_start3A_435 = tpu.memref_slice %arg10[%mul3A_433, %dma_start3A_434] : memref<320x128xf32, #tpu.memory_space<vmem>> -> memref<80x128xf32, #tpu.memory_space<vmem>>
    %dma_start3A_436 = arith.constant 0 : i32
    %dma_start3A_437 = tpu.memref_slice %arg14[%rem3A_261, %dma_start3A_436] : memref<4x80xi32, #tpu.memory_space<vmem>> -> memref<1x80xi32, #tpu.memory_space<vmem>>
    %dma_start3A_438 = tpu.memref_squeeze %dma_start3A_437 : memref<1x80xi32, #tpu.memory_space<vmem>> -> memref<80xi32, #tpu.memory_space<vmem>>
    %dma_start3A_439 = arith.constant 0 : i32
    %dma_start3A_440 = arith.constant 0 : i32
    %dma_start3A_441 = tpu.memref_slice %arg2[%dma_start3A_439, %dma_start3A_440] : memref<50000x128xf32, #tpu.memory_space<hbm>> -> memref<50000x128xf32, #tpu.memory_space<hbm>>
    %dma_start3A_442 = tpu.memref_slice %arg19[%rem3A_261] : memref<4x!tpu.dma_semaphore, #tpu.memory_space<semaphore_mem>> -> memref<1x!tpu.dma_semaphore, #tpu.memory_space<semaphore_mem>>
    %dma_start3A_443 = tpu.memref_squeeze %dma_start3A_442 : memref<1x!tpu.dma_semaphore, #tpu.memory_space<semaphore_mem>> -> memref<!tpu.dma_semaphore, #tpu.memory_space<semaphore_mem>>
    tpu.enqueue_indirect_dma source(%dma_start3A_441 : memref<50000x128xf32, #tpu.memory_space<hbm>>) target(%dma_start3A_435 : memref<80x128xf32, #tpu.memory_space<vmem>>) offsets(%dma_start3A_438 : memref<80xi32, #tpu.memory_space<vmem>>) semaphore(%dma_start3A_443 : memref<!tpu.dma_semaphore, #tpu.memory_space<semaphore_mem>>)
    %mul3A_444 = arith.constant 80 : i32
    %mul3A_445 = arith.muli %rem3A_261, %mul3A_444 : i32
    %dma_start3A_446 = tpu.memref_slice %arg17[%mul3A_445] : memref<320xf32, #tpu.memory_space<vmem>> -> memref<80xf32, #tpu.memory_space<vmem>>
    %dma_start3A_447 = arith.constant 0 : i32
    %dma_start3A_448 = tpu.memref_slice %arg15[%rem3A_261, %dma_start3A_447] : memref<4x80xi32, #tpu.memory_space<vmem>> -> memref<1x80xi32, #tpu.memory_space<vmem>>
    %dma_start3A_449 = tpu.memref_squeeze %dma_start3A_448 : memref<1x80xi32, #tpu.memory_space<vmem>> -> memref<80xi32, #tpu.memory_space<vmem>>
    %dma_start3A_450 = arith.constant 0 : i32
    %dma_start3A_451 = tpu.memref_slice %arg9[%dma_start3A_450] : memref<40960xf32, #tpu.memory_space<vmem_shared>> -> memref<40960xf32, #tpu.memory_space<vmem_shared>>
    %dma_start3A_452 = tpu.memref_slice %arg20[%rem3A_261] : memref<4x!tpu.dma_semaphore, #tpu.memory_space<semaphore_mem>> -> memref<1x!tpu.dma_semaphore, #tpu.memory_space<semaphore_mem>>
    %dma_start3A_453 = tpu.memref_squeeze %dma_start3A_452 : memref<1x!tpu.dma_semaphore, #tpu.memory_space<semaphore_mem>> -> memref<!tpu.dma_semaphore, #tpu.memory_space<semaphore_mem>>
    tpu.enqueue_indirect_dma source(%dma_start3A_451 : memref<40960xf32, #tpu.memory_space<vmem_shared>>) target(%dma_start3A_446 : memref<80xf32, #tpu.memory_space<vmem>>) offsets(%dma_start3A_449 : memref<80xi32, #tpu.memory_space<vmem>>) semaphore(%dma_start3A_453 : memref<!tpu.dma_semaphore, #tpu.memory_space<semaphore_mem>>)
    %rem3A_454 = arith.constant 2 : i32
    %rem3A_455 = arith.constant 4 : i32
    %rem3A_456 = arith.remsi %rem3A_454, %rem3A_455 : i32
    %jit3A_457 = arith.constant 2 : i32
    %jit3A_458 = arith.constant 5 : i32
    %div3A_459 = arith.divsi %jit3A_457, %jit3A_458 : i32
    %sign3A_460 = arith.constant 0 : i32
    %sign3A_461 = arith.cmpi sgt, %jit3A_457, %sign3A_460 : i32
    %sign3A_462 = arith.extui %sign3A_461 : i1 to i32
    %sign3A_463 = arith.constant 0 : i32
    %sign3A_464 = arith.cmpi slt, %jit3A_457, %sign3A_463 : i32
    %sign3A_465 = arith.extui %sign3A_464 : i1 to i32
    %sign3A_466 = arith.subi %sign3A_462, %sign3A_465 : i32
    %sign3A_467 = arith.constant 0 : i32
    %sign3A_468 = arith.cmpi sgt, %jit3A_458, %sign3A_467 : i32
    %sign3A_469 = arith.extui %sign3A_468 : i1 to i32
    %sign3A_470 = arith.constant 0 : i32
    %sign3A_471 = arith.cmpi slt, %jit3A_458, %sign3A_470 : i32
    %sign3A_472 = arith.extui %sign3A_471 : i1 to i32
    %sign3A_473 = arith.subi %sign3A_469, %sign3A_472 : i32
    %ne3A_474 = arith.cmpi ne, %sign3A_466, %sign3A_473 : i32
    %rem3A_475 = arith.remsi %jit3A_457, %jit3A_458 : i32
    %ne3A_476 = arith.constant 0 : i32
    %ne3A_477 = arith.cmpi ne, %rem3A_475, %ne3A_476 : i32
    %and3A_478 = arith.andi %ne3A_474, %ne3A_477 : i1
    %sub3A_479 = arith.constant 1 : i32
    %sub3A_480 = arith.subi %div3A_459, %sub3A_479 : i32
    %select_n3A_481 = arith.select %and3A_478, %sub3A_480, %div3A_459 : i32
    %rem3A_482 = arith.constant 2 : i32
    %rem3A_483 = arith.remsi %select_n3A_481, %rem3A_482 : i32
    %mul3A_484 = arith.constant 400 : i32
    %mul3A_485 = arith.muli %rem3A_483, %mul3A_484 : i32
    %rem3A_486 = arith.constant 2 : i32
    %rem3A_487 = arith.constant 5 : i32
    %rem3A_488 = arith.remsi %rem3A_486, %rem3A_487 : i32
    %mul3A_489 = arith.constant 80 : i32
    %mul3A_490 = arith.muli %rem3A_488, %mul3A_489 : i32
    %add3A_491 = arith.addi %mul3A_485, %mul3A_490 : i32
    %add3A_492 = arith.constant 0 : i32
    %add3A_493 = arith.addi %add3A_491, %add3A_492 : i32
    %get3A_494 = arith.index_cast %add3A_493 : i32 to index
    %get3A_495 = tpu.vector_load %arg12[%get3A_494] {strides = array<i32>} : memref<800xi32, #tpu.memory_space<vmem>>, vector<16xi32>,
    %mul3A_496 = arith.constant 10000 : i32
    %mul3A_497 = vector.broadcast %mul3A_496 : i32 to vector<16xi32>
    %mul3A_498 = arith.muli %get3A_495, %mul3A_497 : vector<16xi32>
    %get3A_499 = arith.index_cast %add3A_493 : i32 to index
    %get3A_500 = tpu.vector_load %arg11[%get3A_499] {strides = array<i32>} : memref<800xi32, #tpu.memory_space<vmem>>, vector<16xi32>,
    %add3A_501 = arith.addi %mul3A_498, %get3A_500 : vector<16xi32>
    %swap3A_502 = arith.index_cast %rem3A_456 : i32 to index
    %swap3A_503 = arith.constant 0 : index
    %swap3A_504 = tpu.vector_load %arg14[%swap3A_502, %swap3A_503] {strides = array<i32>} : memref<4x80xi32, #tpu.memory_space<vmem>>, vector<16xi32>,
    tpu.vector_store %arg14[%swap3A_502, %swap3A_503], %add3A_501 {strides = array<i32>} : memref<4x80xi32, #tpu.memory_space<vmem>>, vector<16xi32>,
    %mul3A_505 = arith.constant 10000 : i32
    %mul3A_506 = vector.broadcast %mul3A_505 : i32 to vector<16xi32>
    %mul3A_507 = arith.muli %get3A_495, %mul3A_506 : vector<16xi32>
    %get3A_508 = arith.index_cast %add3A_493 : i32 to index
    %get3A_509 = tpu.vector_load %arg13[%get3A_508] {strides = array<i32>} : memref<800xi32, #tpu.memory_space<vmem>>, vector<16xi32>,
    %add3A_510 = arith.addi %mul3A_507, %get3A_509 : vector<16xi32>
    %swap3A_511 = arith.index_cast %rem3A_456 : i32 to index
    %swap3A_512 = arith.constant 0 : index
    %swap3A_513 = tpu.vector_load %arg15[%swap3A_511, %swap3A_512] {strides = array<i32>} : memref<4x80xi32, #tpu.memory_space<vmem>>, vector<16xi32>,
    tpu.vector_store %arg15[%swap3A_511, %swap3A_512], %add3A_510 {strides = array<i32>} : memref<4x80xi32, #tpu.memory_space<vmem>>, vector<16xi32>,
    %get3A_514 = arith.index_cast %add3A_493 : i32 to index
    %get3A_515 = tpu.vector_load %arg13[%get3A_514] {strides = array<i32>} : memref<800xi32, #tpu.memory_space<vmem>>, vector<16xi32>,
    %swap3A_516 = arith.index_cast %rem3A_456 : i32 to index
    %swap3A_517 = arith.constant 0 : index
    %swap3A_518 = tpu.vector_load %arg16[%swap3A_516, %swap3A_517] {strides = array<i32>} : memref<4x80xi32, #tpu.memory_space<vmem>>, vector<16xi32>,
    tpu.vector_store %arg16[%swap3A_516, %swap3A_517], %get3A_515 {strides = array<i32>} : memref<4x80xi32, #tpu.memory_space<vmem>>, vector<16xi32>,
    %add3A_519 = arith.constant 16 : i32
    %add3A_520 = arith.addi %add3A_491, %add3A_519 : i32
    %get3A_521 = arith.index_cast %add3A_520 : i32 to index
    %get3A_522 = tpu.vector_load %arg12[%get3A_521] {strides = array<i32>} : memref<800xi32, #tpu.memory_space<vmem>>, vector<16xi32>,
    %mul3A_523 = arith.constant 10000 : i32
    %mul3A_524 = vector.broadcast %mul3A_523 : i32 to vector<16xi32>
    %mul3A_525 = arith.muli %get3A_522, %mul3A_524 : vector<16xi32>
    %get3A_526 = arith.index_cast %add3A_520 : i32 to index
    %get3A_527 = tpu.vector_load %arg11[%get3A_526] {strides = array<i32>} : memref<800xi32, #tpu.memory_space<vmem>>, vector<16xi32>,
    %add3A_528 = arith.addi %mul3A_525, %get3A_527 : vector<16xi32>
    %swap3A_529 = arith.index_cast %rem3A_456 : i32 to index
    %swap3A_530 = arith.constant 16 : index
    %swap3A_531 = tpu.vector_load %arg14[%swap3A_529, %swap3A_530] {strides = array<i32>} : memref<4x80xi32, #tpu.memory_space<vmem>>, vector<16xi32>,
    tpu.vector_store %arg14[%swap3A_529, %swap3A_530], %add3A_528 {strides = array<i32>} : memref<4x80xi32, #tpu.memory_space<vmem>>, vector<16xi32>,
    %mul3A_532 = arith.constant 10000 : i32
    %mul3A_533 = vector.broadcast %mul3A_532 : i32 to vector<16xi32>
    %mul3A_534 = arith.muli %get3A_522, %mul3A_533 : vector<16xi32>
    %get3A_535 = arith.index_cast %add3A_520 : i32 to index
    %get3A_536 = tpu.vector_load %arg13[%get3A_535] {strides = array<i32>} : memref<800xi32, #tpu.memory_space<vmem>>, vector<16xi32>,
    %add3A_537 = arith.addi %mul3A_534, %get3A_536 : vector<16xi32>
    %swap3A_538 = arith.index_cast %rem3A_456 : i32 to index
    %swap3A_539 = arith.constant 16 : index
    %swap3A_540 = tpu.vector_load %arg15[%swap3A_538, %swap3A_539] {strides = array<i32>} : memref<4x80xi32, #tpu.memory_space<vmem>>, vector<16xi32>,
    tpu.vector_store %arg15[%swap3A_538, %swap3A_539], %add3A_537 {strides = array<i32>} : memref<4x80xi32, #tpu.memory_space<vmem>>, vector<16xi32>,
    %get3A_541 = arith.index_cast %add3A_520 : i32 to index
    %get3A_542 = tpu.vector_load %arg13[%get3A_541] {strides = array<i32>} : memref<800xi32, #tpu.memory_space<vmem>>, vector<16xi32>,
    %swap3A_543 = arith.index_cast %rem3A_456 : i32 to index
    %swap3A_544 = arith.constant 16 : index
    %swap3A_545 = tpu.vector_load %arg16[%swap3A_543, %swap3A_544] {strides = array<i32>} : memref<4x80xi32, #tpu.memory_space<vmem>>, vector<16xi32>,
    tpu.vector_store %arg16[%swap3A_543, %swap3A_544], %get3A_542 {strides = array<i32>} : memref<4x80xi32, #tpu.memory_space<vmem>>, vector<16xi32>,
    %add3A_546 = arith.constant 32 : i32
    %add3A_547 = arith.addi %add3A_491, %add3A_546 : i32
    %get3A_548 = arith.index_cast %add3A_547 : i32 to index
    %get3A_549 = tpu.vector_load %arg12[%get3A_548] {strides = array<i32>} : memref<800xi32, #tpu.memory_space<vmem>>, vector<16xi32>,
    %mul3A_550 = arith.constant 10000 : i32
    %mul3A_551 = vector.broadcast %mul3A_550 : i32 to vector<16xi32>
    %mul3A_552 = arith.muli %get3A_549, %mul3A_551 : vector<16xi32>
    %get3A_553 = arith.index_cast %add3A_547 : i32 to index
    %get3A_554 = tpu.vector_load %arg11[%get3A_553] {strides = array<i32>} : memref<800xi32, #tpu.memory_space<vmem>>, vector<16xi32>,
    %add3A_555 = arith.addi %mul3A_552, %get3A_554 : vector<16xi32>
    %swap3A_556 = arith.index_cast %rem3A_456 : i32 to index
    %swap3A_557 = arith.constant 32 : index
    %swap3A_558 = tpu.vector_load %arg14[%swap3A_556, %swap3A_557] {strides = array<i32>} : memref<4x80xi32, #tpu.memory_space<vmem>>, vector<16xi32>,
    tpu.vector_store %arg14[%swap3A_556, %swap3A_557], %add3A_555 {strides = array<i32>} : memref<4x80xi32, #tpu.memory_space<vmem>>, vector<16xi32>,
    %mul3A_559 = arith.constant 10000 : i32
    %mul3A_560 = vector.broadcast %mul3A_559 : i32 to vector<16xi32>
    %mul3A_561 = arith.muli %get3A_549, %mul3A_560 : vector<16xi32>
    %get3A_562 = arith.index_cast %add3A_547 : i32 to index
    %get3A_563 = tpu.vector_load %arg13[%get3A_562] {strides = array<i32>} : memref<800xi32, #tpu.memory_space<vmem>>, vector<16xi32>,
    %add3A_564 = arith.addi %mul3A_561, %get3A_563 : vector<16xi32>
    %swap3A_565 = arith.index_cast %rem3A_456 : i32 to index
    %swap3A_566 = arith.constant 32 : index
    %swap3A_567 = tpu.vector_load %arg15[%swap3A_565, %swap3A_566] {strides = array<i32>} : memref<4x80xi32, #tpu.memory_space<vmem>>, vector<16xi32>,
    tpu.vector_store %arg15[%swap3A_565, %swap3A_566], %add3A_564 {strides = array<i32>} : memref<4x80xi32, #tpu.memory_space<vmem>>, vector<16xi32>,
    %get3A_568 = arith.index_cast %add3A_547 : i32 to index
    %get3A_569 = tpu.vector_load %arg13[%get3A_568] {strides = array<i32>} : memref<800xi32, #tpu.memory_space<vmem>>, vector<16xi32>,
    %swap3A_570 = arith.index_cast %rem3A_456 : i32 to index
    %swap3A_571 = arith.constant 32 : index
    %swap3A_572 = tpu.vector_load %arg16[%swap3A_570, %swap3A_571] {strides = array<i32>} : memref<4x80xi32, #tpu.memory_space<vmem>>, vector<16xi32>,
    tpu.vector_store %arg16[%swap3A_570, %swap3A_571], %get3A_569 {strides = array<i32>} : memref<4x80xi32, #tpu.memory_space<vmem>>, vector<16xi32>,
    %add3A_573 = arith.constant 48 : i32
    %add3A_574 = arith.addi %add3A_491, %add3A_573 : i32
    %get3A_575 = arith.index_cast %add3A_574 : i32 to index
    %get3A_576 = tpu.vector_load %arg12[%get3A_575] {strides = array<i32>} : memref<800xi32, #tpu.memory_space<vmem>>, vector<16xi32>,
    %mul3A_577 = arith.constant 10000 : i32
    %mul3A_578 = vector.broadcast %mul3A_577 : i32 to vector<16xi32>
    %mul3A_579 = arith.muli %get3A_576, %mul3A_578 : vector<16xi32>
    %get3A_580 = arith.index_cast %add3A_574 : i32 to index
    %get3A_581 = tpu.vector_load %arg11[%get3A_580] {strides = array<i32>} : memref<800xi32, #tpu.memory_space<vmem>>, vector<16xi32>,
    %add3A_582 = arith.addi %mul3A_579, %get3A_581 : vector<16xi32>
    %swap3A_583 = arith.index_cast %rem3A_456 : i32 to index
    %swap3A_584 = arith.constant 48 : index
    %swap3A_585 = tpu.vector_load %arg14[%swap3A_583, %swap3A_584] {strides = array<i32>} : memref<4x80xi32, #tpu.memory_space<vmem>>, vector<16xi32>,
    tpu.vector_store %arg14[%swap3A_583, %swap3A_584], %add3A_582 {strides = array<i32>} : memref<4x80xi32, #tpu.memory_space<vmem>>, vector<16xi32>,
    %mul3A_586 = arith.constant 10000 : i32
    %mul3A_587 = vector.broadcast %mul3A_586 : i32 to vector<16xi32>
    %mul3A_588 = arith.muli %get3A_576, %mul3A_587 : vector<16xi32>
    %get3A_589 = arith.index_cast %add3A_574 : i32 to index
    %get3A_590 = tpu.vector_load %arg13[%get3A_589] {strides = array<i32>} : memref<800xi32, #tpu.memory_space<vmem>>, vector<16xi32>,
    %add3A_591 = arith.addi %mul3A_588, %get3A_590 : vector<16xi32>
    %swap3A_592 = arith.index_cast %rem3A_456 : i32 to index
    %swap3A_593 = arith.constant 48 : index
    %swap3A_594 = tpu.vector_load %arg15[%swap3A_592, %swap3A_593] {strides = array<i32>} : memref<4x80xi32, #tpu.memory_space<vmem>>, vector<16xi32>,
    tpu.vector_store %arg15[%swap3A_592, %swap3A_593], %add3A_591 {strides = array<i32>} : memref<4x80xi32, #tpu.memory_space<vmem>>, vector<16xi32>,
    %get3A_595 = arith.index_cast %add3A_574 : i32 to index
    %get3A_596 = tpu.vector_load %arg13[%get3A_595] {strides = array<i32>} : memref<800xi32, #tpu.memory_space<vmem>>, vector<16xi32>,
    %swap3A_597 = arith.index_cast %rem3A_456 : i32 to index
    %swap3A_598 = arith.constant 48 : index
    %swap3A_599 = tpu.vector_load %arg16[%swap3A_597, %swap3A_598] {strides = array<i32>} : memref<4x80xi32, #tpu.memory_space<vmem>>, vector<16xi32>,
    tpu.vector_store %arg16[%swap3A_597, %swap3A_598], %get3A_596 {strides = array<i32>} : memref<4x80xi32, #tpu.memory_space<vmem>>, vector<16xi32>,
    %add3A_600 = arith.constant 64 : i32
    %add3A_601 = arith.addi %add3A_491, %add3A_600 : i32
    %get3A_602 = arith.index_cast %add3A_601 : i32 to index
    %get3A_603 = tpu.vector_load %arg12[%get3A_602] {strides = array<i32>} : memref<800xi32, #tpu.memory_space<vmem>>, vector<16xi32>,
    %mul3A_604 = arith.constant 10000 : i32
    %mul3A_605 = vector.broadcast %mul3A_604 : i32 to vector<16xi32>
    %mul3A_606 = arith.muli %get3A_603, %mul3A_605 : vector<16xi32>
    %get3A_607 = arith.index_cast %add3A_601 : i32 to index
    %get3A_608 = tpu.vector_load %arg11[%get3A_607] {strides = array<i32>} : memref<800xi32, #tpu.memory_space<vmem>>, vector<16xi32>,
    %add3A_609 = arith.addi %mul3A_606, %get3A_608 : vector<16xi32>
    %swap3A_610 = arith.index_cast %rem3A_456 : i32 to index
    %swap3A_611 = arith.constant 64 : index
    %swap3A_612 = tpu.vector_load %arg14[%swap3A_610, %swap3A_611] {strides = array<i32>} : memref<4x80xi32, #tpu.memory_space<vmem>>, vector<16xi32>,
    tpu.vector_store %arg14[%swap3A_610, %swap3A_611], %add3A_609 {strides = array<i32>} : memref<4x80xi32, #tpu.memory_space<vmem>>, vector<16xi32>,
    %mul3A_613 = arith.constant 10000 : i32
    %mul3A_614 = vector.broadcast %mul3A_613 : i32 to vector<16xi32>
    %mul3A_615 = arith.muli %get3A_603, %mul3A_614 : vector<16xi32>
    %get3A_616 = arith.index_cast %add3A_601 : i32 to index
    %get3A_617 = tpu.vector_load %arg13[%get3A_616] {strides = array<i32>} : memref<800xi32, #tpu.memory_space<vmem>>, vector<16xi32>,
    %add3A_618 = arith.addi %mul3A_615, %get3A_617 : vector<16xi32>
    %swap3A_619 = arith.index_cast %rem3A_456 : i32 to index
    %swap3A_620 = arith.constant 64 : index
    %swap3A_621 = tpu.vector_load %arg15[%swap3A_619, %swap3A_620] {strides = array<i32>} : memref<4x80xi32, #tpu.memory_space<vmem>>, vector<16xi32>,
    tpu.vector_store %arg15[%swap3A_619, %swap3A_620], %add3A_618 {strides = array<i32>} : memref<4x80xi32, #tpu.memory_space<vmem>>, vector<16xi32>,
    %get3A_622 = arith.index_cast %add3A_601 : i32 to index
    %get3A_623 = tpu.vector_load %arg13[%get3A_622] {strides = array<i32>} : memref<800xi32, #tpu.memory_space<vmem>>, vector<16xi32>,
    %swap3A_624 = arith.index_cast %rem3A_456 : i32 to index
    %swap3A_625 = arith.constant 64 : index
    %swap3A_626 = tpu.vector_load %arg16[%swap3A_624, %swap3A_625] {strides = array<i32>} : memref<4x80xi32, #tpu.memory_space<vmem>>, vector<16xi32>,
    tpu.vector_store %arg16[%swap3A_624, %swap3A_625], %get3A_623 {strides = array<i32>} : memref<4x80xi32, #tpu.memory_space<vmem>>, vector<16xi32>,
    %mul3A_627 = arith.constant 80 : i32
    %mul3A_628 = arith.muli %rem3A_456, %mul3A_627 : i32
    %dma_start3A_629 = arith.constant 0 : i32
    %dma_start3A_630 = tpu.memref_slice %arg10[%mul3A_628, %dma_start3A_629] : memref<320x128xf32, #tpu.memory_space<vmem>> -> memref<80x128xf32, #tpu.memory_space<vmem>>
    %dma_start3A_631 = arith.constant 0 : i32
    %dma_start3A_632 = tpu.memref_slice %arg14[%rem3A_456, %dma_start3A_631] : memref<4x80xi32, #tpu.memory_space<vmem>> -> memref<1x80xi32, #tpu.memory_space<vmem>>
    %dma_start3A_633 = tpu.memref_squeeze %dma_start3A_632 : memref<1x80xi32, #tpu.memory_space<vmem>> -> memref<80xi32, #tpu.memory_space<vmem>>
    %dma_start3A_634 = arith.constant 0 : i32
    %dma_start3A_635 = arith.constant 0 : i32
    %dma_start3A_636 = tpu.memref_slice %arg2[%dma_start3A_634, %dma_start3A_635] : memref<50000x128xf32, #tpu.memory_space<hbm>> -> memref<50000x128xf32, #tpu.memory_space<hbm>>
    %dma_start3A_637 = tpu.memref_slice %arg19[%rem3A_456] : memref<4x!tpu.dma_semaphore, #tpu.memory_space<semaphore_mem>> -> memref<1x!tpu.dma_semaphore, #tpu.memory_space<semaphore_mem>>
    %dma_start3A_638 = tpu.memref_squeeze %dma_start3A_637 : memref<1x!tpu.dma_semaphore, #tpu.memory_space<semaphore_mem>> -> memref<!tpu.dma_semaphore, #tpu.memory_space<semaphore_mem>>
    tpu.enqueue_indirect_dma source(%dma_start3A_636 : memref<50000x128xf32, #tpu.memory_space<hbm>>) target(%dma_start3A_630 : memref<80x128xf32, #tpu.memory_space<vmem>>) offsets(%dma_start3A_633 : memref<80xi32, #tpu.memory_space<vmem>>) semaphore(%dma_start3A_638 : memref<!tpu.dma_semaphore, #tpu.memory_space<semaphore_mem>>)
    %mul3A_639 = arith.constant 80 : i32
    %mul3A_640 = arith.muli %rem3A_456, %mul3A_639 : i32
    %dma_start3A_641 = tpu.memref_slice %arg17[%mul3A_640] : memref<320xf32, #tpu.memory_space<vmem>> -> memref<80xf32, #tpu.memory_space<vmem>>
    %dma_start3A_642 = arith.constant 0 : i32
    %dma_start3A_643 = tpu.memref_slice %arg15[%rem3A_456, %dma_start3A_642] : memref<4x80xi32, #tpu.memory_space<vmem>> -> memref<1x80xi32, #tpu.memory_space<vmem>>
    %dma_start3A_644 = tpu.memref_squeeze %dma_start3A_643 : memref<1x80xi32, #tpu.memory_space<vmem>> -> memref<80xi32, #tpu.memory_space<vmem>>
    %dma_start3A_645 = arith.constant 0 : i32
    %dma_start3A_646 = tpu.memref_slice %arg9[%dma_start3A_645] : memref<40960xf32, #tpu.memory_space<vmem_shared>> -> memref<40960xf32, #tpu.memory_space<vmem_shared>>
    %dma_start3A_647 = tpu.memref_slice %arg20[%rem3A_456] : memref<4x!tpu.dma_semaphore, #tpu.memory_space<semaphore_mem>> -> memref<1x!tpu.dma_semaphore, #tpu.memory_space<semaphore_mem>>
    %dma_start3A_648 = tpu.memref_squeeze %dma_start3A_647 : memref<1x!tpu.dma_semaphore, #tpu.memory_space<semaphore_mem>> -> memref<!tpu.dma_semaphore, #tpu.memory_space<semaphore_mem>>
    tpu.enqueue_indirect_dma source(%dma_start3A_646 : memref<40960xf32, #tpu.memory_space<vmem_shared>>) target(%dma_start3A_641 : memref<80xf32, #tpu.memory_space<vmem>>) offsets(%dma_start3A_644 : memref<80xi32, #tpu.memory_space<vmem>>) semaphore(%dma_start3A_648 : memref<!tpu.dma_semaphore, #tpu.memory_space<semaphore_mem>>)
    %rem3A_649 = arith.constant 3 : i32
    %rem3A_650 = arith.constant 4 : i32
    %rem3A_651 = arith.remsi %rem3A_649, %rem3A_650 : i32
    %jit3A_652 = arith.constant 3 : i32
    %jit3A_653 = arith.constant 5 : i32
    %div3A_654 = arith.divsi %jit3A_652, %jit3A_653 : i32
    %sign3A_655 = arith.constant 0 : i32
    %sign3A_656 = arith.cmpi sgt, %jit3A_652, %sign3A_655 : i32
    %sign3A_657 = arith.extui %sign3A_656 : i1 to i32
    %sign3A_658 = arith.constant 0 : i32
    %sign3A_659 = arith.cmpi slt, %jit3A_652, %sign3A_658 : i32
    %sign3A_660 = arith.extui %sign3A_659 : i1 to i32
    %sign3A_661 = arith.subi %sign3A_657, %sign3A_660 : i32
    %sign3A_662 = arith.constant 0 : i32
    %sign3A_663 = arith.cmpi sgt, %jit3A_653, %sign3A_662 : i32
    %sign3A_664 = arith.extui %sign3A_663 : i1 to i32
    %sign3A_665 = arith.constant 0 : i32
    %sign3A_666 = arith.cmpi slt, %jit3A_653, %sign3A_665 : i32
    %sign3A_667 = arith.extui %sign3A_666 : i1 to i32
    %sign3A_668 = arith.subi %sign3A_664, %sign3A_667 : i32
    %ne3A_669 = arith.cmpi ne, %sign3A_661, %sign3A_668 : i32
    %rem3A_670 = arith.remsi %jit3A_652, %jit3A_653 : i32
    %ne3A_671 = arith.constant 0 : i32
    %ne3A_672 = arith.cmpi ne, %rem3A_670, %ne3A_671 : i32
    %and3A_673 = arith.andi %ne3A_669, %ne3A_672 : i1
    %sub3A_674 = arith.constant 1 : i32
    %sub3A_675 = arith.subi %div3A_654, %sub3A_674 : i32
    %select_n3A_676 = arith.select %and3A_673, %sub3A_675, %div3A_654 : i32
    %rem3A_677 = arith.constant 2 : i32
    %rem3A_678 = arith.remsi %select_n3A_676, %rem3A_677 : i32
    %mul3A_679 = arith.constant 400 : i32
    %mul3A_680 = arith.muli %rem3A_678, %mul3A_679 : i32
    %rem3A_681 = arith.constant 3 : i32
    %rem3A_682 = arith.constant 5 : i32
    %rem3A_683 = arith.remsi %rem3A_681, %rem3A_682 : i32
    %mul3A_684 = arith.constant 80 : i32
    %mul3A_685 = arith.muli %rem3A_683, %mul3A_684 : i32
    %add3A_686 = arith.addi %mul3A_680, %mul3A_685 : i32
    %add3A_687 = arith.constant 0 : i32
    %add3A_688 = arith.addi %add3A_686, %add3A_687 : i32
    %get3A_689 = arith.index_cast %add3A_688 : i32 to index
    %get3A_690 = tpu.vector_load %arg12[%get3A_689] {strides = array<i32>} : memref<800xi32, #tpu.memory_space<vmem>>, vector<16xi32>,
    %mul3A_691 = arith.constant 10000 : i32
    %mul3A_692 = vector.broadcast %mul3A_691 : i32 to vector<16xi32>
    %mul3A_693 = arith.muli %get3A_690, %mul3A_692 : vector<16xi32>
    %get3A_694 = arith.index_cast %add3A_688 : i32 to index
    %get3A_695 = tpu.vector_load %arg11[%get3A_694] {strides = array<i32>} : memref<800xi32, #tpu.memory_space<vmem>>, vector<16xi32>,
    %add3A_696 = arith.addi %mul3A_693, %get3A_695 : vector<16xi32>
    %swap3A_697 = arith.index_cast %rem3A_651 : i32 to index
    %swap3A_698 = arith.constant 0 : index
    %swap3A_699 = tpu.vector_load %arg14[%swap3A_697, %swap3A_698] {strides = array<i32>} : memref<4x80xi32, #tpu.memory_space<vmem>>, vector<16xi32>,
    tpu.vector_store %arg14[%swap3A_697, %swap3A_698], %add3A_696 {strides = array<i32>} : memref<4x80xi32, #tpu.memory_space<vmem>>, vector<16xi32>,
    %mul3A_700 = arith.constant 10000 : i32
    %mul3A_701 = vector.broadcast %mul3A_700 : i32 to vector<16xi32>
    %mul3A_702 = arith.muli %get3A_690, %mul3A_701 : vector<16xi32>
    %get3A_703 = arith.index_cast %add3A_688 : i32 to index
    %get3A_704 = tpu.vector_load %arg13[%get3A_703] {strides = array<i32>} : memref<800xi32, #tpu.memory_space<vmem>>, vector<16xi32>,
    %add3A_705 = arith.addi %mul3A_702, %get3A_704 : vector<16xi32>
    %swap3A_706 = arith.index_cast %rem3A_651 : i32 to index
    %swap3A_707 = arith.constant 0 : index
    %swap3A_708 = tpu.vector_load %arg15[%swap3A_706, %swap3A_707] {strides = array<i32>} : memref<4x80xi32, #tpu.memory_space<vmem>>, vector<16xi32>,
    tpu.vector_store %arg15[%swap3A_706, %swap3A_707], %add3A_705 {strides = array<i32>} : memref<4x80xi32, #tpu.memory_space<vmem>>, vector<16xi32>,
    %get3A_709 = arith.index_cast %add3A_688 : i32 to index
    %get3A_710 = tpu.vector_load %arg13[%get3A_709] {strides = array<i32>} : memref<800xi32, #tpu.memory_space<vmem>>, vector<16xi32>,
    %swap3A_711 = arith.index_cast %rem3A_651 : i32 to index
    %swap3A_712 = arith.constant 0 : index
    %swap3A_713 = tpu.vector_load %arg16[%swap3A_711, %swap3A_712] {strides = array<i32>} : memref<4x80xi32, #tpu.memory_space<vmem>>, vector<16xi32>,
    tpu.vector_store %arg16[%swap3A_711, %swap3A_712], %get3A_710 {strides = array<i32>} : memref<4x80xi32, #tpu.memory_space<vmem>>, vector<16xi32>,
    %add3A_714 = arith.constant 16 : i32
    %add3A_715 = arith.addi %add3A_686, %add3A_714 : i32
    %get3A_716 = arith.index_cast %add3A_715 : i32 to index
    %get3A_717 = tpu.vector_load %arg12[%get3A_716] {strides = array<i32>} : memref<800xi32, #tpu.memory_space<vmem>>, vector<16xi32>,
    %mul3A_718 = arith.constant 10000 : i32
    %mul3A_719 = vector.broadcast %mul3A_718 : i32 to vector<16xi32>
    %mul3A_720 = arith.muli %get3A_717, %mul3A_719 : vector<16xi32>
    %get3A_721 = arith.index_cast %add3A_715 : i32 to index
    %get3A_722 = tpu.vector_load %arg11[%get3A_721] {strides = array<i32>} : memref<800xi32, #tpu.memory_space<vmem>>, vector<16xi32>,
    %add3A_723 = arith.addi %mul3A_720, %get3A_722 : vector<16xi32>
    %swap3A_724 = arith.index_cast %rem3A_651 : i32 to index
    %swap3A_725 = arith.constant 16 : index
    %swap3A_726 = tpu.vector_load %arg14[%swap3A_724, %swap3A_725] {strides = array<i32>} : memref<4x80xi32, #tpu.memory_space<vmem>>, vector<16xi32>,
    tpu.vector_store %arg14[%swap3A_724, %swap3A_725], %add3A_723 {strides = array<i32>} : memref<4x80xi32, #tpu.memory_space<vmem>>, vector<16xi32>,
    %mul3A_727 = arith.constant 10000 : i32
    %mul3A_728 = vector.broadcast %mul3A_727 : i32 to vector<16xi32>
    %mul3A_729 = arith.muli %get3A_717, %mul3A_728 : vector<16xi32>
    %get3A_730 = arith.index_cast %add3A_715 : i32 to index
    %get3A_731 = tpu.vector_load %arg13[%get3A_730] {strides = array<i32>} : memref<800xi32, #tpu.memory_space<vmem>>, vector<16xi32>,
    %add3A_732 = arith.addi %mul3A_729, %get3A_731 : vector<16xi32>
    %swap3A_733 = arith.index_cast %rem3A_651 : i32 to index
    %swap3A_734 = arith.constant 16 : index
    %swap3A_735 = tpu.vector_load %arg15[%swap3A_733, %swap3A_734] {strides = array<i32>} : memref<4x80xi32, #tpu.memory_space<vmem>>, vector<16xi32>,
    tpu.vector_store %arg15[%swap3A_733, %swap3A_734], %add3A_732 {strides = array<i32>} : memref<4x80xi32, #tpu.memory_space<vmem>>, vector<16xi32>,
    %get3A_736 = arith.index_cast %add3A_715 : i32 to index
    %get3A_737 = tpu.vector_load %arg13[%get3A_736] {strides = array<i32>} : memref<800xi32, #tpu.memory_space<vmem>>, vector<16xi32>,
    %swap3A_738 = arith.index_cast %rem3A_651 : i32 to index
    %swap3A_739 = arith.constant 16 : index
    %swap3A_740 = tpu.vector_load %arg16[%swap3A_738, %swap3A_739] {strides = array<i32>} : memref<4x80xi32, #tpu.memory_space<vmem>>, vector<16xi32>,
    tpu.vector_store %arg16[%swap3A_738, %swap3A_739], %get3A_737 {strides = array<i32>} : memref<4x80xi32, #tpu.memory_space<vmem>>, vector<16xi32>,
    %add3A_741 = arith.constant 32 : i32
    %add3A_742 = arith.addi %add3A_686, %add3A_741 : i32
    %get3A_743 = arith.index_cast %add3A_742 : i32 to index
    %get3A_744 = tpu.vector_load %arg12[%get3A_743] {strides = array<i32>} : memref<800xi32, #tpu.memory_space<vmem>>, vector<16xi32>,
    %mul3A_745 = arith.constant 10000 : i32
    %mul3A_746 = vector.broadcast %mul3A_745 : i32 to vector<16xi32>
    %mul3A_747 = arith.muli %get3A_744, %mul3A_746 : vector<16xi32>
    %get3A_748 = arith.index_cast %add3A_742 : i32 to index
    %get3A_749 = tpu.vector_load %arg11[%get3A_748] {strides = array<i32>} : memref<800xi32, #tpu.memory_space<vmem>>, vector<16xi32>,
    %add3A_750 = arith.addi %mul3A_747, %get3A_749 : vector<16xi32>
    %swap3A_751 = arith.index_cast %rem3A_651 : i32 to index
    %swap3A_752 = arith.constant 32 : index
    %swap3A_753 = tpu.vector_load %arg14[%swap3A_751, %swap3A_752] {strides = array<i32>} : memref<4x80xi32, #tpu.memory_space<vmem>>, vector<16xi32>,
    tpu.vector_store %arg14[%swap3A_751, %swap3A_752], %add3A_750 {strides = array<i32>} : memref<4x80xi32, #tpu.memory_space<vmem>>, vector<16xi32>,
    %mul3A_754 = arith.constant 10000 : i32
    %mul3A_755 = vector.broadcast %mul3A_754 : i32 to vector<16xi32>
    %mul3A_756 = arith.muli %get3A_744, %mul3A_755 : vector<16xi32>
    %get3A_757 = arith.index_cast %add3A_742 : i32 to index
    %get3A_758 = tpu.vector_load %arg13[%get3A_757] {strides = array<i32>} : memref<800xi32, #tpu.memory_space<vmem>>, vector<16xi32>,
    %add3A_759 = arith.addi %mul3A_756, %get3A_758 : vector<16xi32>
    %swap3A_760 = arith.index_cast %rem3A_651 : i32 to index
    %swap3A_761 = arith.constant 32 : index
    %swap3A_762 = tpu.vector_load %arg15[%swap3A_760, %swap3A_761] {strides = array<i32>} : memref<4x80xi32, #tpu.memory_space<vmem>>, vector<16xi32>,
    tpu.vector_store %arg15[%swap3A_760, %swap3A_761], %add3A_759 {strides = array<i32>} : memref<4x80xi32, #tpu.memory_space<vmem>>, vector<16xi32>,
    %get3A_763 = arith.index_cast %add3A_742 : i32 to index
    %get3A_764 = tpu.vector_load %arg13[%get3A_763] {strides = array<i32>} : memref<800xi32, #tpu.memory_space<vmem>>, vector<16xi32>,
    %swap3A_765 = arith.index_cast %rem3A_651 : i32 to index
    %swap3A_766 = arith.constant 32 : index
    %swap3A_767 = tpu.vector_load %arg16[%swap3A_765, %swap3A_766] {strides = array<i32>} : memref<4x80xi32, #tpu.memory_space<vmem>>, vector<16xi32>,
    tpu.vector_store %arg16[%swap3A_765, %swap3A_766], %get3A_764 {strides = array<i32>} : memref<4x80xi32, #tpu.memory_space<vmem>>, vector<16xi32>,
    %add3A_768 = arith.constant 48 : i32
    %add3A_769 = arith.addi %add3A_686, %add3A_768 : i32
    %get3A_770 = arith.index_cast %add3A_769 : i32 to index
    %get3A_771 = tpu.vector_load %arg12[%get3A_770] {strides = array<i32>} : memref<800xi32, #tpu.memory_space<vmem>>, vector<16xi32>,
    %mul3A_772 = arith.constant 10000 : i32
    %mul3A_773 = vector.broadcast %mul3A_772 : i32 to vector<16xi32>
    %mul3A_774 = arith.muli %get3A_771, %mul3A_773 : vector<16xi32>
    %get3A_775 = arith.index_cast %add3A_769 : i32 to index
    %get3A_776 = tpu.vector_load %arg11[%get3A_775] {strides = array<i32>} : memref<800xi32, #tpu.memory_space<vmem>>, vector<16xi32>,
    %add3A_777 = arith.addi %mul3A_774, %get3A_776 : vector<16xi32>
    %swap3A_778 = arith.index_cast %rem3A_651 : i32 to index
    %swap3A_779 = arith.constant 48 : index
    %swap3A_780 = tpu.vector_load %arg14[%swap3A_778, %swap3A_779] {strides = array<i32>} : memref<4x80xi32, #tpu.memory_space<vmem>>, vector<16xi32>,
    tpu.vector_store %arg14[%swap3A_778, %swap3A_779], %add3A_777 {strides = array<i32>} : memref<4x80xi32, #tpu.memory_space<vmem>>, vector<16xi32>,
    %mul3A_781 = arith.constant 10000 : i32
    %mul3A_782 = vector.broadcast %mul3A_781 : i32 to vector<16xi32>
    %mul3A_783 = arith.muli %get3A_771, %mul3A_782 : vector<16xi32>
    %get3A_784 = arith.index_cast %add3A_769 : i32 to index
    %get3A_785 = tpu.vector_load %arg13[%get3A_784] {strides = array<i32>} : memref<800xi32, #tpu.memory_space<vmem>>, vector<16xi32>,
    %add3A_786 = arith.addi %mul3A_783, %get3A_785 : vector<16xi32>
    %swap3A_787 = arith.index_cast %rem3A_651 : i32 to index
    %swap3A_788 = arith.constant 48 : index
    %swap3A_789 = tpu.vector_load %arg15[%swap3A_787, %swap3A_788] {strides = array<i32>} : memref<4x80xi32, #tpu.memory_space<vmem>>, vector<16xi32>,
    tpu.vector_store %arg15[%swap3A_787, %swap3A_788], %add3A_786 {strides = array<i32>} : memref<4x80xi32, #tpu.memory_space<vmem>>, vector<16xi32>,
    %get3A_790 = arith.index_cast %add3A_769 : i32 to index
    %get3A_791 = tpu.vector_load %arg13[%get3A_790] {strides = array<i32>} : memref<800xi32, #tpu.memory_space<vmem>>, vector<16xi32>,
    %swap3A_792 = arith.index_cast %rem3A_651 : i32 to index
    %swap3A_793 = arith.constant 48 : index
    %swap3A_794 = tpu.vector_load %arg16[%swap3A_792, %swap3A_793] {strides = array<i32>} : memref<4x80xi32, #tpu.memory_space<vmem>>, vector<16xi32>,
    tpu.vector_store %arg16[%swap3A_792, %swap3A_793], %get3A_791 {strides = array<i32>} : memref<4x80xi32, #tpu.memory_space<vmem>>, vector<16xi32>,
    %add3A_795 = arith.constant 64 : i32
    %add3A_796 = arith.addi %add3A_686, %add3A_795 : i32
    %get3A_797 = arith.index_cast %add3A_796 : i32 to index
    %get3A_798 = tpu.vector_load %arg12[%get3A_797] {strides = array<i32>} : memref<800xi32, #tpu.memory_space<vmem>>, vector<16xi32>,
    %mul3A_799 = arith.constant 10000 : i32
    %mul3A_800 = vector.broadcast %mul3A_799 : i32 to vector<16xi32>
    %mul3A_801 = arith.muli %get3A_798, %mul3A_800 : vector<16xi32>
    %get3A_802 = arith.index_cast %add3A_796 : i32 to index
    %get3A_803 = tpu.vector_load %arg11[%get3A_802] {strides = array<i32>} : memref<800xi32, #tpu.memory_space<vmem>>, vector<16xi32>,
    %add3A_804 = arith.addi %mul3A_801, %get3A_803 : vector<16xi32>
    %swap3A_805 = arith.index_cast %rem3A_651 : i32 to index
    %swap3A_806 = arith.constant 64 : index
    %swap3A_807 = tpu.vector_load %arg14[%swap3A_805, %swap3A_806] {strides = array<i32>} : memref<4x80xi32, #tpu.memory_space<vmem>>, vector<16xi32>,
    tpu.vector_store %arg14[%swap3A_805, %swap3A_806], %add3A_804 {strides = array<i32>} : memref<4x80xi32, #tpu.memory_space<vmem>>, vector<16xi32>,
    %mul3A_808 = arith.constant 10000 : i32
    %mul3A_809 = vector.broadcast %mul3A_808 : i32 to vector<16xi32>
    %mul3A_810 = arith.muli %get3A_798, %mul3A_809 : vector<16xi32>
    %get3A_811 = arith.index_cast %add3A_796 : i32 to index
    %get3A_812 = tpu.vector_load %arg13[%get3A_811] {strides = array<i32>} : memref<800xi32, #tpu.memory_space<vmem>>, vector<16xi32>,
    %add3A_813 = arith.addi %mul3A_810, %get3A_812 : vector<16xi32>
    %swap3A_814 = arith.index_cast %rem3A_651 : i32 to index
    %swap3A_815 = arith.constant 64 : index
    %swap3A_816 = tpu.vector_load %arg15[%swap3A_814, %swap3A_815] {strides = array<i32>} : memref<4x80xi32, #tpu.memory_space<vmem>>, vector<16xi32>,
    tpu.vector_store %arg15[%swap3A_814, %swap3A_815], %add3A_813 {strides = array<i32>} : memref<4x80xi32, #tpu.memory_space<vmem>>, vector<16xi32>,
    %get3A_817 = arith.index_cast %add3A_796 : i32 to index
    %get3A_818 = tpu.vector_load %arg13[%get3A_817] {strides = array<i32>} : memref<800xi32, #tpu.memory_space<vmem>>, vector<16xi32>,
    %swap3A_819 = arith.index_cast %rem3A_651 : i32 to index
    %swap3A_820 = arith.constant 64 : index
    %swap3A_821 = tpu.vector_load %arg16[%swap3A_819, %swap3A_820] {strides = array<i32>} : memref<4x80xi32, #tpu.memory_space<vmem>>, vector<16xi32>,
    tpu.vector_store %arg16[%swap3A_819, %swap3A_820], %get3A_818 {strides = array<i32>} : memref<4x80xi32, #tpu.memory_space<vmem>>, vector<16xi32>,
    %mul3A_822 = arith.constant 80 : i32
    %mul3A_823 = arith.muli %rem3A_651, %mul3A_822 : i32
    %dma_start3A_824 = arith.constant 0 : i32
    %dma_start3A_825 = tpu.memref_slice %arg10[%mul3A_823, %dma_start3A_824] : memref<320x128xf32, #tpu.memory_space<vmem>> -> memref<80x128xf32, #tpu.memory_space<vmem>>
    %dma_start3A_826 = arith.constant 0 : i32
    %dma_start3A_827 = tpu.memref_slice %arg14[%rem3A_651, %dma_start3A_826] : memref<4x80xi32, #tpu.memory_space<vmem>> -> memref<1x80xi32, #tpu.memory_space<vmem>>
    %dma_start3A_828 = tpu.memref_squeeze %dma_start3A_827 : memref<1x80xi32, #tpu.memory_space<vmem>> -> memref<80xi32, #tpu.memory_space<vmem>>
    %dma_start3A_829 = arith.constant 0 : i32
    %dma_start3A_830 = arith.constant 0 : i32
    %dma_start3A_831 = tpu.memref_slice %arg2[%dma_start3A_829, %dma_start3A_830] : memref<50000x128xf32, #tpu.memory_space<hbm>> -> memref<50000x128xf32, #tpu.memory_space<hbm>>
    %dma_start3A_832 = tpu.memref_slice %arg19[%rem3A_651] : memref<4x!tpu.dma_semaphore, #tpu.memory_space<semaphore_mem>> -> memref<1x!tpu.dma_semaphore, #tpu.memory_space<semaphore_mem>>
    %dma_start3A_833 = tpu.memref_squeeze %dma_start3A_832 : memref<1x!tpu.dma_semaphore, #tpu.memory_space<semaphore_mem>> -> memref<!tpu.dma_semaphore, #tpu.memory_space<semaphore_mem>>
    tpu.enqueue_indirect_dma source(%dma_start3A_831 : memref<50000x128xf32, #tpu.memory_space<hbm>>) target(%dma_start3A_825 : memref<80x128xf32, #tpu.memory_space<vmem>>) offsets(%dma_start3A_828 : memref<80xi32, #tpu.memory_space<vmem>>) semaphore(%dma_start3A_833 : memref<!tpu.dma_semaphore, #tpu.memory_space<semaphore_mem>>)
    %mul3A_834 = arith.constant 80 : i32
    %mul3A_835 = arith.muli %rem3A_651, %mul3A_834 : i32
    %dma_start3A_836 = tpu.memref_slice %arg17[%mul3A_835] : memref<320xf32, #tpu.memory_space<vmem>> -> memref<80xf32, #tpu.memory_space<vmem>>
    %dma_start3A_837 = arith.constant 0 : i32
    %dma_start3A_838 = tpu.memref_slice %arg15[%rem3A_651, %dma_start3A_837] : memref<4x80xi32, #tpu.memory_space<vmem>> -> memref<1x80xi32, #tpu.memory_space<vmem>>
    %dma_start3A_839 = tpu.memref_squeeze %dma_start3A_838 : memref<1x80xi32, #tpu.memory_space<vmem>> -> memref<80xi32, #tpu.memory_space<vmem>>
    %dma_start3A_840 = arith.constant 0 : i32
    %dma_start3A_841 = tpu.memref_slice %arg9[%dma_start3A_840] : memref<40960xf32, #tpu.memory_space<vmem_shared>> -> memref<40960xf32, #tpu.memory_space<vmem_shared>>
    %dma_start3A_842 = tpu.memref_slice %arg20[%rem3A_651] : memref<4x!tpu.dma_semaphore, #tpu.memory_space<semaphore_mem>> -> memref<1x!tpu.dma_semaphore, #tpu.memory_space<semaphore_mem>>
    %dma_start3A_843 = tpu.memref_squeeze %dma_start3A_842 : memref<1x!tpu.dma_semaphore, #tpu.memory_space<semaphore_mem>> -> memref<!tpu.dma_semaphore, #tpu.memory_space<semaphore_mem>>
    tpu.enqueue_indirect_dma source(%dma_start3A_841 : memref<40960xf32, #tpu.memory_space<vmem_shared>>) target(%dma_start3A_836 : memref<80xf32, #tpu.memory_space<vmem>>) offsets(%dma_start3A_839 : memref<80xi32, #tpu.memory_space<vmem>>) semaphore(%dma_start3A_843 : memref<!tpu.dma_semaphore, #tpu.memory_space<semaphore_mem>>)
    %rem3A_844 = arith.constant 0 : i32
    %rem3A_845 = arith.constant 4 : i32
    %rem3A_846 = arith.remsi %rem3A_844, %rem3A_845 : i32
    %mul3A_847 = arith.constant 80 : i32
    %mul3A_848 = arith.muli %rem3A_846, %mul3A_847 : i32
    %dma_wait3A_849 = arith.constant 0 : i32
    %dma_wait3A_850 = tpu.memref_slice %arg10[%mul3A_848, %dma_wait3A_849] : memref<320x128xf32, #tpu.memory_space<vmem>> -> memref<80x128xf32, #tpu.memory_space<vmem>>
    %dma_wait3A_851 = arith.constant 0 : i32
    %dma_wait3A_852 = tpu.memref_slice %arg14[%rem3A_846, %dma_wait3A_851] : memref<4x80xi32, #tpu.memory_space<vmem>> -> memref<1x80xi32, #tpu.memory_space<vmem>>
    %dma_wait3A_853 = tpu.memref_squeeze %dma_wait3A_852 : memref<1x80xi32, #tpu.memory_space<vmem>> -> memref<80xi32, #tpu.memory_space<vmem>>
    %dma_wait3A_854 = arith.constant 0 : i32
    %dma_wait3A_855 = arith.constant 0 : i32
    %dma_wait3A_856 = tpu.memref_slice %arg2[%dma_wait3A_854, %dma_wait3A_855] : memref<50000x128xf32, #tpu.memory_space<hbm>> -> memref<50000x128xf32, #tpu.memory_space<hbm>>
    %dma_wait3A_857 = tpu.memref_slice %arg19[%rem3A_846] : memref<4x!tpu.dma_semaphore, #tpu.memory_space<semaphore_mem>> -> memref<1x!tpu.dma_semaphore, #tpu.memory_space<semaphore_mem>>
    %dma_wait3A_858 = tpu.memref_squeeze %dma_wait3A_857 : memref<1x!tpu.dma_semaphore, #tpu.memory_space<semaphore_mem>> -> memref<!tpu.dma_semaphore, #tpu.memory_space<semaphore_mem>>
    tpu.wait_indirect_dma semaphore(%dma_wait3A_858 : memref<!tpu.dma_semaphore, #tpu.memory_space<semaphore_mem>>) src(%dma_wait3A_856 : memref<50000x128xf32, #tpu.memory_space<hbm>>) dst(%dma_wait3A_850 : memref<80x128xf32, #tpu.memory_space<vmem>>)
    %mul3A_859 = arith.constant 80 : i32
    %mul3A_860 = arith.muli %rem3A_846, %mul3A_859 : i32
    %dma_wait3A_861 = tpu.memref_slice %arg17[%mul3A_860] : memref<320xf32, #tpu.memory_space<vmem>> -> memref<80xf32, #tpu.memory_space<vmem>>
    %dma_wait3A_862 = arith.constant 0 : i32
    %dma_wait3A_863 = tpu.memref_slice %arg15[%rem3A_846, %dma_wait3A_862] : memref<4x80xi32, #tpu.memory_space<vmem>> -> memref<1x80xi32, #tpu.memory_space<vmem>>
    %dma_wait3A_864 = tpu.memref_squeeze %dma_wait3A_863 : memref<1x80xi32, #tpu.memory_space<vmem>> -> memref<80xi32, #tpu.memory_space<vmem>>
    %dma_wait3A_865 = arith.constant 0 : i32
    %dma_wait3A_866 = tpu.memref_slice %arg9[%dma_wait3A_865] : memref<40960xf32, #tpu.memory_space<vmem_shared>> -> memref<40960xf32, #tpu.memory_space<vmem_shared>>
    %dma_wait3A_867 = tpu.memref_slice %arg20[%rem3A_846] : memref<4x!tpu.dma_semaphore, #tpu.memory_space<semaphore_mem>> -> memref<1x!tpu.dma_semaphore, #tpu.memory_space<semaphore_mem>>
    %dma_wait3A_868 = tpu.memref_squeeze %dma_wait3A_867 : memref<1x!tpu.dma_semaphore, #tpu.memory_space<semaphore_mem>> -> memref<!tpu.dma_semaphore, #tpu.memory_space<semaphore_mem>>
    tpu.wait_indirect_dma semaphore(%dma_wait3A_868 : memref<!tpu.dma_semaphore, #tpu.memory_space<semaphore_mem>>) src(%dma_wait3A_866 : memref<40960xf32, #tpu.memory_space<vmem_shared>>) dst(%dma_wait3A_861 : memref<80xf32, #tpu.memory_space<vmem>>)
    %parallel_loop3A = arith.constant 0 : i32
    %parallel_loop3A_869 = arith.constant 80 : i32
    %parallel_loop3A_870 = arith.constant 1 : i32
    scf.for %parallel_loop3A_1074 = %parallel_loop3A to %parallel_loop3A_869 step %parallel_loop3A_870  : i32 {
      %parallel_loop3A_1075 = arith.constant 80 : i32
      %parallel_loop3A_1076 = arith.muli %rem3A_846, %parallel_loop3A_1075 : i32
      %parallel_loop3A_1077 = arith.addi %parallel_loop3A_1076, %parallel_loop3A_1074 : i32
      %parallel_loop3A_1078 = vector.broadcast %parallel_loop3A_1077 : i32 to vector<16xi32>
      %parallel_loop3A_1079 = tpu.vector_load_idx %arg17[%parallel_loop3A_1078] : memref<320xf32, #tpu.memory_space<vmem>>[vector<16xi32>], vector<16xf32>,
      %parallel_loop3A_1080 = arith.index_cast %parallel_loop3A_1077 : i32 to index
      %parallel_loop3A_1081 = arith.constant 0 : index
      %parallel_loop3A_1082 = tpu.vector_load %arg10[%parallel_loop3A_1080, %parallel_loop3A_1081] {strides = array<i32>} : memref<320x128xf32, #tpu.memory_space<vmem>>, vector<16xf32>,
      %parallel_loop3A_1083 = arith.mulf %parallel_loop3A_1082, %parallel_loop3A_1079 : vector<16xf32>
      %parallel_loop3A_1084 = arith.index_cast %parallel_loop3A_1077 : i32 to index
      %parallel_loop3A_1085 = arith.constant 0 : index
      %parallel_loop3A_1086 = tpu.vector_load %arg10[%parallel_loop3A_1084, %parallel_loop3A_1085] {strides = array<i32>} : memref<320x128xf32, #tpu.memory_space<vmem>>, vector<16xf32>,
      tpu.vector_store %arg10[%parallel_loop3A_1084, %parallel_loop3A_1085], %parallel_loop3A_1083 {strides = array<i32>} : memref<320x128xf32, #tpu.memory_space<vmem>>, vector<16xf32>,
      %parallel_loop3A_1087 = arith.index_cast %parallel_loop3A_1077 : i32 to index
      %parallel_loop3A_1088 = arith.constant 16 : index
      %parallel_loop3A_1089 = tpu.vector_load %arg10[%parallel_loop3A_1087, %parallel_loop3A_1088] {strides = array<i32>} : memref<320x128xf32, #tpu.memory_space<vmem>>, vector<16xf32>,
      %parallel_loop3A_1090 = arith.mulf %parallel_loop3A_1089, %parallel_loop3A_1079 : vector<16xf32>
      %parallel_loop3A_1091 = arith.index_cast %parallel_loop3A_1077 : i32 to index
      %parallel_loop3A_1092 = arith.constant 16 : index
      %parallel_loop3A_1093 = tpu.vector_load %arg10[%parallel_loop3A_1091, %parallel_loop3A_1092] {strides = array<i32>} : memref<320x128xf32, #tpu.memory_space<vmem>>, vector<16xf32>,
      tpu.vector_store %arg10[%parallel_loop3A_1091, %parallel_loop3A_1092], %parallel_loop3A_1090 {strides = array<i32>} : memref<320x128xf32, #tpu.memory_space<vmem>>, vector<16xf32>,
      %parallel_loop3A_1094 = arith.index_cast %parallel_loop3A_1077 : i32 to index
      %parallel_loop3A_1095 = arith.constant 32 : index
      %parallel_loop3A_1096 = tpu.vector_load %arg10[%parallel_loop3A_1094, %parallel_loop3A_1095] {strides = array<i32>} : memref<320x128xf32, #tpu.memory_space<vmem>>, vector<16xf32>,
      %parallel_loop3A_1097 = arith.mulf %parallel_loop3A_1096, %parallel_loop3A_1079 : vector<16xf32>
      %parallel_loop3A_1098 = arith.index_cast %parallel_loop3A_1077 : i32 to index
      %parallel_loop3A_1099 = arith.constant 32 : index
      %parallel_loop3A_1100 = tpu.vector_load %arg10[%parallel_loop3A_1098, %parallel_loop3A_1099] {strides = array<i32>} : memref<320x128xf32, #tpu.memory_space<vmem>>, vector<16xf32>,
      tpu.vector_store %arg10[%parallel_loop3A_1098, %parallel_loop3A_1099], %parallel_loop3A_1097 {strides = array<i32>} : memref<320x128xf32, #tpu.memory_space<vmem>>, vector<16xf32>,
      %parallel_loop3A_1101 = arith.index_cast %parallel_loop3A_1077 : i32 to index
      %parallel_loop3A_1102 = arith.constant 48 : index
      %parallel_loop3A_1103 = tpu.vector_load %arg10[%parallel_loop3A_1101, %parallel_loop3A_1102] {strides = array<i32>} : memref<320x128xf32, #tpu.memory_space<vmem>>, vector<16xf32>,
      %parallel_loop3A_1104 = arith.mulf %parallel_loop3A_1103, %parallel_loop3A_1079 : vector<16xf32>
      %parallel_loop3A_1105 = arith.index_cast %parallel_loop3A_1077 : i32 to index
      %parallel_loop3A_1106 = arith.constant 48 : index
      %parallel_loop3A_1107 = tpu.vector_load %arg10[%parallel_loop3A_1105, %parallel_loop3A_1106] {strides = array<i32>} : memref<320x128xf32, #tpu.memory_space<vmem>>, vector<16xf32>,
      tpu.vector_store %arg10[%parallel_loop3A_1105, %parallel_loop3A_1106], %parallel_loop3A_1104 {strides = array<i32>} : memref<320x128xf32, #tpu.memory_space<vmem>>, vector<16xf32>,
      %parallel_loop3A_1108 = arith.index_cast %parallel_loop3A_1077 : i32 to index
      %parallel_loop3A_1109 = arith.constant 64 : index
      %parallel_loop3A_1110 = tpu.vector_load %arg10[%parallel_loop3A_1108, %parallel_loop3A_1109] {strides = array<i32>} : memref<320x128xf32, #tpu.memory_space<vmem>>, vector<16xf32>,
      %parallel_loop3A_1111 = arith.mulf %parallel_loop3A_1110, %parallel_loop3A_1079 : vector<16xf32>
      %parallel_loop3A_1112 = arith.index_cast %parallel_loop3A_1077 : i32 to index
      %parallel_loop3A_1113 = arith.constant 64 : index
      %parallel_loop3A_1114 = tpu.vector_load %arg10[%parallel_loop3A_1112, %parallel_loop3A_1113] {strides = array<i32>} : memref<320x128xf32, #tpu.memory_space<vmem>>, vector<16xf32>,
      tpu.vector_store %arg10[%parallel_loop3A_1112, %parallel_loop3A_1113], %parallel_loop3A_1111 {strides = array<i32>} : memref<320x128xf32, #tpu.memory_space<vmem>>, vector<16xf32>,
      %parallel_loop3A_1115 = arith.index_cast %parallel_loop3A_1077 : i32 to index
      %parallel_loop3A_1116 = arith.constant 80 : index
      %parallel_loop3A_1117 = tpu.vector_load %arg10[%parallel_loop3A_1115, %parallel_loop3A_1116] {strides = array<i32>} : memref<320x128xf32, #tpu.memory_space<vmem>>, vector<16xf32>,
      %parallel_loop3A_1118 = arith.mulf %parallel_loop3A_1117, %parallel_loop3A_1079 : vector<16xf32>
      %parallel_loop3A_1119 = arith.index_cast %parallel_loop3A_1077 : i32 to index
      %parallel_loop3A_1120 = arith.constant 80 : index
      %parallel_loop3A_1121 = tpu.vector_load %arg10[%parallel_loop3A_1119, %parallel_loop3A_1120] {strides = array<i32>} : memref<320x128xf32, #tpu.memory_space<vmem>>, vector<16xf32>,
      tpu.vector_store %arg10[%parallel_loop3A_1119, %parallel_loop3A_1120], %parallel_loop3A_1118 {strides = array<i32>} : memref<320x128xf32, #tpu.memory_space<vmem>>, vector<16xf32>,
      %parallel_loop3A_1122 = arith.index_cast %parallel_loop3A_1077 : i32 to index
      %parallel_loop3A_1123 = arith.constant 96 : index
      %parallel_loop3A_1124 = tpu.vector_load %arg10[%parallel_loop3A_1122, %parallel_loop3A_1123] {strides = array<i32>} : memref<320x128xf32, #tpu.memory_space<vmem>>, vector<16xf32>,
      %parallel_loop3A_1125 = arith.mulf %parallel_loop3A_1124, %parallel_loop3A_1079 : vector<16xf32>
      %parallel_loop3A_1126 = arith.index_cast %parallel_loop3A_1077 : i32 to index
      %parallel_loop3A_1127 = arith.constant 96 : index
      %parallel_loop3A_1128 = tpu.vector_load %arg10[%parallel_loop3A_1126, %parallel_loop3A_1127] {strides = array<i32>} : memref<320x128xf32, #tpu.memory_space<vmem>>, vector<16xf32>,
      tpu.vector_store %arg10[%parallel_loop3A_1126, %parallel_loop3A_1127], %parallel_loop3A_1125 {strides = array<i32>} : memref<320x128xf32, #tpu.memory_space<vmem>>, vector<16xf32>,
      %parallel_loop3A_1129 = arith.index_cast %parallel_loop3A_1077 : i32 to index
      %parallel_loop3A_1130 = arith.constant 112 : index
      %parallel_loop3A_1131 = tpu.vector_load %arg10[%parallel_loop3A_1129, %parallel_loop3A_1130] {strides = array<i32>} : memref<320x128xf32, #tpu.memory_space<vmem>>, vector<16xf32>,
      %parallel_loop3A_1132 = arith.mulf %parallel_loop3A_1131, %parallel_loop3A_1079 : vector<16xf32>
      %parallel_loop3A_1133 = arith.index_cast %parallel_loop3A_1077 : i32 to index
      %parallel_loop3A_1134 = arith.constant 112 : index
      %parallel_loop3A_1135 = tpu.vector_load %arg10[%parallel_loop3A_1133, %parallel_loop3A_1134] {strides = array<i32>} : memref<320x128xf32, #tpu.memory_space<vmem>>, vector<16xf32>,
      tpu.vector_store %arg10[%parallel_loop3A_1133, %parallel_loop3A_1134], %parallel_loop3A_1132 {strides = array<i32>} : memref<320x128xf32, #tpu.memory_space<vmem>>, vector<16xf32>,
    } {sc.loop_unroll_factor = 4 : i64, sc.parallel_access}
    %mul3A_871 = arith.constant 80 : i32
    %mul3A_872 = arith.muli %rem3A_846, %mul3A_871 : i32
    %dma_start3A_873 = arith.constant 0 : i32
    %dma_start3A_874 = tpu.memref_slice %arg10[%mul3A_872, %dma_start3A_873] : memref<320x128xf32, #tpu.memory_space<vmem>> -> memref<80x128xf32, #tpu.memory_space<vmem>>
    %dma_start3A_875 = arith.constant 0 : i32
    %dma_start3A_876 = tpu.memref_slice %arg16[%rem3A_846, %dma_start3A_875] : memref<4x80xi32, #tpu.memory_space<vmem>> -> memref<1x80xi32, #tpu.memory_space<vmem>>
    %dma_start3A_877 = tpu.memref_squeeze %dma_start3A_876 : memref<1x80xi32, #tpu.memory_space<vmem>> -> memref<80xi32, #tpu.memory_space<vmem>>
    %dma_start3A_878 = arith.constant 0 : i32
    %dma_start3A_879 = arith.constant 0 : i32
    %dma_start3A_880 = tpu.memref_slice %arg8[%dma_start3A_878, %dma_start3A_879] : memref<10000x128xf32, #tpu.memory_space<vmem_shared>> -> memref<10000x128xf32, #tpu.memory_space<vmem_shared>>
    %dma_start3A_881 = tpu.memref_slice %arg21[%rem3A_846] : memref<4x!tpu.dma_semaphore, #tpu.memory_space<semaphore_mem>> -> memref<1x!tpu.dma_semaphore, #tpu.memory_space<semaphore_mem>>
    %dma_start3A_882 = tpu.memref_squeeze %dma_start3A_881 : memref<1x!tpu.dma_semaphore, #tpu.memory_space<semaphore_mem>> -> memref<!tpu.dma_semaphore, #tpu.memory_space<semaphore_mem>>
    tpu.enqueue_indirect_dma source(%dma_start3A_874 : memref<80x128xf32, #tpu.memory_space<vmem>>) target(%dma_start3A_880 : memref<10000x128xf32, #tpu.memory_space<vmem_shared>>) offsets(%dma_start3A_877 : memref<80xi32, #tpu.memory_space<vmem>>) semaphore(%dma_start3A_882 : memref<!tpu.dma_semaphore, #tpu.memory_space<semaphore_mem>>) {add = true}
    %rem3A_883 = arith.constant 1 : i32
    %rem3A_884 = arith.constant 4 : i32
    %rem3A_885 = arith.remsi %rem3A_883, %rem3A_884 : i32
    %mul3A_886 = arith.constant 80 : i32
    %mul3A_887 = arith.muli %rem3A_885, %mul3A_886 : i32
    %dma_wait3A_888 = arith.constant 0 : i32
    %dma_wait3A_889 = tpu.memref_slice %arg10[%mul3A_887, %dma_wait3A_888] : memref<320x128xf32, #tpu.memory_space<vmem>> -> memref<80x128xf32, #tpu.memory_space<vmem>>
    %dma_wait3A_890 = arith.constant 0 : i32
    %dma_wait3A_891 = tpu.memref_slice %arg14[%rem3A_885, %dma_wait3A_890] : memref<4x80xi32, #tpu.memory_space<vmem>> -> memref<1x80xi32, #tpu.memory_space<vmem>>
    %dma_wait3A_892 = tpu.memref_squeeze %dma_wait3A_891 : memref<1x80xi32, #tpu.memory_space<vmem>> -> memref<80xi32, #tpu.memory_space<vmem>>
    %dma_wait3A_893 = arith.constant 0 : i32
    %dma_wait3A_894 = arith.constant 0 : i32
    %dma_wait3A_895 = tpu.memref_slice %arg2[%dma_wait3A_893, %dma_wait3A_894] : memref<50000x128xf32, #tpu.memory_space<hbm>> -> memref<50000x128xf32, #tpu.memory_space<hbm>>
    %dma_wait3A_896 = tpu.memref_slice %arg19[%rem3A_885] : memref<4x!tpu.dma_semaphore, #tpu.memory_space<semaphore_mem>> -> memref<1x!tpu.dma_semaphore, #tpu.memory_space<semaphore_mem>>
    %dma_wait3A_897 = tpu.memref_squeeze %dma_wait3A_896 : memref<1x!tpu.dma_semaphore, #tpu.memory_space<semaphore_mem>> -> memref<!tpu.dma_semaphore, #tpu.memory_space<semaphore_mem>>
    tpu.wait_indirect_dma semaphore(%dma_wait3A_897 : memref<!tpu.dma_semaphore, #tpu.memory_space<semaphore_mem>>) src(%dma_wait3A_895 : memref<50000x128xf32, #tpu.memory_space<hbm>>) dst(%dma_wait3A_889 : memref<80x128xf32, #tpu.memory_space<vmem>>)
    %mul3A_898 = arith.constant 80 : i32
    %mul3A_899 = arith.muli %rem3A_885, %mul3A_898 : i32
    %dma_wait3A_900 = tpu.memref_slice %arg17[%mul3A_899] : memref<320xf32, #tpu.memory_space<vmem>> -> memref<80xf32, #tpu.memory_space<vmem>>
    %dma_wait3A_901 = arith.constant 0 : i32
    %dma_wait3A_902 = tpu.memref_slice %arg15[%rem3A_885, %dma_wait3A_901] : memref<4x80xi32, #tpu.memory_space<vmem>> -> memref<1x80xi32, #tpu.memory_space<vmem>>
    %dma_wait3A_903 = tpu.memref_squeeze %dma_wait3A_902 : memref<1x80xi32, #tpu.memory_space<vmem>> -> memref<80xi32, #tpu.memory_space<vmem>>
    %dma_wait3A_904 = arith.constant 0 : i32
    %dma_wait3A_905 = tpu.memref_slice %arg9[%dma_wait3A_904] : memref<40960xf32, #tpu.memory_space<vmem_shared>> -> memref<40960xf32, #tpu.memory_space<vmem_shared>>
    %dma_wait3A_906 = tpu.memref_slice %arg20[%rem3A_885] : memref<4x!tpu.dma_semaphore, #tpu.memory_space<semaphore_mem>> -> memref<1x!tpu.dma_semaphore, #tpu.memory_space<semaphore_mem>>
    %dma_wait3A_907 = tpu.memref_squeeze %dma_wait3A_906 : memref<1x!tpu.dma_semaphore, #tpu.memory_space<semaphore_mem>> -> memref<!tpu.dma_semaphore, #tpu.memory_space<semaphore_mem>>
    tpu.wait_indirect_dma semaphore(%dma_wait3A_907 : memref<!tpu.dma_semaphore, #tpu.memory_space<semaphore_mem>>) src(%dma_wait3A_905 : memref<40960xf32, #tpu.memory_space<vmem_shared>>) dst(%dma_wait3A_900 : memref<80xf32, #tpu.memory_space<vmem>>)
    %parallel_loop3A_908 = arith.constant 0 : i32
    %parallel_loop3A_909 = arith.constant 80 : i32
    %parallel_loop3A_910 = arith.constant 1 : i32
    scf.for %parallel_loop3A_1074 = %parallel_loop3A_908 to %parallel_loop3A_909 step %parallel_loop3A_910  : i32 {
      %parallel_loop3A_1075 = arith.constant 80 : i32
      %parallel_loop3A_1076 = arith.muli %rem3A_885, %parallel_loop3A_1075 : i32
      %parallel_loop3A_1077 = arith.addi %parallel_loop3A_1076, %parallel_loop3A_1074 : i32
      %parallel_loop3A_1078 = vector.broadcast %parallel_loop3A_1077 : i32 to vector<16xi32>
      %parallel_loop3A_1079 = tpu.vector_load_idx %arg17[%parallel_loop3A_1078] : memref<320xf32, #tpu.memory_space<vmem>>[vector<16xi32>], vector<16xf32>,
      %parallel_loop3A_1080 = arith.index_cast %parallel_loop3A_1077 : i32 to index
      %parallel_loop3A_1081 = arith.constant 0 : index
      %parallel_loop3A_1082 = tpu.vector_load %arg10[%parallel_loop3A_1080, %parallel_loop3A_1081] {strides = array<i32>} : memref<320x128xf32, #tpu.memory_space<vmem>>, vector<16xf32>,
      %parallel_loop3A_1083 = arith.mulf %parallel_loop3A_1082, %parallel_loop3A_1079 : vector<16xf32>
      %parallel_loop3A_1084 = arith.index_cast %parallel_loop3A_1077 : i32 to index
      %parallel_loop3A_1085 = arith.constant 0 : index
      %parallel_loop3A_1086 = tpu.vector_load %arg10[%parallel_loop3A_1084, %parallel_loop3A_1085] {strides = array<i32>} : memref<320x128xf32, #tpu.memory_space<vmem>>, vector<16xf32>,
      tpu.vector_store %arg10[%parallel_loop3A_1084, %parallel_loop3A_1085], %parallel_loop3A_1083 {strides = array<i32>} : memref<320x128xf32, #tpu.memory_space<vmem>>, vector<16xf32>,
      %parallel_loop3A_1087 = arith.index_cast %parallel_loop3A_1077 : i32 to index
      %parallel_loop3A_1088 = arith.constant 16 : index
      %parallel_loop3A_1089 = tpu.vector_load %arg10[%parallel_loop3A_1087, %parallel_loop3A_1088] {strides = array<i32>} : memref<320x128xf32, #tpu.memory_space<vmem>>, vector<16xf32>,
      %parallel_loop3A_1090 = arith.mulf %parallel_loop3A_1089, %parallel_loop3A_1079 : vector<16xf32>
      %parallel_loop3A_1091 = arith.index_cast %parallel_loop3A_1077 : i32 to index
      %parallel_loop3A_1092 = arith.constant 16 : index
      %parallel_loop3A_1093 = tpu.vector_load %arg10[%parallel_loop3A_1091, %parallel_loop3A_1092] {strides = array<i32>} : memref<320x128xf32, #tpu.memory_space<vmem>>, vector<16xf32>,
      tpu.vector_store %arg10[%parallel_loop3A_1091, %parallel_loop3A_1092], %parallel_loop3A_1090 {strides = array<i32>} : memref<320x128xf32, #tpu.memory_space<vmem>>, vector<16xf32>,
      %parallel_loop3A_1094 = arith.index_cast %parallel_loop3A_1077 : i32 to index
      %parallel_loop3A_1095 = arith.constant 32 : index
      %parallel_loop3A_1096 = tpu.vector_load %arg10[%parallel_loop3A_1094, %parallel_loop3A_1095] {strides = array<i32>} : memref<320x128xf32, #tpu.memory_space<vmem>>, vector<16xf32>,
      %parallel_loop3A_1097 = arith.mulf %parallel_loop3A_1096, %parallel_loop3A_1079 : vector<16xf32>
      %parallel_loop3A_1098 = arith.index_cast %parallel_loop3A_1077 : i32 to index
      %parallel_loop3A_1099 = arith.constant 32 : index
      %parallel_loop3A_1100 = tpu.vector_load %arg10[%parallel_loop3A_1098, %parallel_loop3A_1099] {strides = array<i32>} : memref<320x128xf32, #tpu.memory_space<vmem>>, vector<16xf32>,
      tpu.vector_store %arg10[%parallel_loop3A_1098, %parallel_loop3A_1099], %parallel_loop3A_1097 {strides = array<i32>} : memref<320x128xf32, #tpu.memory_space<vmem>>, vector<16xf32>,
      %parallel_loop3A_1101 = arith.index_cast %parallel_loop3A_1077 : i32 to index
      %parallel_loop3A_1102 = arith.constant 48 : index
      %parallel_loop3A_1103 = tpu.vector_load %arg10[%parallel_loop3A_1101, %parallel_loop3A_1102] {strides = array<i32>} : memref<320x128xf32, #tpu.memory_space<vmem>>, vector<16xf32>,
      %parallel_loop3A_1104 = arith.mulf %parallel_loop3A_1103, %parallel_loop3A_1079 : vector<16xf32>
      %parallel_loop3A_1105 = arith.index_cast %parallel_loop3A_1077 : i32 to index
      %parallel_loop3A_1106 = arith.constant 48 : index
      %parallel_loop3A_1107 = tpu.vector_load %arg10[%parallel_loop3A_1105, %parallel_loop3A_1106] {strides = array<i32>} : memref<320x128xf32, #tpu.memory_space<vmem>>, vector<16xf32>,
      tpu.vector_store %arg10[%parallel_loop3A_1105, %parallel_loop3A_1106], %parallel_loop3A_1104 {strides = array<i32>} : memref<320x128xf32, #tpu.memory_space<vmem>>, vector<16xf32>,
      %parallel_loop3A_1108 = arith.index_cast %parallel_loop3A_1077 : i32 to index
      %parallel_loop3A_1109 = arith.constant 64 : index
      %parallel_loop3A_1110 = tpu.vector_load %arg10[%parallel_loop3A_1108, %parallel_loop3A_1109] {strides = array<i32>} : memref<320x128xf32, #tpu.memory_space<vmem>>, vector<16xf32>,
      %parallel_loop3A_1111 = arith.mulf %parallel_loop3A_1110, %parallel_loop3A_1079 : vector<16xf32>
      %parallel_loop3A_1112 = arith.index_cast %parallel_loop3A_1077 : i32 to index
      %parallel_loop3A_1113 = arith.constant 64 : index
      %parallel_loop3A_1114 = tpu.vector_load %arg10[%parallel_loop3A_1112, %parallel_loop3A_1113] {strides = array<i32>} : memref<320x128xf32, #tpu.memory_space<vmem>>, vector<16xf32>,
      tpu.vector_store %arg10[%parallel_loop3A_1112, %parallel_loop3A_1113], %parallel_loop3A_1111 {strides = array<i32>} : memref<320x128xf32, #tpu.memory_space<vmem>>, vector<16xf32>,
      %parallel_loop3A_1115 = arith.index_cast %parallel_loop3A_1077 : i32 to index
      %parallel_loop3A_1116 = arith.constant 80 : index
      %parallel_loop3A_1117 = tpu.vector_load %arg10[%parallel_loop3A_1115, %parallel_loop3A_1116] {strides = array<i32>} : memref<320x128xf32, #tpu.memory_space<vmem>>, vector<16xf32>,
      %parallel_loop3A_1118 = arith.mulf %parallel_loop3A_1117, %parallel_loop3A_1079 : vector<16xf32>
      %parallel_loop3A_1119 = arith.index_cast %parallel_loop3A_1077 : i32 to index
      %parallel_loop3A_1120 = arith.constant 80 : index
      %parallel_loop3A_1121 = tpu.vector_load %arg10[%parallel_loop3A_1119, %parallel_loop3A_1120] {strides = array<i32>} : memref<320x128xf32, #tpu.memory_space<vmem>>, vector<16xf32>,
      tpu.vector_store %arg10[%parallel_loop3A_1119, %parallel_loop3A_1120], %parallel_loop3A_1118 {strides = array<i32>} : memref<320x128xf32, #tpu.memory_space<vmem>>, vector<16xf32>,
      %parallel_loop3A_1122 = arith.index_cast %parallel_loop3A_1077 : i32 to index
      %parallel_loop3A_1123 = arith.constant 96 : index
      %parallel_loop3A_1124 = tpu.vector_load %arg10[%parallel_loop3A_1122, %parallel_loop3A_1123] {strides = array<i32>} : memref<320x128xf32, #tpu.memory_space<vmem>>, vector<16xf32>,
      %parallel_loop3A_1125 = arith.mulf %parallel_loop3A_1124, %parallel_loop3A_1079 : vector<16xf32>
      %parallel_loop3A_1126 = arith.index_cast %parallel_loop3A_1077 : i32 to index
      %parallel_loop3A_1127 = arith.constant 96 : index
      %parallel_loop3A_1128 = tpu.vector_load %arg10[%parallel_loop3A_1126, %parallel_loop3A_1127] {strides = array<i32>} : memref<320x128xf32, #tpu.memory_space<vmem>>, vector<16xf32>,
      tpu.vector_store %arg10[%parallel_loop3A_1126, %parallel_loop3A_1127], %parallel_loop3A_1125 {strides = array<i32>} : memref<320x128xf32, #tpu.memory_space<vmem>>, vector<16xf32>,
      %parallel_loop3A_1129 = arith.index_cast %parallel_loop3A_1077 : i32 to index
      %parallel_loop3A_1130 = arith.constant 112 : index
      %parallel_loop3A_1131 = tpu.vector_load %arg10[%parallel_loop3A_1129, %parallel_loop3A_1130] {strides = array<i32>} : memref<320x128xf32, #tpu.memory_space<vmem>>, vector<16xf32>,
      %parallel_loop3A_1132 = arith.mulf %parallel_loop3A_1131, %parallel_loop3A_1079 : vector<16xf32>
      %parallel_loop3A_1133 = arith.index_cast %parallel_loop3A_1077 : i32 to index
      %parallel_loop3A_1134 = arith.constant 112 : index
      %parallel_loop3A_1135 = tpu.vector_load %arg10[%parallel_loop3A_1133, %parallel_loop3A_1134] {strides = array<i32>} : memref<320x128xf32, #tpu.memory_space<vmem>>, vector<16xf32>,
      tpu.vector_store %arg10[%parallel_loop3A_1133, %parallel_loop3A_1134], %parallel_loop3A_1132 {strides = array<i32>} : memref<320x128xf32, #tpu.memory_space<vmem>>, vector<16xf32>,
    } {sc.loop_unroll_factor = 4 : i64, sc.parallel_access}
    %mul3A_911 = arith.constant 80 : i32
    %mul3A_912 = arith.muli %rem3A_885, %mul3A_911 : i32
    %dma_start3A_913 = arith.constant 0 : i32
    %dma_start3A_914 = tpu.memref_slice %arg10[%mul3A_912, %dma_start3A_913] : memref<320x128xf32, #tpu.memory_space<vmem>> -> memref<80x128xf32, #tpu.memory_space<vmem>>
    %dma_start3A_915 = arith.constant 0 : i32
    %dma_start3A_916 = tpu.memref_slice %arg16[%rem3A_885, %dma_start3A_915] : memref<4x80xi32, #tpu.memory_space<vmem>> -> memref<1x80xi32, #tpu.memory_space<vmem>>
    %dma_start3A_917 = tpu.memref_squeeze %dma_start3A_916 : memref<1x80xi32, #tpu.memory_space<vmem>> -> memref<80xi32, #tpu.memory_space<vmem>>
    %dma_start3A_918 = arith.constant 0 : i32
    %dma_start3A_919 = arith.constant 0 : i32
    %dma_start3A_920 = tpu.memref_slice %arg8[%dma_start3A_918, %dma_start3A_919] : memref<10000x128xf32, #tpu.memory_space<vmem_shared>> -> memref<10000x128xf32, #tpu.memory_space<vmem_shared>>
    %dma_start3A_921 = tpu.memref_slice %arg21[%rem3A_885] : memref<4x!tpu.dma_semaphore, #tpu.memory_space<semaphore_mem>> -> memref<1x!tpu.dma_semaphore, #tpu.memory_space<semaphore_mem>>
    %dma_start3A_922 = tpu.memref_squeeze %dma_start3A_921 : memref<1x!tpu.dma_semaphore, #tpu.memory_space<semaphore_mem>> -> memref<!tpu.dma_semaphore, #tpu.memory_space<semaphore_mem>>
    tpu.enqueue_indirect_dma source(%dma_start3A_914 : memref<80x128xf32, #tpu.memory_space<vmem>>) target(%dma_start3A_920 : memref<10000x128xf32, #tpu.memory_space<vmem_shared>>) offsets(%dma_start3A_917 : memref<80xi32, #tpu.memory_space<vmem>>) semaphore(%dma_start3A_922 : memref<!tpu.dma_semaphore, #tpu.memory_space<semaphore_mem>>) {add = true}
    %scan3A_923 = arith.constant 0 : i32
    %scan3A_924 = arith.constant 121 : i32
    %scan3A_925 = arith.addi %scan3A_923, %scan3A_924 : i32
    %scan3A_926 = arith.constant 1 : i32
    scf.for %scan3A_1074 = %scan3A_923 to %scan3A_925 step %scan3A_926  : i32 {
      %mul3A_1075 = arith.constant 1 : i32
      %mul3A_1076 = arith.muli %scan3A_1074, %mul3A_1075 : i32
      %add3A_1077 = arith.constant 4 : i32
      %add3A_1078 = arith.addi %add3A_1077, %mul3A_1076 : i32
      %jit3A_1079 = arith.constant 5 : i32
      %div3A_1080 = arith.divsi %add3A_1078, %jit3A_1079 : i32
      %sign3A_1081 = arith.constant 0 : i32
      %sign3A_1082 = arith.cmpi sgt, %add3A_1078, %sign3A_1081 : i32
      %sign3A_1083 = arith.extui %sign3A_1082 : i1 to i32
      %sign3A_1084 = arith.constant 0 : i32
      %sign3A_1085 = arith.cmpi slt, %add3A_1078, %sign3A_1084 : i32
      %sign3A_1086 = arith.extui %sign3A_1085 : i1 to i32
      %sign3A_1087 = arith.subi %sign3A_1083, %sign3A_1086 : i32
      %sign3A_1088 = arith.constant 0 : i32
      %sign3A_1089 = arith.cmpi sgt, %jit3A_1079, %sign3A_1088 : i32
      %sign3A_1090 = arith.extui %sign3A_1089 : i1 to i32
      %sign3A_1091 = arith.constant 0 : i32
      %sign3A_1092 = arith.cmpi slt, %jit3A_1079, %sign3A_1091 : i32
      %sign3A_1093 = arith.extui %sign3A_1092 : i1 to i32
      %sign3A_1094 = arith.subi %sign3A_1090, %sign3A_1093 : i32
      %ne3A_1095 = arith.cmpi ne, %sign3A_1087, %sign3A_1094 : i32
      %rem3A_1096 = arith.remsi %add3A_1078, %jit3A_1079 : i32
      %ne3A_1097 = arith.constant 0 : i32
      %ne3A_1098 = arith.cmpi ne, %rem3A_1096, %ne3A_1097 : i32
      %and3A_1099 = arith.andi %ne3A_1095, %ne3A_1098 : i1
      %sub3A_1100 = arith.constant 1 : i32
      %sub3A_1101 = arith.subi %div3A_1080, %sub3A_1100 : i32
      %select_n3A_1102 = arith.select %and3A_1099, %sub3A_1101, %div3A_1080 : i32
      %rem3A_1103 = arith.constant 5 : i32
      %rem3A_1104 = arith.remsi %add3A_1078, %rem3A_1103 : i32
      %eq3A = arith.constant 0 : i32
      %eq3A_1105 = arith.cmpi eq, %rem3A_1104, %eq3A : i32
      %convert_element_type3A = arith.extui %eq3A_1105 : i1 to i32
      %cond3A = arith.constant 0 : i32
      %cond3A_1106 = arith.cmpi ne, %convert_element_type3A, %cond3A : i32
      scf.if %cond3A_1106 {
        %mul3A_1354 = arith.constant 400 : i32
        %mul3A_1355 = arith.muli %select_n3A_1102, %mul3A_1354 : i32
        %add3A_1356 = arith.addi %mul3A_19, %mul3A_1355 : i32
        %rem3A_1357 = arith.constant 2 : i32
        %rem3A_1358 = arith.remsi %select_n3A_1102, %rem3A_1357 : i32
        %mul3A_1359 = arith.constant 400 : i32
        %mul3A_1360 = arith.muli %rem3A_1358, %mul3A_1359 : i32
        %dma_wait3A_1361 = tpu.memref_slice %arg11[%mul3A_1360] : memref<800xi32, #tpu.memory_space<vmem>> -> memref<400xi32, #tpu.memory_space<vmem>>
        %dma_wait3A_1362 = tpu.memref_slice %arg3[%add3A_1356] : memref<320000xi32, #tpu.memory_space<hbm>> -> memref<400xi32, #tpu.memory_space<hbm>>
        %dma_wait3A_1363 = tpu.memref_slice %arg11[%mul3A_1360] : memref<800xi32, #tpu.memory_space<vmem>> -> memref<400xi32, #tpu.memory_space<vmem>>
        %dma_wait3A_1364 = tpu.memref_slice %arg3[%add3A_1356] : memref<320000xi32, #tpu.memory_space<hbm>> -> memref<400xi32, #tpu.memory_space<hbm>>
        tpu.wait_dma2 semaphore(%arg22 : memref<!tpu.dma_semaphore, #tpu.memory_space<semaphore_mem>>) src(%dma_wait3A_1364 : memref<400xi32, #tpu.memory_space<hbm>>) dst(%dma_wait3A_1363 : memref<400xi32, #tpu.memory_space<vmem>>)
        %dma_wait3A_1365 = tpu.memref_slice %arg12[%mul3A_1360] : memref<800xi32, #tpu.memory_space<vmem>> -> memref<400xi32, #tpu.memory_space<vmem>>
        %dma_wait3A_1366 = tpu.memref_slice %arg5[%add3A_1356] : memref<320000xi32, #tpu.memory_space<hbm>> -> memref<400xi32, #tpu.memory_space<hbm>>
        %dma_wait3A_1367 = tpu.memref_slice %arg12[%mul3A_1360] : memref<800xi32, #tpu.memory_space<vmem>> -> memref<400xi32, #tpu.memory_space<vmem>>
        %dma_wait3A_1368 = tpu.memref_slice %arg5[%add3A_1356] : memref<320000xi32, #tpu.memory_space<hbm>> -> memref<400xi32, #tpu.memory_space<hbm>>
        tpu.wait_dma2 semaphore(%arg22 : memref<!tpu.dma_semaphore, #tpu.memory_space<semaphore_mem>>) src(%dma_wait3A_1368 : memref<400xi32, #tpu.memory_space<hbm>>) dst(%dma_wait3A_1367 : memref<400xi32, #tpu.memory_space<vmem>>)
        %dma_wait3A_1369 = tpu.memref_slice %arg13[%mul3A_1360] : memref<800xi32, #tpu.memory_space<vmem>> -> memref<400xi32, #tpu.memory_space<vmem>>
        %dma_wait3A_1370 = tpu.memref_slice %arg4[%add3A_1356] : memref<320000xi32, #tpu.memory_space<hbm>> -> memref<400xi32, #tpu.memory_space<hbm>>
        %dma_wait3A_1371 = tpu.memref_slice %arg13[%mul3A_1360] : memref<800xi32, #tpu.memory_space<vmem>> -> memref<400xi32, #tpu.memory_space<vmem>>
        %dma_wait3A_1372 = tpu.memref_slice %arg4[%add3A_1356] : memref<320000xi32, #tpu.memory_space<hbm>> -> memref<400xi32, #tpu.memory_space<hbm>>
        tpu.wait_dma2 semaphore(%arg22 : memref<!tpu.dma_semaphore, #tpu.memory_space<semaphore_mem>>) src(%dma_wait3A_1372 : memref<400xi32, #tpu.memory_space<hbm>>) dst(%dma_wait3A_1371 : memref<400xi32, #tpu.memory_space<vmem>>)
        %lt3A = arith.constant 24 : i32
        %lt3A_1373 = arith.cmpi slt, %select_n3A_1102, %lt3A : i32
        %convert_element_type3A_1374 = arith.extui %lt3A_1373 : i1 to i32
        %cond3A_1375 = arith.constant 0 : i32
        %cond3A_1376 = arith.cmpi ne, %convert_element_type3A_1374, %cond3A_1375 : i32
        scf.if %cond3A_1376 {
          %add3A_1377 = arith.constant 1 : i32
          %add3A_1378 = arith.addi %select_n3A_1102, %add3A_1377 : i32
          %mul3A_1379 = arith.constant 400 : i32
          %mul3A_1380 = arith.muli %add3A_1378, %mul3A_1379 : i32
          %add3A_1381 = arith.addi %mul3A_19, %mul3A_1380 : i32
          %add3A_1382 = arith.constant 1 : i32
          %add3A_1383 = arith.addi %select_n3A_1102, %add3A_1382 : i32
          %rem3A_1384 = arith.constant 2 : i32
          %rem3A_1385 = arith.remsi %add3A_1383, %rem3A_1384 : i32
          %mul3A_1386 = arith.constant 400 : i32
          %mul3A_1387 = arith.muli %rem3A_1385, %mul3A_1386 : i32
          %dma_start3A_1388 = tpu.memref_slice %arg11[%mul3A_1387] : memref<800xi32, #tpu.memory_space<vmem>> -> memref<400xi32, #tpu.memory_space<vmem>>
          %dma_start3A_1389 = tpu.memref_slice %arg3[%add3A_1381] : memref<320000xi32, #tpu.memory_space<hbm>> -> memref<400xi32, #tpu.memory_space<hbm>>
          %dma_start3A_1390 = tpu.memref_slice %arg11[%mul3A_1387] : memref<800xi32, #tpu.memory_space<vmem>> -> memref<400xi32, #tpu.memory_space<vmem>>
          %dma_start3A_1391 = tpu.memref_slice %arg3[%add3A_1381] : memref<320000xi32, #tpu.memory_space<hbm>> -> memref<400xi32, #tpu.memory_space<hbm>>
          tpu.enqueue_dma source(%dma_start3A_1391 : memref<400xi32, #tpu.memory_space<hbm>>) target(%dma_start3A_1390 : memref<400xi32, #tpu.memory_space<vmem>>) target_semaphore(%arg22 : memref<!tpu.dma_semaphore, #tpu.memory_space<semaphore_mem>>)
          %dma_start3A_1392 = tpu.memref_slice %arg12[%mul3A_1387] : memref<800xi32, #tpu.memory_space<vmem>> -> memref<400xi32, #tpu.memory_space<vmem>>
          %dma_start3A_1393 = tpu.memref_slice %arg5[%add3A_1381] : memref<320000xi32, #tpu.memory_space<hbm>> -> memref<400xi32, #tpu.memory_space<hbm>>
          %dma_start3A_1394 = tpu.memref_slice %arg12[%mul3A_1387] : memref<800xi32, #tpu.memory_space<vmem>> -> memref<400xi32, #tpu.memory_space<vmem>>
          %dma_start3A_1395 = tpu.memref_slice %arg5[%add3A_1381] : memref<320000xi32, #tpu.memory_space<hbm>> -> memref<400xi32, #tpu.memory_space<hbm>>
          tpu.enqueue_dma source(%dma_start3A_1395 : memref<400xi32, #tpu.memory_space<hbm>>) target(%dma_start3A_1394 : memref<400xi32, #tpu.memory_space<vmem>>) target_semaphore(%arg22 : memref<!tpu.dma_semaphore, #tpu.memory_space<semaphore_mem>>)
          %dma_start3A_1396 = tpu.memref_slice %arg13[%mul3A_1387] : memref<800xi32, #tpu.memory_space<vmem>> -> memref<400xi32, #tpu.memory_space<vmem>>
          %dma_start3A_1397 = tpu.memref_slice %arg4[%add3A_1381] : memref<320000xi32, #tpu.memory_space<hbm>> -> memref<400xi32, #tpu.memory_space<hbm>>
          %dma_start3A_1398 = tpu.memref_slice %arg13[%mul3A_1387] : memref<800xi32, #tpu.memory_space<vmem>> -> memref<400xi32, #tpu.memory_space<vmem>>
          %dma_start3A_1399 = tpu.memref_slice %arg4[%add3A_1381] : memref<320000xi32, #tpu.memory_space<hbm>> -> memref<400xi32, #tpu.memory_space<hbm>>
          tpu.enqueue_dma source(%dma_start3A_1399 : memref<400xi32, #tpu.memory_space<hbm>>) target(%dma_start3A_1398 : memref<400xi32, #tpu.memory_space<vmem>>) target_semaphore(%arg22 : memref<!tpu.dma_semaphore, #tpu.memory_space<semaphore_mem>>)
        } else {
        }
      } else {
      }
      %rem3A_1107 = arith.constant 4 : i32
      %rem3A_1108 = arith.remsi %add3A_1078, %rem3A_1107 : i32
      %mul3A_1109 = arith.constant 80 : i32
      %mul3A_1110 = arith.muli %rem3A_1108, %mul3A_1109 : i32
      %dma_wait3A_1111 = arith.constant 0 : i32
      %dma_wait3A_1112 = tpu.memref_slice %arg10[%mul3A_1110, %dma_wait3A_1111] : memref<320x128xf32, #tpu.memory_space<vmem>> -> memref<80x128xf32, #tpu.memory_space<vmem>>
      %dma_wait3A_1113 = arith.constant 0 : i32
      %dma_wait3A_1114 = tpu.memref_slice %arg16[%rem3A_1108, %dma_wait3A_1113] : memref<4x80xi32, #tpu.memory_space<vmem>> -> memref<1x80xi32, #tpu.memory_space<vmem>>
      %dma_wait3A_1115 = tpu.memref_squeeze %dma_wait3A_1114 : memref<1x80xi32, #tpu.memory_space<vmem>> -> memref<80xi32, #tpu.memory_space<vmem>>
      %dma_wait3A_1116 = arith.constant 0 : i32
      %dma_wait3A_1117 = arith.constant 0 : i32
      %dma_wait3A_1118 = tpu.memref_slice %arg8[%dma_wait3A_1116, %dma_wait3A_1117] : memref<10000x128xf32, #tpu.memory_space<vmem_shared>> -> memref<10000x128xf32, #tpu.memory_space<vmem_shared>>
      %dma_wait3A_1119 = tpu.memref_slice %arg21[%rem3A_1108] : memref<4x!tpu.dma_semaphore, #tpu.memory_space<semaphore_mem>> -> memref<1x!tpu.dma_semaphore, #tpu.memory_space<semaphore_mem>>
      %dma_wait3A_1120 = tpu.memref_squeeze %dma_wait3A_1119 : memref<1x!tpu.dma_semaphore, #tpu.memory_space<semaphore_mem>> -> memref<!tpu.dma_semaphore, #tpu.memory_space<semaphore_mem>>
      tpu.wait_indirect_dma semaphore(%dma_wait3A_1120 : memref<!tpu.dma_semaphore, #tpu.memory_space<semaphore_mem>>) src(%dma_wait3A_1112 : memref<80x128xf32, #tpu.memory_space<vmem>>) dst(%dma_wait3A_1118 : memref<10000x128xf32, #tpu.memory_space<vmem_shared>>)
      %rem3A_1121 = arith.constant 4 : i32
      %rem3A_1122 = arith.remsi %add3A_1078, %rem3A_1121 : i32
      %jit3A_1123 = arith.constant 5 : i32
      %div3A_1124 = arith.divsi %add3A_1078, %jit3A_1123 : i32
      %sign3A_1125 = arith.constant 0 : i32
      %sign3A_1126 = arith.cmpi sgt, %add3A_1078, %sign3A_1125 : i32
      %sign3A_1127 = arith.extui %sign3A_1126 : i1 to i32
      %sign3A_1128 = arith.constant 0 : i32
      %sign3A_1129 = arith.cmpi slt, %add3A_1078, %sign3A_1128 : i32
      %sign3A_1130 = arith.extui %sign3A_1129 : i1 to i32
      %sign3A_1131 = arith.subi %sign3A_1127, %sign3A_1130 : i32
      %sign3A_1132 = arith.constant 0 : i32
      %sign3A_1133 = arith.cmpi sgt, %jit3A_1123, %sign3A_1132 : i32
      %sign3A_1134 = arith.extui %sign3A_1133 : i1 to i32
      %sign3A_1135 = arith.constant 0 : i32
      %sign3A_1136 = arith.cmpi slt, %jit3A_1123, %sign3A_1135 : i32
      %sign3A_1137 = arith.extui %sign3A_1136 : i1 to i32
      %sign3A_1138 = arith.subi %sign3A_1134, %sign3A_1137 : i32
      %ne3A_1139 = arith.cmpi ne, %sign3A_1131, %sign3A_1138 : i32
      %rem3A_1140 = arith.remsi %add3A_1078, %jit3A_1123 : i32
      %ne3A_1141 = arith.constant 0 : i32
      %ne3A_1142 = arith.cmpi ne, %rem3A_1140, %ne3A_1141 : i32
      %and3A_1143 = arith.andi %ne3A_1139, %ne3A_1142 : i1
      %sub3A_1144 = arith.constant 1 : i32
      %sub3A_1145 = arith.subi %div3A_1124, %sub3A_1144 : i32
      %select_n3A_1146 = arith.select %and3A_1143, %sub3A_1145, %div3A_1124 : i32
      %rem3A_1147 = arith.constant 2 : i32
      %rem3A_1148 = arith.remsi %select_n3A_1146, %rem3A_1147 : i32
      %mul3A_1149 = arith.constant 400 : i32
      %mul3A_1150 = arith.muli %rem3A_1148, %mul3A_1149 : i32
      %rem3A_1151 = arith.constant 5 : i32
      %rem3A_1152 = arith.remsi %add3A_1078, %rem3A_1151 : i32
      %mul3A_1153 = arith.constant 80 : i32
      %mul3A_1154 = arith.muli %rem3A_1152, %mul3A_1153 : i32
      %add3A_1155 = arith.addi %mul3A_1150, %mul3A_1154 : i32
      %add3A_1156 = arith.constant 0 : i32
      %add3A_1157 = arith.addi %add3A_1155, %add3A_1156 : i32
      %get3A_1158 = arith.index_cast %add3A_1157 : i32 to index
      %get3A_1159 = tpu.vector_load %arg12[%get3A_1158] {strides = array<i32>} : memref<800xi32, #tpu.memory_space<vmem>>, vector<16xi32>,
      %mul3A_1160 = arith.constant 10000 : i32
      %mul3A_1161 = vector.broadcast %mul3A_1160 : i32 to vector<16xi32>
      %mul3A_1162 = arith.muli %get3A_1159, %mul3A_1161 : vector<16xi32>
      %get3A_1163 = arith.index_cast %add3A_1157 : i32 to index
      %get3A_1164 = tpu.vector_load %arg11[%get3A_1163] {strides = array<i32>} : memref<800xi32, #tpu.memory_space<vmem>>, vector<16xi32>,
      %add3A_1165 = arith.addi %mul3A_1162, %get3A_1164 : vector<16xi32>
      %swap3A_1166 = arith.index_cast %rem3A_1122 : i32 to index
      %swap3A_1167 = arith.constant 0 : index
      %swap3A_1168 = tpu.vector_load %arg14[%swap3A_1166, %swap3A_1167] {strides = array<i32>} : memref<4x80xi32, #tpu.memory_space<vmem>>, vector<16xi32>,
      tpu.vector_store %arg14[%swap3A_1166, %swap3A_1167], %add3A_1165 {strides = array<i32>} : memref<4x80xi32, #tpu.memory_space<vmem>>, vector<16xi32>,
      %mul3A_1169 = arith.constant 10000 : i32
      %mul3A_1170 = vector.broadcast %mul3A_1169 : i32 to vector<16xi32>
      %mul3A_1171 = arith.muli %get3A_1159, %mul3A_1170 : vector<16xi32>
      %get3A_1172 = arith.index_cast %add3A_1157 : i32 to index
      %get3A_1173 = tpu.vector_load %arg13[%get3A_1172] {strides = array<i32>} : memref<800xi32, #tpu.memory_space<vmem>>, vector<16xi32>,
      %add3A_1174 = arith.addi %mul3A_1171, %get3A_1173 : vector<16xi32>
      %swap3A_1175 = arith.index_cast %rem3A_1122 : i32 to index
      %swap3A_1176 = arith.constant 0 : index
      %swap3A_1177 = tpu.vector_load %arg15[%swap3A_1175, %swap3A_1176] {strides = array<i32>} : memref<4x80xi32, #tpu.memory_space<vmem>>, vector<16xi32>,
      tpu.vector_store %arg15[%swap3A_1175, %swap3A_1176], %add3A_1174 {strides = array<i32>} : memref<4x80xi32, #tpu.memory_space<vmem>>, vector<16xi32>,
      %get3A_1178 = arith.index_cast %add3A_1157 : i32 to index
      %get3A_1179 = tpu.vector_load %arg13[%get3A_1178] {strides = array<i32>} : memref<800xi32, #tpu.memory_space<vmem>>, vector<16xi32>,
      %swap3A_1180 = arith.index_cast %rem3A_1122 : i32 to index
      %swap3A_1181 = arith.constant 0 : index
      %swap3A_1182 = tpu.vector_load %arg16[%swap3A_1180, %swap3A_1181] {strides = array<i32>} : memref<4x80xi32, #tpu.memory_space<vmem>>, vector<16xi32>,
      tpu.vector_store %arg16[%swap3A_1180, %swap3A_1181], %get3A_1179 {strides = array<i32>} : memref<4x80xi32, #tpu.memory_space<vmem>>, vector<16xi32>,
      %add3A_1183 = arith.constant 16 : i32
      %add3A_1184 = arith.addi %add3A_1155, %add3A_1183 : i32
      %get3A_1185 = arith.index_cast %add3A_1184 : i32 to index
      %get3A_1186 = tpu.vector_load %arg12[%get3A_1185] {strides = array<i32>} : memref<800xi32, #tpu.memory_space<vmem>>, vector<16xi32>,
      %mul3A_1187 = arith.constant 10000 : i32
      %mul3A_1188 = vector.broadcast %mul3A_1187 : i32 to vector<16xi32>
      %mul3A_1189 = arith.muli %get3A_1186, %mul3A_1188 : vector<16xi32>
      %get3A_1190 = arith.index_cast %add3A_1184 : i32 to index
      %get3A_1191 = tpu.vector_load %arg11[%get3A_1190] {strides = array<i32>} : memref<800xi32, #tpu.memory_space<vmem>>, vector<16xi32>,
      %add3A_1192 = arith.addi %mul3A_1189, %get3A_1191 : vector<16xi32>
      %swap3A_1193 = arith.index_cast %rem3A_1122 : i32 to index
      %swap3A_1194 = arith.constant 16 : index
      %swap3A_1195 = tpu.vector_load %arg14[%swap3A_1193, %swap3A_1194] {strides = array<i32>} : memref<4x80xi32, #tpu.memory_space<vmem>>, vector<16xi32>,
      tpu.vector_store %arg14[%swap3A_1193, %swap3A_1194], %add3A_1192 {strides = array<i32>} : memref<4x80xi32, #tpu.memory_space<vmem>>, vector<16xi32>,
      %mul3A_1196 = arith.constant 10000 : i32
      %mul3A_1197 = vector.broadcast %mul3A_1196 : i32 to vector<16xi32>
      %mul3A_1198 = arith.muli %get3A_1186, %mul3A_1197 : vector<16xi32>
      %get3A_1199 = arith.index_cast %add3A_1184 : i32 to index
      %get3A_1200 = tpu.vector_load %arg13[%get3A_1199] {strides = array<i32>} : memref<800xi32, #tpu.memory_space<vmem>>, vector<16xi32>,
      %add3A_1201 = arith.addi %mul3A_1198, %get3A_1200 : vector<16xi32>
      %swap3A_1202 = arith.index_cast %rem3A_1122 : i32 to index
      %swap3A_1203 = arith.constant 16 : index
      %swap3A_1204 = tpu.vector_load %arg15[%swap3A_1202, %swap3A_1203] {strides = array<i32>} : memref<4x80xi32, #tpu.memory_space<vmem>>, vector<16xi32>,
      tpu.vector_store %arg15[%swap3A_1202, %swap3A_1203], %add3A_1201 {strides = array<i32>} : memref<4x80xi32, #tpu.memory_space<vmem>>, vector<16xi32>,
      %get3A_1205 = arith.index_cast %add3A_1184 : i32 to index
      %get3A_1206 = tpu.vector_load %arg13[%get3A_1205] {strides = array<i32>} : memref<800xi32, #tpu.memory_space<vmem>>, vector<16xi32>,
      %swap3A_1207 = arith.index_cast %rem3A_1122 : i32 to index
      %swap3A_1208 = arith.constant 16 : index
      %swap3A_1209 = tpu.vector_load %arg16[%swap3A_1207, %swap3A_1208] {strides = array<i32>} : memref<4x80xi32, #tpu.memory_space<vmem>>, vector<16xi32>,
      tpu.vector_store %arg16[%swap3A_1207, %swap3A_1208], %get3A_1206 {strides = array<i32>} : memref<4x80xi32, #tpu.memory_space<vmem>>, vector<16xi32>,
      %add3A_1210 = arith.constant 32 : i32
      %add3A_1211 = arith.addi %add3A_1155, %add3A_1210 : i32
      %get3A_1212 = arith.index_cast %add3A_1211 : i32 to index
      %get3A_1213 = tpu.vector_load %arg12[%get3A_1212] {strides = array<i32>} : memref<800xi32, #tpu.memory_space<vmem>>, vector<16xi32>,
      %mul3A_1214 = arith.constant 10000 : i32
      %mul3A_1215 = vector.broadcast %mul3A_1214 : i32 to vector<16xi32>
      %mul3A_1216 = arith.muli %get3A_1213, %mul3A_1215 : vector<16xi32>
      %get3A_1217 = arith.index_cast %add3A_1211 : i32 to index
      %get3A_1218 = tpu.vector_load %arg11[%get3A_1217] {strides = array<i32>} : memref<800xi32, #tpu.memory_space<vmem>>, vector<16xi32>,
      %add3A_1219 = arith.addi %mul3A_1216, %get3A_1218 : vector<16xi32>
      %swap3A_1220 = arith.index_cast %rem3A_1122 : i32 to index
      %swap3A_1221 = arith.constant 32 : index
      %swap3A_1222 = tpu.vector_load %arg14[%swap3A_1220, %swap3A_1221] {strides = array<i32>} : memref<4x80xi32, #tpu.memory_space<vmem>>, vector<16xi32>,
      tpu.vector_store %arg14[%swap3A_1220, %swap3A_1221], %add3A_1219 {strides = array<i32>} : memref<4x80xi32, #tpu.memory_space<vmem>>, vector<16xi32>,
      %mul3A_1223 = arith.constant 10000 : i32
      %mul3A_1224 = vector.broadcast %mul3A_1223 : i32 to vector<16xi32>
      %mul3A_1225 = arith.muli %get3A_1213, %mul3A_1224 : vector<16xi32>
      %get3A_1226 = arith.index_cast %add3A_1211 : i32 to index
      %get3A_1227 = tpu.vector_load %arg13[%get3A_1226] {strides = array<i32>} : memref<800xi32, #tpu.memory_space<vmem>>, vector<16xi32>,
      %add3A_1228 = arith.addi %mul3A_1225, %get3A_1227 : vector<16xi32>
      %swap3A_1229 = arith.index_cast %rem3A_1122 : i32 to index
      %swap3A_1230 = arith.constant 32 : index
      %swap3A_1231 = tpu.vector_load %arg15[%swap3A_1229, %swap3A_1230] {strides = array<i32>} : memref<4x80xi32, #tpu.memory_space<vmem>>, vector<16xi32>,
      tpu.vector_store %arg15[%swap3A_1229, %swap3A_1230], %add3A_1228 {strides = array<i32>} : memref<4x80xi32, #tpu.memory_space<vmem>>, vector<16xi32>,
      %get3A_1232 = arith.index_cast %add3A_1211 : i32 to index
      %get3A_1233 = tpu.vector_load %arg13[%get3A_1232] {strides = array<i32>} : memref<800xi32, #tpu.memory_space<vmem>>, vector<16xi32>,
      %swap3A_1234 = arith.index_cast %rem3A_1122 : i32 to index
      %swap3A_1235 = arith.constant 32 : index
      %swap3A_1236 = tpu.vector_load %arg16[%swap3A_1234, %swap3A_1235] {strides = array<i32>} : memref<4x80xi32, #tpu.memory_space<vmem>>, vector<16xi32>,
      tpu.vector_store %arg16[%swap3A_1234, %swap3A_1235], %get3A_1233 {strides = array<i32>} : memref<4x80xi32, #tpu.memory_space<vmem>>, vector<16xi32>,
      %add3A_1237 = arith.constant 48 : i32
      %add3A_1238 = arith.addi %add3A_1155, %add3A_1237 : i32
      %get3A_1239 = arith.index_cast %add3A_1238 : i32 to index
      %get3A_1240 = tpu.vector_load %arg12[%get3A_1239] {strides = array<i32>} : memref<800xi32, #tpu.memory_space<vmem>>, vector<16xi32>,
      %mul3A_1241 = arith.constant 10000 : i32
      %mul3A_1242 = vector.broadcast %mul3A_1241 : i32 to vector<16xi32>
      %mul3A_1243 = arith.muli %get3A_1240, %mul3A_1242 : vector<16xi32>
      %get3A_1244 = arith.index_cast %add3A_1238 : i32 to index
      %get3A_1245 = tpu.vector_load %arg11[%get3A_1244] {strides = array<i32>} : memref<800xi32, #tpu.memory_space<vmem>>, vector<16xi32>,
      %add3A_1246 = arith.addi %mul3A_1243, %get3A_1245 : vector<16xi32>
      %swap3A_1247 = arith.index_cast %rem3A_1122 : i32 to index
      %swap3A_1248 = arith.constant 48 : index
      %swap3A_1249 = tpu.vector_load %arg14[%swap3A_1247, %swap3A_1248] {strides = array<i32>} : memref<4x80xi32, #tpu.memory_space<vmem>>, vector<16xi32>,
      tpu.vector_store %arg14[%swap3A_1247, %swap3A_1248], %add3A_1246 {strides = array<i32>} : memref<4x80xi32, #tpu.memory_space<vmem>>, vector<16xi32>,
      %mul3A_1250 = arith.constant 10000 : i32
      %mul3A_1251 = vector.broadcast %mul3A_1250 : i32 to vector<16xi32>
      %mul3A_1252 = arith.muli %get3A_1240, %mul3A_1251 : vector<16xi32>
      %get3A_1253 = arith.index_cast %add3A_1238 : i32 to index
      %get3A_1254 = tpu.vector_load %arg13[%get3A_1253] {strides = array<i32>} : memref<800xi32, #tpu.memory_space<vmem>>, vector<16xi32>,
      %add3A_1255 = arith.addi %mul3A_1252, %get3A_1254 : vector<16xi32>
      %swap3A_1256 = arith.index_cast %rem3A_1122 : i32 to index
      %swap3A_1257 = arith.constant 48 : index
      %swap3A_1258 = tpu.vector_load %arg15[%swap3A_1256, %swap3A_1257] {strides = array<i32>} : memref<4x80xi32, #tpu.memory_space<vmem>>, vector<16xi32>,
      tpu.vector_store %arg15[%swap3A_1256, %swap3A_1257], %add3A_1255 {strides = array<i32>} : memref<4x80xi32, #tpu.memory_space<vmem>>, vector<16xi32>,
      %get3A_1259 = arith.index_cast %add3A_1238 : i32 to index
      %get3A_1260 = tpu.vector_load %arg13[%get3A_1259] {strides = array<i32>} : memref<800xi32, #tpu.memory_space<vmem>>, vector<16xi32>,
      %swap3A_1261 = arith.index_cast %rem3A_1122 : i32 to index
      %swap3A_1262 = arith.constant 48 : index
      %swap3A_1263 = tpu.vector_load %arg16[%swap3A_1261, %swap3A_1262] {strides = array<i32>} : memref<4x80xi32, #tpu.memory_space<vmem>>, vector<16xi32>,
      tpu.vector_store %arg16[%swap3A_1261, %swap3A_1262], %get3A_1260 {strides = array<i32>} : memref<4x80xi32, #tpu.memory_space<vmem>>, vector<16xi32>,
      %add3A_1264 = arith.constant 64 : i32
      %add3A_1265 = arith.addi %add3A_1155, %add3A_1264 : i32
      %get3A_1266 = arith.index_cast %add3A_1265 : i32 to index
      %get3A_1267 = tpu.vector_load %arg12[%get3A_1266] {strides = array<i32>} : memref<800xi32, #tpu.memory_space<vmem>>, vector<16xi32>,
      %mul3A_1268 = arith.constant 10000 : i32
      %mul3A_1269 = vector.broadcast %mul3A_1268 : i32 to vector<16xi32>
      %mul3A_1270 = arith.muli %get3A_1267, %mul3A_1269 : vector<16xi32>
      %get3A_1271 = arith.index_cast %add3A_1265 : i32 to index
      %get3A_1272 = tpu.vector_load %arg11[%get3A_1271] {strides = array<i32>} : memref<800xi32, #tpu.memory_space<vmem>>, vector<16xi32>,
      %add3A_1273 = arith.addi %mul3A_1270, %get3A_1272 : vector<16xi32>
      %swap3A_1274 = arith.index_cast %rem3A_1122 : i32 to index
      %swap3A_1275 = arith.constant 64 : index
      %swap3A_1276 = tpu.vector_load %arg14[%swap3A_1274, %swap3A_1275] {strides = array<i32>} : memref<4x80xi32, #tpu.memory_space<vmem>>, vector<16xi32>,
      tpu.vector_store %arg14[%swap3A_1274, %swap3A_1275], %add3A_1273 {strides = array<i32>} : memref<4x80xi32, #tpu.memory_space<vmem>>, vector<16xi32>,
      %mul3A_1277 = arith.constant 10000 : i32
      %mul3A_1278 = vector.broadcast %mul3A_1277 : i32 to vector<16xi32>
      %mul3A_1279 = arith.muli %get3A_1267, %mul3A_1278 : vector<16xi32>
      %get3A_1280 = arith.index_cast %add3A_1265 : i32 to index
      %get3A_1281 = tpu.vector_load %arg13[%get3A_1280] {strides = array<i32>} : memref<800xi32, #tpu.memory_space<vmem>>, vector<16xi32>,
      %add3A_1282 = arith.addi %mul3A_1279, %get3A_1281 : vector<16xi32>
      %swap3A_1283 = arith.index_cast %rem3A_1122 : i32 to index
      %swap3A_1284 = arith.constant 64 : index
      %swap3A_1285 = tpu.vector_load %arg15[%swap3A_1283, %swap3A_1284] {strides = array<i32>} : memref<4x80xi32, #tpu.memory_space<vmem>>, vector<16xi32>,
      tpu.vector_store %arg15[%swap3A_1283, %swap3A_1284], %add3A_1282 {strides = array<i32>} : memref<4x80xi32, #tpu.memory_space<vmem>>, vector<16xi32>,
      %get3A_1286 = arith.index_cast %add3A_1265 : i32 to index
      %get3A_1287 = tpu.vector_load %arg13[%get3A_1286] {strides = array<i32>} : memref<800xi32, #tpu.memory_space<vmem>>, vector<16xi32>,
      %swap3A_1288 = arith.index_cast %rem3A_1122 : i32 to index
      %swap3A_1289 = arith.constant 64 : index
      %swap3A_1290 = tpu.vector_load %arg16[%swap3A_1288, %swap3A_1289] {strides = array<i32>} : memref<4x80xi32, #tpu.memory_space<vmem>>, vector<16xi32>,
      tpu.vector_store %arg16[%swap3A_1288, %swap3A_1289], %get3A_1287 {strides = array<i32>} : memref<4x80xi32, #tpu.memory_space<vmem>>, vector<16xi32>,
      %mul3A_1291 = arith.constant 80 : i32
      %mul3A_1292 = arith.muli %rem3A_1122, %mul3A_1291 : i32
      %dma_start3A_1293 = arith.constant 0 : i32
      %dma_start3A_1294 = tpu.memref_slice %arg10[%mul3A_1292, %dma_start3A_1293] : memref<320x128xf32, #tpu.memory_space<vmem>> -> memref<80x128xf32, #tpu.memory_space<vmem>>
      %dma_start3A_1295 = arith.constant 0 : i32
      %dma_start3A_1296 = tpu.memref_slice %arg14[%rem3A_1122, %dma_start3A_1295] : memref<4x80xi32, #tpu.memory_space<vmem>> -> memref<1x80xi32, #tpu.memory_space<vmem>>
      %dma_start3A_1297 = tpu.memref_squeeze %dma_start3A_1296 : memref<1x80xi32, #tpu.memory_space<vmem>> -> memref<80xi32, #tpu.memory_space<vmem>>
      %dma_start3A_1298 = arith.constant 0 : i32
      %dma_start3A_1299 = arith.constant 0 : i32
      %dma_start3A_1300 = tpu.memref_slice %arg2[%dma_start3A_1298, %dma_start3A_1299] : memref<50000x128xf32, #tpu.memory_space<hbm>> -> memref<50000x128xf32, #tpu.memory_space<hbm>>
      %dma_start3A_1301 = tpu.memref_slice %arg19[%rem3A_1122] : memref<4x!tpu.dma_semaphore, #tpu.memory_space<semaphore_mem>> -> memref<1x!tpu.dma_semaphore, #tpu.memory_space<semaphore_mem>>
      %dma_start3A_1302 = tpu.memref_squeeze %dma_start3A_1301 : memref<1x!tpu.dma_semaphore, #tpu.memory_space<semaphore_mem>> -> memref<!tpu.dma_semaphore, #tpu.memory_space<semaphore_mem>>
      tpu.enqueue_indirect_dma source(%dma_start3A_1300 : memref<50000x128xf32, #tpu.memory_space<hbm>>) target(%dma_start3A_1294 : memref<80x128xf32, #tpu.memory_space<vmem>>) offsets(%dma_start3A_1297 : memref<80xi32, #tpu.memory_space<vmem>>) semaphore(%dma_start3A_1302 : memref<!tpu.dma_semaphore, #tpu.memory_space<semaphore_mem>>)
      %mul3A_1303 = arith.constant 80 : i32
      %mul3A_1304 = arith.muli %rem3A_1122, %mul3A_1303 : i32
      %dma_start3A_1305 = tpu.memref_slice %arg17[%mul3A_1304] : memref<320xf32, #tpu.memory_space<vmem>> -> memref<80xf32, #tpu.memory_space<vmem>>
      %dma_start3A_1306 = arith.constant 0 : i32
      %dma_start3A_1307 = tpu.memref_slice %arg15[%rem3A_1122, %dma_start3A_1306] : memref<4x80xi32, #tpu.memory_space<vmem>> -> memref<1x80xi32, #tpu.memory_space<vmem>>
      %dma_start3A_1308 = tpu.memref_squeeze %dma_start3A_1307 : memref<1x80xi32, #tpu.memory_space<vmem>> -> memref<80xi32, #tpu.memory_space<vmem>>
      %dma_start3A_1309 = arith.constant 0 : i32
      %dma_start3A_1310 = tpu.memref_slice %arg9[%dma_start3A_1309] : memref<40960xf32, #tpu.memory_space<vmem_shared>> -> memref<40960xf32, #tpu.memory_space<vmem_shared>>
      %dma_start3A_1311 = tpu.memref_slice %arg20[%rem3A_1122] : memref<4x!tpu.dma_semaphore, #tpu.memory_space<semaphore_mem>> -> memref<1x!tpu.dma_semaphore, #tpu.memory_space<semaphore_mem>>
      %dma_start3A_1312 = tpu.memref_squeeze %dma_start3A_1311 : memref<1x!tpu.dma_semaphore, #tpu.memory_space<semaphore_mem>> -> memref<!tpu.dma_semaphore, #tpu.memory_space<semaphore_mem>>
      tpu.enqueue_indirect_dma source(%dma_start3A_1310 : memref<40960xf32, #tpu.memory_space<vmem_shared>>) target(%dma_start3A_1305 : memref<80xf32, #tpu.memory_space<vmem>>) offsets(%dma_start3A_1308 : memref<80xi32, #tpu.memory_space<vmem>>) semaphore(%dma_start3A_1312 : memref<!tpu.dma_semaphore, #tpu.memory_space<semaphore_mem>>)
      %sub3A_1313 = arith.constant 2 : i32
      %sub3A_1314 = arith.subi %add3A_1078, %sub3A_1313 : i32
      %rem3A_1315 = arith.constant 4 : i32
      %rem3A_1316 = arith.remsi %sub3A_1314, %rem3A_1315 : i32
      %mul3A_1317 = arith.constant 80 : i32
      %mul3A_1318 = arith.muli %rem3A_1316, %mul3A_1317 : i32
      %dma_wait3A_1319 = arith.constant 0 : i32
      %dma_wait3A_1320 = tpu.memref_slice %arg10[%mul3A_1318, %dma_wait3A_1319] : memref<320x128xf32, #tpu.memory_space<vmem>> -> memref<80x128xf32, #tpu.memory_space<vmem>>
      %dma_wait3A_1321 = arith.constant 0 : i32
      %dma_wait3A_1322 = tpu.memref_slice %arg14[%rem3A_1316, %dma_wait3A_1321] : memref<4x80xi32, #tpu.memory_space<vmem>> -> memref<1x80xi32, #tpu.memory_space<vmem>>
      %dma_wait3A_1323 = tpu.memref_squeeze %dma_wait3A_1322 : memref<1x80xi32, #tpu.memory_space<vmem>> -> memref<80xi32, #tpu.memory_space<vmem>>
      %dma_wait3A_1324 = arith.constant 0 : i32
      %dma_wait3A_1325 = arith.constant 0 : i32
      %dma_wait3A_1326 = tpu.memref_slice %arg2[%dma_wait3A_1324, %dma_wait3A_1325] : memref<50000x128xf32, #tpu.memory_space<hbm>> -> memref<50000x128xf32, #tpu.memory_space<hbm>>
      %dma_wait3A_1327 = tpu.memref_slice %arg19[%rem3A_1316] : memref<4x!tpu.dma_semaphore, #tpu.memory_space<semaphore_mem>> -> memref<1x!tpu.dma_semaphore, #tpu.memory_space<semaphore_mem>>
      %dma_wait3A_1328 = tpu.memref_squeeze %dma_wait3A_1327 : memref<1x!tpu.dma_semaphore, #tpu.memory_space<semaphore_mem>> -> memref<!tpu.dma_semaphore, #tpu.memory_space<semaphore_mem>>
      tpu.wait_indirect_dma semaphore(%dma_wait3A_1328 : memref<!tpu.dma_semaphore, #tpu.memory_space<semaphore_mem>>) src(%dma_wait3A_1326 : memref<50000x128xf32, #tpu.memory_space<hbm>>) dst(%dma_wait3A_1320 : memref<80x128xf32, #tpu.memory_space<vmem>>)
      %mul3A_1329 = arith.constant 80 : i32
      %mul3A_1330 = arith.muli %rem3A_1316, %mul3A_1329 : i32
      %dma_wait3A_1331 = tpu.memref_slice %arg17[%mul3A_1330] : memref<320xf32, #tpu.memory_space<vmem>> -> memref<80xf32, #tpu.memory_space<vmem>>
      %dma_wait3A_1332 = arith.constant 0 : i32
      %dma_wait3A_1333 = tpu.memref_slice %arg15[%rem3A_1316, %dma_wait3A_1332] : memref<4x80xi32, #tpu.memory_space<vmem>> -> memref<1x80xi32, #tpu.memory_space<vmem>>
      %dma_wait3A_1334 = tpu.memref_squeeze %dma_wait3A_1333 : memref<1x80xi32, #tpu.memory_space<vmem>> -> memref<80xi32, #tpu.memory_space<vmem>>
      %dma_wait3A_1335 = arith.constant 0 : i32
      %dma_wait3A_1336 = tpu.memref_slice %arg9[%dma_wait3A_1335] : memref<40960xf32, #tpu.memory_space<vmem_shared>> -> memref<40960xf32, #tpu.memory_space<vmem_shared>>
      %dma_wait3A_1337 = tpu.memref_slice %arg20[%rem3A_1316] : memref<4x!tpu.dma_semaphore, #tpu.memory_space<semaphore_mem>> -> memref<1x!tpu.dma_semaphore, #tpu.memory_space<semaphore_mem>>
      %dma_wait3A_1338 = tpu.memref_squeeze %dma_wait3A_1337 : memref<1x!tpu.dma_semaphore, #tpu.memory_space<semaphore_mem>> -> memref<!tpu.dma_semaphore, #tpu.memory_space<semaphore_mem>>
      tpu.wait_indirect_dma semaphore(%dma_wait3A_1338 : memref<!tpu.dma_semaphore, #tpu.memory_space<semaphore_mem>>) src(%dma_wait3A_1336 : memref<40960xf32, #tpu.memory_space<vmem_shared>>) dst(%dma_wait3A_1331 : memref<80xf32, #tpu.memory_space<vmem>>)
      %parallel_loop3A_1339 = arith.constant 0 : i32
      %parallel_loop3A_1340 = arith.constant 80 : i32
      %parallel_loop3A_1341 = arith.constant 1 : i32
      scf.for %parallel_loop3A_1354 = %parallel_loop3A_1339 to %parallel_loop3A_1340 step %parallel_loop3A_1341  : i32 {
        %parallel_loop3A_1355 = arith.constant 80 : i32
        %parallel_loop3A_1356 = arith.muli %rem3A_1316, %parallel_loop3A_1355 : i32
        %parallel_loop3A_1357 = arith.addi %parallel_loop3A_1356, %parallel_loop3A_1354 : i32
        %parallel_loop3A_1358 = vector.broadcast %parallel_loop3A_1357 : i32 to vector<16xi32>
        %parallel_loop3A_1359 = tpu.vector_load_idx %arg17[%parallel_loop3A_1358] : memref<320xf32, #tpu.memory_space<vmem>>[vector<16xi32>], vector<16xf32>,
        %parallel_loop3A_1360 = arith.index_cast %parallel_loop3A_1357 : i32 to index
        %parallel_loop3A_1361 = arith.constant 0 : index
        %parallel_loop3A_1362 = tpu.vector_load %arg10[%parallel_loop3A_1360, %parallel_loop3A_1361] {strides = array<i32>} : memref<320x128xf32, #tpu.memory_space<vmem>>, vector<16xf32>,
        %parallel_loop3A_1363 = arith.mulf %parallel_loop3A_1362, %parallel_loop3A_1359 : vector<16xf32>
        %parallel_loop3A_1364 = arith.index_cast %parallel_loop3A_1357 : i32 to index
        %parallel_loop3A_1365 = arith.constant 0 : index
        %parallel_loop3A_1366 = tpu.vector_load %arg10[%parallel_loop3A_1364, %parallel_loop3A_1365] {strides = array<i32>} : memref<320x128xf32, #tpu.memory_space<vmem>>, vector<16xf32>,
        tpu.vector_store %arg10[%parallel_loop3A_1364, %parallel_loop3A_1365], %parallel_loop3A_1363 {strides = array<i32>} : memref<320x128xf32, #tpu.memory_space<vmem>>, vector<16xf32>,
        %parallel_loop3A_1367 = arith.index_cast %parallel_loop3A_1357 : i32 to index
        %parallel_loop3A_1368 = arith.constant 16 : index
        %parallel_loop3A_1369 = tpu.vector_load %arg10[%parallel_loop3A_1367, %parallel_loop3A_1368] {strides = array<i32>} : memref<320x128xf32, #tpu.memory_space<vmem>>, vector<16xf32>,
        %parallel_loop3A_1370 = arith.mulf %parallel_loop3A_1369, %parallel_loop3A_1359 : vector<16xf32>
        %parallel_loop3A_1371 = arith.index_cast %parallel_loop3A_1357 : i32 to index
        %parallel_loop3A_1372 = arith.constant 16 : index
        %parallel_loop3A_1373 = tpu.vector_load %arg10[%parallel_loop3A_1371, %parallel_loop3A_1372] {strides = array<i32>} : memref<320x128xf32, #tpu.memory_space<vmem>>, vector<16xf32>,
        tpu.vector_store %arg10[%parallel_loop3A_1371, %parallel_loop3A_1372], %parallel_loop3A_1370 {strides = array<i32>} : memref<320x128xf32, #tpu.memory_space<vmem>>, vector<16xf32>,
        %parallel_loop3A_1374 = arith.index_cast %parallel_loop3A_1357 : i32 to index
        %parallel_loop3A_1375 = arith.constant 32 : index
        %parallel_loop3A_1376 = tpu.vector_load %arg10[%parallel_loop3A_1374, %parallel_loop3A_1375] {strides = array<i32>} : memref<320x128xf32, #tpu.memory_space<vmem>>, vector<16xf32>,
        %parallel_loop3A_1377 = arith.mulf %parallel_loop3A_1376, %parallel_loop3A_1359 : vector<16xf32>
        %parallel_loop3A_1378 = arith.index_cast %parallel_loop3A_1357 : i32 to index
        %parallel_loop3A_1379 = arith.constant 32 : index
        %parallel_loop3A_1380 = tpu.vector_load %arg10[%parallel_loop3A_1378, %parallel_loop3A_1379] {strides = array<i32>} : memref<320x128xf32, #tpu.memory_space<vmem>>, vector<16xf32>,
        tpu.vector_store %arg10[%parallel_loop3A_1378, %parallel_loop3A_1379], %parallel_loop3A_1377 {strides = array<i32>} : memref<320x128xf32, #tpu.memory_space<vmem>>, vector<16xf32>,
        %parallel_loop3A_1381 = arith.index_cast %parallel_loop3A_1357 : i32 to index
        %parallel_loop3A_1382 = arith.constant 48 : index
        %parallel_loop3A_1383 = tpu.vector_load %arg10[%parallel_loop3A_1381, %parallel_loop3A_1382] {strides = array<i32>} : memref<320x128xf32, #tpu.memory_space<vmem>>, vector<16xf32>,
        %parallel_loop3A_1384 = arith.mulf %parallel_loop3A_1383, %parallel_loop3A_1359 : vector<16xf32>
        %parallel_loop3A_1385 = arith.index_cast %parallel_loop3A_1357 : i32 to index
        %parallel_loop3A_1386 = arith.constant 48 : index
        %parallel_loop3A_1387 = tpu.vector_load %arg10[%parallel_loop3A_1385, %parallel_loop3A_1386] {strides = array<i32>} : memref<320x128xf32, #tpu.memory_space<vmem>>, vector<16xf32>,
        tpu.vector_store %arg10[%parallel_loop3A_1385, %parallel_loop3A_1386], %parallel_loop3A_1384 {strides = array<i32>} : memref<320x128xf32, #tpu.memory_space<vmem>>, vector<16xf32>,
        %parallel_loop3A_1388 = arith.index_cast %parallel_loop3A_1357 : i32 to index
        %parallel_loop3A_1389 = arith.constant 64 : index
        %parallel_loop3A_1390 = tpu.vector_load %arg10[%parallel_loop3A_1388, %parallel_loop3A_1389] {strides = array<i32>} : memref<320x128xf32, #tpu.memory_space<vmem>>, vector<16xf32>,
        %parallel_loop3A_1391 = arith.mulf %parallel_loop3A_1390, %parallel_loop3A_1359 : vector<16xf32>
        %parallel_loop3A_1392 = arith.index_cast %parallel_loop3A_1357 : i32 to index
        %parallel_loop3A_1393 = arith.constant 64 : index
        %parallel_loop3A_1394 = tpu.vector_load %arg10[%parallel_loop3A_1392, %parallel_loop3A_1393] {strides = array<i32>} : memref<320x128xf32, #tpu.memory_space<vmem>>, vector<16xf32>,
        tpu.vector_store %arg10[%parallel_loop3A_1392, %parallel_loop3A_1393], %parallel_loop3A_1391 {strides = array<i32>} : memref<320x128xf32, #tpu.memory_space<vmem>>, vector<16xf32>,
        %parallel_loop3A_1395 = arith.index_cast %parallel_loop3A_1357 : i32 to index
        %parallel_loop3A_1396 = arith.constant 80 : index
        %parallel_loop3A_1397 = tpu.vector_load %arg10[%parallel_loop3A_1395, %parallel_loop3A_1396] {strides = array<i32>} : memref<320x128xf32, #tpu.memory_space<vmem>>, vector<16xf32>,
        %parallel_loop3A_1398 = arith.mulf %parallel_loop3A_1397, %parallel_loop3A_1359 : vector<16xf32>
        %parallel_loop3A_1399 = arith.index_cast %parallel_loop3A_1357 : i32 to index
        %parallel_loop3A_1400 = arith.constant 80 : index
        %parallel_loop3A_1401 = tpu.vector_load %arg10[%parallel_loop3A_1399, %parallel_loop3A_1400] {strides = array<i32>} : memref<320x128xf32, #tpu.memory_space<vmem>>, vector<16xf32>,
        tpu.vector_store %arg10[%parallel_loop3A_1399, %parallel_loop3A_1400], %parallel_loop3A_1398 {strides = array<i32>} : memref<320x128xf32, #tpu.memory_space<vmem>>, vector<16xf32>,
        %parallel_loop3A_1402 = arith.index_cast %parallel_loop3A_1357 : i32 to index
        %parallel_loop3A_1403 = arith.constant 96 : index
        %parallel_loop3A_1404 = tpu.vector_load %arg10[%parallel_loop3A_1402, %parallel_loop3A_1403] {strides = array<i32>} : memref<320x128xf32, #tpu.memory_space<vmem>>, vector<16xf32>,
        %parallel_loop3A_1405 = arith.mulf %parallel_loop3A_1404, %parallel_loop3A_1359 : vector<16xf32>
        %parallel_loop3A_1406 = arith.index_cast %parallel_loop3A_1357 : i32 to index
        %parallel_loop3A_1407 = arith.constant 96 : index
        %parallel_loop3A_1408 = tpu.vector_load %arg10[%parallel_loop3A_1406, %parallel_loop3A_1407] {strides = array<i32>} : memref<320x128xf32, #tpu.memory_space<vmem>>, vector<16xf32>,
        tpu.vector_store %arg10[%parallel_loop3A_1406, %parallel_loop3A_1407], %parallel_loop3A_1405 {strides = array<i32>} : memref<320x128xf32, #tpu.memory_space<vmem>>, vector<16xf32>,
        %parallel_loop3A_1409 = arith.index_cast %parallel_loop3A_1357 : i32 to index
        %parallel_loop3A_1410 = arith.constant 112 : index
        %parallel_loop3A_1411 = tpu.vector_load %arg10[%parallel_loop3A_1409, %parallel_loop3A_1410] {strides = array<i32>} : memref<320x128xf32, #tpu.memory_space<vmem>>, vector<16xf32>,
        %parallel_loop3A_1412 = arith.mulf %parallel_loop3A_1411, %parallel_loop3A_1359 : vector<16xf32>
        %parallel_loop3A_1413 = arith.index_cast %parallel_loop3A_1357 : i32 to index
        %parallel_loop3A_1414 = arith.constant 112 : index
        %parallel_loop3A_1415 = tpu.vector_load %arg10[%parallel_loop3A_1413, %parallel_loop3A_1414] {strides = array<i32>} : memref<320x128xf32, #tpu.memory_space<vmem>>, vector<16xf32>,
        tpu.vector_store %arg10[%parallel_loop3A_1413, %parallel_loop3A_1414], %parallel_loop3A_1412 {strides = array<i32>} : memref<320x128xf32, #tpu.memory_space<vmem>>, vector<16xf32>,
      } {sc.loop_unroll_factor = 4 : i64, sc.parallel_access}
      %mul3A_1342 = arith.constant 80 : i32
      %mul3A_1343 = arith.muli %rem3A_1316, %mul3A_1342 : i32
      %dma_start3A_1344 = arith.constant 0 : i32
      %dma_start3A_1345 = tpu.memref_slice %arg10[%mul3A_1343, %dma_start3A_1344] : memref<320x128xf32, #tpu.memory_space<vmem>> -> memref<80x128xf32, #tpu.memory_space<vmem>>
      %dma_start3A_1346 = arith.constant 0 : i32
      %dma_start3A_1347 = tpu.memref_slice %arg16[%rem3A_1316, %dma_start3A_1346] : memref<4x80xi32, #tpu.memory_space<vmem>> -> memref<1x80xi32, #tpu.memory_space<vmem>>
      %dma_start3A_1348 = tpu.memref_squeeze %dma_start3A_1347 : memref<1x80xi32, #tpu.memory_space<vmem>> -> memref<80xi32, #tpu.memory_space<vmem>>
      %dma_start3A_1349 = arith.constant 0 : i32
      %dma_start3A_1350 = arith.constant 0 : i32
      %dma_start3A_1351 = tpu.memref_slice %arg8[%dma_start3A_1349, %dma_start3A_1350] : memref<10000x128xf32, #tpu.memory_space<vmem_shared>> -> memref<10000x128xf32, #tpu.memory_space<vmem_shared>>
      %dma_start3A_1352 = tpu.memref_slice %arg21[%rem3A_1316] : memref<4x!tpu.dma_semaphore, #tpu.memory_space<semaphore_mem>> -> memref<1x!tpu.dma_semaphore, #tpu.memory_space<semaphore_mem>>
      %dma_start3A_1353 = tpu.memref_squeeze %dma_start3A_1352 : memref<1x!tpu.dma_semaphore, #tpu.memory_space<semaphore_mem>> -> memref<!tpu.dma_semaphore, #tpu.memory_space<semaphore_mem>>
      tpu.enqueue_indirect_dma source(%dma_start3A_1345 : memref<80x128xf32, #tpu.memory_space<vmem>>) target(%dma_start3A_1351 : memref<10000x128xf32, #tpu.memory_space<vmem_shared>>) offsets(%dma_start3A_1348 : memref<80xi32, #tpu.memory_space<vmem>>) semaphore(%dma_start3A_1353 : memref<!tpu.dma_semaphore, #tpu.memory_space<semaphore_mem>>) {add = true}
    }
    %scan3A_927 = arith.constant 121 : i32
    %rem3A_928 = arith.constant 123 : i32
    %rem3A_929 = arith.constant 4 : i32
    %rem3A_930 = arith.remsi %rem3A_928, %rem3A_929 : i32
    %mul3A_931 = arith.constant 80 : i32
    %mul3A_932 = arith.muli %rem3A_930, %mul3A_931 : i32
    %dma_wait3A_933 = arith.constant 0 : i32
    %dma_wait3A_934 = tpu.memref_slice %arg10[%mul3A_932, %dma_wait3A_933] : memref<320x128xf32, #tpu.memory_space<vmem>> -> memref<80x128xf32, #tpu.memory_space<vmem>>
    %dma_wait3A_935 = arith.constant 0 : i32
    %dma_wait3A_936 = tpu.memref_slice %arg14[%rem3A_930, %dma_wait3A_935] : memref<4x80xi32, #tpu.memory_space<vmem>> -> memref<1x80xi32, #tpu.memory_space<vmem>>
    %dma_wait3A_937 = tpu.memref_squeeze %dma_wait3A_936 : memref<1x80xi32, #tpu.memory_space<vmem>> -> memref<80xi32, #tpu.memory_space<vmem>>
    %dma_wait3A_938 = arith.constant 0 : i32
    %dma_wait3A_939 = arith.constant 0 : i32
    %dma_wait3A_940 = tpu.memref_slice %arg2[%dma_wait3A_938, %dma_wait3A_939] : memref<50000x128xf32, #tpu.memory_space<hbm>> -> memref<50000x128xf32, #tpu.memory_space<hbm>>
    %dma_wait3A_941 = tpu.memref_slice %arg19[%rem3A_930] : memref<4x!tpu.dma_semaphore, #tpu.memory_space<semaphore_mem>> -> memref<1x!tpu.dma_semaphore, #tpu.memory_space<semaphore_mem>>
    %dma_wait3A_942 = tpu.memref_squeeze %dma_wait3A_941 : memref<1x!tpu.dma_semaphore, #tpu.memory_space<semaphore_mem>> -> memref<!tpu.dma_semaphore, #tpu.memory_space<semaphore_mem>>
    tpu.wait_indirect_dma semaphore(%dma_wait3A_942 : memref<!tpu.dma_semaphore, #tpu.memory_space<semaphore_mem>>) src(%dma_wait3A_940 : memref<50000x128xf32, #tpu.memory_space<hbm>>) dst(%dma_wait3A_934 : memref<80x128xf32, #tpu.memory_space<vmem>>)
    %mul3A_943 = arith.constant 80 : i32
    %mul3A_944 = arith.muli %rem3A_930, %mul3A_943 : i32
    %dma_wait3A_945 = tpu.memref_slice %arg17[%mul3A_944] : memref<320xf32, #tpu.memory_space<vmem>> -> memref<80xf32, #tpu.memory_space<vmem>>
    %dma_wait3A_946 = arith.constant 0 : i32
    %dma_wait3A_947 = tpu.memref_slice %arg15[%rem3A_930, %dma_wait3A_946] : memref<4x80xi32, #tpu.memory_space<vmem>> -> memref<1x80xi32, #tpu.memory_space<vmem>>
    %dma_wait3A_948 = tpu.memref_squeeze %dma_wait3A_947 : memref<1x80xi32, #tpu.memory_space<vmem>> -> memref<80xi32, #tpu.memory_space<vmem>>
    %dma_wait3A_949 = arith.constant 0 : i32
    %dma_wait3A_950 = tpu.memref_slice %arg9[%dma_wait3A_949] : memref<40960xf32, #tpu.memory_space<vmem_shared>> -> memref<40960xf32, #tpu.memory_space<vmem_shared>>
    %dma_wait3A_951 = tpu.memref_slice %arg20[%rem3A_930] : memref<4x!tpu.dma_semaphore, #tpu.memory_space<semaphore_mem>> -> memref<1x!tpu.dma_semaphore, #tpu.memory_space<semaphore_mem>>
    %dma_wait3A_952 = tpu.memref_squeeze %dma_wait3A_951 : memref<1x!tpu.dma_semaphore, #tpu.memory_space<semaphore_mem>> -> memref<!tpu.dma_semaphore, #tpu.memory_space<semaphore_mem>>
    tpu.wait_indirect_dma semaphore(%dma_wait3A_952 : memref<!tpu.dma_semaphore, #tpu.memory_space<semaphore_mem>>) src(%dma_wait3A_950 : memref<40960xf32, #tpu.memory_space<vmem_shared>>) dst(%dma_wait3A_945 : memref<80xf32, #tpu.memory_space<vmem>>)
    %parallel_loop3A_953 = arith.constant 0 : i32
    %parallel_loop3A_954 = arith.constant 80 : i32
    %parallel_loop3A_955 = arith.constant 1 : i32
    scf.for %parallel_loop3A_1074 = %parallel_loop3A_953 to %parallel_loop3A_954 step %parallel_loop3A_955  : i32 {
      %parallel_loop3A_1075 = arith.constant 80 : i32
      %parallel_loop3A_1076 = arith.muli %rem3A_930, %parallel_loop3A_1075 : i32
      %parallel_loop3A_1077 = arith.addi %parallel_loop3A_1076, %parallel_loop3A_1074 : i32
      %parallel_loop3A_1078 = vector.broadcast %parallel_loop3A_1077 : i32 to vector<16xi32>
      %parallel_loop3A_1079 = tpu.vector_load_idx %arg17[%parallel_loop3A_1078] : memref<320xf32, #tpu.memory_space<vmem>>[vector<16xi32>], vector<16xf32>,
      %parallel_loop3A_1080 = arith.index_cast %parallel_loop3A_1077 : i32 to index
      %parallel_loop3A_1081 = arith.constant 0 : index
      %parallel_loop3A_1082 = tpu.vector_load %arg10[%parallel_loop3A_1080, %parallel_loop3A_1081] {strides = array<i32>} : memref<320x128xf32, #tpu.memory_space<vmem>>, vector<16xf32>,
      %parallel_loop3A_1083 = arith.mulf %parallel_loop3A_1082, %parallel_loop3A_1079 : vector<16xf32>
      %parallel_loop3A_1084 = arith.index_cast %parallel_loop3A_1077 : i32 to index
      %parallel_loop3A_1085 = arith.constant 0 : index
      %parallel_loop3A_1086 = tpu.vector_load %arg10[%parallel_loop3A_1084, %parallel_loop3A_1085] {strides = array<i32>} : memref<320x128xf32, #tpu.memory_space<vmem>>, vector<16xf32>,
      tpu.vector_store %arg10[%parallel_loop3A_1084, %parallel_loop3A_1085], %parallel_loop3A_1083 {strides = array<i32>} : memref<320x128xf32, #tpu.memory_space<vmem>>, vector<16xf32>,
      %parallel_loop3A_1087 = arith.index_cast %parallel_loop3A_1077 : i32 to index
      %parallel_loop3A_1088 = arith.constant 16 : index
      %parallel_loop3A_1089 = tpu.vector_load %arg10[%parallel_loop3A_1087, %parallel_loop3A_1088] {strides = array<i32>} : memref<320x128xf32, #tpu.memory_space<vmem>>, vector<16xf32>,
      %parallel_loop3A_1090 = arith.mulf %parallel_loop3A_1089, %parallel_loop3A_1079 : vector<16xf32>
      %parallel_loop3A_1091 = arith.index_cast %parallel_loop3A_1077 : i32 to index
      %parallel_loop3A_1092 = arith.constant 16 : index
      %parallel_loop3A_1093 = tpu.vector_load %arg10[%parallel_loop3A_1091, %parallel_loop3A_1092] {strides = array<i32>} : memref<320x128xf32, #tpu.memory_space<vmem>>, vector<16xf32>,
      tpu.vector_store %arg10[%parallel_loop3A_1091, %parallel_loop3A_1092], %parallel_loop3A_1090 {strides = array<i32>} : memref<320x128xf32, #tpu.memory_space<vmem>>, vector<16xf32>,
      %parallel_loop3A_1094 = arith.index_cast %parallel_loop3A_1077 : i32 to index
      %parallel_loop3A_1095 = arith.constant 32 : index
      %parallel_loop3A_1096 = tpu.vector_load %arg10[%parallel_loop3A_1094, %parallel_loop3A_1095] {strides = array<i32>} : memref<320x128xf32, #tpu.memory_space<vmem>>, vector<16xf32>,
      %parallel_loop3A_1097 = arith.mulf %parallel_loop3A_1096, %parallel_loop3A_1079 : vector<16xf32>
      %parallel_loop3A_1098 = arith.index_cast %parallel_loop3A_1077 : i32 to index
      %parallel_loop3A_1099 = arith.constant 32 : index
      %parallel_loop3A_1100 = tpu.vector_load %arg10[%parallel_loop3A_1098, %parallel_loop3A_1099] {strides = array<i32>} : memref<320x128xf32, #tpu.memory_space<vmem>>, vector<16xf32>,
      tpu.vector_store %arg10[%parallel_loop3A_1098, %parallel_loop3A_1099], %parallel_loop3A_1097 {strides = array<i32>} : memref<320x128xf32, #tpu.memory_space<vmem>>, vector<16xf32>,
      %parallel_loop3A_1101 = arith.index_cast %parallel_loop3A_1077 : i32 to index
      %parallel_loop3A_1102 = arith.constant 48 : index
      %parallel_loop3A_1103 = tpu.vector_load %arg10[%parallel_loop3A_1101, %parallel_loop3A_1102] {strides = array<i32>} : memref<320x128xf32, #tpu.memory_space<vmem>>, vector<16xf32>,
      %parallel_loop3A_1104 = arith.mulf %parallel_loop3A_1103, %parallel_loop3A_1079 : vector<16xf32>
      %parallel_loop3A_1105 = arith.index_cast %parallel_loop3A_1077 : i32 to index
      %parallel_loop3A_1106 = arith.constant 48 : index
      %parallel_loop3A_1107 = tpu.vector_load %arg10[%parallel_loop3A_1105, %parallel_loop3A_1106] {strides = array<i32>} : memref<320x128xf32, #tpu.memory_space<vmem>>, vector<16xf32>,
      tpu.vector_store %arg10[%parallel_loop3A_1105, %parallel_loop3A_1106], %parallel_loop3A_1104 {strides = array<i32>} : memref<320x128xf32, #tpu.memory_space<vmem>>, vector<16xf32>,
      %parallel_loop3A_1108 = arith.index_cast %parallel_loop3A_1077 : i32 to index
      %parallel_loop3A_1109 = arith.constant 64 : index
      %parallel_loop3A_1110 = tpu.vector_load %arg10[%parallel_loop3A_1108, %parallel_loop3A_1109] {strides = array<i32>} : memref<320x128xf32, #tpu.memory_space<vmem>>, vector<16xf32>,
      %parallel_loop3A_1111 = arith.mulf %parallel_loop3A_1110, %parallel_loop3A_1079 : vector<16xf32>
      %parallel_loop3A_1112 = arith.index_cast %parallel_loop3A_1077 : i32 to index
      %parallel_loop3A_1113 = arith.constant 64 : index
      %parallel_loop3A_1114 = tpu.vector_load %arg10[%parallel_loop3A_1112, %parallel_loop3A_1113] {strides = array<i32>} : memref<320x128xf32, #tpu.memory_space<vmem>>, vector<16xf32>,
      tpu.vector_store %arg10[%parallel_loop3A_1112, %parallel_loop3A_1113], %parallel_loop3A_1111 {strides = array<i32>} : memref<320x128xf32, #tpu.memory_space<vmem>>, vector<16xf32>,
      %parallel_loop3A_1115 = arith.index_cast %parallel_loop3A_1077 : i32 to index
      %parallel_loop3A_1116 = arith.constant 80 : index
      %parallel_loop3A_1117 = tpu.vector_load %arg10[%parallel_loop3A_1115, %parallel_loop3A_1116] {strides = array<i32>} : memref<320x128xf32, #tpu.memory_space<vmem>>, vector<16xf32>,
      %parallel_loop3A_1118 = arith.mulf %parallel_loop3A_1117, %parallel_loop3A_1079 : vector<16xf32>
      %parallel_loop3A_1119 = arith.index_cast %parallel_loop3A_1077 : i32 to index
      %parallel_loop3A_1120 = arith.constant 80 : index
      %parallel_loop3A_1121 = tpu.vector_load %arg10[%parallel_loop3A_1119, %parallel_loop3A_1120] {strides = array<i32>} : memref<320x128xf32, #tpu.memory_space<vmem>>, vector<16xf32>,
      tpu.vector_store %arg10[%parallel_loop3A_1119, %parallel_loop3A_1120], %parallel_loop3A_1118 {strides = array<i32>} : memref<320x128xf32, #tpu.memory_space<vmem>>, vector<16xf32>,
      %parallel_loop3A_1122 = arith.index_cast %parallel_loop3A_1077 : i32 to index
      %parallel_loop3A_1123 = arith.constant 96 : index
      %parallel_loop3A_1124 = tpu.vector_load %arg10[%parallel_loop3A_1122, %parallel_loop3A_1123] {strides = array<i32>} : memref<320x128xf32, #tpu.memory_space<vmem>>, vector<16xf32>,
      %parallel_loop3A_1125 = arith.mulf %parallel_loop3A_1124, %parallel_loop3A_1079 : vector<16xf32>
      %parallel_loop3A_1126 = arith.index_cast %parallel_loop3A_1077 : i32 to index
      %parallel_loop3A_1127 = arith.constant 96 : index
      %parallel_loop3A_1128 = tpu.vector_load %arg10[%parallel_loop3A_1126, %parallel_loop3A_1127] {strides = array<i32>} : memref<320x128xf32, #tpu.memory_space<vmem>>, vector<16xf32>,
      tpu.vector_store %arg10[%parallel_loop3A_1126, %parallel_loop3A_1127], %parallel_loop3A_1125 {strides = array<i32>} : memref<320x128xf32, #tpu.memory_space<vmem>>, vector<16xf32>,
      %parallel_loop3A_1129 = arith.index_cast %parallel_loop3A_1077 : i32 to index
      %parallel_loop3A_1130 = arith.constant 112 : index
      %parallel_loop3A_1131 = tpu.vector_load %arg10[%parallel_loop3A_1129, %parallel_loop3A_1130] {strides = array<i32>} : memref<320x128xf32, #tpu.memory_space<vmem>>, vector<16xf32>,
      %parallel_loop3A_1132 = arith.mulf %parallel_loop3A_1131, %parallel_loop3A_1079 : vector<16xf32>
      %parallel_loop3A_1133 = arith.index_cast %parallel_loop3A_1077 : i32 to index
      %parallel_loop3A_1134 = arith.constant 112 : index
      %parallel_loop3A_1135 = tpu.vector_load %arg10[%parallel_loop3A_1133, %parallel_loop3A_1134] {strides = array<i32>} : memref<320x128xf32, #tpu.memory_space<vmem>>, vector<16xf32>,
      tpu.vector_store %arg10[%parallel_loop3A_1133, %parallel_loop3A_1134], %parallel_loop3A_1132 {strides = array<i32>} : memref<320x128xf32, #tpu.memory_space<vmem>>, vector<16xf32>,
    } {sc.loop_unroll_factor = 4 : i64, sc.parallel_access}
    %mul3A_956 = arith.constant 80 : i32
    %mul3A_957 = arith.muli %rem3A_930, %mul3A_956 : i32
    %dma_start3A_958 = arith.constant 0 : i32
    %dma_start3A_959 = tpu.memref_slice %arg10[%mul3A_957, %dma_start3A_958] : memref<320x128xf32, #tpu.memory_space<vmem>> -> memref<80x128xf32, #tpu.memory_space<vmem>>
    %dma_start3A_960 = arith.constant 0 : i32
    %dma_start3A_961 = tpu.memref_slice %arg16[%rem3A_930, %dma_start3A_960] : memref<4x80xi32, #tpu.memory_space<vmem>> -> memref<1x80xi32, #tpu.memory_space<vmem>>
    %dma_start3A_962 = tpu.memref_squeeze %dma_start3A_961 : memref<1x80xi32, #tpu.memory_space<vmem>> -> memref<80xi32, #tpu.memory_space<vmem>>
    %dma_start3A_963 = arith.constant 0 : i32
    %dma_start3A_964 = arith.constant 0 : i32
    %dma_start3A_965 = tpu.memref_slice %arg8[%dma_start3A_963, %dma_start3A_964] : memref<10000x128xf32, #tpu.memory_space<vmem_shared>> -> memref<10000x128xf32, #tpu.memory_space<vmem_shared>>
    %dma_start3A_966 = tpu.memref_slice %arg21[%rem3A_930] : memref<4x!tpu.dma_semaphore, #tpu.memory_space<semaphore_mem>> -> memref<1x!tpu.dma_semaphore, #tpu.memory_space<semaphore_mem>>
    %dma_start3A_967 = tpu.memref_squeeze %dma_start3A_966 : memref<1x!tpu.dma_semaphore, #tpu.memory_space<semaphore_mem>> -> memref<!tpu.dma_semaphore, #tpu.memory_space<semaphore_mem>>
    tpu.enqueue_indirect_dma source(%dma_start3A_959 : memref<80x128xf32, #tpu.memory_space<vmem>>) target(%dma_start3A_965 : memref<10000x128xf32, #tpu.memory_space<vmem_shared>>) offsets(%dma_start3A_962 : memref<80xi32, #tpu.memory_space<vmem>>) semaphore(%dma_start3A_967 : memref<!tpu.dma_semaphore, #tpu.memory_space<semaphore_mem>>) {add = true}
    %rem3A_968 = arith.constant 124 : i32
    %rem3A_969 = arith.constant 4 : i32
    %rem3A_970 = arith.remsi %rem3A_968, %rem3A_969 : i32
    %mul3A_971 = arith.constant 80 : i32
    %mul3A_972 = arith.muli %rem3A_970, %mul3A_971 : i32
    %dma_wait3A_973 = arith.constant 0 : i32
    %dma_wait3A_974 = tpu.memref_slice %arg10[%mul3A_972, %dma_wait3A_973] : memref<320x128xf32, #tpu.memory_space<vmem>> -> memref<80x128xf32, #tpu.memory_space<vmem>>
    %dma_wait3A_975 = arith.constant 0 : i32
    %dma_wait3A_976 = tpu.memref_slice %arg14[%rem3A_970, %dma_wait3A_975] : memref<4x80xi32, #tpu.memory_space<vmem>> -> memref<1x80xi32, #tpu.memory_space<vmem>>
    %dma_wait3A_977 = tpu.memref_squeeze %dma_wait3A_976 : memref<1x80xi32, #tpu.memory_space<vmem>> -> memref<80xi32, #tpu.memory_space<vmem>>
    %dma_wait3A_978 = arith.constant 0 : i32
    %dma_wait3A_979 = arith.constant 0 : i32
    %dma_wait3A_980 = tpu.memref_slice %arg2[%dma_wait3A_978, %dma_wait3A_979] : memref<50000x128xf32, #tpu.memory_space<hbm>> -> memref<50000x128xf32, #tpu.memory_space<hbm>>
    %dma_wait3A_981 = tpu.memref_slice %arg19[%rem3A_970] : memref<4x!tpu.dma_semaphore, #tpu.memory_space<semaphore_mem>> -> memref<1x!tpu.dma_semaphore, #tpu.memory_space<semaphore_mem>>
    %dma_wait3A_982 = tpu.memref_squeeze %dma_wait3A_981 : memref<1x!tpu.dma_semaphore, #tpu.memory_space<semaphore_mem>> -> memref<!tpu.dma_semaphore, #tpu.memory_space<semaphore_mem>>
    tpu.wait_indirect_dma semaphore(%dma_wait3A_982 : memref<!tpu.dma_semaphore, #tpu.memory_space<semaphore_mem>>) src(%dma_wait3A_980 : memref<50000x128xf32, #tpu.memory_space<hbm>>) dst(%dma_wait3A_974 : memref<80x128xf32, #tpu.memory_space<vmem>>)
    %mul3A_983 = arith.constant 80 : i32
    %mul3A_984 = arith.muli %rem3A_970, %mul3A_983 : i32
    %dma_wait3A_985 = tpu.memref_slice %arg17[%mul3A_984] : memref<320xf32, #tpu.memory_space<vmem>> -> memref<80xf32, #tpu.memory_space<vmem>>
    %dma_wait3A_986 = arith.constant 0 : i32
    %dma_wait3A_987 = tpu.memref_slice %arg15[%rem3A_970, %dma_wait3A_986] : memref<4x80xi32, #tpu.memory_space<vmem>> -> memref<1x80xi32, #tpu.memory_space<vmem>>
    %dma_wait3A_988 = tpu.memref_squeeze %dma_wait3A_987 : memref<1x80xi32, #tpu.memory_space<vmem>> -> memref<80xi32, #tpu.memory_space<vmem>>
    %dma_wait3A_989 = arith.constant 0 : i32
    %dma_wait3A_990 = tpu.memref_slice %arg9[%dma_wait3A_989] : memref<40960xf32, #tpu.memory_space<vmem_shared>> -> memref<40960xf32, #tpu.memory_space<vmem_shared>>
    %dma_wait3A_991 = tpu.memref_slice %arg20[%rem3A_970] : memref<4x!tpu.dma_semaphore, #tpu.memory_space<semaphore_mem>> -> memref<1x!tpu.dma_semaphore, #tpu.memory_space<semaphore_mem>>
    %dma_wait3A_992 = tpu.memref_squeeze %dma_wait3A_991 : memref<1x!tpu.dma_semaphore, #tpu.memory_space<semaphore_mem>> -> memref<!tpu.dma_semaphore, #tpu.memory_space<semaphore_mem>>
    tpu.wait_indirect_dma semaphore(%dma_wait3A_992 : memref<!tpu.dma_semaphore, #tpu.memory_space<semaphore_mem>>) src(%dma_wait3A_990 : memref<40960xf32, #tpu.memory_space<vmem_shared>>) dst(%dma_wait3A_985 : memref<80xf32, #tpu.memory_space<vmem>>)
    %parallel_loop3A_993 = arith.constant 0 : i32
    %parallel_loop3A_994 = arith.constant 80 : i32
    %parallel_loop3A_995 = arith.constant 1 : i32
    scf.for %parallel_loop3A_1074 = %parallel_loop3A_993 to %parallel_loop3A_994 step %parallel_loop3A_995  : i32 {
      %parallel_loop3A_1075 = arith.constant 80 : i32
      %parallel_loop3A_1076 = arith.muli %rem3A_970, %parallel_loop3A_1075 : i32
      %parallel_loop3A_1077 = arith.addi %parallel_loop3A_1076, %parallel_loop3A_1074 : i32
      %parallel_loop3A_1078 = vector.broadcast %parallel_loop3A_1077 : i32 to vector<16xi32>
      %parallel_loop3A_1079 = tpu.vector_load_idx %arg17[%parallel_loop3A_1078] : memref<320xf32, #tpu.memory_space<vmem>>[vector<16xi32>], vector<16xf32>,
      %parallel_loop3A_1080 = arith.index_cast %parallel_loop3A_1077 : i32 to index
      %parallel_loop3A_1081 = arith.constant 0 : index
      %parallel_loop3A_1082 = tpu.vector_load %arg10[%parallel_loop3A_1080, %parallel_loop3A_1081] {strides = array<i32>} : memref<320x128xf32, #tpu.memory_space<vmem>>, vector<16xf32>,
      %parallel_loop3A_1083 = arith.mulf %parallel_loop3A_1082, %parallel_loop3A_1079 : vector<16xf32>
      %parallel_loop3A_1084 = arith.index_cast %parallel_loop3A_1077 : i32 to index
      %parallel_loop3A_1085 = arith.constant 0 : index
      %parallel_loop3A_1086 = tpu.vector_load %arg10[%parallel_loop3A_1084, %parallel_loop3A_1085] {strides = array<i32>} : memref<320x128xf32, #tpu.memory_space<vmem>>, vector<16xf32>,
      tpu.vector_store %arg10[%parallel_loop3A_1084, %parallel_loop3A_1085], %parallel_loop3A_1083 {strides = array<i32>} : memref<320x128xf32, #tpu.memory_space<vmem>>, vector<16xf32>,
      %parallel_loop3A_1087 = arith.index_cast %parallel_loop3A_1077 : i32 to index
      %parallel_loop3A_1088 = arith.constant 16 : index
      %parallel_loop3A_1089 = tpu.vector_load %arg10[%parallel_loop3A_1087, %parallel_loop3A_1088] {strides = array<i32>} : memref<320x128xf32, #tpu.memory_space<vmem>>, vector<16xf32>,
      %parallel_loop3A_1090 = arith.mulf %parallel_loop3A_1089, %parallel_loop3A_1079 : vector<16xf32>
      %parallel_loop3A_1091 = arith.index_cast %parallel_loop3A_1077 : i32 to index
      %parallel_loop3A_1092 = arith.constant 16 : index
      %parallel_loop3A_1093 = tpu.vector_load %arg10[%parallel_loop3A_1091, %parallel_loop3A_1092] {strides = array<i32>} : memref<320x128xf32, #tpu.memory_space<vmem>>, vector<16xf32>,
      tpu.vector_store %arg10[%parallel_loop3A_1091, %parallel_loop3A_1092], %parallel_loop3A_1090 {strides = array<i32>} : memref<320x128xf32, #tpu.memory_space<vmem>>, vector<16xf32>,
      %parallel_loop3A_1094 = arith.index_cast %parallel_loop3A_1077 : i32 to index
      %parallel_loop3A_1095 = arith.constant 32 : index
      %parallel_loop3A_1096 = tpu.vector_load %arg10[%parallel_loop3A_1094, %parallel_loop3A_1095] {strides = array<i32>} : memref<320x128xf32, #tpu.memory_space<vmem>>, vector<16xf32>,
      %parallel_loop3A_1097 = arith.mulf %parallel_loop3A_1096, %parallel_loop3A_1079 : vector<16xf32>
      %parallel_loop3A_1098 = arith.index_cast %parallel_loop3A_1077 : i32 to index
      %parallel_loop3A_1099 = arith.constant 32 : index
      %parallel_loop3A_1100 = tpu.vector_load %arg10[%parallel_loop3A_1098, %parallel_loop3A_1099] {strides = array<i32>} : memref<320x128xf32, #tpu.memory_space<vmem>>, vector<16xf32>,
      tpu.vector_store %arg10[%parallel_loop3A_1098, %parallel_loop3A_1099], %parallel_loop3A_1097 {strides = array<i32>} : memref<320x128xf32, #tpu.memory_space<vmem>>, vector<16xf32>,
      %parallel_loop3A_1101 = arith.index_cast %parallel_loop3A_1077 : i32 to index
      %parallel_loop3A_1102 = arith.constant 48 : index
      %parallel_loop3A_1103 = tpu.vector_load %arg10[%parallel_loop3A_1101, %parallel_loop3A_1102] {strides = array<i32>} : memref<320x128xf32, #tpu.memory_space<vmem>>, vector<16xf32>,
      %parallel_loop3A_1104 = arith.mulf %parallel_loop3A_1103, %parallel_loop3A_1079 : vector<16xf32>
      %parallel_loop3A_1105 = arith.index_cast %parallel_loop3A_1077 : i32 to index
      %parallel_loop3A_1106 = arith.constant 48 : index
      %parallel_loop3A_1107 = tpu.vector_load %arg10[%parallel_loop3A_1105, %parallel_loop3A_1106] {strides = array<i32>} : memref<320x128xf32, #tpu.memory_space<vmem>>, vector<16xf32>,
      tpu.vector_store %arg10[%parallel_loop3A_1105, %parallel_loop3A_1106], %parallel_loop3A_1104 {strides = array<i32>} : memref<320x128xf32, #tpu.memory_space<vmem>>, vector<16xf32>,
      %parallel_loop3A_1108 = arith.index_cast %parallel_loop3A_1077 : i32 to index
      %parallel_loop3A_1109 = arith.constant 64 : index
      %parallel_loop3A_1110 = tpu.vector_load %arg10[%parallel_loop3A_1108, %parallel_loop3A_1109] {strides = array<i32>} : memref<320x128xf32, #tpu.memory_space<vmem>>, vector<16xf32>,
      %parallel_loop3A_1111 = arith.mulf %parallel_loop3A_1110, %parallel_loop3A_1079 : vector<16xf32>
      %parallel_loop3A_1112 = arith.index_cast %parallel_loop3A_1077 : i32 to index
      %parallel_loop3A_1113 = arith.constant 64 : index
      %parallel_loop3A_1114 = tpu.vector_load %arg10[%parallel_loop3A_1112, %parallel_loop3A_1113] {strides = array<i32>} : memref<320x128xf32, #tpu.memory_space<vmem>>, vector<16xf32>,
      tpu.vector_store %arg10[%parallel_loop3A_1112, %parallel_loop3A_1113], %parallel_loop3A_1111 {strides = array<i32>} : memref<320x128xf32, #tpu.memory_space<vmem>>, vector<16xf32>,
      %parallel_loop3A_1115 = arith.index_cast %parallel_loop3A_1077 : i32 to index
      %parallel_loop3A_1116 = arith.constant 80 : index
      %parallel_loop3A_1117 = tpu.vector_load %arg10[%parallel_loop3A_1115, %parallel_loop3A_1116] {strides = array<i32>} : memref<320x128xf32, #tpu.memory_space<vmem>>, vector<16xf32>,
      %parallel_loop3A_1118 = arith.mulf %parallel_loop3A_1117, %parallel_loop3A_1079 : vector<16xf32>
      %parallel_loop3A_1119 = arith.index_cast %parallel_loop3A_1077 : i32 to index
      %parallel_loop3A_1120 = arith.constant 80 : index
      %parallel_loop3A_1121 = tpu.vector_load %arg10[%parallel_loop3A_1119, %parallel_loop3A_1120] {strides = array<i32>} : memref<320x128xf32, #tpu.memory_space<vmem>>, vector<16xf32>,
      tpu.vector_store %arg10[%parallel_loop3A_1119, %parallel_loop3A_1120], %parallel_loop3A_1118 {strides = array<i32>} : memref<320x128xf32, #tpu.memory_space<vmem>>, vector<16xf32>,
      %parallel_loop3A_1122 = arith.index_cast %parallel_loop3A_1077 : i32 to index
      %parallel_loop3A_1123 = arith.constant 96 : index
      %parallel_loop3A_1124 = tpu.vector_load %arg10[%parallel_loop3A_1122, %parallel_loop3A_1123] {strides = array<i32>} : memref<320x128xf32, #tpu.memory_space<vmem>>, vector<16xf32>,
      %parallel_loop3A_1125 = arith.mulf %parallel_loop3A_1124, %parallel_loop3A_1079 : vector<16xf32>
      %parallel_loop3A_1126 = arith.index_cast %parallel_loop3A_1077 : i32 to index
      %parallel_loop3A_1127 = arith.constant 96 : index
      %parallel_loop3A_1128 = tpu.vector_load %arg10[%parallel_loop3A_1126, %parallel_loop3A_1127] {strides = array<i32>} : memref<320x128xf32, #tpu.memory_space<vmem>>, vector<16xf32>,
      tpu.vector_store %arg10[%parallel_loop3A_1126, %parallel_loop3A_1127], %parallel_loop3A_1125 {strides = array<i32>} : memref<320x128xf32, #tpu.memory_space<vmem>>, vector<16xf32>,
      %parallel_loop3A_1129 = arith.index_cast %parallel_loop3A_1077 : i32 to index
      %parallel_loop3A_1130 = arith.constant 112 : index
      %parallel_loop3A_1131 = tpu.vector_load %arg10[%parallel_loop3A_1129, %parallel_loop3A_1130] {strides = array<i32>} : memref<320x128xf32, #tpu.memory_space<vmem>>, vector<16xf32>,
      %parallel_loop3A_1132 = arith.mulf %parallel_loop3A_1131, %parallel_loop3A_1079 : vector<16xf32>
      %parallel_loop3A_1133 = arith.index_cast %parallel_loop3A_1077 : i32 to index
      %parallel_loop3A_1134 = arith.constant 112 : index
      %parallel_loop3A_1135 = tpu.vector_load %arg10[%parallel_loop3A_1133, %parallel_loop3A_1134] {strides = array<i32>} : memref<320x128xf32, #tpu.memory_space<vmem>>, vector<16xf32>,
      tpu.vector_store %arg10[%parallel_loop3A_1133, %parallel_loop3A_1134], %parallel_loop3A_1132 {strides = array<i32>} : memref<320x128xf32, #tpu.memory_space<vmem>>, vector<16xf32>,
    } {sc.loop_unroll_factor = 4 : i64, sc.parallel_access}
    %mul3A_996 = arith.constant 80 : i32
    %mul3A_997 = arith.muli %rem3A_970, %mul3A_996 : i32
    %dma_start3A_998 = arith.constant 0 : i32
    %dma_start3A_999 = tpu.memref_slice %arg10[%mul3A_997, %dma_start3A_998] : memref<320x128xf32, #tpu.memory_space<vmem>> -> memref<80x128xf32, #tpu.memory_space<vmem>>
    %dma_start3A_1000 = arith.constant 0 : i32
    %dma_start3A_1001 = tpu.memref_slice %arg16[%rem3A_970, %dma_start3A_1000] : memref<4x80xi32, #tpu.memory_space<vmem>> -> memref<1x80xi32, #tpu.memory_space<vmem>>
    %dma_start3A_1002 = tpu.memref_squeeze %dma_start3A_1001 : memref<1x80xi32, #tpu.memory_space<vmem>> -> memref<80xi32, #tpu.memory_space<vmem>>
    %dma_start3A_1003 = arith.constant 0 : i32
    %dma_start3A_1004 = arith.constant 0 : i32
    %dma_start3A_1005 = tpu.memref_slice %arg8[%dma_start3A_1003, %dma_start3A_1004] : memref<10000x128xf32, #tpu.memory_space<vmem_shared>> -> memref<10000x128xf32, #tpu.memory_space<vmem_shared>>
    %dma_start3A_1006 = tpu.memref_slice %arg21[%rem3A_970] : memref<4x!tpu.dma_semaphore, #tpu.memory_space<semaphore_mem>> -> memref<1x!tpu.dma_semaphore, #tpu.memory_space<semaphore_mem>>
    %dma_start3A_1007 = tpu.memref_squeeze %dma_start3A_1006 : memref<1x!tpu.dma_semaphore, #tpu.memory_space<semaphore_mem>> -> memref<!tpu.dma_semaphore, #tpu.memory_space<semaphore_mem>>
    tpu.enqueue_indirect_dma source(%dma_start3A_999 : memref<80x128xf32, #tpu.memory_space<vmem>>) target(%dma_start3A_1005 : memref<10000x128xf32, #tpu.memory_space<vmem_shared>>) offsets(%dma_start3A_1002 : memref<80xi32, #tpu.memory_space<vmem>>) semaphore(%dma_start3A_1007 : memref<!tpu.dma_semaphore, #tpu.memory_space<semaphore_mem>>) {add = true}
    %mul3A_1008 = arith.constant 0 : i32
    %mul3A_1009 = arith.constant 80 : i32
    %mul3A_1010 = arith.muli %mul3A_1008, %mul3A_1009 : i32
    %dma_wait3A_1011 = arith.constant 0 : i32
    %dma_wait3A_1012 = arith.constant 0 : i32
    %dma_wait3A_1013 = arith.constant 0 : i32
    %dma_wait3A_1014 = tpu.memref_slice %arg10[%mul3A_1010, %dma_wait3A_1013] : memref<320x128xf32, #tpu.memory_space<vmem>> -> memref<80x128xf32, #tpu.memory_space<vmem>>
    %dma_wait3A_1015 = arith.constant 0 : i32
    %dma_wait3A_1016 = tpu.memref_slice %arg16[%dma_wait3A_1011, %dma_wait3A_1015] : memref<4x80xi32, #tpu.memory_space<vmem>> -> memref<1x80xi32, #tpu.memory_space<vmem>>
    %dma_wait3A_1017 = tpu.memref_squeeze %dma_wait3A_1016 : memref<1x80xi32, #tpu.memory_space<vmem>> -> memref<80xi32, #tpu.memory_space<vmem>>
    %dma_wait3A_1018 = arith.constant 0 : i32
    %dma_wait3A_1019 = arith.constant 0 : i32
    %dma_wait3A_1020 = tpu.memref_slice %arg8[%dma_wait3A_1018, %dma_wait3A_1019] : memref<10000x128xf32, #tpu.memory_space<vmem_shared>> -> memref<10000x128xf32, #tpu.memory_space<vmem_shared>>
    %dma_wait3A_1021 = tpu.memref_slice %arg21[%dma_wait3A_1012] : memref<4x!tpu.dma_semaphore, #tpu.memory_space<semaphore_mem>> -> memref<1x!tpu.dma_semaphore, #tpu.memory_space<semaphore_mem>>
    %dma_wait3A_1022 = tpu.memref_squeeze %dma_wait3A_1021 : memref<1x!tpu.dma_semaphore, #tpu.memory_space<semaphore_mem>> -> memref<!tpu.dma_semaphore, #tpu.memory_space<semaphore_mem>>
    tpu.wait_indirect_dma semaphore(%dma_wait3A_1022 : memref<!tpu.dma_semaphore, #tpu.memory_space<semaphore_mem>>) src(%dma_wait3A_1014 : memref<80x128xf32, #tpu.memory_space<vmem>>) dst(%dma_wait3A_1020 : memref<10000x128xf32, #tpu.memory_space<vmem_shared>>)
    %mul3A_1023 = arith.constant 1 : i32
    %mul3A_1024 = arith.constant 80 : i32
    %mul3A_1025 = arith.muli %mul3A_1023, %mul3A_1024 : i32
    %dma_wait3A_1026 = arith.constant 1 : i32
    %dma_wait3A_1027 = arith.constant 1 : i32
    %dma_wait3A_1028 = arith.constant 0 : i32
    %dma_wait3A_1029 = tpu.memref_slice %arg10[%mul3A_1025, %dma_wait3A_1028] : memref<320x128xf32, #tpu.memory_space<vmem>> -> memref<80x128xf32, #tpu.memory_space<vmem>>
    %dma_wait3A_1030 = arith.constant 0 : i32
    %dma_wait3A_1031 = tpu.memref_slice %arg16[%dma_wait3A_1026, %dma_wait3A_1030] : memref<4x80xi32, #tpu.memory_space<vmem>> -> memref<1x80xi32, #tpu.memory_space<vmem>>
    %dma_wait3A_1032 = tpu.memref_squeeze %dma_wait3A_1031 : memref<1x80xi32, #tpu.memory_space<vmem>> -> memref<80xi32, #tpu.memory_space<vmem>>
    %dma_wait3A_1033 = arith.constant 0 : i32
    %dma_wait3A_1034 = arith.constant 0 : i32
    %dma_wait3A_1035 = tpu.memref_slice %arg8[%dma_wait3A_1033, %dma_wait3A_1034] : memref<10000x128xf32, #tpu.memory_space<vmem_shared>> -> memref<10000x128xf32, #tpu.memory_space<vmem_shared>>
    %dma_wait3A_1036 = tpu.memref_slice %arg21[%dma_wait3A_1027] : memref<4x!tpu.dma_semaphore, #tpu.memory_space<semaphore_mem>> -> memref<1x!tpu.dma_semaphore, #tpu.memory_space<semaphore_mem>>
    %dma_wait3A_1037 = tpu.memref_squeeze %dma_wait3A_1036 : memref<1x!tpu.dma_semaphore, #tpu.memory_space<semaphore_mem>> -> memref<!tpu.dma_semaphore, #tpu.memory_space<semaphore_mem>>
    tpu.wait_indirect_dma semaphore(%dma_wait3A_1037 : memref<!tpu.dma_semaphore, #tpu.memory_space<semaphore_mem>>) src(%dma_wait3A_1029 : memref<80x128xf32, #tpu.memory_space<vmem>>) dst(%dma_wait3A_1035 : memref<10000x128xf32, #tpu.memory_space<vmem_shared>>)
    %mul3A_1038 = arith.constant 2 : i32
    %mul3A_1039 = arith.constant 80 : i32
    %mul3A_1040 = arith.muli %mul3A_1038, %mul3A_1039 : i32
    %dma_wait3A_1041 = arith.constant 2 : i32
    %dma_wait3A_1042 = arith.constant 2 : i32
    %dma_wait3A_1043 = arith.constant 0 : i32
    %dma_wait3A_1044 = tpu.memref_slice %arg10[%mul3A_1040, %dma_wait3A_1043] : memref<320x128xf32, #tpu.memory_space<vmem>> -> memref<80x128xf32, #tpu.memory_space<vmem>>
    %dma_wait3A_1045 = arith.constant 0 : i32
    %dma_wait3A_1046 = tpu.memref_slice %arg16[%dma_wait3A_1041, %dma_wait3A_1045] : memref<4x80xi32, #tpu.memory_space<vmem>> -> memref<1x80xi32, #tpu.memory_space<vmem>>
    %dma_wait3A_1047 = tpu.memref_squeeze %dma_wait3A_1046 : memref<1x80xi32, #tpu.memory_space<vmem>> -> memref<80xi32, #tpu.memory_space<vmem>>
    %dma_wait3A_1048 = arith.constant 0 : i32
    %dma_wait3A_1049 = arith.constant 0 : i32
    %dma_wait3A_1050 = tpu.memref_slice %arg8[%dma_wait3A_1048, %dma_wait3A_1049] : memref<10000x128xf32, #tpu.memory_space<vmem_shared>> -> memref<10000x128xf32, #tpu.memory_space<vmem_shared>>
    %dma_wait3A_1051 = tpu.memref_slice %arg21[%dma_wait3A_1042] : memref<4x!tpu.dma_semaphore, #tpu.memory_space<semaphore_mem>> -> memref<1x!tpu.dma_semaphore, #tpu.memory_space<semaphore_mem>>
    %dma_wait3A_1052 = tpu.memref_squeeze %dma_wait3A_1051 : memref<1x!tpu.dma_semaphore, #tpu.memory_space<semaphore_mem>> -> memref<!tpu.dma_semaphore, #tpu.memory_space<semaphore_mem>>
    tpu.wait_indirect_dma semaphore(%dma_wait3A_1052 : memref<!tpu.dma_semaphore, #tpu.memory_space<semaphore_mem>>) src(%dma_wait3A_1044 : memref<80x128xf32, #tpu.memory_space<vmem>>) dst(%dma_wait3A_1050 : memref<10000x128xf32, #tpu.memory_space<vmem_shared>>)
    %mul3A_1053 = arith.constant 3 : i32
    %mul3A_1054 = arith.constant 80 : i32
    %mul3A_1055 = arith.muli %mul3A_1053, %mul3A_1054 : i32
    %dma_wait3A_1056 = arith.constant 3 : i32
    %dma_wait3A_1057 = arith.constant 3 : i32
    %dma_wait3A_1058 = arith.constant 0 : i32
    %dma_wait3A_1059 = tpu.memref_slice %arg10[%mul3A_1055, %dma_wait3A_1058] : memref<320x128xf32, #tpu.memory_space<vmem>> -> memref<80x128xf32, #tpu.memory_space<vmem>>
    %dma_wait3A_1060 = arith.constant 0 : i32
    %dma_wait3A_1061 = tpu.memref_slice %arg16[%dma_wait3A_1056, %dma_wait3A_1060] : memref<4x80xi32, #tpu.memory_space<vmem>> -> memref<1x80xi32, #tpu.memory_space<vmem>>
    %dma_wait3A_1062 = tpu.memref_squeeze %dma_wait3A_1061 : memref<1x80xi32, #tpu.memory_space<vmem>> -> memref<80xi32, #tpu.memory_space<vmem>>
    %dma_wait3A_1063 = arith.constant 0 : i32
    %dma_wait3A_1064 = arith.constant 0 : i32
    %dma_wait3A_1065 = tpu.memref_slice %arg8[%dma_wait3A_1063, %dma_wait3A_1064] : memref<10000x128xf32, #tpu.memory_space<vmem_shared>> -> memref<10000x128xf32, #tpu.memory_space<vmem_shared>>
    %dma_wait3A_1066 = tpu.memref_slice %arg21[%dma_wait3A_1057] : memref<4x!tpu.dma_semaphore, #tpu.memory_space<semaphore_mem>> -> memref<1x!tpu.dma_semaphore, #tpu.memory_space<semaphore_mem>>
    %dma_wait3A_1067 = tpu.memref_squeeze %dma_wait3A_1066 : memref<1x!tpu.dma_semaphore, #tpu.memory_space<semaphore_mem>> -> memref<!tpu.dma_semaphore, #tpu.memory_space<semaphore_mem>>
    tpu.wait_indirect_dma semaphore(%dma_wait3A_1067 : memref<!tpu.dma_semaphore, #tpu.memory_space<semaphore_mem>>) src(%dma_wait3A_1059 : memref<80x128xf32, #tpu.memory_space<vmem>>) dst(%dma_wait3A_1065 : memref<10000x128xf32, #tpu.memory_space<vmem_shared>>)
    %barrier3A_1068 = arith.constant 0 : index
    tpu.barrier barrier_id(%barrier3A_1068)
    %scan3A_1069 = arith.constant 0 : i32
    %scan3A_1070 = arith.constant 8 : i32
    %scan3A_1071 = arith.addi %scan3A_1069, %scan3A_1070 : i32
    %scan3A_1072 = arith.constant 1 : i32
    scf.for %scan3A_1074 = %scan3A_1069 to %scan3A_1071 step %scan3A_1072  : i32 {
      %mul3A_1075 = arith.constant 1 : i32
      %mul3A_1076 = arith.muli %scan3A_1074, %mul3A_1075 : i32
      %add3A_1077 = arith.constant 0 : i32
      %add3A_1078 = arith.addi %add3A_1077, %mul3A_1076 : i32
      %mul3A_1079 = arith.constant 640 : i32
      %mul3A_1080 = arith.muli %arg1, %mul3A_1079 : i32
      %mul3A_1081 = arith.constant 80 : i32
      %mul3A_1082 = arith.muli %add3A_1078, %mul3A_1081 : i32
      %add3A_1083 = arith.addi %mul3A_1080, %mul3A_1082 : i32
      %lt3A = arith.constant 10000 : i32
      %lt3A_1084 = arith.cmpi slt, %add3A_1083, %lt3A : i32
      %convert_element_type3A = arith.extui %lt3A_1084 : i1 to i32
      %cond3A = arith.constant 0 : i32
      %cond3A_1085 = arith.cmpi ne, %convert_element_type3A, %cond3A : i32
      scf.if %cond3A_1085 {
        "tpu.region"() ({
          %run_scoped3A = tpu.sem_alloc : memref<!tpu.dma_semaphore, #tpu.memory_space<semaphore_mem>>
          %dma_start3A_1086 = arith.constant 0 : i32
          %dma_start3A_1087 = arith.constant 0 : i32
          %dma_start3A_1088 = tpu.memref_slice %arg10[%dma_start3A_1086, %dma_start3A_1087] : memref<320x128xf32, #tpu.memory_space<vmem>> -> memref<80x128xf32, #tpu.memory_space<vmem>>
          %dma_start3A_1089 = arith.constant 0 : i32
          %dma_start3A_1090 = tpu.memref_slice %arg8[%add3A_1083, %dma_start3A_1089] : memref<10000x128xf32, #tpu.memory_space<vmem_shared>> -> memref<80x128xf32, #tpu.memory_space<vmem_shared>>
          %dma_start3A_1091 = arith.constant 0 : i32
          %dma_start3A_1092 = arith.constant 0 : i32
          %dma_start3A_1093 = tpu.memref_slice %arg10[%dma_start3A_1091, %dma_start3A_1092] : memref<320x128xf32, #tpu.memory_space<vmem>> -> memref<80x128xf32, #tpu.memory_space<vmem>>
          %dma_start3A_1094 = arith.constant 0 : i32
          %dma_start3A_1095 = tpu.memref_slice %arg8[%add3A_1083, %dma_start3A_1094] : memref<10000x128xf32, #tpu.memory_space<vmem_shared>> -> memref<80x128xf32, #tpu.memory_space<vmem_shared>>
          tpu.enqueue_dma source(%dma_start3A_1095 : memref<80x128xf32, #tpu.memory_space<vmem_shared>>) target(%dma_start3A_1093 : memref<80x128xf32, #tpu.memory_space<vmem>>) target_semaphore(%run_scoped3A : memref<!tpu.dma_semaphore, #tpu.memory_space<semaphore_mem>>)
          %dma_wait3A_1096 = arith.constant 0 : i32
          %dma_wait3A_1097 = arith.constant 0 : i32
          %dma_wait3A_1098 = tpu.memref_slice %arg10[%dma_wait3A_1096, %dma_wait3A_1097] : memref<320x128xf32, #tpu.memory_space<vmem>> -> memref<80x128xf32, #tpu.memory_space<vmem>>
          %dma_wait3A_1099 = arith.constant 0 : i32
          %dma_wait3A_1100 = tpu.memref_slice %arg8[%add3A_1083, %dma_wait3A_1099] : memref<10000x128xf32, #tpu.memory_space<vmem_shared>> -> memref<80x128xf32, #tpu.memory_space<vmem_shared>>
          %dma_wait3A_1101 = arith.constant 0 : i32
          %dma_wait3A_1102 = arith.constant 0 : i32
          %dma_wait3A_1103 = tpu.memref_slice %arg10[%dma_wait3A_1101, %dma_wait3A_1102] : memref<320x128xf32, #tpu.memory_space<vmem>> -> memref<80x128xf32, #tpu.memory_space<vmem>>
          %dma_wait3A_1104 = arith.constant 0 : i32
          %dma_wait3A_1105 = tpu.memref_slice %arg8[%add3A_1083, %dma_wait3A_1104] : memref<10000x128xf32, #tpu.memory_space<vmem_shared>> -> memref<80x128xf32, #tpu.memory_space<vmem_shared>>
          tpu.wait_dma2 semaphore(%run_scoped3A : memref<!tpu.dma_semaphore, #tpu.memory_space<semaphore_mem>>) src(%dma_wait3A_1105 : memref<80x128xf32, #tpu.memory_space<vmem_shared>>) dst(%dma_wait3A_1103 : memref<80x128xf32, #tpu.memory_space<vmem>>)
          tpu.yield
        }) : () -> ()
        "tpu.region"() ({
          %run_scoped3A = tpu.sem_alloc : memref<!tpu.dma_semaphore, #tpu.memory_space<semaphore_mem>>
          %dma_start3A_1086 = arith.constant 0 : i32
          %dma_start3A_1087 = arith.constant 0 : i32
          %dma_start3A_1088 = tpu.memref_slice %arg10[%dma_start3A_1086, %dma_start3A_1087] : memref<320x128xf32, #tpu.memory_space<vmem>> -> memref<80x128xf32, #tpu.memory_space<vmem>>
          %dma_start3A_1089 = arith.constant 0 : i32
          %dma_start3A_1090 = tpu.memref_slice %arg7[%arg0, %add3A_1083, %dma_start3A_1089] : memref<2x10000x128xf32, #tpu.memory_space<hbm>> -> memref<1x80x128xf32, #tpu.memory_space<hbm>>
          %dma_start3A_1091 = tpu.memref_squeeze %dma_start3A_1090 : memref<1x80x128xf32, #tpu.memory_space<hbm>> -> memref<80x128xf32, #tpu.memory_space<hbm>>
          %dma_start3A_1092 = arith.constant 0 : i32
          %dma_start3A_1093 = tpu.memref_slice %arg7[%arg0, %add3A_1083, %dma_start3A_1092] : memref<2x10000x128xf32, #tpu.memory_space<hbm>> -> memref<1x80x128xf32, #tpu.memory_space<hbm>>
          %dma_start3A_1094 = tpu.memref_squeeze %dma_start3A_1093 : memref<1x80x128xf32, #tpu.memory_space<hbm>> -> memref<80x128xf32, #tpu.memory_space<hbm>>
          %dma_start3A_1095 = arith.constant 0 : i32
          %dma_start3A_1096 = arith.constant 0 : i32
          %dma_start3A_1097 = tpu.memref_slice %arg10[%dma_start3A_1095, %dma_start3A_1096] : memref<320x128xf32, #tpu.memory_space<vmem>> -> memref<80x128xf32, #tpu.memory_space<vmem>>
          tpu.enqueue_dma source(%dma_start3A_1097 : memref<80x128xf32, #tpu.memory_space<vmem>>) target(%dma_start3A_1094 : memref<80x128xf32, #tpu.memory_space<hbm>>) target_semaphore(%run_scoped3A : memref<!tpu.dma_semaphore, #tpu.memory_space<semaphore_mem>>)
          %dma_wait3A_1098 = arith.constant 0 : i32
          %dma_wait3A_1099 = arith.constant 0 : i32
          %dma_wait3A_1100 = tpu.memref_slice %arg10[%dma_wait3A_1098, %dma_wait3A_1099] : memref<320x128xf32, #tpu.memory_space<vmem>> -> memref<80x128xf32, #tpu.memory_space<vmem>>
          %dma_wait3A_1101 = arith.constant 0 : i32
          %dma_wait3A_1102 = tpu.memref_slice %arg7[%arg0, %add3A_1083, %dma_wait3A_1101] : memref<2x10000x128xf32, #tpu.memory_space<hbm>> -> memref<1x80x128xf32, #tpu.memory_space<hbm>>
          %dma_wait3A_1103 = tpu.memref_squeeze %dma_wait3A_1102 : memref<1x80x128xf32, #tpu.memory_space<hbm>> -> memref<80x128xf32, #tpu.memory_space<hbm>>
          %dma_wait3A_1104 = arith.constant 0 : i32
          %dma_wait3A_1105 = tpu.memref_slice %arg7[%arg0, %add3A_1083, %dma_wait3A_1104] : memref<2x10000x128xf32, #tpu.memory_space<hbm>> -> memref<1x80x128xf32, #tpu.memory_space<hbm>>
          %dma_wait3A_1106 = tpu.memref_squeeze %dma_wait3A_1105 : memref<1x80x128xf32, #tpu.memory_space<hbm>> -> memref<80x128xf32, #tpu.memory_space<hbm>>
          %dma_wait3A_1107 = arith.constant 0 : i32
          %dma_wait3A_1108 = arith.constant 0 : i32
          %dma_wait3A_1109 = tpu.memref_slice %arg10[%dma_wait3A_1107, %dma_wait3A_1108] : memref<320x128xf32, #tpu.memory_space<vmem>> -> memref<80x128xf32, #tpu.memory_space<vmem>>
          tpu.wait_dma2 semaphore(%run_scoped3A : memref<!tpu.dma_semaphore, #tpu.memory_space<semaphore_mem>>) src(%dma_wait3A_1109 : memref<80x128xf32, #tpu.memory_space<vmem>>) dst(%dma_wait3A_1106 : memref<80x128xf32, #tpu.memory_space<hbm>>)
          tpu.yield
        }) : () -> ()
      } else {
      }
    }
    %scan3A_1073 = arith.constant 8 : i32
    return
  }
}

module attributes {stable_mosaic.version = 14 : i64} {
  func.func @_mm_body(%arg0: i32, %arg1: memref<1000x128xf32, #tpu.memory_space<vmem>>, %arg2: memref<5x128x128xf32, #tpu.memory_space<vmem>>, %arg3: memref<5x1000x128xf32, #tpu.memory_space<vmem>>) attributes {dimension_semantics = [#tpu.dimension_semantics<arbitrary>], iteration_bounds = array<i64: 10>, scalar_prefetch = 0 : i64, scratch_operands = 0 : i64, tpu.core_type = #tpu.core_type<tc>, window_params = [{transform_indices = @transform_0, window_bounds = array<i64: 1000, 128>}, {pipeline_mode = #tpu.pipeline_mode<synchronous>, transform_indices = @transform_1, window_bounds = array<i64: 5, 128, 128>}, {transform_indices = @transform_2, window_bounds = array<i64: 5, 1000, 128>}]} {
    %get3A = arith.constant 0 : index
    %get3A_0 = arith.constant 0 : index
    %get3A_1 = vector.load %arg1[%get3A, %get3A_0] : memref<1000x128xf32, #tpu.memory_space<vmem>>, vector<1000x128xf32>
    %get3A_2 = arith.constant 0 : index
    %get3A_3 = arith.constant 0 : index
    %get3A_4 = arith.constant 0 : index
    %get3A_5 = vector.load %arg2[%get3A_2, %get3A_3, %get3A_4] : memref<5x128x128xf32, #tpu.memory_space<vmem>>, vector<1x128x128xf32>
    %get3A_6 = vector.shape_cast %get3A_5 : vector<1x128x128xf32> to vector<128x128xf32>
    %dot_general3A = arith.constant dense<0.000000e+00> : vector<1000x128xf32>
    %dot_general3A_7 = tpu.matmul %get3A_1, %get3A_6, %dot_general3A {dimension_numbers = #tpu.dot_dimension_numbers<[1], [0], [0], [1], [0, 0, 1, 1], [], []>, transpose_lhs_hint = false} : vector<1000x128xf32>, vector<128x128xf32>, vector<1000x128xf32> -> vector<1000x128xf32>
    %swap3A = arith.constant 0 : index
    %swap3A_8 = arith.constant 0 : index
    %swap3A_9 = arith.constant 0 : index
    %swap3A_10 = vector.load %arg3[%swap3A, %swap3A_8, %swap3A_9] : memref<5x1000x128xf32, #tpu.memory_space<vmem>>, vector<1x1000x128xf32>
    %swap3A_11 = vector.shape_cast %swap3A_10 : vector<1x1000x128xf32> to vector<1000x128xf32>
    %swap3A_12 = vector.shape_cast %dot_general3A_7 : vector<1000x128xf32> to vector<1x1000x128xf32>
    tpu.vector_store %arg3[%swap3A, %swap3A_8, %swap3A_9], %swap3A_12 {strides = array<i32>} : memref<5x1000x128xf32, #tpu.memory_space<vmem>>, vector<1x1000x128xf32>,
    %get3A_13 = arith.constant 1 : index
    %get3A_14 = arith.constant 0 : index
    %get3A_15 = arith.constant 0 : index
    %get3A_16 = vector.load %arg2[%get3A_13, %get3A_14, %get3A_15] : memref<5x128x128xf32, #tpu.memory_space<vmem>>, vector<1x128x128xf32>
    %get3A_17 = vector.shape_cast %get3A_16 : vector<1x128x128xf32> to vector<128x128xf32>
    %dot_general3A_18 = arith.constant dense<0.000000e+00> : vector<1000x128xf32>
    %dot_general3A_19 = tpu.matmul %get3A_1, %get3A_17, %dot_general3A_18 {dimension_numbers = #tpu.dot_dimension_numbers<[1], [0], [0], [1], [0, 0, 1, 1], [], []>, transpose_lhs_hint = false} : vector<1000x128xf32>, vector<128x128xf32>, vector<1000x128xf32> -> vector<1000x128xf32>
    %swap3A_20 = arith.constant 1 : index
    %swap3A_21 = arith.constant 0 : index
    %swap3A_22 = arith.constant 0 : index
    %swap3A_23 = vector.load %arg3[%swap3A_20, %swap3A_21, %swap3A_22] : memref<5x1000x128xf32, #tpu.memory_space<vmem>>, vector<1x1000x128xf32>
    %swap3A_24 = vector.shape_cast %swap3A_23 : vector<1x1000x128xf32> to vector<1000x128xf32>
    %swap3A_25 = vector.shape_cast %dot_general3A_19 : vector<1000x128xf32> to vector<1x1000x128xf32>
    tpu.vector_store %arg3[%swap3A_20, %swap3A_21, %swap3A_22], %swap3A_25 {strides = array<i32>} : memref<5x1000x128xf32, #tpu.memory_space<vmem>>, vector<1x1000x128xf32>,
    %get3A_26 = arith.constant 2 : index
    %get3A_27 = arith.constant 0 : index
    %get3A_28 = arith.constant 0 : index
    %get3A_29 = vector.load %arg2[%get3A_26, %get3A_27, %get3A_28] : memref<5x128x128xf32, #tpu.memory_space<vmem>>, vector<1x128x128xf32>
    %get3A_30 = vector.shape_cast %get3A_29 : vector<1x128x128xf32> to vector<128x128xf32>
    %dot_general3A_31 = arith.constant dense<0.000000e+00> : vector<1000x128xf32>
    %dot_general3A_32 = tpu.matmul %get3A_1, %get3A_30, %dot_general3A_31 {dimension_numbers = #tpu.dot_dimension_numbers<[1], [0], [0], [1], [0, 0, 1, 1], [], []>, transpose_lhs_hint = false} : vector<1000x128xf32>, vector<128x128xf32>, vector<1000x128xf32> -> vector<1000x128xf32>
    %swap3A_33 = arith.constant 2 : index
    %swap3A_34 = arith.constant 0 : index
    %swap3A_35 = arith.constant 0 : index
    %swap3A_36 = vector.load %arg3[%swap3A_33, %swap3A_34, %swap3A_35] : memref<5x1000x128xf32, #tpu.memory_space<vmem>>, vector<1x1000x128xf32>
    %swap3A_37 = vector.shape_cast %swap3A_36 : vector<1x1000x128xf32> to vector<1000x128xf32>
    %swap3A_38 = vector.shape_cast %dot_general3A_32 : vector<1000x128xf32> to vector<1x1000x128xf32>
    tpu.vector_store %arg3[%swap3A_33, %swap3A_34, %swap3A_35], %swap3A_38 {strides = array<i32>} : memref<5x1000x128xf32, #tpu.memory_space<vmem>>, vector<1x1000x128xf32>,
    %get3A_39 = arith.constant 3 : index
    %get3A_40 = arith.constant 0 : index
    %get3A_41 = arith.constant 0 : index
    %get3A_42 = vector.load %arg2[%get3A_39, %get3A_40, %get3A_41] : memref<5x128x128xf32, #tpu.memory_space<vmem>>, vector<1x128x128xf32>
    %get3A_43 = vector.shape_cast %get3A_42 : vector<1x128x128xf32> to vector<128x128xf32>
    %dot_general3A_44 = arith.constant dense<0.000000e+00> : vector<1000x128xf32>
    %dot_general3A_45 = tpu.matmul %get3A_1, %get3A_43, %dot_general3A_44 {dimension_numbers = #tpu.dot_dimension_numbers<[1], [0], [0], [1], [0, 0, 1, 1], [], []>, transpose_lhs_hint = false} : vector<1000x128xf32>, vector<128x128xf32>, vector<1000x128xf32> -> vector<1000x128xf32>
    %swap3A_46 = arith.constant 3 : index
    %swap3A_47 = arith.constant 0 : index
    %swap3A_48 = arith.constant 0 : index
    %swap3A_49 = vector.load %arg3[%swap3A_46, %swap3A_47, %swap3A_48] : memref<5x1000x128xf32, #tpu.memory_space<vmem>>, vector<1x1000x128xf32>
    %swap3A_50 = vector.shape_cast %swap3A_49 : vector<1x1000x128xf32> to vector<1000x128xf32>
    %swap3A_51 = vector.shape_cast %dot_general3A_45 : vector<1000x128xf32> to vector<1x1000x128xf32>
    tpu.vector_store %arg3[%swap3A_46, %swap3A_47, %swap3A_48], %swap3A_51 {strides = array<i32>} : memref<5x1000x128xf32, #tpu.memory_space<vmem>>, vector<1x1000x128xf32>,
    %get3A_52 = arith.constant 4 : index
    %get3A_53 = arith.constant 0 : index
    %get3A_54 = arith.constant 0 : index
    %get3A_55 = vector.load %arg2[%get3A_52, %get3A_53, %get3A_54] : memref<5x128x128xf32, #tpu.memory_space<vmem>>, vector<1x128x128xf32>
    %get3A_56 = vector.shape_cast %get3A_55 : vector<1x128x128xf32> to vector<128x128xf32>
    %dot_general3A_57 = arith.constant dense<0.000000e+00> : vector<1000x128xf32>
    %dot_general3A_58 = tpu.matmul %get3A_1, %get3A_56, %dot_general3A_57 {dimension_numbers = #tpu.dot_dimension_numbers<[1], [0], [0], [1], [0, 0, 1, 1], [], []>, transpose_lhs_hint = false} : vector<1000x128xf32>, vector<128x128xf32>, vector<1000x128xf32> -> vector<1000x128xf32>
    %swap3A_59 = arith.constant 4 : index
    %swap3A_60 = arith.constant 0 : index
    %swap3A_61 = arith.constant 0 : index
    %swap3A_62 = vector.load %arg3[%swap3A_59, %swap3A_60, %swap3A_61] : memref<5x1000x128xf32, #tpu.memory_space<vmem>>, vector<1x1000x128xf32>
    %swap3A_63 = vector.shape_cast %swap3A_62 : vector<1x1000x128xf32> to vector<1000x128xf32>
    %swap3A_64 = vector.shape_cast %dot_general3A_58 : vector<1000x128xf32> to vector<1x1000x128xf32>
    tpu.vector_store %arg3[%swap3A_59, %swap3A_60, %swap3A_61], %swap3A_64 {strides = array<i32>} : memref<5x1000x128xf32, #tpu.memory_space<vmem>>, vector<1x1000x128xf32>,
    return
  }
  func.func @transform_0(%arg0: i32) -> (i32, i32) {
    %c0_i32 = arith.constant 0 : i32
    %c0_i32_0 = arith.constant 0 : i32
    return %arg0, %c0_i32 : i32, i32
  }
  func.func @transform_1(%arg0: i32) -> (i32, i32, i32) {
    %c0_i32 = arith.constant 0 : i32
    %c0_i32_0 = arith.constant 0 : i32
    %c0_i32_1 = arith.constant 0 : i32
    %c0_i32_2 = arith.constant 0 : i32
    return %c0_i32, %c0_i32_0, %c0_i32_1 : i32, i32, i32
  }
  func.func @transform_2(%arg0: i32) -> (i32, i32, i32) {
    %c0_i32 = arith.constant 0 : i32
    %c0_i32_0 = arith.constant 0 : i32
    %c0_i32_1 = arith.constant 0 : i32
    return %c0_i32, %arg0, %c0_i32_0 : i32, i32, i32
  }
}

module attributes {stable_mosaic.version = 14 : i64} {
  func.func @_fin_body(%arg0: i32, %arg1: memref<2x1000x128xf32, #tpu.memory_space<vmem>>, %arg2: memref<1x1000x128xf32, #tpu.memory_space<vmem>>, %arg3: memref<1x128xf32, #tpu.memory_space<vmem>>, %arg4: memref<1000x128xf32, #tpu.memory_space<vmem>>) attributes {dimension_semantics = [#tpu.dimension_semantics<arbitrary>], iteration_bounds = array<i64: 10>, scalar_prefetch = 0 : i64, scratch_operands = 0 : i64, tpu.core_type = #tpu.core_type<tc>, window_params = [{transform_indices = @transform_0, window_bounds = array<i64: 2, 1000, 128>}, {transform_indices = @transform_1, window_bounds = array<i64: 1, 1000, 128>}, {pipeline_mode = #tpu.pipeline_mode<synchronous>, transform_indices = @transform_2, window_bounds = array<i64: 1, 128>}, {transform_indices = @transform_3, window_bounds = array<i64: 1000, 128>}]} {
    %get3A = arith.constant 0 : index
    %get3A_0 = arith.constant 0 : index
    %get3A_1 = arith.constant 0 : index
    %get3A_2 = vector.load %arg1[%get3A, %get3A_0, %get3A_1] : memref<2x1000x128xf32, #tpu.memory_space<vmem>>, vector<1x1000x128xf32>
    %get3A_3 = vector.shape_cast %get3A_2 : vector<1x1000x128xf32> to vector<1000x128xf32>
    %get3A_4 = arith.constant 1 : index
    %get3A_5 = arith.constant 0 : index
    %get3A_6 = arith.constant 0 : index
    %get3A_7 = vector.load %arg1[%get3A_4, %get3A_5, %get3A_6] : memref<2x1000x128xf32, #tpu.memory_space<vmem>>, vector<1x1000x128xf32>
    %get3A_8 = vector.shape_cast %get3A_7 : vector<1x1000x128xf32> to vector<1000x128xf32>
    %add3A = arith.addf %get3A_3, %get3A_8 : vector<1000x128xf32>
    %get3A_9 = arith.constant 0 : index
    %get3A_10 = arith.constant 0 : index
    %get3A_11 = arith.constant 0 : index
    %get3A_12 = vector.load %arg2[%get3A_9, %get3A_10, %get3A_11] : memref<1x1000x128xf32, #tpu.memory_space<vmem>>, vector<1x1000x128xf32>
    %get3A_13 = vector.shape_cast %get3A_12 : vector<1x1000x128xf32> to vector<1000x128xf32>
    %add3A_14 = arith.addf %add3A, %get3A_13 : vector<1000x128xf32>
    %get3A_15 = arith.constant 0 : index
    %get3A_16 = arith.constant 0 : index
    %get3A_17 = vector.load %arg3[%get3A_15, %get3A_16] : memref<1x128xf32, #tpu.memory_space<vmem>>, vector<1x128xf32>
    %add3A_18 = vector.broadcast %get3A_17 : vector<1x128xf32> to vector<1000x128xf32>
    %add3A_19 = arith.addf %add3A_14, %add3A_18 : vector<1000x128xf32>
    %max3A = arith.constant 0.000000e+00 : f32
    %max3A_20 = vector.broadcast %max3A : f32 to vector<1000x128xf32>
    %max3A_21 = arith.maximumf %add3A_19, %max3A_20 : vector<1000x128xf32>
    %swap3A = arith.constant 0 : index
    %swap3A_22 = arith.constant 0 : index
    %swap3A_23 = vector.load %arg4[%swap3A, %swap3A_22] : memref<1000x128xf32, #tpu.memory_space<vmem>>, vector<1000x128xf32>
    tpu.vector_store %arg4[%swap3A, %swap3A_22], %max3A_21 {strides = array<i32>} : memref<1000x128xf32, #tpu.memory_space<vmem>>, vector<1000x128xf32>,
    return
  }
  func.func @transform_0(%arg0: i32) -> (i32, i32, i32) {
    %c0_i32 = arith.constant 0 : i32
    %c0_i32_0 = arith.constant 0 : i32
    %c0_i32_1 = arith.constant 0 : i32
    return %c0_i32, %arg0, %c0_i32_0 : i32, i32, i32
  }
  func.func @transform_1(%arg0: i32) -> (i32, i32, i32) {
    %c4_i32 = arith.constant 4 : i32
    %c0_i32 = arith.constant 0 : i32
    %c0_i32_0 = arith.constant 0 : i32
    return %c4_i32, %arg0, %c0_i32 : i32, i32, i32
  }
  func.func @transform_2(%arg0: i32) -> (i32, i32) {
    %c0_i32 = arith.constant 0 : i32
    %c0_i32_0 = arith.constant 0 : i32
    %c0_i32_1 = arith.constant 0 : i32
    return %c0_i32, %c0_i32_0 : i32, i32
  }
  func.func @transform_3(%arg0: i32) -> (i32, i32) {
    %c0_i32 = arith.constant 0 : i32
    %c0_i32_0 = arith.constant 0 : i32
    return %arg0, %c0_i32 : i32, i32
  }
}

</mosaic_0001>

<sc_bundles>
// kernel: kernel.6.cloned.1.call-start
scs
__scs_entry_jumppad:
0x0: {  	(pc) =	sbr.rel $0x88, $3  }
0x1: {  	(tag) =	ssettag $0x0;
	lr =	simm.s32 $0x1  }
0x2: {  	[smem:$0x3F9B] =	sst lr;
	_ =	strace $0xD0000000  }
0x3: {  	_ = 	snop  }
0x4: {  	_ = 	snop  }
0x5: {  	_ = 	snop  }
0x6: {  	_ = 	snop  }
0x7: {  	_ = 	snop  }
__scs_overlays_trampoline_lowered:
0x8: {  	[smem:$0x3FAA] =	sst s0  }
0x9: {  	[smem:$0x3FAB] =	sst s1  }
0xa: {  	[smem:$0x3FAC] =	sst s2  }
0xb: {  	[smem:$0x3FAD] =	sst s3  }
0xc: {  	[smem:$0x3FAE] =	sst s4  }
0xd: {  	[smem:$0x3FAF] =	sst s5  }
0xe: {  	[smem:$0x3FB0] =	sst s6  }
0xf: {  	[smem:$0x3FB1] =	sst s7  }
0x10: {  	[smem:$0x3FB2] =	sst s8  }
0x11: {  	[smem:$0x3FB3] =	sst s9;
	s0 =	simm.s32 @!p0 $0x0  }
0x12: {  	s1 =	sld [smem:$0x3F99];
	s0 =	simm.s32 @p0 $0x1  }
0x13: {  	[smem:$0x3FB4] =	sst s0;
	s0 =	simm.s32 @!p1 $0x0  }
0x14: {  	s2 =	sld [smem:$0x3F98];
	s0 =	simm.s32 @p1 $0x1  }
0x15: {  	[smem:$0x3FB5] =	sst s0;
	s0 =	simm.s32 @!p2 $0x0  }
0x16: {  	s3 =	sld [smem:$0x3FDB];
	s0 =	simm.s32 @p2 $0x1  }
0x17: {  	s4 =	simm.s32 $0x1BF5;
	[smem:$0x3FB7] =	sst s0  }
0x18: {  	s0 =	sld [smem:$0x3F9A];
	_ =	swait.ge [sflag:s4], $0x0  }
0x19: {  	s7 =	sld [smem:$0x3F9B]  }
0x1a: {  	s8 =	sadd.s32 $0xFFFFE003, lr  }
0x1b: {  	s9 =	sadd.s32 $0xFFFFFEF7, lr;
	s5 =	simm.s32 $0xFFFFFFFF;
	p2 =	slt.u32 s8, $0xFFFFF086  }
0x1c: {  	p1 =	slt.u32 s9, $0xF7A;
	s5 =	simm.s32 @!p2 $0x0  }
0x1d: {  	s5 =	simm.s32 @p1 $0x1;
	p0 =	seq.s32 s7, s2  }
0x1e: {  	s7 =	smul.u32 @!p0 $0xF7A, s2;
	p2 =	seq.s32 @!p0 s5, $0x0  }
0x1f: {  	s9 =	smul.u32 $0xF7A, s1;
	s8 =	simm.s32 @!p0 $0x1BF5;
	p2 =	por !p2, p0  }
0x20: {  	[sflag:s8] =	ssyncset.s32 @!p0 $0xFFFFF086;
	s6 =	sadd.s32 @!p0 s3, s7;
	s7 =	simm.s32 @!p0 $0x108  }
0x21: {  	s3 =	sadd.s32 s3, s9;
	s6 =	sadd.s32 @!p0 $0x88, s6;
	s7 =	simm.s32 @p2 $0x1082  }
0x22: {  	[simem:s7], [sflag:s8] =	dma.local @!p0 [hbm:s6], $0xF7A  }
0x23: {  	s9 =	sor.u32 $0xD0000000, s2;
	s6 =	simm.s32 $0x108;
	_ =	swait.ge @!p0 [sflag:s8], $0x0  }
0x24: {  	s3 =	sadd.s32 $0x88, s3;
	s6 =	simm.s32 @!p1 $0x1082;
	[sflag:s4] =	ssyncset.s32 $0xFFFFF086  }
0x25: {  	[simem:s6], [sflag:s4] =	dma.local [hbm:s3], $0xF7A  }
0x26: {  	[smem:$0x3F9B] =	sst s1;
	(tag) =	ssettag s2;
	_ =	strace s9  }
0x27: {  	s1 =	sld [smem:$0x3FAB]  }
0x28: {  	s2 =	sld [smem:$0x3FAC]  }
0x29: {  	s4 =	sld [smem:$0x3FAE]  }
0x2a: {  	p0 =	seq.s32 s5, $0x0;
	s5 =	sld [smem:$0x3FAF]  }
0x2b: {  	s6 =	sld [smem:$0x3FB0]  }
0x2c: {  	s7 =	sld [smem:$0x3FB1]  }
0x2d: {  	s3 =	simm.s32 $0x108;
	s8 =	sld [smem:$0x3FB2]  }
0x2e: {  	s3 =	simm.s32 @!p0 $0x1082;
	s9 =	sld [smem:$0x3FB3]  }
0x2f: {  	lr =	sadd.s32 s0, s3;
	s0 =	sld [smem:$0x3FAA]  }
0x30: {  	s3 =	sld [smem:$0x3FAD]  }
0x31: {  	[smem:$0x3FB6] =	sst s10  }
0x32: {  	s10 =	sld [smem:$0x3FB4];
	_ =	sdelay $0x3  }
0x33: {  	p0 =	seq.s32 s10, $0x1;
	s10 =	sld [smem:$0x3FB6];
	_ =	sdelay $0x3  }
0x34: {  	[smem:$0x3FB6] =	sst s10  }
0x35: {  	s10 =	sld [smem:$0x3FB5];
	_ =	sdelay $0x3  }
0x36: {  	p1 =	seq.s32 s10, $0x1;
	s10 =	sld [smem:$0x3FB6];
	_ =	sdelay $0x3  }
0x37: {  	[smem:$0x3FB6] =	sst s10  }
0x38: {  	s10 =	sld [smem:$0x3FB7]  }
0x39: {  	_ = 	snop;
	(pc) =	sbr.ind lr, $3  }
0x3a: {  	_ = 	snop  }
0x3b: {  	_ = 	snop  }
0x3c: {  	p2 =	seq.s32 s10, $0x1;
	s10 =	sld [smem:$0x3FB6]  }
0x3d: {  	_ =	shalt  }
0x3e: {  	_ =	shalt  }
0x3f: {  	_ =	shalt  }
0x40: {  	_ =	shalt  }
0x41: {  	_ =	shalt  }
0x42: {  	_ =	shalt  }
0x43: {  	_ =	shalt  }
0x44: {  	_ =	shalt  }
0x45: {  	_ =	shalt  }
0x46: {  	_ =	shalt  }
0x47: {  	_ =	shalt  }
0x48: {  	_ =	shalt  }
0x49: {  	_ =	shalt  }
0x4a: {  	_ =	shalt  }
0x4b: {  	_ =	shalt  }
0x4c: {  	_ =	shalt  }
0x4d: {  	_ =	shalt  }
0x4e: {  	_ =	shalt  }
0x4f: {  	_ =	shalt  }
0x50: {  	_ =	shalt  }
0x51: {  	_ =	shalt  }
0x52: {  	_ =	shalt  }
0x53: {  	_ =	shalt  }
0x54: {  	_ =	shalt  }
0x55: {  	_ =	shalt  }
0x56: {  	_ =	shalt  }
0x57: {  	_ =	shalt  }
0x58: {  	_ =	shalt  }
0x59: {  	_ =	shalt  }
0x5a: {  	_ =	shalt  }
0x5b: {  	_ =	shalt  }
0x5c: {  	_ =	shalt  }
0x5d: {  	_ =	shalt  }
0x5e: {  	_ =	shalt  }
0x5f: {  	_ =	shalt  }
0x60: {  	_ =	shalt  }
0x61: {  	_ =	shalt  }
0x62: {  	_ =	shalt  }
0x63: {  	_ =	shalt  }
0x64: {  	_ =	shalt  }
0x65: {  	_ =	shalt  }
0x66: {  	_ =	shalt  }
0x67: {  	_ =	shalt  }
0x68: {  	_ =	shalt  }
0x69: {  	_ =	shalt  }
0x6a: {  	_ =	shalt  }
0x6b: {  	_ =	shalt  }
0x6c: {  	_ =	shalt  }
0x6d: {  	_ =	shalt  }
0x6e: {  	_ =	shalt  }
0x6f: {  	_ =	shalt  }
0x70: {  	_ =	shalt  }
0x71: {  	_ =	shalt  }
0x72: {  	_ =	shalt  }
0x73: {  	_ =	shalt  }
0x74: {  	_ =	shalt  }
0x75: {  	_ =	shalt  }
0x76: {  	_ =	shalt  }
0x77: {  	_ =	shalt  }
0x78: {  	_ =	shalt  }
0x79: {  	_ =	shalt  }
0x7a: {  	_ =	shalt  }
0x7b: {  	_ =	shalt  }
0x7c: {  	_ =	shalt  }
0x7d: {  	_ =	shalt  }
0x7e: {  	_ =	shalt  }
0x7f: {  	_ =	shalt  }
0x80: {  	_ =	shalt  }
0x81: {  	_ =	shalt  }
0x82: {  	_ =	shalt  }
0x83: {  	_ =	shalt  }
0x84: {  	_ =	shalt  }
0x85: {  	_ =	shalt  }
0x86: {  	_ =	shalt  }
0x87: {  	_ =	shalt  }
.Lfunc_end0:
.L_simem_size_0:
called_computation_lowered:
.L_overlay_start_0:
0x88: {  	s2 =	sld [smem:$0x3FD9]  }
0x89: {  	s3 =	sld [smem:$0x3FFE];
	_ =	sdelay $0x1  }
0x8a: {  	s1 =	srdreg.scid  }
0x8b: {  	s0 =	sand.u32 $0x1, s1  }
0x8c: {  	s17 =	sshll.u32 s0, $0xA;
	s2 =	sadd.s32 s3, s2  }
0x8d: {  	s2 =	sadd.s32 s2, s17  }
0x8e: {  	[smem:$0x3FC2] =	sst s2  }
0x8f: {  	_ = 	snop  }
0x90: {  	s2 =	sld [smem:$0x3FC7]  }
0x91: {  	s18 =	sld [smem:$0x3FD0];
	(tm) =	ssettm $0x1  }
0x92: {  	s4 =	sld [smem:$0x3FFB];
	_ =	sdelay $0x3  }
0x93: {  	_ =	strace s4  }
0x94: {  	s4 =	sld [smem:$0x3FFC];
	_ =	sdelay $0x3  }
0x95: {  	_ =	strace s4  }
0x96: {  	s4 =	sld [smem:$0x3FFD];
	_ =	sdelay $0x3  }
0x97: {  	_ =	strace s4  }
0x98: {  	_ =	strace $0x8FFFFFFF  }
0x99: {  	s19 =	sld [smem:$0x3FDB];
	_ =	sdelay $0x1  }
0x9a: {  	s5 =	simm.s32 $_scs_section_size  }
0x9b: {  	s6 =	simm.s32 $_size__tile_overlayer_lowered;
	s7 =	simm.s32 $_tile_overlayer_lowered  }
0x9c: {  	s22 =	simm.s32 $0x1BFF;
	s21 =	sshll.u32 s7, $0x1;
	s4 =	sadd.s32 s5, s19  }
0x9d: {  	s8 =	simm.s32 $0x0;
	s20 =	sshll.u32 s6, $0x1;
	s6 =	sadd.s32 s21, s4  }
0x9e: {  	[timem:s8], [sflag:s22] =	dma.local [hbm:s6], s20  }
0x9f: {  	_ =	swait.ge [sflag:s22], s20  }
0xa0: {  	s5 =	ssub.s32 $0x0, s20;
	[sflag:s22] =	ssyncset.done $0x0  }
0xa1: {  	[sflag:s22] =	ssyncadd.s32 s5;
	_ =	sdelay $0x1  }
0xa2: {  	s23 =	simm.s32 $0x1B8B  }
0xa3: {  	_ =	swait.ge [sflag:s23], $0x1  }
0xa4: {  	[sflag:s23] =	ssyncset.done $0x0  }
0xa5: {  	s25 =	simm.s32 $0x1B8E;
	s24 =	sld [smem:$0x3FFE];
	[sflag:s23] =	ssyncadd.s32 $0xFFFFFFFF  }
0xa6: {  	s26 =	simm.s32 $execute0_lowered;
	[smem:$0x3FD2] =	sst s25  }
0xa7: {  	s6 =	sshll.u32 s26, $0x1;
	_ =	strace $0x80000046;
	[dreg:$0x1] =	wrdreg $0xFFFFFFFF  }
0xa8: {  	s28 =	simm.s32 $_size_execute0_lowered;
	s4 =	sadd.s32 s4, s6;
	[dreg:$0x0] =	wrdreg $0x0  }
0xa9: {  	s6 =	sshll.u32 s28, $0x1;
	[dreg:$0x2] =	wrdreg s4  }
0xaa: {  	[dreg:$0x3] =	wrdreg s6  }
0xab: {  	[dreg:$0x4] =	wrdreg $0xC0  }
0xac: {  	_ =	task [dreg:s8], $0x5FFFF  }
0xad: {  	[dreg:$0x1] =	wrdreg $0xFFFFFFFF  }
0xae: {  	[dreg:$0x0] =	wrdreg $0x60  }
0xaf: {  	[dreg:$0x2] =	wrdreg s18  }
0xb0: {  	[dreg:$0x3] =	wrdreg s2  }
0xb1: {  	[dreg:$0x4] =	wrdreg s24  }
0xb2: {  	[dreg:$0x5] =	wrdreg $0x0  }
0xb3: {  	[dreg:$0x6] =	wrdreg $0x9  }
0xb4: {  	_ =	task.clear_ibuf [dreg:s8], $0x7FFFF;
	_ =	strace $0x90000046  }
0xb5: {  	s29 =	simm.s32 $0x9;
	_ =	strace $0x80000048  }
0xb6: {  	_ =	swait.ge [sflag:s29], $0x1  }
0xb7: {  	[sflag:s29] =	ssyncadd.s32 $0xFFFFFFFF  }
0xb8: {  	_ =	strace $0x90000048  }
0xb9: {  	_ =	sfence  }
0xba: {  	s30 =	sld [smem:$0x0];
	_ =	sdelay $0x2  }
0xbb: {  	s31 =	sshll.u32 s1, $0xD;
	s1 =	sshrl.u32 s1, $0x2  }
0xbc: {  	s3 =	sand.u32 $0x4000, s31;
	s1 =	sadd.s32 s1, s30  }
0xbd: {  	s0 =	sor.u32 s3, s0;
	s1 =	sshll.u32 s1, $0x11  }
0xbe: {  	s0 =	sor.u32 s1, s0  }
0xbf: {  	s0 =	sadd.s32 $0x8F2B, s0  }
0xc0: {  	[sflag:s0] =	ssyncadd.remote.s32 $0x1  }
0xc1: {  	_ =	sfence.sel $0xFFFF  }
0xc2: {  	[dreg:$0x0] =	wrdreg $0xFFFFFFFF;
	(pc) =	sbr.abs _section_cstart, $3  }
0xc3: {  	[dreg:$0x1] =	wrdreg $0xFFFFFFFF  }
0xc4: {  	_ =	task.clear_ibuf [dreg:s8], $0x2FFFF;
	_ =	strace $0x9FFFFFFF  }
0xc5: {  	(tm) =	ssettm $0x7FFFFFFF  }
tec
execute0_lowered:
.L_overlay_start_1:
0x0: {  	(tag) =	ssettag $0x1  }
0x1: {  	s1 =	rddreg [dreg:$0x0]  }
0x2: {  	s2 =	rddreg [dreg:$0x1]  }
0x3: {  	s3 =	srdreg.scid;
	s7 =	rddreg [dreg:$0x2]  }
0x4: {  	s0 =	stileid.u32;
	s4 =	rddreg [dreg:$0x3];
	s5 =	simm.s32 $0x0  }
0x5: {  	s13 =	simm.s32 $0x6;
	s14 =	simm.s32 $0xA00;
	s15 =	simm.s32 $0xD80  }
0x6: {  	s16 =	simm.s32 $0x5;
	s17 =	simm.s32 $0x50;
	s18 =	simm.s32 $0x1300  }
0x7: {  	s19 =	simm.s32 $0x1;
	s8 =	sand.u32 $0x1, s3;
	s9 =	smul.u32 $0xA00, s0  }
0x8: {  	s20 =	simm.s32 $0x2;
	s21 =	simm.s32 $0x3;
	s6 =	smul.u32 $0xA000, s8  }
0x9: {  	s22 =	simm.s32 $0x4;
	s23 =	simm.s32 $0x0;
	[smem:$0x7FF] =	sst s5  }
0xa: {  	s8 =	ssub.s32 $0x2, s8;
	s10 =	sadd.s32 s9, s6;
	s6 =	smul.u32 $0x4E20, s0  }
0xb: {  	_ =	strace $0x80000047;
	s31 =	sshrl.u32 s8, $0x1;
	s10 =	sshrl.u32 s10, $0x3  }
0xc: {  	s12 =	ssub.s32 s8, s31;
	s10 =	sadd.s32 s10, s7;
	s11 =	sshrl.u32 s6, $0x3  }
0xd: {  	s7 =	sadd.s32 s9, s4;
	s8 =	sadd.s32 s2, s11;
	s9 =	sadd.s32 s1, s11  }
0xe: {  	v0 =	vimm.f32 $1.000000000e+00;
	v1 =	vimm.f32 $0.0e+00;
	s10 =	sadd.s32 $0xAE00, s10;
	s11 =	smax.u32 s12, $0x1;
	s12 =	simm.s32 $0x1380  }
.LBB2_1:
0xf: {  	[tilespmem:$0x1300] =	vst v0  }
0x10: {  	[tilespmem:$0x1310] =	vst v0  }
0x11: {  	[tilespmem:$0x1320] =	vst v0  }
0x12: {  	[tilespmem:$0x1330] =	vst v0  }
0x13: {  	[tilespmem:$0x1340] =	vst v0;
	s24 =	simm.s32 $0x40;
	s25 =	simm.s32 $0x0  }
.LBB2_2:
0x14: {  	p0 =	sne.s32 s24, $0x27C0;
	[tilespmem:s25+$0x1380] =	vst v1;
	s25 =	smov.u32 s24;
	s24 =	sadd.s32 $0x40, s24  }
.Ltmp0:
0x15: {  	(pc) =	sbr.rel @p0 .LBB2_2-.Ltmp0, $2  }
0x16: {  	_ =	sdelay $0x2  }
0x17: {  	s25 =	sshra.s32 s25, $0x2  }
0x18: {  	[tilespmem:s25+$0x1380] =	vst v1  }
0x19: {  	[spmem:s7] =	stream.linear.scatter [tilespmem:s12], [sflag:$0x6], $0xA00, $0x38;
	[tilespmem:$0x1D80] =	vst v63  }
0x1a: {  	_ =	swait.ge [sflag:s13], $0xA00  }
0x1b: {  	[sflag:s13] =	ssyncset.done $0x0  }
.Ltmp1:
0x1c: {  	[sflag:s13] =	ssyncadd.s32 $0xFFFFF600;
	(pc) =	sbr.rel .LBB2_4-.Ltmp1, $4  }
0x1d: {  	s24 =	simm.s32 $0x0;
	[bflag:$0x0] =	sbarrier.arrive $0xFFFF  }
0x1e: {  	[tilespmem:s14], [sflag:$0x5] =	stream.linear.gather [hbm4b:s8+s24], $0x190, $0x38;
	[tilespmem:$0x1D80] =	vst v63  }
0x1f: {  	_ = 	snop  }
0x20: {  	[tilespmem:s15], [sflag:$0x5] =	stream.linear.gather [hbm4b:s9+s24], $0x190, $0x38;
	[tilespmem:$0x1D80] =	vst v63  }
.LBB2_8:
0x21: {  	s3 =	sadd.s32 $0x1, s25  }
0x22: {  	_ =	swait.ge [sflag:s3], $0x50  }
0x23: {  	[sflag:s3] =	ssyncset.done $0x0  }
0x24: {  	[sflag:s3] =	ssyncadd.s32 $0xFFFFFFB0  }
.LBB2_9:
0x25: {  	s3 =	sand.u32 $0x1, s26  }
0x26: {  	s28 =	smul.u32 $0x50, s28;
	p0 =	seq.s32 s3, $0x1;
	s3 =	simm.s32 $0x190  }
0x27: {  	s3 =	simm.s32 @!p0 $0x0  }
0x28: {  	s3 =	sadd.s32 s28, s3  }
0x29: {  	v2 =	vld [tilespmem:s3+$0xA00];
	_ =	sdelay $0x1  }
0x2a: {  	v3 =	vld [tilespmem:s3+$0xD80];
	_ =	sdelay $0x2  }
0x2b: {  	v2 =	vmul.u32 $0x2710, v2;
	_ =	sdelay $0x1  }
0x2c: {  	s29 =	sshll.u32 s25, $0x7;
	v2 =	vadd.s32 v3, v2  }
0x2d: {  	[tilespmem:s29+$0x1100] =	vst v2  }
0x2e: {  	v2 =	vld [tilespmem:s3+$0xA10];
	_ =	sdelay $0x1  }
0x2f: {  	v3 =	vld [tilespmem:s3+$0xD90];
	_ =	sdelay $0x2  }
0x30: {  	v2 =	vmul.u32 $0x2710, v2;
	_ =	sdelay $0x1  }
0x31: {  	v2 =	vadd.s32 v3, v2  }
0x32: {  	[tilespmem:s29+$0x1110] =	vst v2  }
0x33: {  	v2 =	vld [tilespmem:s3+$0xA20];
	_ =	sdelay $0x1  }
0x34: {  	v3 =	vld [tilespmem:s3+$0xDA0];
	_ =	sdelay $0x2  }
0x35: {  	v2 =	vmul.u32 $0x2710, v2;
	_ =	sdelay $0x1  }
0x36: {  	v2 =	vadd.s32 v3, v2  }
0x37: {  	[tilespmem:s29+$0x1120] =	vst v2  }
0x38: {  	v2 =	vld [tilespmem:s3+$0xA30];
	_ =	sdelay $0x1  }
0x39: {  	v3 =	vld [tilespmem:s3+$0xDB0];
	_ =	sdelay $0x2  }
0x3a: {  	v2 =	vmul.u32 $0x2710, v2;
	_ =	sdelay $0x1  }
0x3b: {  	v2 =	vadd.s32 v3, v2  }
0x3c: {  	[tilespmem:s29+$0x1130] =	vst v2  }
0x3d: {  	v2 =	vld [tilespmem:s3+$0xA40];
	_ =	sdelay $0x1  }
0x3e: {  	v3 =	vld [tilespmem:s3+$0xDC0]  }
0x3f: {  	s24 =	sadd.s32 $0x1, s24  }
0x40: {  	p0 =	sne.s32 s24, $0xFA  }
.Ltmp2:
0x41: {  	v2 =	vmul.u32 $0x2710, v2;
	(pc) =	sbr.rel @!p0 .LBB2_10-.Ltmp2, $4  }
0x42: {  	_ = 	snop  }
0x43: {  	v2 =	vadd.s32 v3, v2  }
0x44: {  	s31 =	sadd.s32 $0x1, s25;
	s30 =	sadd.s32 $0x1100, s29;
	[tilespmem:s29+$0x1140] =	vst v2  }
0x45: {  	[spmem:s4] =	stream.indirect.scatter.add.f32 [tilespmem:s18], [sflag:s31], $0x1, s30, s17, $0xb8;
	[tilespmem:$0x1D80] =	vst v63  }
.LBB2_4:
0x46: {  	s25 =	smul.u32 $0xCD, s24;
	_ =	sdelay $0x1  }
0x47: {  	s25 =	sshrl.u32 s25, $0xA  }
0x48: {  	s26 =	sand.u32 $0x3F, s25  }
0x49: {  	s25 =	smul.u32 $0x5, s26;
	_ =	sdelay $0x1  }
0x4a: {  	s25 =	ssub.s32 s24, s25  }
0x4b: {  	s28 =	sand.u32 $0xFF, s25  }
0x4c: {  	p0 =	sne.s32 s28, $0x0  }
.Ltmp3:
0x4d: {  	_ = 	snop;
	(pc) =	sbr.rel @p0 .LBB2_7-.Ltmp3, $2  }
0x4e: {  	_ =	sdelay $0x2  }
0x4f: {  	s25 =	sand.u32 $0x3, s24  }
0x50: {  	_ =	swait.ge [sflag:s16], $0x190;
	p0 =	sgt.u32 s24, $0xF4  }
.Ltmp4:
0x51: {  	[sflag:s16] =	ssyncset.done $0x0;
	(pc) =	sbr.rel @p0 .LBB2_8-.Ltmp4, $4  }
0x52: {  	[sflag:s16] =	ssyncadd.s32 $0xFFFFFE70  }
0x53: {  	_ =	swait.ge [sflag:s16], $0x190  }
0x54: {  	[sflag:s16] =	ssyncset.done $0x0  }
0x55: {  	[sflag:s16] =	ssyncadd.s32 $0xFFFFFE70  }
0x56: {  	s29 =	sadd.s32 $0x1, s26  }
0x57: {  	s30 =	smul.u32 $0x190, s29  }
0x58: {  	s29 =	sand.u32 $0x1, s29  }
0x59: {  	p0 =	seq.s32 s29, $0x1;
	s29 =	simm.s32 $0x190;
	s30 =	sadd.s32 s6, s30  }
0x5a: {  	s29 =	simm.s32 @!p0 $0x0;
	s30 =	sshrl.u32 s30, $0x3  }
0x5b: {  	s31 =	sor.u32 $0xA00, s29;
	s3 =	sadd.s32 s2, s30  }
0x5c: {  	[tilespmem:s31], [sflag:$0x5] =	stream.linear.gather [hbm4b:s3+s5], $0x190, $0x38;
	[tilespmem:$0x1D80] =	vst v63  }
0x5d: {  	s3 =	sadd.s32 $0xD80, s29;
	s31 =	sadd.s32 s1, s30  }
0x5e: {  	[tilespmem:s3], [sflag:$0x5] =	stream.linear.gather [hbm4b:s31+s5], $0x190, $0x38;
	[tilespmem:$0x1D80] =	vst v63  }
.LBB2_7:
0x5f: {  	p0 =	slt.u32 s24, $0x4  }
.Ltmp5:
0x60: {  	_ = 	snop;
	(pc) =	sbr.rel @p0 .LBB2_9-.Ltmp5, $4  }
.Ltmp6:
0x61: {  	_ = 	snop;
	(pc) =	sbr.rel @!p0 .LBB2_8-.Ltmp6, $4  }
0x62: {  	_ = 	snop  }
0x63: {  	_ = 	snop  }
0x64: {  	_ = 	snop  }
0x65: {  	_ = 	snop  }
.LBB2_10:
0x66: {  	_ =	swait.ge [sflag:s19], $0x50  }
0x67: {  	[sflag:s19] =	ssyncset.done $0x0  }
0x68: {  	[sflag:s19] =	ssyncadd.s32 $0xFFFFFFB0  }
0x69: {  	_ =	swait.ge [sflag:s20], $0x50  }
0x6a: {  	[sflag:s20] =	ssyncset.done $0x0  }
0x6b: {  	[sflag:s20] =	ssyncadd.s32 $0xFFFFFFB0  }
0x6c: {  	_ =	swait.ge [sflag:s21], $0x50  }
0x6d: {  	[sflag:s21] =	ssyncset.done $0x0  }
0x6e: {  	[sflag:s21] =	ssyncadd.s32 $0xFFFFFFB0  }
0x6f: {  	_ =	swait.ge [sflag:s22], $0x50  }
0x70: {  	[sflag:s22] =	ssyncset.done $0x0  }
0x71: {  	[sflag:s22] =	ssyncadd.s32 $0xFFFFFFB0  }
0x72: {  	[bflag:$0x0] =	sbarrier.arrive $0xFFFF  }
0x73: {  	[tilespmem:s12], [sflag:$0x6] =	stream.linear.gather [spmem:s7], $0xA00, $0x38;
	[tilespmem:$0x1D80] =	vst v63  }
0x74: {  	_ =	swait.ge [sflag:s13], $0xA00  }
0x75: {  	[sflag:s13] =	ssyncset.done $0x0  }
0x76: {  	s24 =	simm.s32 $0x0;
	s25 =	simm.s32 $0x40;
	[sflag:s13] =	ssyncadd.s32 $0xFFFFF600  }
.LBB2_11:
0x77: {  	p0 =	sne.s32 s25, $0x27C0;
	v2 =	vld [tilespmem:s24+$0x1380];
	_ =	sdelay $0x4  }
0x78: {  	v2 =	vmax.f32 v2, $1.000000000e+00  }
0x79: {  	(erf) = vrcp.f32 v2;
	_ =	sdelay $0x5  }
.Ltmp7:
0x7a: {  	(pc) =	sbr.rel @p0 .LBB2_11-.Ltmp7, $3  }
0x7b: {  	_ =	sdelay $0x1  }
0x7c: {  	v2 =	vpop (erf)  }
0x7d: {  	[tilespmem:s24+$0x1380] =	vst v2;
	s24 =	sshra.s32 s25, $0x2;
	s25 =	sadd.s32 $0x40, s25  }
0x7e: {  	v2 =	vld [tilespmem:s24+$0x1380];
	_ =	sdelay $0x4  }
0x7f: {  	v2 =	vmax.f32 v2, $1.000000000e+00  }
0x80: {  	(erf) = vrcp.f32 v2;
	_ =	sdelay $0x7  }
0x81: {  	s23 =	sadd.s32 $0x1, s23  }
0x82: {  	p0 =	sne.s32 s23, s11;
	v2 =	vpop (erf)  }
.Ltmp8:
0x83: {  	[tilespmem:s24+$0x1380] =	vst v2;
	(pc) =	sbr.rel @p0 .LBB2_1-.Ltmp8, $4  }
0x84: {  	[hbm4b:s10+s5] =	stream.linear.scatter [tilespmem:s12], [sflag:$0x6], $0xA00, $0x38;
	[tilespmem:$0x1D80] =	vst v63  }
0x85: {  	_ =	swait.ge [sflag:s13], $0xA00  }
0x86: {  	[sflag:s13] =	ssyncset.done $0x0  }
0x87: {  	[sflag:s13] =	ssyncadd.s32 $0xFFFFF600  }
0x88: {  	_ =	sfence.sel $0x180000  }
0x89: {  	[bflag:$0x0] =	sbarrier.arrive $0xFFFF  }
0x8a: {  	_ =	strace $0x90000047  }
0x8b: {  	[bflag:$0x2] =	sbarrier.arrive $0xFFFF  }
0x8c: {  	p0 =	sne.s32 s0, $0x0;
	s0 =	rddreg [dreg:$0x4]  }
0x8d: {  	s0 =	sadd.s32 @!p0 $0x100000, s0  }
0x8e: {  	[sflag:s0] =	ssyncadd.tile.s32 @!p0 $0x1;
	_ =	shalt  }
.Lfunc_end2:
_tile_overlayer_lowered:
.L_overlay_start_2:
0x8f: {  	(tag) =	ssettag $0x2  }
0x90: {  	s0 =	rddreg [dreg:$0x0];
	s2 =	stileid.u32  }
0x91: {  	s1 =	rddreg [dreg:$0x1];
	p0 =	sne.s32 s2, $0x0  }
0x92: {  	s3 =	rddreg [dreg:$0x2];
	[bflag:$0x3] =	sbarrier.arrive $0xFFFF;
	s2 =	simm.s32 @!p0 $0x1C06  }
0x93: {  	[timem:s3], [sflag:s2] =	dma.local @!p0 [hbm:s0], s1  }
0x94: {  	s0 =	simm.s32 @!p0 $0x6  }
0x95: {  	_ =	swait.ge @!p0 [sflag:s0], s1  }
0x96: {  	s1 =	ssub.s32 @!p0 $0x0, s1;
	[sflag:s0] =	ssyncset.done @!p0 $0x0  }
0x97: {  	[sflag:s0] =	ssyncadd.s32 @!p0 s1  }
0x98: {  	[bflag:$0x3] =	sbarrier.arrive $0xFFFF  }
0x99: {  	_ =	shalt  }

// kernel: kernel.9.cloned.1.call-start
scs
__scs_entry_jumppad:
0x0: {  	(pc) =	sbr.rel $0x88, $3  }
0x1: {  	(tag) =	ssettag $0x0;
	lr =	simm.s32 $0x1  }
0x2: {  	[smem:$0x3F9B] =	sst lr;
	_ =	strace $0xD0000000  }
0x3: {  	_ = 	snop  }
0x4: {  	_ = 	snop  }
0x5: {  	_ = 	snop  }
0x6: {  	_ = 	snop  }
0x7: {  	_ = 	snop  }
__scs_overlays_trampoline_lowered:
0x8: {  	[smem:$0x3FAA] =	sst s0  }
0x9: {  	[smem:$0x3FAB] =	sst s1  }
0xa: {  	[smem:$0x3FAC] =	sst s2  }
0xb: {  	[smem:$0x3FAD] =	sst s3  }
0xc: {  	[smem:$0x3FAE] =	sst s4  }
0xd: {  	[smem:$0x3FAF] =	sst s5  }
0xe: {  	[smem:$0x3FB0] =	sst s6  }
0xf: {  	[smem:$0x3FB1] =	sst s7  }
0x10: {  	[smem:$0x3FB2] =	sst s8  }
0x11: {  	[smem:$0x3FB3] =	sst s9;
	s0 =	simm.s32 @!p0 $0x0  }
0x12: {  	s1 =	sld [smem:$0x3F99];
	s0 =	simm.s32 @p0 $0x1  }
0x13: {  	[smem:$0x3FB4] =	sst s0;
	s0 =	simm.s32 @!p1 $0x0  }
0x14: {  	s2 =	sld [smem:$0x3F98];
	s0 =	simm.s32 @p1 $0x1  }
0x15: {  	[smem:$0x3FB5] =	sst s0;
	s0 =	simm.s32 @!p2 $0x0  }
0x16: {  	s3 =	sld [smem:$0x3FDB];
	s0 =	simm.s32 @p2 $0x1  }
0x17: {  	s4 =	simm.s32 $0x1BF5;
	[smem:$0x3FB7] =	sst s0  }
0x18: {  	s0 =	sld [smem:$0x3F9A];
	_ =	swait.ge [sflag:s4], $0x0  }
0x19: {  	s7 =	sld [smem:$0x3F9B]  }
0x1a: {  	s8 =	sadd.s32 $0xFFFFE003, lr  }
0x1b: {  	s9 =	sadd.s32 $0xFFFFFEF7, lr;
	s5 =	simm.s32 $0xFFFFFFFF;
	p2 =	slt.u32 s8, $0xFFFFF086  }
0x1c: {  	p1 =	slt.u32 s9, $0xF7A;
	s5 =	simm.s32 @!p2 $0x0  }
0x1d: {  	s5 =	simm.s32 @p1 $0x1;
	p0 =	seq.s32 s7, s2  }
0x1e: {  	s7 =	smul.u32 @!p0 $0xF7A, s2;
	p2 =	seq.s32 @!p0 s5, $0x0  }
0x1f: {  	s9 =	smul.u32 $0xF7A, s1;
	s8 =	simm.s32 @!p0 $0x1BF5;
	p2 =	por !p2, p0  }
0x20: {  	[sflag:s8] =	ssyncset.s32 @!p0 $0xFFFFF086;
	s6 =	sadd.s32 @!p0 s3, s7;
	s7 =	simm.s32 @!p0 $0x108  }
0x21: {  	s3 =	sadd.s32 s3, s9;
	s6 =	sadd.s32 @!p0 $0x88, s6;
	s7 =	simm.s32 @p2 $0x1082  }
0x22: {  	[simem:s7], [sflag:s8] =	dma.local @!p0 [hbm:s6], $0xF7A  }
0x23: {  	s9 =	sor.u32 $0xD0000000, s2;
	s6 =	simm.s32 $0x108;
	_ =	swait.ge @!p0 [sflag:s8], $0x0  }
0x24: {  	s3 =	sadd.s32 $0x88, s3;
	s6 =	simm.s32 @!p1 $0x1082;
	[sflag:s4] =	ssyncset.s32 $0xFFFFF086  }
0x25: {  	[simem:s6], [sflag:s4] =	dma.local [hbm:s3], $0xF7A  }
0x26: {  	[smem:$0x3F9B] =	sst s1;
	(tag) =	ssettag s2;
	_ =	strace s9  }
0x27: {  	s1 =	sld [smem:$0x3FAB]  }
0x28: {  	s2 =	sld [smem:$0x3FAC]  }
0x29: {  	s4 =	sld [smem:$0x3FAE]  }
0x2a: {  	p0 =	seq.s32 s5, $0x0;
	s5 =	sld [smem:$0x3FAF]  }
0x2b: {  	s6 =	sld [smem:$0x3FB0]  }
0x2c: {  	s7 =	sld [smem:$0x3FB1]  }
0x2d: {  	s3 =	simm.s32 $0x108;
	s8 =	sld [smem:$0x3FB2]  }
0x2e: {  	s3 =	simm.s32 @!p0 $0x1082;
	s9 =	sld [smem:$0x3FB3]  }
0x2f: {  	lr =	sadd.s32 s0, s3;
	s0 =	sld [smem:$0x3FAA]  }
0x30: {  	s3 =	sld [smem:$0x3FAD]  }
0x31: {  	[smem:$0x3FB6] =	sst s10  }
0x32: {  	s10 =	sld [smem:$0x3FB4];
	_ =	sdelay $0x3  }
0x33: {  	p0 =	seq.s32 s10, $0x1;
	s10 =	sld [smem:$0x3FB6];
	_ =	sdelay $0x3  }
0x34: {  	[smem:$0x3FB6] =	sst s10  }
0x35: {  	s10 =	sld [smem:$0x3FB5];
	_ =	sdelay $0x3  }
0x36: {  	p1 =	seq.s32 s10, $0x1;
	s10 =	sld [smem:$0x3FB6];
	_ =	sdelay $0x3  }
0x37: {  	[smem:$0x3FB6] =	sst s10  }
0x38: {  	s10 =	sld [smem:$0x3FB7]  }
0x39: {  	_ = 	snop;
	(pc) =	sbr.ind lr, $3  }
0x3a: {  	_ = 	snop  }
0x3b: {  	_ = 	snop  }
0x3c: {  	p2 =	seq.s32 s10, $0x1;
	s10 =	sld [smem:$0x3FB6]  }
0x3d: {  	_ =	shalt  }
0x3e: {  	_ =	shalt  }
0x3f: {  	_ =	shalt  }
0x40: {  	_ =	shalt  }
0x41: {  	_ =	shalt  }
0x42: {  	_ =	shalt  }
0x43: {  	_ =	shalt  }
0x44: {  	_ =	shalt  }
0x45: {  	_ =	shalt  }
0x46: {  	_ =	shalt  }
0x47: {  	_ =	shalt  }
0x48: {  	_ =	shalt  }
0x49: {  	_ =	shalt  }
0x4a: {  	_ =	shalt  }
0x4b: {  	_ =	shalt  }
0x4c: {  	_ =	shalt  }
0x4d: {  	_ =	shalt  }
0x4e: {  	_ =	shalt  }
0x4f: {  	_ =	shalt  }
0x50: {  	_ =	shalt  }
0x51: {  	_ =	shalt  }
0x52: {  	_ =	shalt  }
0x53: {  	_ =	shalt  }
0x54: {  	_ =	shalt  }
0x55: {  	_ =	shalt  }
0x56: {  	_ =	shalt  }
0x57: {  	_ =	shalt  }
0x58: {  	_ =	shalt  }
0x59: {  	_ =	shalt  }
0x5a: {  	_ =	shalt  }
0x5b: {  	_ =	shalt  }
0x5c: {  	_ =	shalt  }
0x5d: {  	_ =	shalt  }
0x5e: {  	_ =	shalt  }
0x5f: {  	_ =	shalt  }
0x60: {  	_ =	shalt  }
0x61: {  	_ =	shalt  }
0x62: {  	_ =	shalt  }
0x63: {  	_ =	shalt  }
0x64: {  	_ =	shalt  }
0x65: {  	_ =	shalt  }
0x66: {  	_ =	shalt  }
0x67: {  	_ =	shalt  }
0x68: {  	_ =	shalt  }
0x69: {  	_ =	shalt  }
0x6a: {  	_ =	shalt  }
0x6b: {  	_ =	shalt  }
0x6c: {  	_ =	shalt  }
0x6d: {  	_ =	shalt  }
0x6e: {  	_ =	shalt  }
0x6f: {  	_ =	shalt  }
0x70: {  	_ =	shalt  }
0x71: {  	_ =	shalt  }
0x72: {  	_ =	shalt  }
0x73: {  	_ =	shalt  }
0x74: {  	_ =	shalt  }
0x75: {  	_ =	shalt  }
0x76: {  	_ =	shalt  }
0x77: {  	_ =	shalt  }
0x78: {  	_ =	shalt  }
0x79: {  	_ =	shalt  }
0x7a: {  	_ =	shalt  }
0x7b: {  	_ =	shalt  }
0x7c: {  	_ =	shalt  }
0x7d: {  	_ =	shalt  }
0x7e: {  	_ =	shalt  }
0x7f: {  	_ =	shalt  }
0x80: {  	_ =	shalt  }
0x81: {  	_ =	shalt  }
0x82: {  	_ =	shalt  }
0x83: {  	_ =	shalt  }
0x84: {  	_ =	shalt  }
0x85: {  	_ =	shalt  }
0x86: {  	_ =	shalt  }
0x87: {  	_ =	shalt  }
.Lfunc_end0:
.L_simem_size_0:
called_computation.1_lowered:
.L_overlay_start_0:
0x88: {  	s2 =	sld [smem:$0x3FD9]  }
0x89: {  	s3 =	sld [smem:$0x3FFE];
	_ =	sdelay $0x1  }
0x8a: {  	s1 =	srdreg.scid  }
0x8b: {  	s0 =	sand.u32 $0x1, s1  }
0x8c: {  	s17 =	sshll.u32 s0, $0xA;
	s2 =	sadd.s32 s3, s2  }
0x8d: {  	s2 =	sadd.s32 s2, s17  }
0x8e: {  	[smem:$0x3FC2] =	sst s2  }
0x8f: {  	_ = 	snop  }
0x90: {  	s2 =	sld [smem:$0x3FC7]  }
0x91: {  	s18 =	sld [smem:$0x3FD0];
	(tm) =	ssettm $0x1  }
0x92: {  	s4 =	sld [smem:$0x3FFB];
	_ =	sdelay $0x3  }
0x93: {  	_ =	strace s4  }
0x94: {  	s4 =	sld [smem:$0x3FFC];
	_ =	sdelay $0x3  }
0x95: {  	_ =	strace s4  }
0x96: {  	s4 =	sld [smem:$0x3FFD];
	_ =	sdelay $0x3  }
0x97: {  	_ =	strace s4  }
0x98: {  	_ =	strace $0x8FFFFFFF  }
0x99: {  	s19 =	sld [smem:$0x3FDB];
	_ =	sdelay $0x1  }
0x9a: {  	s5 =	simm.s32 $_scs_section_size  }
0x9b: {  	s6 =	simm.s32 $_size__tile_overlayer_lowered;
	s7 =	simm.s32 $_tile_overlayer_lowered  }
0x9c: {  	s22 =	simm.s32 $0x1BFF;
	s21 =	sshll.u32 s7, $0x1;
	s4 =	sadd.s32 s5, s19  }
0x9d: {  	s8 =	simm.s32 $0x0;
	s20 =	sshll.u32 s6, $0x1;
	s6 =	sadd.s32 s21, s4  }
0x9e: {  	[timem:s8], [sflag:s22] =	dma.local [hbm:s6], s20  }
0x9f: {  	_ =	swait.ge [sflag:s22], s20  }
0xa0: {  	s5 =	ssub.s32 $0x0, s20;
	[sflag:s22] =	ssyncset.done $0x0  }
0xa1: {  	[sflag:s22] =	ssyncadd.s32 s5;
	_ =	sdelay $0x1  }
0xa2: {  	s23 =	simm.s32 $0x1B8B  }
0xa3: {  	_ =	swait.ge [sflag:s23], $0x1  }
0xa4: {  	[sflag:s23] =	ssyncset.done $0x0  }
0xa5: {  	s25 =	simm.s32 $0x1B8E;
	s24 =	sld [smem:$0x3FFE];
	[sflag:s23] =	ssyncadd.s32 $0xFFFFFFFF  }
0xa6: {  	s26 =	simm.s32 $execute0_lowered;
	[smem:$0x3FD2] =	sst s25  }
0xa7: {  	s6 =	sshll.u32 s26, $0x1;
	_ =	strace $0x80000049;
	[dreg:$0x1] =	wrdreg $0xFFFFFFFF  }
0xa8: {  	s28 =	simm.s32 $_size_execute0_lowered;
	s4 =	sadd.s32 s4, s6;
	[dreg:$0x0] =	wrdreg $0x0  }
0xa9: {  	s6 =	sshll.u32 s28, $0x1;
	[dreg:$0x2] =	wrdreg s4  }
0xaa: {  	[dreg:$0x3] =	wrdreg s6  }
0xab: {  	[dreg:$0x4] =	wrdreg $0xC0  }
0xac: {  	_ =	task [dreg:s8], $0x5FFFF  }
0xad: {  	[dreg:$0x1] =	wrdreg $0xFFFFFFFF  }
0xae: {  	[dreg:$0x0] =	wrdreg $0x60  }
0xaf: {  	[dreg:$0x2] =	wrdreg s24  }
0xb0: {  	[dreg:$0x3] =	wrdreg s18  }
0xb1: {  	[dreg:$0x4] =	wrdreg s2  }
0xb2: {  	[dreg:$0x5] =	wrdreg $0x0  }
0xb3: {  	[dreg:$0x6] =	wrdreg $0x138800  }
0xb4: {  	[dreg:$0x7] =	wrdreg $0x9  }
0xb5: {  	_ =	task.clear_ibuf [dreg:s8], $0x8FFFF;
	_ =	strace $0x90000049  }
0xb6: {  	s29 =	simm.s32 $0x9;
	_ =	strace $0x8000004B  }
0xb7: {  	_ =	swait.ge [sflag:s29], $0x1  }
0xb8: {  	[sflag:s29] =	ssyncadd.s32 $0xFFFFFFFF  }
0xb9: {  	_ =	strace $0x9000004B  }
0xba: {  	_ =	sfence  }
0xbb: {  	s30 =	sld [smem:$0x0];
	_ =	sdelay $0x2  }
0xbc: {  	s31 =	sshll.u32 s1, $0xD;
	s1 =	sshrl.u32 s1, $0x2  }
0xbd: {  	s3 =	sand.u32 $0x4000, s31;
	s1 =	sadd.s32 s1, s30  }
0xbe: {  	s0 =	sor.u32 s3, s0;
	s1 =	sshll.u32 s1, $0x11  }
0xbf: {  	s0 =	sor.u32 s1, s0  }
0xc0: {  	s0 =	sadd.s32 $0x8F2B, s0  }
0xc1: {  	[sflag:s0] =	ssyncadd.remote.s32 $0x1  }
0xc2: {  	_ =	sfence.sel $0xFFFF  }
0xc3: {  	[dreg:$0x0] =	wrdreg $0xFFFFFFFF;
	(pc) =	sbr.abs _section_cstart, $3  }
0xc4: {  	[dreg:$0x1] =	wrdreg $0xFFFFFFFF  }
0xc5: {  	_ =	task.clear_ibuf [dreg:s8], $0x2FFFF;
	_ =	strace $0x9FFFFFFF  }
0xc6: {  	(tm) =	ssettm $0x7FFFFFFF  }
0xc7: {  	_ =	shalt  }
tec
execute0_lowered:
.L_overlay_start_1:
0x0: {  	(tag) =	ssettag $0x1  }
0x1: {  	s0 =	rddreg [dreg:$0x0]  }
0x2: {  	s1 =	rddreg [dreg:$0x1]  }
0x3: {  	s2 =	rddreg [dreg:$0x2]  }
0x4: {  	s3 =	rddreg [dreg:$0x3]  }
0x5: {  	s4 =	rddreg [dreg:$0x4];
	s5 =	srdreg.scid  }
0x6: {  	s30 =	simm.s32 $0x0;
	s18 =	stileid.u32;
	s31 =	simm.s32 $0x16A80  }
0x7: {  	s5 =	sand.u32 $0x1, s5;
	[smem:$0x7FF] =	sst s30;
	s11 =	smul.u32 $0xA00, s18  }
0x8: {  	s7 =	sadd.s32 $0xD600, s0;
	s8 =	sadd.s32 $0x1000, s0;
	s14 =	smul.u32 $0x50000, s18  }
0x9: {  	s20 =	sadd.s32 $0xD0C00, s0;
	p0 =	seq.s32 s18, $0xF;
	s9 =	smul.u32 $0xA000, s5  }
0xa: {  	_ =	strace $0x8000004A;
	s10 =	sshll.u32 s5, $0x4;
	s13 =	ssub.s32 $0x2, s5  }
0xb: {  	s21 =	smul.u32 $0x138800, s5;
	[dreg:$0x13] =	wrdreg s20;
	s10 =	sor.u32 s18, s10  }
0xc: {  	s24 =	sshrl.u32 s13, $0x1;
	s19 =	sshrl.u32 s14, $0x2;
	s9 =	sadd.s32 s11, s9  }
0xd: {  	s11 =	sadd.s32 s11, s4;
	s23 =	sadd.s32 s19, s3;
	[dreg:$0x14] =	wrdreg s21  }
0xe: {  	s12 =	sshrl.u32 s9, $0x3;
	s9 =	smul.u32 $0x2710, s10;
	[dreg:$0x7] =	wrdreg s11  }
0xf: {  	s11 =	smul.u32 $0x280, s18;
	[dreg:$0x15] =	wrdreg s23;
	s12 =	sadd.s32 s12, s0  }
0x10: {  	s0 =	ssub.s32 s13, s24;
	s12 =	sadd.s32 $0xAE00, s12;
	s25 =	sshrl.u32 s9, $0x3  }
0x11: {  	s0 =	smax.u32 s0, $0x1;
	s22 =	sshll.u32 s11, $0x7;
	[dreg:$0x6] =	wrdreg s12  }
0x12: {  	s26 =	sadd.s32 s8, s25;
	s6 =	sadd.s32 s2, s25;
	[dreg:$0xe] =	wrdreg s0  }
0x13: {  	s10 =	sadd.s32 $0x32, s25;
	s12 =	sadd.s32 s1, s25;
	[dreg:$0x8] =	wrdreg s26  }
0x14: {  	s24 =	sor.u32 $0x2800, s22;
	s25 =	sadd.s32 $0x5000, s22;
	[dreg:$0x9] =	wrdreg s6  }
0x15: {  	s0 =	sadd.s32 $0xC800, s22;
	[dreg:$0xa] =	wrdreg s12;
	s15 =	sadd.s32 s8, s10  }
0x16: {  	s16 =	sadd.s32 s2, s10;
	s17 =	sadd.s32 s1, s10;
	s26 =	smul.u32 $0x14000, s18  }
0x17: {  	s6 =	sadd.s32 $0x7800, s22;
	s28 =	sadd.s32 s24, s3;
	[dreg:$0xb] =	wrdreg s15  }
0x18: {  	s5 =	sadd.s32 s21, s24;
	s18 =	simm.s32 $0xD;
	[dreg:$0xc] =	wrdreg s16  }
0x19: {  	[dreg:$0xd] =	wrdreg s17;
	s15 =	sadd.s32 $0xA000, s22;
	s16 =	sadd.s32 $0x1E0, s11  }
0x1a: {  	s11 =	sadd.s32 $0x230, s11;
	s5 =	sshrl.u32 s5, $0x3;
	s19 =	sadd.s32 s6, s3  }
0x1b: {  	s13 =	sadd.s32 s21, s26;
	s17 =	sshll.u32 s16, $0x7;
	s10 =	sshll.u32 s11, $0x7  }
0x1c: {  	s5 =	sadd.s32 s20, s5;
	s29 =	sadd.s32 s15, s3;
	s22 =	sadd.s32 s21, s15  }
0x1d: {  	s16 =	simm.s32 @p0 $0x2760;
	s17 =	sadd.s32 s17, s3;
	[dreg:$0x12] =	wrdreg s5  }
0x1e: {  	s13 =	sshrl.u32 s13, $0x3;
	[dreg:$0xf] =	wrdreg s17;
	s17 =	sadd.s32 s10, s3  }
0x1f: {  	s11 =	simm.s32 @p0 $0x27B0;
	s13 =	sadd.s32 s20, s13;
	[dreg:$0x10] =	wrdreg s17  }
0x20: {  	s15 =	simm.s32 $0x1F300;
	s10 =	sadd.s32 s25, s3;
	[dreg:$0x11] =	wrdreg s13  }
0x21: {  	s13 =	sadd.s32 s21, s25;
	s17 =	sadd.s32 s21, s6;
	s25 =	sshrl.u32 s22, $0x3  }
0x22: {  	s6 =	sadd.s32 s0, s3;
	s0 =	sadd.s32 s21, s0;
	s5 =	sshrl.u32 s13, $0x3  }
0x23: {  	s12 =	sshrl.u32 s17, $0x3;
	s26 =	sadd.s32 s20, s25;
	s0 =	sshrl.u32 s0, $0x3  }
0x24: {  	s17 =	simm.s32 $0x14280;
	s5 =	sadd.s32 s20, s5;
	[dreg:$0x18] =	wrdreg s26  }
0x25: {  	s25 =	simm.s32 $0x1;
	s24 =	sadd.s32 s20, s12;
	[dreg:$0x16] =	wrdreg s5  }
0x26: {  	s0 =	sadd.s32 s20, s0;
	s20 =	simm.s32 $0x50;
	[dreg:$0x17] =	wrdreg s24  }
0x27: {  	s26 =	simm.s32 $0x5;
	[dreg:$0x19] =	wrdreg s0;
	s0 =	sshll.u32 @!p0 s16, $0x7  }
0x28: {  	s16 =	simm.s32 $0xE;
	[dreg:$0x1a] =	wrdreg s0;
	s0 =	sshll.u32 @!p0 s11, $0x7  }
0x29: {  	v0 =	vimm.f32 $0.0e+00;
	s24 =	simm.s32 $0xF;
	s11 =	simm.s32 $0x0;
	[dreg:$0x1b] =	wrdreg s0  }
.LBB2_1:
0x2a: {  	s0 =	simm.s32 $0x0;
	s12 =	simm.s32 $0x200  }
.LBB2_2:
0x2b: {  	p1 =	sne.s32 s12, $0x9E00;
	[tilespmem:s0+$0x142F0] =	vst v0  }
0x2c: {  	[tilespmem:s0+$0x14280] =	vst v0  }
0x2d: {  	[tilespmem:s0+$0x14290] =	vst v0  }
.Ltmp0:
0x2e: {  	[tilespmem:s0+$0x142A0] =	vst v0;
	(pc) =	sbr.rel @p1 .LBB2_2-.Ltmp0, $4  }
0x2f: {  	[tilespmem:s0+$0x142B0] =	vst v0  }
0x30: {  	[tilespmem:s0+$0x142C0] =	vst v0  }
0x31: {  	[tilespmem:s0+$0x142D0] =	vst v0  }
0x32: {  	[tilespmem:s0+$0x142E0] =	vst v0;
	s0 =	sshra.s32 s12, $0x2;
	s12 =	sadd.s32 $0x200, s12  }
0x33: {  	[tilespmem:s0+$0x142F0] =	vst v0  }
0x34: {  	[tilespmem:s0+$0x14280] =	vst v0  }
0x35: {  	[tilespmem:s0+$0x14290] =	vst v0  }
0x36: {  	[tilespmem:s0+$0x142A0] =	vst v0  }
0x37: {  	[tilespmem:s0+$0x142B0] =	vst v0  }
0x38: {  	[tilespmem:s0+$0x142C0] =	vst v0  }
0x39: {  	[tilespmem:s0+$0x142D0] =	vst v0  }
0x3a: {  	[tilespmem:s0+$0x142E0] =	vst v0;
	s14 =	rddreg [dreg:$0x6];
	s5 =	simm.s32 $0x1F480  }
0x3b: {  	[tilespmem:s5], [sflag:$0xE] =	stream.linear.gather [hbm4b:s14+s30], $0xA00, $0x38;
	[tilespmem:$0x1FE80] =	vst v63  }
0x3c: {  	_ =	swait.ge [sflag:s16], $0xA00  }
0x3d: {  	[sflag:s16] =	ssyncset.done $0x0  }
0x3e: {  	s21 =	rddreg [dreg:$0x7];
	[sflag:s16] =	ssyncadd.s32 $0xFFFFF600  }
0x3f: {  	[spmem:s21] =	stream.linear.scatter [tilespmem:s5], [sflag:$0xE], $0xA00, $0x38;
	[tilespmem:$0x1FE80] =	vst v63  }
0x40: {  	_ =	swait.ge [sflag:s16], $0xA00  }
0x41: {  	[sflag:s16] =	ssyncset.done $0x0  }
0x42: {  	[sflag:s16] =	ssyncadd.s32 $0xFFFFF600  }
0x43: {  	[spmem:s23] =	stream.linear.scatter [tilespmem:s17], [sflag:$0xE], $0x2800, $0x38;
	[tilespmem:$0x1FE80] =	vst v63  }
0x44: {  	_ =	swait.ge [sflag:s16], $0x2800  }
0x45: {  	[sflag:s16] =	ssyncset.done $0x0  }
0x46: {  	[sflag:s16] =	ssyncadd.s32 $0xFFFFD800  }
0x47: {  	[spmem:s28] =	stream.linear.scatter [tilespmem:s17], [sflag:$0xE], $0x2800, $0x38;
	[tilespmem:$0x1FE80] =	vst v63  }
0x48: {  	_ =	swait.ge [sflag:s16], $0x2800  }
0x49: {  	[sflag:s16] =	ssyncset.done $0x0  }
0x4a: {  	[sflag:s16] =	ssyncadd.s32 $0xFFFFD800  }
0x4b: {  	[spmem:s10] =	stream.linear.scatter [tilespmem:s17], [sflag:$0xE], $0x2800, $0x38;
	[tilespmem:$0x1FE80] =	vst v63  }
0x4c: {  	_ =	swait.ge [sflag:s16], $0x2800  }
0x4d: {  	[sflag:s16] =	ssyncset.done $0x0  }
0x4e: {  	[sflag:s16] =	ssyncadd.s32 $0xFFFFD800  }
0x4f: {  	[spmem:s19] =	stream.linear.scatter [tilespmem:s17], [sflag:$0xE], $0x2800, $0x38;
	[tilespmem:$0x1FE80] =	vst v63  }
0x50: {  	_ =	swait.ge [sflag:s16], $0x2800  }
0x51: {  	[sflag:s16] =	ssyncset.done $0x0  }
0x52: {  	[sflag:s16] =	ssyncadd.s32 $0xFFFFD800  }
0x53: {  	[spmem:s29] =	stream.linear.scatter [tilespmem:s17], [sflag:$0xE], $0x2800, $0x38;
	[tilespmem:$0x1FE80] =	vst v63  }
0x54: {  	_ =	swait.ge [sflag:s16], $0x2800  }
0x55: {  	[sflag:s16] =	ssyncset.done $0x0  }
0x56: {  	s0 =	simm.s32 @!p0 $0x14280;
	s12 =	simm.s32 @!p0 $0xE;
	[sflag:s16] =	ssyncadd.s32 $0xFFFFD800  }
0x57: {  	[spmem:s6] =	stream.linear.scatter @!p0 [tilespmem:s0], [sflag:$0xE], $0x2800, $0x38;
	[tilespmem:$0x1FE80] =	vst v63  }
0x58: {  	_ =	swait.ge @!p0 [sflag:s12], $0x2800  }
0x59: {  	[sflag:s12] =	ssyncset.done @!p0 $0x0  }
0x5a: {  	s5 =	rddreg [dreg:$0xf];
	[sflag:s12] =	ssyncadd.s32 @!p0 $0xFFFFD800  }
0x5b: {  	[spmem:s5] =	stream.linear.scatter @!p0 [tilespmem:s0], [sflag:$0xE], $0x2800, $0x38;
	[tilespmem:$0x1FE80] =	vst v63  }
0x5c: {  	_ =	swait.ge @!p0 [sflag:s12], $0x2800  }
0x5d: {  	[sflag:s12] =	ssyncset.done @!p0 $0x0  }
0x5e: {  	s5 =	rddreg [dreg:$0x10];
	[sflag:s12] =	ssyncadd.s32 @!p0 $0xFFFFD800  }
0x5f: {  	[spmem:s5] =	stream.linear.scatter @!p0 [tilespmem:s0], [sflag:$0xE], $0x2800, $0x38;
	[tilespmem:$0x1FE80] =	vst v63  }
0x60: {  	_ =	swait.ge @!p0 [sflag:s12], $0x2800  }
0x61: {  	[sflag:s12] =	ssyncset.done @!p0 $0x0  }
0x62: {  	[sflag:s12] =	ssyncadd.s32 @!p0 $0xFFFFD800  }
0x63: {  	[bflag:$0x0] =	sbarrier.arrive $0xFFFF  }
0x64: {  	s23 =	simm.s32 $0x1E280;
	s0 =	simm.s32 $0x0;
	s22 =	rddreg [dreg:$0x8]  }
0x65: {  	[tilespmem:s23], [sflag:$0xD] =	stream.linear.gather [hbm4b:s22+s0], $0x190, $0x38;
	[tilespmem:$0x1FE80] =	vst v63  }
0x66: {  	s14 =	smov.u32 s28;
	s30 =	simm.s32 $0x1E600;
	s28 =	rddreg [dreg:$0x9]  }
0x67: {  	[tilespmem:s30], [sflag:$0xD] =	stream.linear.gather [hbm4b:s28+s0], $0x190, $0x38;
	[tilespmem:$0x1FE80] =	vst v63  }
0x68: {  	s21 =	simm.s32 $0x1E980;
	s13 =	rddreg [dreg:$0xa]  }
0x69: {  	[tilespmem:s21], [sflag:$0xD] =	stream.linear.gather [hbm4b:s13+s0], $0x190, $0x38;
	[tilespmem:$0x1FE80] =	vst v63  }
0x6a: {  	_ =	swait.ge [sflag:s18], $0x190  }
0x6b: {  	[sflag:s18] =	ssyncset.done $0x0  }
0x6c: {  	[sflag:s18] =	ssyncadd.s32 $0xFFFFFE70  }
0x6d: {  	_ =	swait.ge [sflag:s18], $0x190  }
0x6e: {  	[sflag:s18] =	ssyncset.done $0x0  }
0x6f: {  	[sflag:s18] =	ssyncadd.s32 $0xFFFFFE70  }
0x70: {  	_ =	swait.ge [sflag:s18], $0x190  }
0x71: {  	[sflag:s18] =	ssyncset.done $0x0  }
0x72: {  	s23 =	simm.s32 $0x1E410;
	s22 =	rddreg [dreg:$0xb];
	[sflag:s18] =	ssyncadd.s32 $0xFFFFFE70  }
0x73: {  	[tilespmem:s23], [sflag:$0xD] =	stream.linear.gather [hbm4b:s22+s0], $0x190, $0x38;
	[tilespmem:$0x1FE80] =	vst v63  }
0x74: {  	s30 =	simm.s32 $0x1E790;
	s28 =	rddreg [dreg:$0xc]  }
0x75: {  	[tilespmem:s30], [sflag:$0xD] =	stream.linear.gather [hbm4b:s28+s0], $0x190, $0x38;
	[tilespmem:$0x1FE80] =	vst v63  }
0x76: {  	s13 =	simm.s32 $0x1EB10;
	s12 =	rddreg [dreg:$0xd]  }
0x77: {  	[tilespmem:s13], [sflag:$0xD] =	stream.linear.gather [hbm4b:s12+s0], $0x190, $0x38;
	[tilespmem:$0x1FE80] =	vst v63  }
0x78: {  	v1 =	vld [tilespmem:$0x1E600]  }
0x79: {  	v2 =	vld [tilespmem:$0x1E280]  }
0x7a: {  	v3 =	vld [tilespmem:$0x1E980]  }
0x7b: {  	v4 =	vld [tilespmem:$0x1E980]  }
0x7c: {  	v5 =	vld [tilespmem:$0x1E610]  }
0x7d: {  	v8 =	vld [tilespmem:$0x1E990]  }
0x7e: {  	v6 =	vld [tilespmem:$0x1E290]  }
0x7f: {  	v7 =	vld [tilespmem:$0x1E990]  }
0x80: {  	v9 =	vld [tilespmem:$0x1E620];
	v1 =	vmul.u32 $0x2710, v1  }
0x81: {  	v10 =	vld [tilespmem:$0x1E2A0]  }
0x82: {  	v11 =	vld [tilespmem:$0x1E9A0];
	[tilespmem:$0x1F110] =	vst v8;
	v2 =	vadd.s32 v2, v1  }
0x83: {  	v8 =	vld [tilespmem:$0x1E9B0];
	v1 =	vadd.s32 v1, v3;
	[tilespmem:$0x1ED00] =	vst v2;
	v2 =	vmul.u32 $0x2710, v5  }
0x84: {  	[tilespmem:$0x1EF00] =	vst v1;
	v1 =	vld [tilespmem:$0x1E630]  }
0x85: {  	[tilespmem:$0x1F100] =	vst v4;
	v3 =	vld [tilespmem:$0x1E9A0];
	v4 =	vadd.s32 v6, v2  }
0x86: {  	v5 =	vld [tilespmem:$0x1E2B0];
	v2 =	vadd.s32 v2, v7;
	[tilespmem:$0x1ED10] =	vst v4;
	v4 =	vmul.u32 $0x2710, v9  }
0x87: {  	[tilespmem:$0x1EF10] =	vst v2;
	v2 =	vld [tilespmem:$0x1E640]  }
0x88: {  	v6 =	vld [tilespmem:$0x1E9B0];
	v7 =	vadd.s32 v10, v4  }
0x89: {  	v4 =	vadd.s32 v4, v11;
	v1 =	vmul.u32 $0x2710, v1;
	[tilespmem:$0x1ED20] =	vst v7;
	v7 =	vld [tilespmem:$0x1E2C0]  }
0x8a: {  	[tilespmem:$0x1EF20] =	vst v4;
	v4 =	vld [tilespmem:$0x1E9C0]  }
0x8b: {  	[tilespmem:$0x1F120] =	vst v3;
	v3 =	vadd.s32 v5, v1  }
0x8c: {  	[tilespmem:$0x1ED30] =	vst v3;
	v2 =	vmul.u32 $0x2710, v2;
	v3 =	vld [tilespmem:$0x1E9C0]  }
0x8d: {  	[tilespmem:$0x1F130] =	vst v8;
	v1 =	vadd.s32 v1, v6  }
0x8e: {  	[tilespmem:$0x1EF30] =	vst v1;
	v1 =	vadd.s32 v7, v2  }
0x8f: {  	[tilespmem:$0x1ED40] =	vst v1;
	v1 =	vadd.s32 v2, v4  }
0x90: {  	[tilespmem:$0x1EF40] =	vst v1  }
0x91: {  	s21 =	simm.s32 $0x1ED00;
	[tilespmem:$0x1F140] =	vst v3  }
0x92: {  	[tilespmem:s17], [sflag:$0x1] =	stream.indirect.gather [hbm4b:s7+s20], $0x80, s21, s20, $0xb8;
	[tilespmem:$0x1FE80] =	vst v63  }
0x93: {  	s22 =	simm.s32 $0x1EF00  }
0x94: {  	[tilespmem:s15], [sflag:$0x5] =	stream.indirect.gather [spmem:s4], $0x1, s22, s20, $0xb8;
	[tilespmem:$0x1FE80] =	vst v63  }
0x95: {  	v1 =	vld [tilespmem:$0x1E650]  }
0x96: {  	v2 =	vld [tilespmem:$0x1E2D0]  }
0x97: {  	v3 =	vld [tilespmem:$0x1E9D0]  }
0x98: {  	v4 =	vld [tilespmem:$0x1E9D0]  }
0x99: {  	v5 =	vld [tilespmem:$0x1E660]  }
0x9a: {  	v8 =	vld [tilespmem:$0x1E9E0]  }
0x9b: {  	v6 =	vld [tilespmem:$0x1E2E0]  }
0x9c: {  	v7 =	vld [tilespmem:$0x1E9E0]  }
0x9d: {  	v9 =	vld [tilespmem:$0x1E670];
	v1 =	vmul.u32 $0x2710, v1  }
0x9e: {  	v10 =	vld [tilespmem:$0x1E2F0]  }
0x9f: {  	v11 =	vld [tilespmem:$0x1E9F0];
	[tilespmem:$0x1F190] =	vst v8;
	v2 =	vadd.s32 v2, v1  }
0xa0: {  	v8 =	vld [tilespmem:$0x1EA00];
	v1 =	vadd.s32 v1, v3;
	[tilespmem:$0x1ED80] =	vst v2;
	v2 =	vmul.u32 $0x2710, v5  }
0xa1: {  	[tilespmem:$0x1EF80] =	vst v1;
	v1 =	vld [tilespmem:$0x1E680]  }
0xa2: {  	[tilespmem:$0x1F180] =	vst v4;
	v3 =	vld [tilespmem:$0x1E9F0];
	v4 =	vadd.s32 v6, v2  }
0xa3: {  	v5 =	vld [tilespmem:$0x1E300];
	v2 =	vadd.s32 v2, v7;
	[tilespmem:$0x1ED90] =	vst v4;
	v4 =	vmul.u32 $0x2710, v9  }
0xa4: {  	[tilespmem:$0x1EF90] =	vst v2;
	v2 =	vld [tilespmem:$0x1E690]  }
0xa5: {  	v6 =	vld [tilespmem:$0x1EA00];
	v7 =	vadd.s32 v10, v4  }
0xa6: {  	v4 =	vadd.s32 v4, v11;
	v1 =	vmul.u32 $0x2710, v1;
	[tilespmem:$0x1EDA0] =	vst v7;
	v7 =	vld [tilespmem:$0x1E310]  }
0xa7: {  	[tilespmem:$0x1EFA0] =	vst v4;
	v4 =	vld [tilespmem:$0x1EA10]  }
0xa8: {  	[tilespmem:$0x1F1A0] =	vst v3;
	v3 =	vadd.s32 v5, v1  }
0xa9: {  	[tilespmem:$0x1EDB0] =	vst v3;
	v2 =	vmul.u32 $0x2710, v2;
	v3 =	vld [tilespmem:$0x1EA10]  }
0xaa: {  	[tilespmem:$0x1F1B0] =	vst v8;
	v1 =	vadd.s32 v1, v6  }
0xab: {  	[tilespmem:$0x1EFB0] =	vst v1;
	v1 =	vadd.s32 v7, v2  }
0xac: {  	[tilespmem:$0x1EDC0] =	vst v1;
	v1 =	vadd.s32 v2, v4  }
0xad: {  	[tilespmem:$0x1EFC0] =	vst v1  }
0xae: {  	s23 =	simm.s32 $0x1ED80;
	[tilespmem:$0x1F1C0] =	vst v3  }
0xaf: {  	[tilespmem:s31], [sflag:$0x2] =	stream.indirect.gather [hbm4b:s7+s20], $0x80, s23, s20, $0xb8;
	[tilespmem:$0x1FE80] =	vst v63  }
0xb0: {  	s28 =	simm.s32 $0x1EF80;
	s30 =	simm.s32 $0x1F350  }
0xb1: {  	[tilespmem:s30], [sflag:$0x6] =	stream.indirect.gather [spmem:s4], $0x1, s28, s20, $0xb8;
	[tilespmem:$0x1FE80] =	vst v63  }
0xb2: {  	v1 =	vld [tilespmem:$0x1E6A0]  }
0xb3: {  	v2 =	vld [tilespmem:$0x1E320]  }
0xb4: {  	v3 =	vld [tilespmem:$0x1EA20]  }
0xb5: {  	v4 =	vld [tilespmem:$0x1EA20]  }
0xb6: {  	v5 =	vld [tilespmem:$0x1E6B0]  }
0xb7: {  	v8 =	vld [tilespmem:$0x1EA30]  }
0xb8: {  	v6 =	vld [tilespmem:$0x1E330]  }
0xb9: {  	v7 =	vld [tilespmem:$0x1EA30]  }
0xba: {  	v9 =	vld [tilespmem:$0x1E6C0];
	v1 =	vmul.u32 $0x2710, v1  }
0xbb: {  	v10 =	vld [tilespmem:$0x1E340]  }
0xbc: {  	v11 =	vld [tilespmem:$0x1EA40];
	[tilespmem:$0x1F210] =	vst v8;
	v2 =	vadd.s32 v2, v1  }
0xbd: {  	v8 =	vld [tilespmem:$0x1EA50];
	v1 =	vadd.s32 v1, v3;
	[tilespmem:$0x1EE00] =	vst v2;
	v2 =	vmul.u32 $0x2710, v5  }
0xbe: {  	[tilespmem:$0x1F000] =	vst v1;
	v1 =	vld [tilespmem:$0x1E6D0]  }
0xbf: {  	[tilespmem:$0x1F200] =	vst v4;
	v3 =	vld [tilespmem:$0x1EA40];
	v4 =	vadd.s32 v6, v2  }
0xc0: {  	v5 =	vld [tilespmem:$0x1E350];
	v2 =	vadd.s32 v2, v7;
	[tilespmem:$0x1EE10] =	vst v4;
	v4 =	vmul.u32 $0x2710, v9  }
0xc1: {  	[tilespmem:$0x1F010] =	vst v2;
	v2 =	vld [tilespmem:$0x1E6E0]  }
0xc2: {  	v6 =	vld [tilespmem:$0x1EA50];
	v7 =	vadd.s32 v10, v4  }
0xc3: {  	v4 =	vadd.s32 v4, v11;
	v1 =	vmul.u32 $0x2710, v1;
	[tilespmem:$0x1EE20] =	vst v7;
	v7 =	vld [tilespmem:$0x1E360]  }
0xc4: {  	[tilespmem:$0x1F020] =	vst v4;
	v4 =	vld [tilespmem:$0x1EA60]  }
0xc5: {  	[tilespmem:$0x1F220] =	vst v3;
	v3 =	vadd.s32 v5, v1  }
0xc6: {  	[tilespmem:$0x1EE30] =	vst v3;
	v2 =	vmul.u32 $0x2710, v2;
	v3 =	vld [tilespmem:$0x1EA60]  }
0xc7: {  	[tilespmem:$0x1F230] =	vst v8;
	v1 =	vadd.s32 v1, v6  }
0xc8: {  	[tilespmem:$0x1F030] =	vst v1;
	v1 =	vadd.s32 v7, v2  }
0xc9: {  	[tilespmem:$0x1EE40] =	vst v1;
	v1 =	vadd.s32 v2, v4  }
0xca: {  	[tilespmem:$0x1F040] =	vst v1  }
0xcb: {  	s12 =	simm.s32 $0x1EE00;
	s13 =	simm.s32 $0x19280;
	[tilespmem:$0x1F240] =	vst v3  }
0xcc: {  	[tilespmem:s13], [sflag:$0x3] =	stream.indirect.gather [hbm4b:s7+s20], $0x80, s12, s20, $0xb8;
	[tilespmem:$0x1FE80] =	vst v63  }
0xcd: {  	s21 =	simm.s32 $0x1F000;
	s22 =	simm.s32 $0x1F3A0  }
0xce: {  	[tilespmem:s22], [sflag:$0x7] =	stream.indirect.gather [spmem:s4], $0x1, s21, s20, $0xb8;
	[tilespmem:$0x1FE80] =	vst v63  }
0xcf: {  	v1 =	vld [tilespmem:$0x1E6F0]  }
0xd0: {  	v2 =	vld [tilespmem:$0x1E370]  }
0xd1: {  	v3 =	vld [tilespmem:$0x1EA70]  }
0xd2: {  	v4 =	vld [tilespmem:$0x1EA70]  }
0xd3: {  	v5 =	vld [tilespmem:$0x1E700]  }
0xd4: {  	v8 =	vld [tilespmem:$0x1EA80]  }
0xd5: {  	v6 =	vld [tilespmem:$0x1E380]  }
0xd6: {  	v7 =	vld [tilespmem:$0x1EA80]  }
0xd7: {  	v9 =	vld [tilespmem:$0x1E710];
	v1 =	vmul.u32 $0x2710, v1  }
0xd8: {  	v10 =	vld [tilespmem:$0x1E390]  }
0xd9: {  	v11 =	vld [tilespmem:$0x1EA90];
	[tilespmem:$0x1F290] =	vst v8;
	v2 =	vadd.s32 v2, v1  }
0xda: {  	v8 =	vld [tilespmem:$0x1EAA0];
	v1 =	vadd.s32 v1, v3;
	[tilespmem:$0x1EE80] =	vst v2;
	v2 =	vmul.u32 $0x2710, v5  }
0xdb: {  	[tilespmem:$0x1F080] =	vst v1;
	v1 =	vld [tilespmem:$0x1E720]  }
0xdc: {  	[tilespmem:$0x1F280] =	vst v4;
	v3 =	vld [tilespmem:$0x1EA90];
	v4 =	vadd.s32 v6, v2  }
0xdd: {  	v5 =	vld [tilespmem:$0x1E3A0];
	v2 =	vadd.s32 v2, v7;
	[tilespmem:$0x1EE90] =	vst v4;
	v4 =	vmul.u32 $0x2710, v9  }
0xde: {  	[tilespmem:$0x1F090] =	vst v2;
	v2 =	vld [tilespmem:$0x1E730]  }
0xdf: {  	v6 =	vld [tilespmem:$0x1EAA0];
	v7 =	vadd.s32 v10, v4  }
0xe0: {  	v4 =	vadd.s32 v4, v11;
	v1 =	vmul.u32 $0x2710, v1;
	[tilespmem:$0x1EEA0] =	vst v7;
	v7 =	vld [tilespmem:$0x1E3B0]  }
0xe1: {  	[tilespmem:$0x1F0A0] =	vst v4;
	v4 =	vld [tilespmem:$0x1EAB0]  }
0xe2: {  	[tilespmem:$0x1F2A0] =	vst v3;
	v3 =	vadd.s32 v5, v1  }
0xe3: {  	[tilespmem:$0x1EEB0] =	vst v3;
	v2 =	vmul.u32 $0x2710, v2;
	v3 =	vld [tilespmem:$0x1EAB0]  }
0xe4: {  	[tilespmem:$0x1F2B0] =	vst v8;
	v1 =	vadd.s32 v1, v6  }
0xe5: {  	[tilespmem:$0x1F0B0] =	vst v1;
	v1 =	vadd.s32 v7, v2  }
0xe6: {  	[tilespmem:$0x1EEC0] =	vst v1;
	v1 =	vadd.s32 v2, v4  }
0xe7: {  	[tilespmem:$0x1F0C0] =	vst v1  }
0xe8: {  	s23 =	simm.s32 $0x1EE80;
	s28 =	simm.s32 $0x1BA80;
	[tilespmem:$0x1F2C0] =	vst v3  }
0xe9: {  	[tilespmem:s28], [sflag:$0x4] =	stream.indirect.gather [hbm4b:s7+s20], $0x80, s23, s20, $0xb8;
	[tilespmem:$0x1FE80] =	vst v63  }
0xea: {  	s30 =	simm.s32 $0x2;
	s13 =	simm.s32 $0x1F080;
	s21 =	simm.s32 $0x1F3F0;
	v1 =	vmov s0  }
0xeb: {  	v2 =	vmov s30;
	v1 =	vand.u32 $0xFFFFFFFC, v1;
	[tilespmem:s21], [sflag:$0x8] =	stream.indirect.gather [spmem:s4], $0x1, s13, s20, $0xb8;
	[tilespmem:$0x1FE80] =	vst v63  }
0xec: {  	v2 =	vand.u32 $0xFFFFFFFE, v2;
	v1 =	vbroadcast v1, $0x0;
	_ =	swait.ge [sflag:s25], $0x2800  }
0xed: {  	v2 =	vbroadcast v2, $0x0;
	[sflag:s25] =	ssyncset.done $0x0  }
0xee: {  	[sflag:s25] =	ssyncadd.s32 $0xFFFFD800  }
0xef: {  	_ =	swait.ge [sflag:s26], $0x50  }
0xf0: {  	[sflag:s26] =	ssyncset.done $0x0  }
0xf1: {  	[sflag:s26] =	ssyncadd.s32 $0xFFFFFFB0  }
0xf2: {  	v1 =	vld.idx.msk [tilespmem:v1+s15+$0x0], $0xffff  }
0xf3: {  	s12 =	simm.s32 $0x14380;
	s22 =	simm.s32 $0x1;
	v2 =	vld.idx.msk [tilespmem:v2+s15+$0x0], $0xffff  }
0xf4: {  	v3 =	vmov s22;
	v4 =	vld [tilespmem:s12+$0x70]  }
0xf5: {  	v3 =	vand.u32 $0xFFFFFFFD, v3;
	v5 =	vld [tilespmem:s12+$0xFFFFFF00]  }
0xf6: {  	v3 =	vbroadcast v3, $0x0;
	v6 =	vld [tilespmem:s12+$0xFFFFFF10]  }
0xf7: {  	v7 =	vld [tilespmem:s12+$0xFFFFFF20]  }
0xf8: {  	v8 =	vld [tilespmem:s12+$0xFFFFFF30]  }
0xf9: {  	v9 =	vld [tilespmem:s12+$0xFFFFFF40]  }
0xfa: {  	v10 =	vld [tilespmem:s12+$0xFFFFFF50]  }
0xfb: {  	v11 =	vld [tilespmem:s12+$0xFFFFFF60];
	v5 =	vmul.f32 v5, v1  }
0xfc: {  	v3 =	vld.idx.msk [tilespmem:v3+s15+$0x0], $0xffff;
	v4 =	vmul.f32 v4, v2  }
0xfd: {  	v13 =	vld [tilespmem:s12+$0x40];
	[tilespmem:s12+$0xFFFFFF00] =	vst v5;
	v5 =	vmul.f32 v6, v1  }
0xfe: {  	v6 =	vld [tilespmem:s12+$0xFFFFFF70];
	[tilespmem:s12+$0x70] =	vst v4;
	v4 =	vmul.f32 v7, v1  }
0xff: {  	v7 =	vld [tilespmem:s12+$0xFFFFFF80];
	[tilespmem:s12+$0xFFFFFF10] =	vst v5;
	v5 =	vmul.f32 v8, v1  }
0x100: {  	v8 =	vld [tilespmem:s12+$0xFFFFFF90];
	[tilespmem:s12+$0xFFFFFF20] =	vst v4;
	v4 =	vmul.f32 v9, v1  }
0x101: {  	v9 =	vld [tilespmem:s12+$0xFFFFFFA0];
	[tilespmem:s12+$0xFFFFFF30] =	vst v5;
	v5 =	vmul.f32 v10, v1  }
0x102: {  	v10 =	vld [tilespmem:s12+$0xFFFFFFB0];
	[tilespmem:s12+$0xFFFFFF40] =	vst v4;
	v4 =	vmul.f32 v11, v1  }
0x103: {  	v11 =	vld [tilespmem:s12+$0xFFFFFFC0];
	v6 =	vmul.f32 v6, v1;
	[tilespmem:s12+$0xFFFFFF50] =	vst v5  }
0x104: {  	v5 =	vmul.f32 v7, v3;
	v7 =	vld [tilespmem:s12+$0xFFFFFFD0];
	[tilespmem:s12+$0xFFFFFF60] =	vst v4  }
0x105: {  	s23 =	simm.s32 $0x3;
	v4 =	vld [tilespmem:s12+$0xFFFFFFE0];
	v8 =	vmul.f32 v8, v3;
	[tilespmem:s12+$0xFFFFFF70] =	vst v6  }
0x106: {  	v12 =	vmov s23;
	v6 =	vld [tilespmem:s12+$0xFFFFFFF0];
	[tilespmem:s12+$0xFFFFFF80] =	vst v5;
	v5 =	vmul.f32 v9, v3  }
0x107: {  	v9 =	vld [tilespmem:s12+$0x0];
	[tilespmem:s12+$0xFFFFFF90] =	vst v8;
	v8 =	vmul.f32 v10, v3  }
0x108: {  	v10 =	vld [tilespmem:s12+$0x10];
	[tilespmem:s12+$0xFFFFFFA0] =	vst v5;
	v5 =	vmul.f32 v11, v3  }
0x109: {  	[tilespmem:s12+$0xFFFFFFB0] =	vst v8;
	v7 =	vmul.f32 v7, v3;
	v8 =	vld [tilespmem:s12+$0x20]  }
0x10a: {  	v11 =	vld [tilespmem:s12+$0x30];
	v4 =	vmul.f32 v4, v3;
	[tilespmem:s12+$0xFFFFFFC0] =	vst v5  }
0x10b: {  	v1 =	vld.idx.msk [tilespmem:v12+s15+$0x0], $0xffff;
	v3 =	vmul.f32 v6, v3;
	[tilespmem:s12+$0xFFFFFFD0] =	vst v7  }
0x10c: {  	[tilespmem:s12+$0xFFFFFFE0] =	vst v4;
	v5 =	vmul.f32 v9, v2;
	v4 =	vld [tilespmem:s12+$0x50]  }
0x10d: {  	s28 =	simm.s32 $0x4;
	[tilespmem:s12+$0xFFFFFFF0] =	vst v3;
	v6 =	vmul.f32 v10, v2;
	v3 =	vld [tilespmem:s12+$0x60]  }
0x10e: {  	s30 =	simm.s32 $0x7;
	v7 =	vmov s28;
	[tilespmem:s12+$0x0] =	vst v5;
	v9 =	vmul.f32 v8, v2;
	v8 =	vld [tilespmem:s12+$0x80]  }
0x10f: {  	s21 =	simm.s32 $0x5;
	v12 =	vand.u32 $0xFFFFFFFC, v7;
	v7 =	vld [tilespmem:s12+$0x90];
	v5 =	vmov s30;
	v10 =	vmul.f32 v11, v2;
	[tilespmem:s12+$0x10] =	vst v6  }
0x110: {  	s22 =	simm.s32 $0x6;
	s0 =	simm.s32 $0x14380;
	v11 =	vmul.f32 v13, v2;
	v6 =	vbroadcast v12, $0x0;
	v12 =	vmov s21;
	s21 =	simm.s32 $0x8;
	[tilespmem:s12+$0x20] =	vst v9;
	v9 =	vld [tilespmem:s12+$0xA0]  }
.LBB2_4:
0x111: {  	p1 =	slt.u32 s21, $0x4C;
	v12 =	vand.u32 $0xFFFFFFFD, v12;
	v13 =	vmov s22;
	[tilespmem:s12+$0x30] =	vst v10;
	v4 =	vmul.f32 v4, v2;
	v10 =	vld [tilespmem:s12+$0xB0]  }
0x112: {  	v12 =	vbroadcast v12, $0x0;
	v13 =	vand.u32 $0xFFFFFFFE, v13;
	[tilespmem:s12+$0x40] =	vst v11;
	v2 =	vmul.f32 v3, v2;
	v3 =	vld [tilespmem:s12+$0xC0]  }
0x113: {  	v11 =	vbroadcast v13, $0x0;
	[tilespmem:s12+$0x50] =	vst v4;
	v4 =	vmul.f32 v8, v1;
	v8 =	vld [tilespmem:s12+$0xD0]  }
0x114: {  	[tilespmem:s12+$0x60] =	vst v2;
	v2 =	vmul.f32 v7, v1;
	v7 =	vld [tilespmem:s12+$0xE0]  }
0x115: {  	[tilespmem:s12+$0x80] =	vst v4;
	v4 =	vmul.f32 v9, v1;
	v9 =	vld [tilespmem:s12+$0xF0]  }
0x116: {  	v5 =	vld.idx.msk [tilespmem:v5+s15+$0x0], $0xffff;
	[tilespmem:s12+$0x90] =	vst v2;
	v2 =	vmul.f32 v10, v1  }
0x117: {  	v6 =	vld.idx.msk [tilespmem:v6+s15+$0x0], $0xffff;
	[tilespmem:s12+$0xA0] =	vst v4;
	v3 =	vmul.f32 v3, v1  }
0x118: {  	v4 =	vld.idx.msk [tilespmem:v12+s15+$0x0], $0xffff;
	[tilespmem:s12+$0xB0] =	vst v2;
	v8 =	vmul.f32 v8, v1  }
0x119: {  	s12 =	sadd.s32 $0x200, s12;
	v2 =	vld.idx.msk [tilespmem:v11+s15+$0x0], $0xffff;
	[tilespmem:s0+$0xC0] =	vst v3;
	v3 =	vmul.f32 v7, v1  }
0x11a: {  	v7 =	vld [tilespmem:s12+$0x70];
	[tilespmem:s0+$0xD0] =	vst v8;
	v9 =	vmul.f32 v9, v1  }
0x11b: {  	v8 =	vld [tilespmem:s12+$0xFFFFFF00];
	[tilespmem:s0+$0xE0] =	vst v3  }
0x11c: {  	v1 =	vmov v5;
	v3 =	vld [tilespmem:s12+$0xFFFFFF10];
	[tilespmem:s0+$0xF0] =	vst v9;
	s0 =	smov.u32 s12  }
0x11d: {  	v5 =	vld [tilespmem:s12+$0xFFFFFF20]  }
0x11e: {  	v9 =	vld [tilespmem:s12+$0xFFFFFF30]  }
0x11f: {  	v10 =	vld [tilespmem:s12+$0xFFFFFF40];
	v7 =	vmul.f32 v7, v2  }
0x120: {  	v8 =	vmul.f32 v8, v6;
	v11 =	vld [tilespmem:s12+$0xFFFFFF50]  }
0x121: {  	v3 =	vmul.f32 v3, v6;
	v12 =	vld [tilespmem:s12+$0xFFFFFF60];
	[tilespmem:s12+$0x70] =	vst v7  }
0x122: {  	[tilespmem:s12+$0xFFFFFF00] =	vst v8;
	v5 =	vmul.f32 v5, v6;
	v7 =	vld [tilespmem:s12+$0xFFFFFF70]  }
0x123: {  	[tilespmem:s12+$0xFFFFFF10] =	vst v3;
	v3 =	vmul.f32 v9, v6;
	v8 =	vld [tilespmem:s12+$0xFFFFFF80]  }
0x124: {  	[tilespmem:s12+$0xFFFFFF20] =	vst v5;
	v5 =	vmul.f32 v10, v6;
	v9 =	vld [tilespmem:s12+$0xFFFFFF90]  }
0x125: {  	[tilespmem:s12+$0xFFFFFF30] =	vst v3;
	v3 =	vmul.f32 v11, v6;
	v10 =	vld [tilespmem:s12+$0xFFFFFFA0]  }
0x126: {  	[tilespmem:s12+$0xFFFFFF40] =	vst v5;
	v5 =	vmul.f32 v12, v6;
	v11 =	vld [tilespmem:s12+$0xFFFFFFB0]  }
0x127: {  	[tilespmem:s12+$0xFFFFFF50] =	vst v3;
	v3 =	vmul.f32 v7, v6;
	v6 =	vld [tilespmem:s12+$0xFFFFFFC0]  }
0x128: {  	[tilespmem:s12+$0xFFFFFF60] =	vst v5;
	v5 =	vmul.f32 v8, v4;
	v7 =	vld [tilespmem:s12+$0xFFFFFFD0]  }
0x129: {  	[tilespmem:s12+$0xFFFFFF70] =	vst v3;
	v3 =	vmul.f32 v9, v4;
	v8 =	vld [tilespmem:s12+$0xFFFFFFE0]  }
0x12a: {  	[tilespmem:s12+$0xFFFFFF80] =	vst v5;
	v5 =	vmul.f32 v10, v4;
	v9 =	vld [tilespmem:s12+$0xFFFFFFF0]  }
0x12b: {  	[tilespmem:s12+$0xFFFFFF90] =	vst v3;
	v3 =	vmul.f32 v11, v4;
	v10 =	vld [tilespmem:s12+$0x0]  }
0x12c: {  	[tilespmem:s12+$0xFFFFFFA0] =	vst v5;
	v5 =	vmul.f32 v6, v4;
	v6 =	vld [tilespmem:s12+$0x10]  }
0x12d: {  	[tilespmem:s12+$0xFFFFFFB0] =	vst v3;
	v3 =	vmul.f32 v7, v4;
	v7 =	vld [tilespmem:s12+$0x20]  }
0x12e: {  	[tilespmem:s12+$0xFFFFFFC0] =	vst v5;
	v5 =	vmul.f32 v8, v4;
	v11 =	vld [tilespmem:s12+$0x30]  }
0x12f: {  	[tilespmem:s12+$0xFFFFFFD0] =	vst v3;
	v3 =	vmul.f32 v9, v4;
	v9 =	vld [tilespmem:s12+$0x40]  }
.Ltmp1:
0x130: {  	[tilespmem:s12+$0xFFFFFFE0] =	vst v5;
	v5 =	vmul.f32 v10, v2;
	v4 =	vld [tilespmem:s12+$0x50];
	(pc) =	sbr.rel @p1 .LBB2_4-.Ltmp1, $4  }
0x131: {  	[tilespmem:s12+$0xFFFFFFF0] =	vst v3;
	v6 =	vmul.f32 v6, v2;
	v3 =	vld [tilespmem:s12+$0x60]  }
0x132: {  	s22 =	sadd.s32 $0x3, s21;
	v10 =	vmov s21;
	[tilespmem:s12+$0x0] =	vst v5;
	v13 =	vmul.f32 v7, v2;
	v8 =	vld [tilespmem:s12+$0x80]  }
0x133: {  	s23 =	sadd.s32 $0x1, s21;
	v12 =	vand.u32 $0xFFFFFFFC, v10;
	v5 =	vmov s22;
	[tilespmem:s12+$0x10] =	vst v6;
	v10 =	vmul.f32 v11, v2;
	v7 =	vld [tilespmem:s12+$0x90]  }
0x134: {  	s22 =	sadd.s32 $0x2, s21;
	s21 =	sadd.s32 $0x4, s21;
	v6 =	vbroadcast v12, $0x0;
	v12 =	vmov s23;
	[tilespmem:s12+$0x20] =	vst v13;
	v11 =	vmul.f32 v9, v2;
	v9 =	vld [tilespmem:s12+$0xA0]  }
0x135: {  	v13 =	vld [tilespmem:s12+$0xB0]  }
0x136: {  	v15 =	vld [tilespmem:s12+$0xC0]  }
0x137: {  	v14 =	vmov s22;
	v16 =	vld [tilespmem:s12+$0xD0]  }
0x138: {  	v17 =	vld [tilespmem:s12+$0xE0];
	[tilespmem:s12+$0x30] =	vst v10;
	v4 =	vmul.f32 v4, v2;
	v14 =	vand.u32 $0xFFFFFFFE, v14  }
0x139: {  	v5 =	vld.idx.msk [tilespmem:v5+s15+$0x0], $0xffff;
	[tilespmem:s12+$0x40] =	vst v11;
	v2 =	vmul.f32 v3, v2;
	v14 =	vbroadcast v14, $0x0  }
0x13a: {  	v12 =	vand.u32 $0xFFFFFFFD, v12;
	s21 =	sadd.s32 $0x200, s12;
	v3 =	vld.idx.msk [tilespmem:v6+s15+$0x0], $0xffff;
	v8 =	vmul.f32 v8, v1;
	[tilespmem:s12+$0x50] =	vst v4  }
0x13b: {  	v12 =	vbroadcast v12, $0x0;
	v10 =	vld [tilespmem:s21+$0xFFFFFF00];
	v4 =	vmul.f32 v7, v1;
	[tilespmem:s12+$0x60] =	vst v2  }
0x13c: {  	[tilespmem:s12+$0x80] =	vst v8;
	v8 =	vld [tilespmem:s12+$0xF0];
	v2 =	vmul.f32 v9, v1  }
0x13d: {  	v11 =	vld [tilespmem:s21+$0xFFFFFF10];
	[tilespmem:s12+$0x90] =	vst v4;
	v4 =	vmul.f32 v13, v1  }
0x13e: {  	v9 =	vld [tilespmem:s21+$0x70];
	[tilespmem:s12+$0xA0] =	vst v2;
	v2 =	vmul.f32 v15, v1  }
0x13f: {  	[tilespmem:s12+$0xB0] =	vst v4;
	v4 =	vmul.f32 v16, v1;
	v7 =	vld.idx.msk [tilespmem:v14+s15+$0x0], $0xffff  }
0x140: {  	v62 =	vld [tilespmem:s21+$0xFFFFFF20];
	[tilespmem:s0+$0xC0] =	vst v2;
	v2 =	vmul.f32 v17, v1  }
0x141: {  	v6 =	vld.idx.msk [tilespmem:v12+s15+$0x0], $0xffff;
	[tilespmem:s0+$0xD0] =	vst v4;
	v1 =	vmul.f32 v8, v1  }
0x142: {  	v4 =	vld [tilespmem:s21+$0xFFFFFF30];
	[tilespmem:s0+$0xE0] =	vst v2  }
0x143: {  	v2 =	vld [tilespmem:s21+$0xFFFFFF40];
	[tilespmem:s0+$0xF0] =	vst v1;
	v1 =	vmul.f32 v10, v3  }
0x144: {  	v8 =	vmul.f32 v9, v7;
	v9 =	vld [tilespmem:s21+$0xFFFFFF50]  }
0x145: {  	v10 =	vmul.f32 v11, v3;
	v11 =	vld [tilespmem:s21+$0xFFFFFF60];
	[tilespmem:s21+$0xFFFFFF00] =	vst v1  }
0x146: {  	v1 =	vmul.f32 v62, v3;
	[tilespmem:s21+$0x70] =	vst v8;
	v8 =	vld [tilespmem:s21+$0xFFFFFF70]  }
0x147: {  	[tilespmem:s21+$0xFFFFFF10] =	vst v10;
	v10 =	vld [tilespmem:s21+$0xFFFFFF80];
	v4 =	vmul.f32 v4, v3  }
0x148: {  	[tilespmem:s21+$0xFFFFFF20] =	vst v1;
	v1 =	vmul.f32 v2, v3;
	v2 =	vld [tilespmem:s21+$0xFFFFFF90]  }
0x149: {  	[tilespmem:s21+$0xFFFFFF30] =	vst v4;
	v4 =	vmul.f32 v9, v3;
	v9 =	vld [tilespmem:s21+$0xFFFFFFA0]  }
0x14a: {  	[tilespmem:s21+$0xFFFFFF40] =	vst v1;
	v1 =	vmul.f32 v11, v3;
	v11 =	vld [tilespmem:s21+$0xFFFFFFB0]  }
0x14b: {  	[tilespmem:s21+$0xFFFFFF50] =	vst v4;
	v3 =	vmul.f32 v8, v3;
	v4 =	vld [tilespmem:s21+$0xFFFFFFC0]  }
0x14c: {  	[tilespmem:s21+$0xFFFFFF60] =	vst v1;
	v1 =	vmul.f32 v10, v6;
	v8 =	vld [tilespmem:s21+$0xFFFFFFD0]  }
0x14d: {  	v2 =	vmul.f32 v2, v6;
	[tilespmem:s21+$0xFFFFFF70] =	vst v3;
	v3 =	vld [tilespmem:s21+$0xFFFFFFE0]  }
0x14e: {  	[tilespmem:s21+$0xFFFFFF80] =	vst v1;
	v1 =	vmul.f32 v9, v6;
	v9 =	vld [tilespmem:s21+$0xFFFFFFF0]  }
0x14f: {  	v10 =	vld [tilespmem:s21+$0x0];
	[tilespmem:s21+$0xFFFFFF90] =	vst v2;
	v2 =	vmul.f32 v11, v6  }
0x150: {  	[tilespmem:s21+$0xFFFFFFA0] =	vst v1;
	v1 =	vmul.f32 v4, v6;
	v4 =	vld [tilespmem:s21+$0x10]  }
0x151: {  	[tilespmem:s21+$0xFFFFFFB0] =	vst v2;
	v2 =	vmul.f32 v8, v6;
	v8 =	vld [tilespmem:s21+$0x20]  }
0x152: {  	[tilespmem:s21+$0xFFFFFFC0] =	vst v1;
	v1 =	vmul.f32 v3, v6;
	v3 =	vld [tilespmem:s21+$0x30]  }
0x153: {  	[tilespmem:s21+$0xFFFFFFD0] =	vst v2;
	v2 =	vmul.f32 v9, v6;
	v6 =	vld [tilespmem:s21+$0x40]  }
0x154: {  	v9 =	vld [tilespmem:s21+$0x50];
	[tilespmem:s21+$0xFFFFFFE0] =	vst v1;
	v1 =	vmul.f32 v10, v7  }
0x155: {  	[tilespmem:s21+$0xFFFFFFF0] =	vst v2;
	v2 =	vmul.f32 v4, v7;
	v4 =	vld [tilespmem:s21+$0x60]  }
0x156: {  	[tilespmem:s21+$0x0] =	vst v1;
	v1 =	vmul.f32 v8, v7;
	v8 =	vld [tilespmem:s21+$0x80]  }
0x157: {  	[tilespmem:s21+$0x10] =	vst v2;
	v2 =	vmul.f32 v3, v7;
	v3 =	vld [tilespmem:s21+$0x90]  }
0x158: {  	[tilespmem:s21+$0x20] =	vst v1;
	v1 =	vmul.f32 v6, v7;
	v6 =	vld [tilespmem:s21+$0xA0]  }
0x159: {  	[tilespmem:s21+$0x30] =	vst v2;
	v2 =	vmul.f32 v9, v7;
	v9 =	vld [tilespmem:s21+$0xB0]  }
0x15a: {  	[tilespmem:s21+$0x40] =	vst v1;
	v1 =	vmul.f32 v4, v7;
	v4 =	vld [tilespmem:s21+$0xC0]  }
0x15b: {  	v7 =	vld [tilespmem:s21+$0xD0];
	[tilespmem:s21+$0x50] =	vst v2;
	v2 =	vmul.f32 v8, v5  }
0x15c: {  	[tilespmem:s21+$0x60] =	vst v1;
	v1 =	vmul.f32 v3, v5;
	v3 =	vld [tilespmem:s21+$0xE0]  }
0x15d: {  	[tilespmem:s21+$0x80] =	vst v2;
	v2 =	vmul.f32 v6, v5;
	v6 =	vld [tilespmem:s21+$0xF0]  }
0x15e: {  	[tilespmem:s21+$0x90] =	vst v1;
	v1 =	vmul.f32 v9, v5  }
0x15f: {  	[tilespmem:s21+$0xA0] =	vst v2;
	v2 =	vmul.f32 v4, v5  }
0x160: {  	[tilespmem:s21+$0xB0] =	vst v1;
	v1 =	vmul.f32 v7, v5  }
0x161: {  	[tilespmem:s21+$0xC0] =	vst v2;
	v2 =	vmul.f32 v3, v5  }
0x162: {  	[tilespmem:s21+$0xD0] =	vst v1;
	v1 =	vmul.f32 v6, v5  }
0x163: {  	s12 =	simm.s32 $0x50;
	[tilespmem:s21+$0xE0] =	vst v2  }
0x164: {  	s22 =	simm.s32 $0x52;
	s5 =	simm.s32 $0x1F100;
	s23 =	simm.s32 $0x2;
	[tilespmem:s21+$0xF0] =	vst v1;
	v1 =	vmov s12  }
0x165: {  	v2 =	vmov s22;
	[spmem:s3] =	stream.indirect.scatter.add.f32 [tilespmem:s17], [sflag:$0x9], $0x80, s5, s20, $0xb8;
	v1 =	vand.u32 $0xFFFFFFFC, v1;
	[tilespmem:$0x1FE80] =	vst v63  }
0x166: {  	v2 =	vand.u32 $0xFFFFFFFE, v2;
	_ =	swait.ge [sflag:s23], $0x2800;
	v1 =	vbroadcast v1, $0x0  }
0x167: {  	v2 =	vbroadcast v2, $0x0;
	[sflag:s23] =	ssyncset.done $0x0  }
0x168: {  	s28 =	simm.s32 $0x6;
	[sflag:s23] =	ssyncadd.s32 $0xFFFFD800  }
0x169: {  	_ =	swait.ge [sflag:s28], $0x50  }
0x16a: {  	[sflag:s28] =	ssyncset.done $0x0  }
0x16b: {  	[sflag:s28] =	ssyncadd.s32 $0xFFFFFFB0  }
0x16c: {  	v3 =	vld.idx.msk [tilespmem:v1+s15+$0x0], $0xffff  }
0x16d: {  	s13 =	smov.u32 s29;
	s29 =	simm.s32 $0x51;
	s12 =	simm.s32 $0x16C70;
	v1 =	vld.idx.msk [tilespmem:v2+s15+$0x0], $0xffff  }
0x16e: {  	v2 =	vmov s29;
	v4 =	vld [tilespmem:s12+$0xFFFFFF80]  }
0x16f: {  	v5 =	vld [tilespmem:s12+$0xFFFFFE10];
	v2 =	vand.u32 $0xFFFFFFFD, v2  }
0x170: {  	v6 =	vld [tilespmem:s12+$0xFFFFFE20];
	v2 =	vbroadcast v2, $0x0  }
0x171: {  	v7 =	vld [tilespmem:s12+$0xFFFFFE30]  }
0x172: {  	v8 =	vld [tilespmem:s12+$0xFFFFFE40]  }
0x173: {  	v9 =	vld [tilespmem:s12+$0xFFFFFE50]  }
0x174: {  	v10 =	vld [tilespmem:s12+$0xFFFFFE60]  }
0x175: {  	v11 =	vld [tilespmem:s12+$0xFFFFFE70];
	v5 =	vmul.f32 v5, v3  }
0x176: {  	v63 =	vld.idx.msk [tilespmem:v2+s15+$0x0], $0xffff;
	v2 =	vmul.f32 v4, v1  }
0x177: {  	[tilespmem:s12+$0xFFFFFE10] =	vst v5;
	v5 =	vld [tilespmem:s12+$0xFFFFFE80];
	v4 =	vmul.f32 v6, v3  }
0x178: {  	v6 =	vld [tilespmem:s12+$0xFFFFFE90];
	[tilespmem:s12+$0xFFFFFF80] =	vst v2;
	v2 =	vmul.f32 v7, v3  }
0x179: {  	s30 =	simm.s32 $0x53;
	[tilespmem:s12+$0xFFFFFE20] =	vst v4;
	v4 =	vmul.f32 v8, v3;
	v7 =	vld [tilespmem:s12+$0xFFFFFEA0]  }
0x17a: {  	v8 =	vmov s30;
	[tilespmem:s12+$0xFFFFFE30] =	vst v2;
	v2 =	vmul.f32 v9, v3;
	v9 =	vld [tilespmem:s12+$0xFFFFFEB0]  }
0x17b: {  	[tilespmem:s12+$0xFFFFFE40] =	vst v4;
	v4 =	vmul.f32 v10, v3;
	v10 =	vld [tilespmem:s12+$0xFFFFFEC0]  }
0x17c: {  	[tilespmem:s12+$0xFFFFFE50] =	vst v2;
	v2 =	vmul.f32 v11, v3;
	v11 =	vld [tilespmem:s12+$0xFFFFFED0]  }
0x17d: {  	[tilespmem:s12+$0xFFFFFE60] =	vst v4;
	v4 =	vmul.f32 v6, v63;
	v6 =	vld [tilespmem:s12+$0xFFFFFEE0]  }
0x17e: {  	v3 =	vmul.f32 v5, v3;
	v5 =	vld [tilespmem:s12+$0xFFFFFEF0];
	[tilespmem:s12+$0xFFFFFE70] =	vst v2  }
0x17f: {  	v7 =	vmul.f32 v7, v63;
	v2 =	vld.idx.msk [tilespmem:v8+s15+$0x0], $0xffff;
	[tilespmem:s12+$0xFFFFFE90] =	vst v4  }
0x180: {  	[tilespmem:s12+$0xFFFFFE80] =	vst v3;
	v8 =	vld [tilespmem:s12+$0xFFFFFF00];
	v3 =	vmul.f32 v9, v63  }
0x181: {  	[tilespmem:s12+$0xFFFFFEA0] =	vst v7;
	v4 =	vmul.f32 v10, v63;
	v10 =	vld [tilespmem:s12+$0xFFFFFF10]  }
0x182: {  	v7 =	vld [tilespmem:s12+$0xFFFFFF20];
	[tilespmem:s12+$0xFFFFFEB0] =	vst v3;
	v3 =	vmul.f32 v11, v63  }
0x183: {  	[tilespmem:s12+$0xFFFFFEC0] =	vst v4;
	v4 =	vmul.f32 v6, v63;
	v6 =	vld [tilespmem:s12+$0xFFFFFF30]  }
0x184: {  	[tilespmem:s12+$0xFFFFFED0] =	vst v3;
	v3 =	vmul.f32 v5, v63;
	v5 =	vld [tilespmem:s12+$0xFFFFFF40]  }
0x185: {  	[tilespmem:s12+$0xFFFFFEE0] =	vst v4;
	v4 =	vld [tilespmem:s12+$0xFFFFFF50];
	v9 =	vmul.f32 v8, v63  }
0x186: {  	s0 =	simm.s32 $0x16C70;
	s21 =	simm.s32 $0x0;
	v8 =	vmul.f32 v10, v1;
	[tilespmem:s12+$0xFFFFFEF0] =	vst v3;
	v3 =	vld [tilespmem:s12+$0xFFFFFF60]  }
.LBB2_6:
0x187: {  	s22 =	sadd.s32 $0x57, s21;
	[tilespmem:s12+$0xFFFFFF00] =	vst v9;
	v7 =	vmul.f32 v7, v1;
	v9 =	vld [tilespmem:s12+$0xFFFFFF70]  }
0x188: {  	s23 =	sadd.s32 $0x54, s21;
	s28 =	sadd.s32 $0x55, s21;
	v10 =	vmov s22;
	[tilespmem:s12+$0xFFFFFF10] =	vst v8;
	v6 =	vmul.f32 v6, v1;
	v8 =	vld [tilespmem:s12+$0xFFFFFF90]  }
0x189: {  	v11 =	vmov s23;
	v12 =	vmov s28;
	[tilespmem:s12+$0xFFFFFF20] =	vst v7;
	v5 =	vmul.f32 v5, v1;
	v7 =	vld [tilespmem:s12+$0xFFFFFFA0]  }
0x18a: {  	s22 =	sadd.s32 $0x56, s21;
	s21 =	sadd.s32 $0x4, s21;
	v11 =	vand.u32 $0xFFFFFFFC, v11;
	v12 =	vand.u32 $0xFFFFFFFD, v12;
	[tilespmem:s12+$0xFFFFFF30] =	vst v6;
	v4 =	vmul.f32 v4, v1;
	v6 =	vld [tilespmem:s12+$0xFFFFFFB0]  }
0x18b: {  	v13 =	vmov s22;
	p1 =	slt.u32 s21, $0x4C;
	v11 =	vbroadcast v11, $0x0;
	[tilespmem:s12+$0xFFFFFF40] =	vst v5;
	v3 =	vmul.f32 v3, v1;
	v5 =	vld [tilespmem:s12+$0xFFFFFFC0]  }
0x18c: {  	v12 =	vbroadcast v12, $0x0;
	v13 =	vand.u32 $0xFFFFFFFE, v13;
	[tilespmem:s12+$0xFFFFFF50] =	vst v4;
	v1 =	vmul.f32 v9, v1;
	v4 =	vld [tilespmem:s12+$0xFFFFFFD0]  }
0x18d: {  	v9 =	vbroadcast v13, $0x0;
	[tilespmem:s12+$0xFFFFFF60] =	vst v3;
	v3 =	vmul.f32 v8, v2;
	v8 =	vld [tilespmem:s12+$0xFFFFFFE0]  }
0x18e: {  	[tilespmem:s12+$0xFFFFFF70] =	vst v1;
	v1 =	vmul.f32 v7, v2;
	v7 =	vld [tilespmem:s12+$0xFFFFFFF0]  }
0x18f: {  	[tilespmem:s12+$0xFFFFFF90] =	vst v3;
	v3 =	vmul.f32 v6, v2;
	v6 =	vld [tilespmem:s12+$0x0]  }
0x190: {  	v10 =	vld.idx.msk [tilespmem:v10+s15+$0x0], $0xffff;
	[tilespmem:s12+$0xFFFFFFA0] =	vst v1;
	v1 =	vmul.f32 v5, v2  }
0x191: {  	v5 =	vld.idx.msk [tilespmem:v11+s15+$0x0], $0xffff;
	[tilespmem:s12+$0xFFFFFFB0] =	vst v3;
	v3 =	vmul.f32 v4, v2  }
0x192: {  	v4 =	vld.idx.msk [tilespmem:v12+s15+$0x0], $0xffff;
	[tilespmem:s12+$0xFFFFFFC0] =	vst v1;
	v8 =	vmul.f32 v8, v2  }
0x193: {  	s12 =	sadd.s32 $0x200, s12;
	v1 =	vld.idx.msk [tilespmem:v9+s15+$0x0], $0xffff;
	[tilespmem:s0+$0xFFFFFFD0] =	vst v3;
	v3 =	vmul.f32 v7, v2  }
0x194: {  	v7 =	vld [tilespmem:s12+$0xFFFFFF80];
	[tilespmem:s0+$0xFFFFFFE0] =	vst v8;
	v8 =	vmul.f32 v6, v2  }
0x195: {  	v6 =	vld [tilespmem:s12+$0xFFFFFE10];
	[tilespmem:s0+$0xFFFFFFF0] =	vst v3  }
0x196: {  	v2 =	vmov v10;
	v3 =	vld [tilespmem:s12+$0xFFFFFE20];
	[tilespmem:s0+$0x0] =	vst v8;
	s0 =	smov.u32 s12  }
0x197: {  	v8 =	vld [tilespmem:s12+$0xFFFFFE30]  }
0x198: {  	v9 =	vld [tilespmem:s12+$0xFFFFFE40]  }
0x199: {  	v10 =	vld [tilespmem:s12+$0xFFFFFE50];
	v7 =	vmul.f32 v7, v1  }
0x19a: {  	v6 =	vmul.f32 v6, v5;
	v11 =	vld [tilespmem:s12+$0xFFFFFE60]  }
0x19b: {  	v3 =	vmul.f32 v3, v5;
	v12 =	vld [tilespmem:s12+$0xFFFFFE70];
	[tilespmem:s12+$0xFFFFFF80] =	vst v7  }
0x19c: {  	[tilespmem:s12+$0xFFFFFE10] =	vst v6;
	v6 =	vmul.f32 v8, v5;
	v7 =	vld [tilespmem:s12+$0xFFFFFE80]  }
0x19d: {  	[tilespmem:s12+$0xFFFFFE20] =	vst v3;
	v3 =	vmul.f32 v9, v5;
	v8 =	vld [tilespmem:s12+$0xFFFFFE90]  }
0x19e: {  	[tilespmem:s12+$0xFFFFFE30] =	vst v6;
	v6 =	vmul.f32 v10, v5;
	v9 =	vld [tilespmem:s12+$0xFFFFFEA0]  }
0x19f: {  	[tilespmem:s12+$0xFFFFFE40] =	vst v3;
	v3 =	vmul.f32 v11, v5;
	v10 =	vld [tilespmem:s12+$0xFFFFFEB0]  }
0x1a0: {  	[tilespmem:s12+$0xFFFFFE50] =	vst v6;
	v6 =	vmul.f32 v12, v5;
	v11 =	vld [tilespmem:s12+$0xFFFFFEC0]  }
0x1a1: {  	[tilespmem:s12+$0xFFFFFE60] =	vst v3;
	v3 =	vmul.f32 v7, v5;
	v5 =	vld [tilespmem:s12+$0xFFFFFED0]  }
0x1a2: {  	[tilespmem:s12+$0xFFFFFE70] =	vst v6;
	v6 =	vmul.f32 v8, v4;
	v8 =	vld [tilespmem:s12+$0xFFFFFEE0]  }
0x1a3: {  	[tilespmem:s12+$0xFFFFFE80] =	vst v3;
	v3 =	vmul.f32 v9, v4;
	v9 =	vld [tilespmem:s12+$0xFFFFFEF0]  }
0x1a4: {  	[tilespmem:s12+$0xFFFFFE90] =	vst v6;
	v6 =	vmul.f32 v10, v4;
	v10 =	vld [tilespmem:s12+$0xFFFFFF00]  }
0x1a5: {  	[tilespmem:s12+$0xFFFFFEA0] =	vst v3;
	v3 =	vmul.f32 v11, v4;
	v11 =	vld [tilespmem:s12+$0xFFFFFF10]  }
.Ltmp2:
0x1a6: {  	[tilespmem:s12+$0xFFFFFEB0] =	vst v6;
	v5 =	vmul.f32 v5, v4;
	v7 =	vld [tilespmem:s12+$0xFFFFFF20];
	(pc) =	sbr.rel @p1 .LBB2_6-.Ltmp2, $4  }
0x1a7: {  	[tilespmem:s12+$0xFFFFFEC0] =	vst v3;
	v3 =	vmul.f32 v8, v4;
	v6 =	vld [tilespmem:s12+$0xFFFFFF30]  }
0x1a8: {  	[tilespmem:s12+$0xFFFFFED0] =	vst v5;
	v8 =	vmul.f32 v9, v4;
	v5 =	vld [tilespmem:s12+$0xFFFFFF40]  }
0x1a9: {  	[tilespmem:s12+$0xFFFFFEE0] =	vst v3;
	v9 =	vmul.f32 v10, v4;
	v4 =	vld [tilespmem:s12+$0xFFFFFF50]  }
0x1aa: {  	[tilespmem:s12+$0xFFFFFEF0] =	vst v8;
	v8 =	vmul.f32 v11, v1;
	v3 =	vld [tilespmem:s12+$0xFFFFFF60]  }
0x1ab: {  	[tilespmem:s12+$0xFFFFFF00] =	vst v9;
	v7 =	vmul.f32 v7, v1;
	v55 =	vld [tilespmem:s12+$0xFFFFFF90]  }
0x1ac: {  	v10 =	vld [tilespmem:s12+$0xFFFFFF70];
	[tilespmem:s12+$0xFFFFFF10] =	vst v8;
	v6 =	vmul.f32 v6, v1  }
0x1ad: {  	v56 =	vld [tilespmem:s12+$0xFFFFFFA0];
	[tilespmem:s12+$0xFFFFFF20] =	vst v7;
	v5 =	vmul.f32 v5, v1  }
0x1ae: {  	v57 =	vld [tilespmem:s12+$0xFFFFFFB0];
	[tilespmem:s12+$0xFFFFFF30] =	vst v6;
	v4 =	vmul.f32 v4, v1  }
0x1af: {  	v58 =	vld [tilespmem:s12+$0xFFFFFFC0];
	[tilespmem:s12+$0xFFFFFF40] =	vst v5;
	v3 =	vmul.f32 v3, v1  }
0x1b0: {  	v59 =	vld [tilespmem:s12+$0xFFFFFFD0];
	[tilespmem:s12+$0xFFFFFF50] =	vst v4;
	v60 =	vmul.f32 v55, v2  }
0x1b1: {  	v61 =	vld [tilespmem:s12+$0xFFFFFFE0];
	v1 =	vmul.f32 v10, v1;
	[tilespmem:s12+$0xFFFFFF60] =	vst v3  }
0x1b2: {  	v8 =	vmul.f32 v56, v2;
	v3 =	vld [tilespmem:s12+$0xFFFFFFF0];
	[tilespmem:s12+$0xFFFFFF90] =	vst v60  }
0x1b3: {  	v62 =	vld [tilespmem:s12+$0x0];
	[tilespmem:s12+$0xFFFFFF70] =	vst v1;
	v1 =	vmul.f32 v57, v2  }
0x1b4: {  	v6 =	vmul.f32 v58, v2;
	[tilespmem:s12+$0xFFFFFFA0] =	vst v8  }
0x1b5: {  	[tilespmem:s12+$0xFFFFFFB0] =	vst v1;
	v1 =	vmul.f32 v59, v2  }
0x1b6: {  	v63 =	vmul.f32 v61, v2;
	[tilespmem:s12+$0xFFFFFFC0] =	vst v6  }
0x1b7: {  	[tilespmem:s0+$0xFFFFFFD0] =	vst v1;
	v1 =	vmul.f32 v3, v2  }
0x1b8: {  	[tilespmem:s0+$0xFFFFFFE0] =	vst v63;
	v2 =	vmul.f32 v62, v2  }
0x1b9: {  	[tilespmem:s0+$0xFFFFFFF0] =	vst v1  }
0x1ba: {  	s30 =	simm.s32 $0x1F180;
	s22 =	simm.s32 $0x0;
	[tilespmem:s0+$0x0] =	vst v2  }
0x1bb: {  	[spmem:s3] =	stream.indirect.scatter.add.f32 [tilespmem:s31], [sflag:$0xA], $0x80, s30, s20, $0xb8;
	[tilespmem:$0x1FE80] =	vst v63  }
.LBB2_8:
0x1bc: {  	s0 =	sadd.s32 $0x4, s22  }
0x1bd: {  	s12 =	sand.u32 $0xFF, s0  }
0x1be: {  	s12 =	smul.u32 $0xCD, s12;
	_ =	sdelay $0x1  }
0x1bf: {  	s12 =	sshrl.u32 s12, $0xA  }
0x1c0: {  	s21 =	smul.u32 $0x5, s12;
	_ =	sdelay $0x1  }
0x1c1: {  	s0 =	ssub.s32 s0, s21  }
0x1c2: {  	s21 =	sand.u32 $0xFF, s0  }
0x1c3: {  	p2 =	sne.s32 s21, $0x0  }
0x1c4: {  	s0 =	simm.s32 @!p2 $0xD  }
0x1c5: {  	_ =	swait.ge @!p2 [sflag:s0], $0x190  }
0x1c6: {  	p3 =	sgt.u32 @!p2 s22, $0x73;
	[sflag:s0] =	ssyncset.done @!p2 $0x0  }
0x1c7: {  	p1 =	por p3, p2;
	[sflag:s0] =	ssyncadd.s32 @!p2 $0xFFFFFE70  }
0x1c8: {  	s23 =	sadd.s32 @!p1 $0x1, s12;
	_ =	swait.ge @!p2 [sflag:s0], $0x190  }
0x1c9: {  	s28 =	sand.u32 @!p1 $0x1, s23;
	[sflag:s0] =	ssyncset.done @!p2 $0x0  }
0x1ca: {  	s23 =	smul.u32 @!p1 $0x190, s23;
	p4 =	seq.s32 @!p1 s28, $0x1;
	[sflag:s0] =	ssyncadd.s32 @!p2 $0xFFFFFE70  }
0x1cb: {  	s28 =	simm.s32 @!p1 $0x190;
	p3 =	por @!p2 !p4, p3;
	_ =	swait.ge @!p2 [sflag:s0], $0x190  }
0x1cc: {  	s23 =	sadd.s32 @!p1 s9, s23;
	p3 =	por !p3, p2;
	[sflag:s0] =	ssyncset.done @!p2 $0x0  }
0x1cd: {  	s28 =	simm.s32 @!p3 $0x0;
	[sflag:s0] =	ssyncadd.s32 @!p2 $0xFFFFFE70;
	s0 =	sshrl.u32 @!p1 s23, $0x3  }
0x1ce: {  	s29 =	simm.s32 @!p1 $0x0;
	s23 =	sadd.s32 @!p1 $0x1E280, s28;
	s31 =	sadd.s32 @!p1 s8, s0  }
0x1cf: {  	[tilespmem:s23], [sflag:$0xD] =	stream.linear.gather @!p1 [hbm4b:s31+s29], $0x190, $0x38;
	[tilespmem:$0x1FE80] =	vst v63  }
0x1d0: {  	s23 =	sor.u32 @!p1 $0x1E600, s28;
	s31 =	sadd.s32 @!p1 s2, s0  }
0x1d1: {  	[tilespmem:s23], [sflag:$0xD] =	stream.linear.gather @!p1 [hbm4b:s31+s29], $0x190, $0x38;
	[tilespmem:$0x1FE80] =	vst v63  }
0x1d2: {  	s0 =	sadd.s32 @!p1 s1, s0;
	s23 =	sadd.s32 @!p1 $0x1E980, s28  }
0x1d3: {  	[tilespmem:s23], [sflag:$0xD] =	stream.linear.gather @!p1 [hbm4b:s0+s29], $0x190, $0x38;
	[tilespmem:$0x1FE80] =	vst v63  }
0x1d4: {  	s0 =	sand.u32 $0x3, s22  }
0x1d5: {  	s21 =	smul.u32 $0x50, s21;
	s12 =	sand.u32 $0x1, s12;
	s5 =	sadd.s32 $0x9, s0  }
0x1d6: {  	p1 =	seq.s32 s12, $0x1;
	s12 =	simm.s32 $0x190;
	_ =	swait.ge [sflag:s5], $0x2800  }
0x1d7: {  	s12 =	simm.s32 @!p1 $0x0;
	[sflag:s5] =	ssyncset.done $0x0  }
0x1d8: {  	s12 =	sadd.s32 s21, s12;
	[sflag:s5] =	ssyncadd.s32 $0xFFFFD800  }
0x1d9: {  	v1 =	vld [tilespmem:s12+$0x1E600];
	_ =	sdelay $0x1  }
0x1da: {  	v2 =	vld [tilespmem:s12+$0x1E280];
	_ =	sdelay $0x2  }
0x1db: {  	v1 =	vmul.u32 $0x2710, v1;
	_ =	sdelay $0x1  }
0x1dc: {  	s23 =	sshll.u32 s0, $0x7;
	v2 =	vadd.s32 v2, v1  }
0x1dd: {  	[tilespmem:s23+$0x1ED00] =	vst v2  }
0x1de: {  	v2 =	vld [tilespmem:s12+$0x1E980];
	_ =	sdelay $0x4  }
0x1df: {  	v1 =	vadd.s32 v1, v2  }
0x1e0: {  	[tilespmem:s23+$0x1EF00] =	vst v1  }
0x1e1: {  	v1 =	vld [tilespmem:s12+$0x1E980];
	_ =	sdelay $0x4  }
0x1e2: {  	[tilespmem:s23+$0x1F100] =	vst v1  }
0x1e3: {  	v1 =	vld [tilespmem:s12+$0x1E610];
	_ =	sdelay $0x1  }
0x1e4: {  	v2 =	vld [tilespmem:s12+$0x1E290];
	_ =	sdelay $0x2  }
0x1e5: {  	v1 =	vmul.u32 $0x2710, v1;
	_ =	sdelay $0x1  }
0x1e6: {  	v2 =	vadd.s32 v2, v1  }
0x1e7: {  	[tilespmem:s23+$0x1ED10] =	vst v2  }
0x1e8: {  	v2 =	vld [tilespmem:s12+$0x1E990];
	_ =	sdelay $0x4  }
0x1e9: {  	v1 =	vadd.s32 v1, v2  }
0x1ea: {  	[tilespmem:s23+$0x1EF10] =	vst v1  }
0x1eb: {  	v1 =	vld [tilespmem:s12+$0x1E990];
	_ =	sdelay $0x4  }
0x1ec: {  	[tilespmem:s23+$0x1F110] =	vst v1  }
0x1ed: {  	v1 =	vld [tilespmem:s12+$0x1E620];
	_ =	sdelay $0x1  }
0x1ee: {  	v2 =	vld [tilespmem:s12+$0x1E2A0];
	_ =	sdelay $0x2  }
0x1ef: {  	v1 =	vmul.u32 $0x2710, v1;
	_ =	sdelay $0x1  }
0x1f0: {  	v2 =	vadd.s32 v2, v1  }
0x1f1: {  	[tilespmem:s23+$0x1ED20] =	vst v2  }
0x1f2: {  	v2 =	vld [tilespmem:s12+$0x1E9A0];
	_ =	sdelay $0x4  }
0x1f3: {  	v1 =	vadd.s32 v1, v2  }
0x1f4: {  	[tilespmem:s23+$0x1EF20] =	vst v1  }
0x1f5: {  	v1 =	vld [tilespmem:s12+$0x1E9A0];
	_ =	sdelay $0x4  }
0x1f6: {  	[tilespmem:s23+$0x1F120] =	vst v1  }
0x1f7: {  	v1 =	vld [tilespmem:s12+$0x1E630];
	_ =	sdelay $0x1  }
0x1f8: {  	v2 =	vld [tilespmem:s12+$0x1E2B0];
	_ =	sdelay $0x2  }
0x1f9: {  	v1 =	vmul.u32 $0x2710, v1;
	_ =	sdelay $0x1  }
0x1fa: {  	v2 =	vadd.s32 v2, v1  }
0x1fb: {  	[tilespmem:s23+$0x1ED30] =	vst v2  }
0x1fc: {  	v2 =	vld [tilespmem:s12+$0x1E9B0];
	_ =	sdelay $0x4  }
0x1fd: {  	v1 =	vadd.s32 v1, v2  }
0x1fe: {  	[tilespmem:s23+$0x1EF30] =	vst v1  }
0x1ff: {  	v1 =	vld [tilespmem:s12+$0x1E9B0];
	_ =	sdelay $0x4  }
0x200: {  	[tilespmem:s23+$0x1F130] =	vst v1  }
0x201: {  	v1 =	vld [tilespmem:s12+$0x1E640];
	_ =	sdelay $0x1  }
0x202: {  	v2 =	vld [tilespmem:s12+$0x1E2C0];
	_ =	sdelay $0x2  }
0x203: {  	v1 =	vmul.u32 $0x2710, v1;
	_ =	sdelay $0x1  }
0x204: {  	v2 =	vadd.s32 v2, v1  }
0x205: {  	[tilespmem:s23+$0x1ED40] =	vst v2  }
0x206: {  	v2 =	vld [tilespmem:s12+$0x1E9C0];
	_ =	sdelay $0x4  }
0x207: {  	v1 =	vadd.s32 v1, v2  }
0x208: {  	[tilespmem:s23+$0x1EF40] =	vst v1  }
0x209: {  	v1 =	vld [tilespmem:s12+$0x1E9C0];
	_ =	sdelay $0x1  }
0x20a: {  	s29 =	smul.u32 $0xA000, s0;
	s12 =	sxor.u32 $0x2, s0  }
0x20b: {  	s21 =	smul.u32 $0x50, s12  }
0x20c: {  	s28 =	sadd.s32 $0x1ED00, s23;
	s30 =	sshrl.u32 s29, $0x2;
	s5 =	smul.u32 $0x140, s0  }
0x20d: {  	s31 =	sadd.s32 $0x14280, s30;
	s30 =	sadd.s32 $0x1, s0;
	s29 =	sadd.s32 $0xFFFFFFFC, s21;
	[tilespmem:s23+$0x1F140] =	vst v1  }
0x20e: {  	[tilespmem:s31], [sflag:s30] =	stream.indirect.gather [hbm4b:s7+s20], $0x80, s28, s20, $0xb8;
	[tilespmem:$0x1FE80] =	vst v63  }
0x20f: {  	s0 =	sadd.s32 $0x5, s0;
	s28 =	sshrl.u32 s5, $0x2;
	s5 =	sadd.s32 $0x6, s29  }
0x210: {  	s23 =	sadd.s32 $0x1EF00, s23;
	s30 =	sadd.s32 $0x1, s12;
	s28 =	sor.u32 $0x1F300, s28;
	v1 =	vmov s5  }
0x211: {  	[tilespmem:s28], [sflag:s0] =	stream.indirect.gather [spmem:s4], $0x1, s23, s20, $0xb8;
	v1 =	vand.u32 $0xFFFFFFFE, v1;
	[tilespmem:$0x1FE80] =	vst v63  }
0x212: {  	_ =	swait.ge [sflag:s30], $0x2800;
	v1 =	vbroadcast v1, $0x0  }
0x213: {  	[sflag:s30] =	ssyncset.done $0x0  }
0x214: {  	s5 =	sadd.s32 $0x4, s29;
	s23 =	sadd.s32 $0x5, s12;
	[sflag:s30] =	ssyncadd.s32 $0xFFFFD800  }
0x215: {  	v2 =	vmov s5;
	s30 =	smul.u32 $0xA000, s12;
	_ =	swait.ge [sflag:s23], $0x50  }
0x216: {  	v2 =	vand.u32 $0xFFFFFFFC, v2;
	[sflag:s23] =	ssyncset.done $0x0  }
0x217: {  	v2 =	vbroadcast v2, $0x0;
	s31 =	sshrl.u32 s30, $0x2;
	[sflag:s23] =	ssyncadd.s32 $0xFFFFFFB0  }
0x218: {  	s0 =	sadd.s32 $0x14380, s31;
	v1 =	vld.idx.msk [tilespmem:v1+s15+$0x0], $0xffff  }
0x219: {  	v3 =	vld [tilespmem:s0+$0x70]  }
0x21a: {  	s5 =	sadd.s32 $0x5, s29;
	v5 =	vld [tilespmem:s0+$0xFFFFFF00]  }
0x21b: {  	v4 =	vmov s5;
	v6 =	vld [tilespmem:s0+$0xFFFFFF10]  }
0x21c: {  	v4 =	vand.u32 $0xFFFFFFFD, v4;
	v7 =	vld [tilespmem:s0+$0xFFFFFF20]  }
0x21d: {  	v4 =	vbroadcast v4, $0x0;
	v2 =	vld.idx.msk [tilespmem:v2+s15+$0x0], $0xffff  }
0x21e: {  	v8 =	vld [tilespmem:s0+$0xFFFFFF30]  }
0x21f: {  	v9 =	vld [tilespmem:s0+$0xFFFFFF40]  }
0x220: {  	v10 =	vld [tilespmem:s0+$0xFFFFFF50]  }
0x221: {  	v11 =	vld [tilespmem:s0+$0xFFFFFF60];
	v3 =	vmul.f32 v3, v1  }
0x222: {  	v13 =	vld [tilespmem:s0+$0xFFFFFFD0];
	v5 =	vmul.f32 v5, v2  }
0x223: {  	v4 =	vld.idx.msk [tilespmem:v4+s15+$0x0], $0xffff;
	[tilespmem:s0+$0x70] =	vst v3;
	v3 =	vmul.f32 v7, v2  }
0x224: {  	[tilespmem:s0+$0xFFFFFF00] =	vst v5;
	v5 =	vmul.f32 v6, v2;
	v6 =	vld [tilespmem:s0+$0xFFFFFF70]  }
0x225: {  	s30 =	sadd.s32 $0x7, s29;
	v7 =	vld [tilespmem:s0+$0xFFFFFF80];
	[tilespmem:s0+$0xFFFFFF20] =	vst v3;
	v3 =	vmul.f32 v9, v2  }
0x226: {  	v12 =	vmov s30;
	[tilespmem:s0+$0xFFFFFF10] =	vst v5;
	v5 =	vmul.f32 v8, v2;
	v8 =	vld [tilespmem:s0+$0xFFFFFF90]  }
0x227: {  	v9 =	vld [tilespmem:s0+$0xFFFFFFA0];
	[tilespmem:s0+$0xFFFFFF40] =	vst v3;
	v3 =	vmul.f32 v11, v2  }
0x228: {  	v11 =	vld [tilespmem:s0+$0xFFFFFFC0];
	[tilespmem:s0+$0xFFFFFF30] =	vst v5;
	v5 =	vmul.f32 v10, v2  }
0x229: {  	v10 =	vld [tilespmem:s0+$0xFFFFFFB0];
	v6 =	vmul.f32 v6, v2;
	[tilespmem:s0+$0xFFFFFF60] =	vst v3  }
0x22a: {  	v14 =	vld [tilespmem:s0+$0xFFFFFFE0];
	[tilespmem:s0+$0xFFFFFF50] =	vst v5;
	v5 =	vmul.f32 v7, v4  }
0x22b: {  	v2 =	vld.idx.msk [tilespmem:v12+s15+$0x0], $0xffff;
	v3 =	vmul.f32 v8, v4;
	[tilespmem:s0+$0xFFFFFF70] =	vst v6  }
0x22c: {  	v8 =	vld [tilespmem:s0+$0xFFFFFFF0];
	[tilespmem:s0+$0xFFFFFF80] =	vst v5;
	v5 =	vmul.f32 v9, v4  }
0x22d: {  	v7 =	vld [tilespmem:s0+$0x0];
	v9 =	vmul.f32 v11, v4;
	[tilespmem:s0+$0xFFFFFF90] =	vst v3  }
0x22e: {  	v6 =	vld [tilespmem:s0+$0x10];
	v3 =	vmul.f32 v10, v4;
	[tilespmem:s0+$0xFFFFFFA0] =	vst v5  }
0x22f: {  	v10 =	vmul.f32 v13, v4;
	v5 =	vld [tilespmem:s0+$0x20];
	[tilespmem:s0+$0xFFFFFFC0] =	vst v9  }
0x230: {  	v9 =	vmul.f32 v14, v4;
	[tilespmem:s0+$0xFFFFFFB0] =	vst v3;
	v3 =	vld [tilespmem:s0+$0x30]  }
0x231: {  	s28 =	simm.s32 $0x0;
	s23 =	smov.u32 s0;
	[tilespmem:s0+$0xFFFFFFD0] =	vst v10;
	v8 =	vmul.f32 v8, v4;
	v4 =	vld [tilespmem:s0+$0x40]  }
.LBB2_9:
0x232: {  	s29 =	sadd.s32 s28, s21;
	s28 =	sadd.s32 $0x4, s28;
	[tilespmem:s0+$0xFFFFFFE0] =	vst v9;
	v7 =	vmul.f32 v7, v1;
	v9 =	vld [tilespmem:s0+$0x50]  }
0x233: {  	s30 =	sadd.s32 $0x4, s29;
	s5 =	sadd.s32 $0x6, s29;
	p1 =	slt.u32 s28, $0x4C;
	[tilespmem:s0+$0xFFFFFFF0] =	vst v8;
	v6 =	vmul.f32 v6, v1;
	v8 =	vld [tilespmem:s0+$0x60]  }
0x234: {  	v10 =	vmov s30;
	s30 =	sadd.s32 $0x5, s29;
	v11 =	vmov s5;
	s5 =	sadd.s32 $0x7, s29;
	[tilespmem:s0+$0x0] =	vst v7;
	v5 =	vmul.f32 v5, v1;
	v7 =	vld [tilespmem:s0+$0x80]  }
0x235: {  	v10 =	vand.u32 $0xFFFFFFFC, v10;
	v12 =	vmov s30;
	v11 =	vand.u32 $0xFFFFFFFE, v11;
	[tilespmem:s0+$0x10] =	vst v6;
	v6 =	vld [tilespmem:s0+$0x90]  }
0x236: {  	v10 =	vbroadcast v10, $0x0;
	v12 =	vand.u32 $0xFFFFFFFD, v12;
	v11 =	vbroadcast v11, $0x0;
	[tilespmem:s0+$0x20] =	vst v5;
	v5 =	vld [tilespmem:s0+$0xA0]  }
0x237: {  	v13 =	vmov s5;
	v3 =	vmul.f32 v3, v1;
	v12 =	vbroadcast v12, $0x0;
	v14 =	vld [tilespmem:s0+$0xB0]  }
0x238: {  	v4 =	vmul.f32 v4, v1;
	v9 =	vmul.f32 v9, v1;
	v15 =	vld [tilespmem:s0+$0xC0]  }
0x239: {  	[tilespmem:s0+$0x30] =	vst v3;
	v3 =	vmul.f32 v8, v1;
	v7 =	vmul.f32 v7, v2;
	v8 =	vld [tilespmem:s0+$0xD0]  }
0x23a: {  	[tilespmem:s0+$0x40] =	vst v4;
	v4 =	vmul.f32 v6, v2;
	v6 =	vld [tilespmem:s0+$0xE0]  }
0x23b: {  	[tilespmem:s0+$0x50] =	vst v9;
	v5 =	vmul.f32 v5, v2;
	v9 =	vld [tilespmem:s0+$0xF0]  }
0x23c: {  	s0 =	sadd.s32 $0x200, s0;
	v1 =	vld.idx.msk [tilespmem:v11+s15+$0x0], $0xffff;
	[tilespmem:s23+$0x60] =	vst v3;
	v3 =	vmul.f32 v14, v2  }
0x23d: {  	v11 =	vld [tilespmem:s0+$0x70];
	[tilespmem:s23+$0x80] =	vst v7;
	v7 =	vmul.f32 v15, v2  }
0x23e: {  	v10 =	vld.idx.msk [tilespmem:v10+s15+$0x0], $0xffff;
	[tilespmem:s23+$0x90] =	vst v4;
	v4 =	vmul.f32 v8, v2  }
0x23f: {  	v8 =	vld.idx.msk [tilespmem:v12+s15+$0x0], $0xffff;
	[tilespmem:s23+$0xA0] =	vst v5;
	v5 =	vmul.f32 v6, v2  }
0x240: {  	[tilespmem:s23+$0xB0] =	vst v3;
	v3 =	vmul.f32 v9, v2;
	v2 =	vld.idx.msk [tilespmem:v13+s15+$0x0], $0xffff  }
0x241: {  	v6 =	vld [tilespmem:s0+$0xFFFFFF00];
	[tilespmem:s23+$0xC0] =	vst v7  }
0x242: {  	v7 =	vld [tilespmem:s0+$0xFFFFFF10];
	v9 =	vmul.f32 v11, v1;
	[tilespmem:s23+$0xD0] =	vst v4  }
0x243: {  	v4 =	vld [tilespmem:s0+$0xFFFFFF20];
	[tilespmem:s23+$0xE0] =	vst v5  }
0x244: {  	v5 =	vld [tilespmem:s0+$0xFFFFFF30];
	[tilespmem:s0+$0x70] =	vst v9  }
0x245: {  	v9 =	vld [tilespmem:s0+$0xFFFFFF40];
	[tilespmem:s23+$0xF0] =	vst v3;
	s23 =	smov.u32 s0  }
0x246: {  	v3 =	vmul.f32 v6, v10;
	v6 =	vld [tilespmem:s0+$0xFFFFFF50]  }
0x247: {  	v7 =	vmul.f32 v7, v10;
	v11 =	vld [tilespmem:s0+$0xFFFFFF60]  }
0x248: {  	[tilespmem:s0+$0xFFFFFF00] =	vst v3;
	v3 =	vmul.f32 v4, v10;
	v4 =	vld [tilespmem:s0+$0xFFFFFF70]  }
0x249: {  	[tilespmem:s0+$0xFFFFFF10] =	vst v7;
	v5 =	vmul.f32 v5, v10;
	v7 =	vld [tilespmem:s0+$0xFFFFFF80]  }
0x24a: {  	[tilespmem:s0+$0xFFFFFF20] =	vst v3;
	v3 =	vmul.f32 v9, v10;
	v9 =	vld [tilespmem:s0+$0xFFFFFF90]  }
0x24b: {  	[tilespmem:s0+$0xFFFFFF30] =	vst v5;
	v5 =	vmul.f32 v6, v10;
	v6 =	vld [tilespmem:s0+$0xFFFFFFA0]  }
0x24c: {  	[tilespmem:s0+$0xFFFFFF40] =	vst v3;
	v3 =	vmul.f32 v11, v10;
	v11 =	vld [tilespmem:s0+$0xFFFFFFB0]  }
0x24d: {  	[tilespmem:s0+$0xFFFFFF50] =	vst v5;
	v4 =	vmul.f32 v4, v10;
	v5 =	vld [tilespmem:s0+$0xFFFFFFC0]  }
0x24e: {  	[tilespmem:s0+$0xFFFFFF60] =	vst v3;
	v3 =	vmul.f32 v7, v8;
	v10 =	vld [tilespmem:s0+$0xFFFFFFD0]  }
0x24f: {  	[tilespmem:s0+$0xFFFFFF70] =	vst v4;
	v4 =	vmul.f32 v9, v8;
	v9 =	vld [tilespmem:s0+$0xFFFFFFE0]  }
0x250: {  	[tilespmem:s0+$0xFFFFFF80] =	vst v3;
	v3 =	vmul.f32 v6, v8;
	v12 =	vld [tilespmem:s0+$0xFFFFFFF0]  }
.Ltmp3:
0x251: {  	[tilespmem:s0+$0xFFFFFF90] =	vst v4;
	v4 =	vmul.f32 v11, v8;
	v7 =	vld [tilespmem:s0+$0x0];
	(pc) =	sbr.rel @p1 .LBB2_9-.Ltmp3, $4  }
0x252: {  	[tilespmem:s0+$0xFFFFFFA0] =	vst v3;
	v3 =	vmul.f32 v5, v8;
	v6 =	vld [tilespmem:s0+$0x10]  }
0x253: {  	[tilespmem:s0+$0xFFFFFFB0] =	vst v4;
	v4 =	vmul.f32 v10, v8;
	v5 =	vld [tilespmem:s0+$0x20]  }
0x254: {  	[tilespmem:s0+$0xFFFFFFC0] =	vst v3;
	v9 =	vmul.f32 v9, v8;
	v3 =	vld [tilespmem:s0+$0x30]  }
0x255: {  	[tilespmem:s0+$0xFFFFFFD0] =	vst v4;
	v8 =	vmul.f32 v12, v8;
	v4 =	vld [tilespmem:s0+$0x40]  }
0x256: {  	v10 =	vld [tilespmem:s0+$0x50]  }
0x257: {  	[tilespmem:s0+$0xFFFFFFE0] =	vst v9;
	v7 =	vmul.f32 v7, v1;
	v54 =	vld [tilespmem:s0+$0x60]  }
0x258: {  	v55 =	vld [tilespmem:s0+$0x80];
	[tilespmem:s0+$0xFFFFFFF0] =	vst v8;
	v6 =	vmul.f32 v6, v1  }
0x259: {  	v56 =	vld [tilespmem:s0+$0x90];
	[tilespmem:s0+$0x0] =	vst v7;
	v5 =	vmul.f32 v5, v1  }
0x25a: {  	v57 =	vld [tilespmem:s0+$0xA0];
	[tilespmem:s0+$0x10] =	vst v6;
	v3 =	vmul.f32 v3, v1  }
0x25b: {  	v58 =	vld [tilespmem:s0+$0xB0];
	[tilespmem:s0+$0x20] =	vst v5;
	v4 =	vmul.f32 v4, v1  }
0x25c: {  	v11 =	vld [tilespmem:s0+$0xC0];
	v10 =	vmul.f32 v10, v1;
	[tilespmem:s0+$0x30] =	vst v3  }
0x25d: {  	v60 =	vld [tilespmem:s0+$0xE0];
	v59 =	vmul.f32 v55, v2;
	[tilespmem:s0+$0x40] =	vst v4  }
0x25e: {  	v3 =	vld [tilespmem:s0+$0xD0];
	v7 =	vmul.f32 v56, v2;
	[tilespmem:s0+$0x50] =	vst v10  }
0x25f: {  	v61 =	vld [tilespmem:s0+$0xF0];
	v1 =	vmul.f32 v54, v1;
	[tilespmem:s23+$0x80] =	vst v59  }
0x260: {  	v62 =	vmul.f32 v58, v2;
	[tilespmem:s23+$0x90] =	vst v7  }
0x261: {  	[tilespmem:s23+$0x60] =	vst v1;
	v1 =	vmul.f32 v57, v2  }
0x262: {  	s22 =	sadd.s32 $0x1, s22;
	v63 =	vmul.f32 v11, v2;
	[tilespmem:s23+$0xB0] =	vst v62  }
0x263: {  	p1 =	sne.s32 s22, $0x79;
	[tilespmem:s23+$0xA0] =	vst v1;
	v1 =	vmul.f32 v3, v2  }
.Ltmp4:
0x264: {  	[tilespmem:s23+$0xC0] =	vst v63;
	v3 =	vmul.f32 v60, v2;
	(pc) =	sbr.rel @p1 .LBB2_8-.Ltmp4, $4  }
0x265: {  	v2 =	vmul.f32 v61, v2;
	[tilespmem:s23+$0xD0] =	vst v1  }
0x266: {  	s30 =	sshll.u32 s12, $0x7;
	[tilespmem:s23+$0xE0] =	vst v3  }
0x267: {  	s5 =	sadd.s32 $0x14280, s31;
	s31 =	sadd.s32 $0x9, s12;
	s0 =	sadd.s32 $0x1F100, s30;
	[tilespmem:s23+$0xF0] =	vst v2  }
0x268: {  	[spmem:s3] =	stream.indirect.scatter.add.f32 [tilespmem:s5], [sflag:s31], $0x80, s0, s20, $0xb8;
	[tilespmem:$0x1FE80] =	vst v63  }
0x269: {  	s0 =	simm.s32 $0xF0  }
0x26a: {  	s22 =	simm.s32 $0xF2;
	s23 =	simm.s32 $0x4;
	v1 =	vmov s0  }
0x26b: {  	v2 =	vmov s22;
	_ =	swait.ge [sflag:s23], $0x2800;
	v1 =	vand.u32 $0xFFFFFFFC, v1  }
0x26c: {  	v2 =	vand.u32 $0xFFFFFFFE, v2;
	[sflag:s23] =	ssyncset.done $0x0;
	v1 =	vbroadcast v1, $0x0  }
0x26d: {  	s29 =	simm.s32 $0x8;
	v2 =	vbroadcast v2, $0x0;
	[sflag:s23] =	ssyncadd.s32 $0xFFFFD800  }
0x26e: {  	_ =	swait.ge [sflag:s29], $0x50  }
0x26f: {  	[sflag:s29] =	ssyncset.done $0x0  }
0x270: {  	s12 =	simm.s32 $0x1BC70;
	[sflag:s29] =	ssyncadd.s32 $0xFFFFFFB0  }
0x271: {  	v4 =	vld [tilespmem:s12+$0xFFFFFF80]  }
0x272: {  	s30 =	simm.s32 $0xF1;
	v3 =	vld.idx.msk [tilespmem:v1+s15+$0x0], $0xffff  }
0x273: {  	v1 =	vld.idx.msk [tilespmem:v2+s15+$0x0], $0xffff;
	v2 =	vmov s30  }
0x274: {  	v5 =	vld [tilespmem:s12+$0xFFFFFE10];
	v2 =	vand.u32 $0xFFFFFFFD, v2  }
0x275: {  	v6 =	vld [tilespmem:s12+$0xFFFFFE20];
	v2 =	vbroadcast v2, $0x0  }
0x276: {  	v7 =	vld [tilespmem:s12+$0xFFFFFE30]  }
0x277: {  	v8 =	vld [tilespmem:s12+$0xFFFFFE40]  }
0x278: {  	v9 =	vld [tilespmem:s12+$0xFFFFFE50]  }
0x279: {  	v10 =	vld [tilespmem:s12+$0xFFFFFE60]  }
0x27a: {  	v11 =	vld [tilespmem:s12+$0xFFFFFE70];
	v5 =	vmul.f32 v5, v3  }
0x27b: {  	v12 =	vld.idx.msk [tilespmem:v2+s15+$0x0], $0xffff;
	v2 =	vmul.f32 v4, v1  }
0x27c: {  	[tilespmem:s12+$0xFFFFFE10] =	vst v5;
	v5 =	vld [tilespmem:s12+$0xFFFFFE80];
	v4 =	vmul.f32 v6, v3  }
0x27d: {  	v6 =	vld [tilespmem:s12+$0xFFFFFE90];
	[tilespmem:s12+$0xFFFFFF80] =	vst v2;
	v2 =	vmul.f32 v7, v3  }
0x27e: {  	s31 =	simm.s32 $0xF3;
	[tilespmem:s12+$0xFFFFFE20] =	vst v4;
	v4 =	vmul.f32 v8, v3;
	v7 =	vld [tilespmem:s12+$0xFFFFFEA0]  }
0x27f: {  	v8 =	vmov s31;
	[tilespmem:s12+$0xFFFFFE30] =	vst v2;
	v2 =	vmul.f32 v9, v3;
	v9 =	vld [tilespmem:s12+$0xFFFFFEB0]  }
0x280: {  	[tilespmem:s12+$0xFFFFFE40] =	vst v4;
	v4 =	vmul.f32 v10, v3;
	v10 =	vld [tilespmem:s12+$0xFFFFFEC0]  }
0x281: {  	[tilespmem:s12+$0xFFFFFE50] =	vst v2;
	v2 =	vmul.f32 v11, v3;
	v11 =	vld [tilespmem:s12+$0xFFFFFED0]  }
0x282: {  	[tilespmem:s12+$0xFFFFFE60] =	vst v4;
	v4 =	vmul.f32 v6, v12;
	v6 =	vld [tilespmem:s12+$0xFFFFFEE0]  }
0x283: {  	v3 =	vmul.f32 v5, v3;
	v5 =	vld [tilespmem:s12+$0xFFFFFEF0];
	[tilespmem:s12+$0xFFFFFE70] =	vst v2  }
0x284: {  	v7 =	vmul.f32 v7, v12;
	v2 =	vld.idx.msk [tilespmem:v8+s15+$0x0], $0xffff;
	[tilespmem:s12+$0xFFFFFE90] =	vst v4  }
0x285: {  	[tilespmem:s12+$0xFFFFFE80] =	vst v3;
	v8 =	vld [tilespmem:s12+$0xFFFFFF00];
	v3 =	vmul.f32 v9, v12  }
0x286: {  	[tilespmem:s12+$0xFFFFFEA0] =	vst v7;
	v4 =	vmul.f32 v10, v12;
	v10 =	vld [tilespmem:s12+$0xFFFFFF10]  }
0x287: {  	v7 =	vld [tilespmem:s12+$0xFFFFFF20];
	[tilespmem:s12+$0xFFFFFEB0] =	vst v3;
	v3 =	vmul.f32 v11, v12  }
0x288: {  	[tilespmem:s12+$0xFFFFFEC0] =	vst v4;
	v4 =	vmul.f32 v6, v12;
	v6 =	vld [tilespmem:s12+$0xFFFFFF30]  }
0x289: {  	[tilespmem:s12+$0xFFFFFED0] =	vst v3;
	v3 =	vmul.f32 v5, v12;
	v5 =	vld [tilespmem:s12+$0xFFFFFF40]  }
0x28a: {  	[tilespmem:s12+$0xFFFFFEE0] =	vst v4;
	v4 =	vld [tilespmem:s12+$0xFFFFFF50];
	v9 =	vmul.f32 v8, v12  }
0x28b: {  	s21 =	simm.s32 $0x0;
	s28 =	smov.u32 s14;
	s0 =	simm.s32 $0x1BC70;
	v8 =	vmul.f32 v10, v1;
	[tilespmem:s12+$0xFFFFFEF0] =	vst v3;
	v3 =	vld [tilespmem:s12+$0xFFFFFF60]  }
.LBB2_12:
0x28c: {  	s5 =	sadd.s32 $0xF7, s21;
	[tilespmem:s12+$0xFFFFFF00] =	vst v9;
	v7 =	vmul.f32 v7, v1;
	v9 =	vld [tilespmem:s12+$0xFFFFFF70]  }
0x28d: {  	s22 =	sadd.s32 $0xF4, s21;
	s23 =	sadd.s32 $0xF5, s21;
	v10 =	vmov s5;
	[tilespmem:s12+$0xFFFFFF10] =	vst v8;
	v6 =	vmul.f32 v6, v1;
	v8 =	vld [tilespmem:s12+$0xFFFFFF90]  }
0x28e: {  	v11 =	vmov s22;
	v12 =	vmov s23;
	[tilespmem:s12+$0xFFFFFF20] =	vst v7;
	v5 =	vmul.f32 v5, v1;
	v7 =	vld [tilespmem:s12+$0xFFFFFFA0]  }
0x28f: {  	s5 =	sadd.s32 $0xF6, s21;
	s21 =	sadd.s32 $0x4, s21;
	v11 =	vand.u32 $0xFFFFFFFC, v11;
	v12 =	vand.u32 $0xFFFFFFFD, v12;
	[tilespmem:s12+$0xFFFFFF30] =	vst v6;
	v4 =	vmul.f32 v4, v1;
	v6 =	vld [tilespmem:s12+$0xFFFFFFB0]  }
0x290: {  	v13 =	vmov s5;
	p1 =	slt.u32 s21, $0x4C;
	v11 =	vbroadcast v11, $0x0;
	[tilespmem:s12+$0xFFFFFF40] =	vst v5;
	v3 =	vmul.f32 v3, v1;
	v5 =	vld [tilespmem:s12+$0xFFFFFFC0]  }
0x291: {  	v12 =	vbroadcast v12, $0x0;
	v13 =	vand.u32 $0xFFFFFFFE, v13;
	[tilespmem:s12+$0xFFFFFF50] =	vst v4;
	v1 =	vmul.f32 v9, v1;
	v4 =	vld [tilespmem:s12+$0xFFFFFFD0]  }
0x292: {  	v9 =	vbroadcast v13, $0x0;
	[tilespmem:s12+$0xFFFFFF60] =	vst v3;
	v3 =	vmul.f32 v8, v2;
	v8 =	vld [tilespmem:s12+$0xFFFFFFE0]  }
0x293: {  	[tilespmem:s12+$0xFFFFFF70] =	vst v1;
	v1 =	vmul.f32 v7, v2;
	v7 =	vld [tilespmem:s12+$0xFFFFFFF0]  }
0x294: {  	[tilespmem:s12+$0xFFFFFF90] =	vst v3;
	v3 =	vmul.f32 v6, v2;
	v6 =	vld [tilespmem:s12+$0x0]  }
0x295: {  	v10 =	vld.idx.msk [tilespmem:v10+s15+$0x0], $0xffff;
	[tilespmem:s12+$0xFFFFFFA0] =	vst v1;
	v1 =	vmul.f32 v5, v2  }
0x296: {  	v5 =	vld.idx.msk [tilespmem:v11+s15+$0x0], $0xffff;
	[tilespmem:s12+$0xFFFFFFB0] =	vst v3;
	v3 =	vmul.f32 v4, v2  }
0x297: {  	v4 =	vld.idx.msk [tilespmem:v12+s15+$0x0], $0xffff;
	[tilespmem:s12+$0xFFFFFFC0] =	vst v1;
	v8 =	vmul.f32 v8, v2  }
0x298: {  	s12 =	sadd.s32 $0x200, s12;
	v1 =	vld.idx.msk [tilespmem:v9+s15+$0x0], $0xffff;
	[tilespmem:s0+$0xFFFFFFD0] =	vst v3;
	v3 =	vmul.f32 v7, v2  }
0x299: {  	v7 =	vld [tilespmem:s12+$0xFFFFFF80];
	[tilespmem:s0+$0xFFFFFFE0] =	vst v8;
	v8 =	vmul.f32 v6, v2  }
0x29a: {  	v6 =	vld [tilespmem:s12+$0xFFFFFE10];
	[tilespmem:s0+$0xFFFFFFF0] =	vst v3  }
0x29b: {  	v2 =	vmov v10;
	v3 =	vld [tilespmem:s12+$0xFFFFFE20];
	[tilespmem:s0+$0x0] =	vst v8;
	s0 =	smov.u32 s12  }
0x29c: {  	v8 =	vld [tilespmem:s12+$0xFFFFFE30]  }
0x29d: {  	v9 =	vld [tilespmem:s12+$0xFFFFFE40]  }
0x29e: {  	v10 =	vld [tilespmem:s12+$0xFFFFFE50];
	v7 =	vmul.f32 v7, v1  }
0x29f: {  	v6 =	vmul.f32 v6, v5;
	v11 =	vld [tilespmem:s12+$0xFFFFFE60]  }
0x2a0: {  	v3 =	vmul.f32 v3, v5;
	v12 =	vld [tilespmem:s12+$0xFFFFFE70];
	[tilespmem:s12+$0xFFFFFF80] =	vst v7  }
0x2a1: {  	[tilespmem:s12+$0xFFFFFE10] =	vst v6;
	v6 =	vmul.f32 v8, v5;
	v7 =	vld [tilespmem:s12+$0xFFFFFE80]  }
0x2a2: {  	[tilespmem:s12+$0xFFFFFE20] =	vst v3;
	v3 =	vmul.f32 v9, v5;
	v8 =	vld [tilespmem:s12+$0xFFFFFE90]  }
0x2a3: {  	[tilespmem:s12+$0xFFFFFE30] =	vst v6;
	v6 =	vmul.f32 v10, v5;
	v9 =	vld [tilespmem:s12+$0xFFFFFEA0]  }
0x2a4: {  	[tilespmem:s12+$0xFFFFFE40] =	vst v3;
	v3 =	vmul.f32 v11, v5;
	v10 =	vld [tilespmem:s12+$0xFFFFFEB0]  }
0x2a5: {  	[tilespmem:s12+$0xFFFFFE50] =	vst v6;
	v6 =	vmul.f32 v12, v5;
	v11 =	vld [tilespmem:s12+$0xFFFFFEC0]  }
0x2a6: {  	[tilespmem:s12+$0xFFFFFE60] =	vst v3;
	v3 =	vmul.f32 v7, v5;
	v5 =	vld [tilespmem:s12+$0xFFFFFED0]  }
0x2a7: {  	[tilespmem:s12+$0xFFFFFE70] =	vst v6;
	v6 =	vmul.f32 v8, v4;
	v8 =	vld [tilespmem:s12+$0xFFFFFEE0]  }
0x2a8: {  	[tilespmem:s12+$0xFFFFFE80] =	vst v3;
	v3 =	vmul.f32 v9, v4;
	v9 =	vld [tilespmem:s12+$0xFFFFFEF0]  }
0x2a9: {  	[tilespmem:s12+$0xFFFFFE90] =	vst v6;
	v6 =	vmul.f32 v10, v4;
	v10 =	vld [tilespmem:s12+$0xFFFFFF00]  }
0x2aa: {  	[tilespmem:s12+$0xFFFFFEA0] =	vst v3;
	v3 =	vmul.f32 v11, v4;
	v11 =	vld [tilespmem:s12+$0xFFFFFF10]  }
.Ltmp5:
0x2ab: {  	[tilespmem:s12+$0xFFFFFEB0] =	vst v6;
	v5 =	vmul.f32 v5, v4;
	v7 =	vld [tilespmem:s12+$0xFFFFFF20];
	(pc) =	sbr.rel @p1 .LBB2_12-.Ltmp5, $4  }
0x2ac: {  	[tilespmem:s12+$0xFFFFFEC0] =	vst v3;
	v3 =	vmul.f32 v8, v4;
	v6 =	vld [tilespmem:s12+$0xFFFFFF30]  }
0x2ad: {  	[tilespmem:s12+$0xFFFFFED0] =	vst v5;
	v8 =	vmul.f32 v9, v4;
	v5 =	vld [tilespmem:s12+$0xFFFFFF40]  }
0x2ae: {  	[tilespmem:s12+$0xFFFFFEE0] =	vst v3;
	v9 =	vmul.f32 v10, v4;
	v4 =	vld [tilespmem:s12+$0xFFFFFF50]  }
0x2af: {  	[tilespmem:s12+$0xFFFFFEF0] =	vst v8;
	v8 =	vmul.f32 v11, v1;
	v3 =	vld [tilespmem:s12+$0xFFFFFF60]  }
0x2b0: {  	[tilespmem:s12+$0xFFFFFF00] =	vst v9;
	v7 =	vmul.f32 v7, v1;
	v9 =	vld [tilespmem:s12+$0xFFFFFF90]  }
0x2b1: {  	v10 =	vld [tilespmem:s12+$0xFFFFFF70];
	[tilespmem:s12+$0xFFFFFF10] =	vst v8;
	v6 =	vmul.f32 v6, v1  }
0x2b2: {  	v8 =	vld [tilespmem:s12+$0xFFFFFFA0];
	[tilespmem:s12+$0xFFFFFF20] =	vst v7;
	v5 =	vmul.f32 v5, v1  }
0x2b3: {  	v7 =	vld [tilespmem:s12+$0xFFFFFFB0];
	[tilespmem:s12+$0xFFFFFF30] =	vst v6;
	v4 =	vmul.f32 v4, v1  }
0x2b4: {  	v6 =	vld [tilespmem:s12+$0xFFFFFFC0];
	[tilespmem:s12+$0xFFFFFF40] =	vst v5;
	v3 =	vmul.f32 v3, v1  }
0x2b5: {  	v5 =	vld [tilespmem:s12+$0xFFFFFFD0];
	[tilespmem:s12+$0xFFFFFF50] =	vst v4;
	v4 =	vmul.f32 v9, v2  }
0x2b6: {  	v9 =	vld [tilespmem:s12+$0xFFFFFFE0];
	v1 =	vmul.f32 v10, v1;
	[tilespmem:s12+$0xFFFFFF60] =	vst v3  }
0x2b7: {  	v3 =	vld [tilespmem:s12+$0xFFFFFFF0];
	v8 =	vmul.f32 v8, v2;
	[tilespmem:s12+$0xFFFFFF90] =	vst v4  }
0x2b8: {  	[tilespmem:s12+$0xFFFFFF70] =	vst v1;
	v1 =	vmul.f32 v7, v2;
	v4 =	vld [tilespmem:s12+$0x0]  }
0x2b9: {  	[tilespmem:s12+$0xFFFFFFA0] =	vst v8;
	v6 =	vmul.f32 v6, v2  }
0x2ba: {  	[tilespmem:s12+$0xFFFFFFB0] =	vst v1;
	v1 =	vmul.f32 v5, v2  }
0x2bb: {  	[tilespmem:s12+$0xFFFFFFC0] =	vst v6;
	v5 =	vmul.f32 v9, v2  }
0x2bc: {  	[tilespmem:s0+$0xFFFFFFD0] =	vst v1;
	v1 =	vmul.f32 v3, v2  }
0x2bd: {  	[tilespmem:s0+$0xFFFFFFE0] =	vst v5;
	v2 =	vmul.f32 v4, v2  }
0x2be: {  	s5 =	simm.s32 $0x0;
	[tilespmem:s0+$0xFFFFFFF0] =	vst v1  }
0x2bf: {  	s22 =	simm.s32 $0x2;
	s23 =	simm.s32 $0x1BA80;
	s31 =	simm.s32 $0x1F280;
	v1 =	vmov s5;
	[tilespmem:s0+$0x0] =	vst v2  }
0x2c0: {  	v1 =	vand.u32 $0xFFFFFFFC, v1;
	v2 =	vmov s22;
	[spmem:s3] =	stream.indirect.scatter.add.f32 [tilespmem:s23], [sflag:$0xC], $0x80, s31, s20, $0xb8;
	[tilespmem:$0x1FE80] =	vst v63  }
0x2c1: {  	v1 =	vbroadcast v1, $0x0;
	v2 =	vand.u32 $0xFFFFFFFE, v2;
	_ =	swait.ge [sflag:s25], $0x2800  }
0x2c2: {  	v2 =	vbroadcast v2, $0x0;
	[sflag:s25] =	ssyncset.done $0x0  }
0x2c3: {  	[sflag:s25] =	ssyncadd.s32 $0xFFFFD800  }
0x2c4: {  	_ =	swait.ge [sflag:s26], $0x50  }
0x2c5: {  	[sflag:s26] =	ssyncset.done $0x0  }
0x2c6: {  	[sflag:s26] =	ssyncadd.s32 $0xFFFFFFB0  }
0x2c7: {  	v1 =	vld.idx.msk [tilespmem:v1+s15+$0x0], $0xffff  }
0x2c8: {  	s14 =	simm.s32 $0x1;
	s12 =	simm.s32 $0x14380;
	v2 =	vld.idx.msk [tilespmem:v2+s15+$0x0], $0xffff  }
0x2c9: {  	v3 =	vmov s14;
	v4 =	vld [tilespmem:s12+$0x70]  }
0x2ca: {  	v3 =	vand.u32 $0xFFFFFFFD, v3;
	v5 =	vld [tilespmem:s12+$0xFFFFFF00]  }
0x2cb: {  	v3 =	vbroadcast v3, $0x0;
	v6 =	vld [tilespmem:s12+$0xFFFFFF10]  }
0x2cc: {  	v7 =	vld [tilespmem:s12+$0xFFFFFF20]  }
0x2cd: {  	v8 =	vld [tilespmem:s12+$0xFFFFFF30]  }
0x2ce: {  	v9 =	vld [tilespmem:s12+$0xFFFFFF40]  }
0x2cf: {  	v10 =	vld [tilespmem:s12+$0xFFFFFF50]  }
0x2d0: {  	v11 =	vld [tilespmem:s12+$0xFFFFFF60];
	v5 =	vmul.f32 v5, v1  }
0x2d1: {  	v3 =	vld.idx.msk [tilespmem:v3+s15+$0x0], $0xffff;
	v4 =	vmul.f32 v4, v2  }
0x2d2: {  	v13 =	vld [tilespmem:s12+$0x40];
	[tilespmem:s12+$0xFFFFFF00] =	vst v5;
	v5 =	vmul.f32 v6, v1  }
0x2d3: {  	v6 =	vld [tilespmem:s12+$0xFFFFFF70];
	[tilespmem:s12+$0x70] =	vst v4;
	v4 =	vmul.f32 v7, v1  }
0x2d4: {  	v7 =	vld [tilespmem:s12+$0xFFFFFF80];
	[tilespmem:s12+$0xFFFFFF10] =	vst v5;
	v5 =	vmul.f32 v8, v1  }
0x2d5: {  	v8 =	vld [tilespmem:s12+$0xFFFFFF90];
	[tilespmem:s12+$0xFFFFFF20] =	vst v4;
	v4 =	vmul.f32 v9, v1  }
0x2d6: {  	v9 =	vld [tilespmem:s12+$0xFFFFFFA0];
	[tilespmem:s12+$0xFFFFFF30] =	vst v5;
	v5 =	vmul.f32 v10, v1  }
0x2d7: {  	v10 =	vld [tilespmem:s12+$0xFFFFFFB0];
	[tilespmem:s12+$0xFFFFFF40] =	vst v4;
	v4 =	vmul.f32 v11, v1  }
0x2d8: {  	v11 =	vld [tilespmem:s12+$0xFFFFFFC0];
	v6 =	vmul.f32 v6, v1;
	[tilespmem:s12+$0xFFFFFF50] =	vst v5  }
0x2d9: {  	v5 =	vmul.f32 v7, v3;
	v7 =	vld [tilespmem:s12+$0xFFFFFFD0];
	[tilespmem:s12+$0xFFFFFF60] =	vst v4  }
0x2da: {  	s21 =	simm.s32 $0x3;
	v4 =	vld [tilespmem:s12+$0xFFFFFFE0];
	v8 =	vmul.f32 v8, v3;
	[tilespmem:s12+$0xFFFFFF70] =	vst v6  }
0x2db: {  	v12 =	vmov s21;
	v6 =	vld [tilespmem:s12+$0xFFFFFFF0];
	[tilespmem:s12+$0xFFFFFF80] =	vst v5;
	v5 =	vmul.f32 v9, v3  }
0x2dc: {  	v9 =	vld [tilespmem:s12+$0x0];
	[tilespmem:s12+$0xFFFFFF90] =	vst v8;
	v8 =	vmul.f32 v10, v3  }
0x2dd: {  	v10 =	vld [tilespmem:s12+$0x10];
	[tilespmem:s12+$0xFFFFFFA0] =	vst v5;
	v5 =	vmul.f32 v11, v3  }
0x2de: {  	[tilespmem:s12+$0xFFFFFFB0] =	vst v8;
	v7 =	vmul.f32 v7, v3;
	v8 =	vld [tilespmem:s12+$0x20]  }
0x2df: {  	v11 =	vld [tilespmem:s12+$0x30];
	v4 =	vmul.f32 v4, v3;
	[tilespmem:s12+$0xFFFFFFC0] =	vst v5  }
0x2e0: {  	v1 =	vld.idx.msk [tilespmem:v12+s15+$0x0], $0xffff;
	v3 =	vmul.f32 v6, v3;
	[tilespmem:s12+$0xFFFFFFD0] =	vst v7  }
0x2e1: {  	[tilespmem:s12+$0xFFFFFFE0] =	vst v4;
	v5 =	vmul.f32 v9, v2;
	v4 =	vld [tilespmem:s12+$0x50]  }
0x2e2: {  	s22 =	simm.s32 $0x4;
	[tilespmem:s12+$0xFFFFFFF0] =	vst v3;
	v6 =	vmul.f32 v10, v2;
	v3 =	vld [tilespmem:s12+$0x60]  }
0x2e3: {  	s23 =	simm.s32 $0x7;
	v7 =	vmov s22;
	[tilespmem:s12+$0x0] =	vst v5;
	v9 =	vmul.f32 v8, v2;
	v8 =	vld [tilespmem:s12+$0x80]  }
0x2e4: {  	s29 =	smov.u32 s13;
	s30 =	simm.s32 $0x0;
	s31 =	simm.s32 $0x5;
	v12 =	vand.u32 $0xFFFFFFFC, v7;
	v7 =	vld [tilespmem:s12+$0x90];
	v5 =	vmov s23;
	v10 =	vmul.f32 v11, v2;
	[tilespmem:s12+$0x10] =	vst v6  }
0x2e5: {  	s21 =	simm.s32 $0x8;
	s0 =	simm.s32 $0x14380;
	s22 =	simm.s32 $0x6;
	v11 =	vmul.f32 v13, v2;
	v6 =	vbroadcast v12, $0x0;
	v12 =	vmov s31;
	[tilespmem:s12+$0x20] =	vst v9;
	v9 =	vld [tilespmem:s12+$0xA0]  }
.LBB2_14:
0x2e6: {  	p1 =	slt.u32 s21, $0x4C;
	v12 =	vand.u32 $0xFFFFFFFD, v12;
	v13 =	vmov s22;
	[tilespmem:s12+$0x30] =	vst v10;
	v4 =	vmul.f32 v4, v2;
	v10 =	vld [tilespmem:s12+$0xB0]  }
0x2e7: {  	v12 =	vbroadcast v12, $0x0;
	v13 =	vand.u32 $0xFFFFFFFE, v13;
	[tilespmem:s12+$0x40] =	vst v11;
	v2 =	vmul.f32 v3, v2;
	v3 =	vld [tilespmem:s12+$0xC0]  }
0x2e8: {  	v11 =	vbroadcast v13, $0x0;
	[tilespmem:s12+$0x50] =	vst v4;
	v4 =	vmul.f32 v8, v1;
	v8 =	vld [tilespmem:s12+$0xD0]  }
0x2e9: {  	[tilespmem:s12+$0x60] =	vst v2;
	v2 =	vmul.f32 v7, v1;
	v7 =	vld [tilespmem:s12+$0xE0]  }
0x2ea: {  	[tilespmem:s12+$0x80] =	vst v4;
	v4 =	vmul.f32 v9, v1;
	v9 =	vld [tilespmem:s12+$0xF0]  }
0x2eb: {  	v5 =	vld.idx.msk [tilespmem:v5+s15+$0x0], $0xffff;
	[tilespmem:s12+$0x90] =	vst v2;
	v2 =	vmul.f32 v10, v1  }
0x2ec: {  	v6 =	vld.idx.msk [tilespmem:v6+s15+$0x0], $0xffff;
	[tilespmem:s12+$0xA0] =	vst v4;
	v3 =	vmul.f32 v3, v1  }
0x2ed: {  	v4 =	vld.idx.msk [tilespmem:v12+s15+$0x0], $0xffff;
	[tilespmem:s12+$0xB0] =	vst v2;
	v8 =	vmul.f32 v8, v1  }
0x2ee: {  	s12 =	sadd.s32 $0x200, s12;
	v2 =	vld.idx.msk [tilespmem:v11+s15+$0x0], $0xffff;
	[tilespmem:s0+$0xC0] =	vst v3;
	v3 =	vmul.f32 v7, v1  }
0x2ef: {  	v7 =	vld [tilespmem:s12+$0x70];
	[tilespmem:s0+$0xD0] =	vst v8;
	v9 =	vmul.f32 v9, v1  }
0x2f0: {  	v8 =	vld [tilespmem:s12+$0xFFFFFF00];
	[tilespmem:s0+$0xE0] =	vst v3  }
0x2f1: {  	v1 =	vmov v5;
	v3 =	vld [tilespmem:s12+$0xFFFFFF10];
	[tilespmem:s0+$0xF0] =	vst v9;
	s0 =	smov.u32 s12  }
0x2f2: {  	v5 =	vld [tilespmem:s12+$0xFFFFFF20]  }
0x2f3: {  	v9 =	vld [tilespmem:s12+$0xFFFFFF30]  }
0x2f4: {  	v10 =	vld [tilespmem:s12+$0xFFFFFF40];
	v7 =	vmul.f32 v7, v2  }
0x2f5: {  	v8 =	vmul.f32 v8, v6;
	v11 =	vld [tilespmem:s12+$0xFFFFFF50]  }
0x2f6: {  	v3 =	vmul.f32 v3, v6;
	v12 =	vld [tilespmem:s12+$0xFFFFFF60];
	[tilespmem:s12+$0x70] =	vst v7  }
0x2f7: {  	[tilespmem:s12+$0xFFFFFF00] =	vst v8;
	v5 =	vmul.f32 v5, v6;
	v7 =	vld [tilespmem:s12+$0xFFFFFF70]  }
0x2f8: {  	[tilespmem:s12+$0xFFFFFF10] =	vst v3;
	v3 =	vmul.f32 v9, v6;
	v8 =	vld [tilespmem:s12+$0xFFFFFF80]  }
0x2f9: {  	[tilespmem:s12+$0xFFFFFF20] =	vst v5;
	v5 =	vmul.f32 v10, v6;
	v9 =	vld [tilespmem:s12+$0xFFFFFF90]  }
0x2fa: {  	[tilespmem:s12+$0xFFFFFF30] =	vst v3;
	v3 =	vmul.f32 v11, v6;
	v10 =	vld [tilespmem:s12+$0xFFFFFFA0]  }
0x2fb: {  	[tilespmem:s12+$0xFFFFFF40] =	vst v5;
	v5 =	vmul.f32 v12, v6;
	v11 =	vld [tilespmem:s12+$0xFFFFFFB0]  }
0x2fc: {  	[tilespmem:s12+$0xFFFFFF50] =	vst v3;
	v3 =	vmul.f32 v7, v6;
	v6 =	vld [tilespmem:s12+$0xFFFFFFC0]  }
0x2fd: {  	[tilespmem:s12+$0xFFFFFF60] =	vst v5;
	v5 =	vmul.f32 v8, v4;
	v7 =	vld [tilespmem:s12+$0xFFFFFFD0]  }
0x2fe: {  	[tilespmem:s12+$0xFFFFFF70] =	vst v3;
	v3 =	vmul.f32 v9, v4;
	v8 =	vld [tilespmem:s12+$0xFFFFFFE0]  }
0x2ff: {  	[tilespmem:s12+$0xFFFFFF80] =	vst v5;
	v5 =	vmul.f32 v10, v4;
	v9 =	vld [tilespmem:s12+$0xFFFFFFF0]  }
0x300: {  	[tilespmem:s12+$0xFFFFFF90] =	vst v3;
	v3 =	vmul.f32 v11, v4;
	v10 =	vld [tilespmem:s12+$0x0]  }
0x301: {  	[tilespmem:s12+$0xFFFFFFA0] =	vst v5;
	v5 =	vmul.f32 v6, v4;
	v6 =	vld [tilespmem:s12+$0x10]  }
0x302: {  	[tilespmem:s12+$0xFFFFFFB0] =	vst v3;
	v3 =	vmul.f32 v7, v4;
	v7 =	vld [tilespmem:s12+$0x20]  }
0x303: {  	[tilespmem:s12+$0xFFFFFFC0] =	vst v5;
	v5 =	vmul.f32 v8, v4;
	v11 =	vld [tilespmem:s12+$0x30]  }
0x304: {  	[tilespmem:s12+$0xFFFFFFD0] =	vst v3;
	v3 =	vmul.f32 v9, v4;
	v9 =	vld [tilespmem:s12+$0x40]  }
.Ltmp6:
0x305: {  	[tilespmem:s12+$0xFFFFFFE0] =	vst v5;
	v5 =	vmul.f32 v10, v2;
	v4 =	vld [tilespmem:s12+$0x50];
	(pc) =	sbr.rel @p1 .LBB2_14-.Ltmp6, $4  }
0x306: {  	[tilespmem:s12+$0xFFFFFFF0] =	vst v3;
	v6 =	vmul.f32 v6, v2;
	v3 =	vld [tilespmem:s12+$0x60]  }
0x307: {  	s5 =	sadd.s32 $0x3, s21;
	v10 =	vmov s21;
	[tilespmem:s12+$0x0] =	vst v5;
	v13 =	vmul.f32 v7, v2;
	v8 =	vld [tilespmem:s12+$0x80]  }
0x308: {  	s22 =	sadd.s32 $0x1, s21;
	v12 =	vand.u32 $0xFFFFFFFC, v10;
	v5 =	vmov s5;
	[tilespmem:s12+$0x10] =	vst v6;
	v10 =	vmul.f32 v11, v2;
	v7 =	vld [tilespmem:s12+$0x90]  }
0x309: {  	v6 =	vbroadcast v12, $0x0;
	v12 =	vmov s22;
	s22 =	sadd.s32 $0x2, s21;
	s21 =	sadd.s32 $0x4, s21;
	[tilespmem:s12+$0x20] =	vst v13;
	v11 =	vmul.f32 v9, v2;
	v9 =	vld [tilespmem:s12+$0xA0]  }
0x30a: {  	v13 =	vld [tilespmem:s12+$0xB0]  }
0x30b: {  	v15 =	vld [tilespmem:s12+$0xC0]  }
0x30c: {  	v16 =	vld [tilespmem:s12+$0xD0]  }
0x30d: {  	v17 =	vld [tilespmem:s12+$0xE0]  }
0x30e: {  	v29 =	vld [tilespmem:s12+$0xF0];
	[tilespmem:s12+$0x30] =	vst v10;
	v4 =	vmul.f32 v4, v2  }
0x30f: {  	v5 =	vld.idx.msk [tilespmem:v5+s15+$0x0], $0xffff;
	[tilespmem:s12+$0x40] =	vst v11;
	v2 =	vmul.f32 v3, v2  }
0x310: {  	s21 =	sadd.s32 $0x200, s12;
	v3 =	vld.idx.msk [tilespmem:v6+s15+$0x0], $0xffff;
	v8 =	vmul.f32 v8, v1;
	[tilespmem:s12+$0x50] =	vst v4  }
0x311: {  	v14 =	vmov s22;
	v34 =	vld [tilespmem:s21+$0x70];
	v30 =	vmul.f32 v7, v1;
	[tilespmem:s12+$0x60] =	vst v2  }
0x312: {  	v14 =	vand.u32 $0xFFFFFFFE, v14;
	v35 =	vld [tilespmem:s21+$0xFFFFFF00];
	[tilespmem:s12+$0x80] =	vst v8;
	v2 =	vmul.f32 v9, v1  }
0x313: {  	v37 =	vld [tilespmem:s21+$0xFFFFFF10];
	v14 =	vbroadcast v14, $0x0;
	[tilespmem:s12+$0x90] =	vst v30;
	v33 =	vmul.f32 v13, v1  }
0x314: {  	v38 =	vld [tilespmem:s21+$0xFFFFFF20];
	[tilespmem:s12+$0xA0] =	vst v2;
	v2 =	vmul.f32 v15, v1  }
0x315: {  	v12 =	vand.u32 $0xFFFFFFFD, v12;
	v39 =	vld [tilespmem:s21+$0xFFFFFF30];
	v36 =	vmul.f32 v16, v1;
	[tilespmem:s12+$0xB0] =	vst v33  }
0x316: {  	v12 =	vbroadcast v12, $0x0;
	v41 =	vld [tilespmem:s21+$0xFFFFFF50];
	[tilespmem:s0+$0xC0] =	vst v2;
	v2 =	vmul.f32 v17, v1  }
0x317: {  	v43 =	vld [tilespmem:s21+$0xFFFFFF60];
	[tilespmem:s0+$0xD0] =	vst v36;
	v1 =	vmul.f32 v29, v1  }
0x318: {  	v42 =	vmul.f32 v37, v3;
	[tilespmem:s0+$0xE0] =	vst v2;
	v2 =	vld [tilespmem:s21+$0xFFFFFF40]  }
0x319: {  	v32 =	vld.idx.msk [tilespmem:v14+s15+$0x0], $0xffff;
	[tilespmem:s0+$0xF0] =	vst v1;
	v1 =	vmul.f32 v35, v3  }
0x31a: {  	v44 =	vld [tilespmem:s21+$0xFFFFFF70];
	v4 =	vmul.f32 v39, v3;
	[tilespmem:s21+$0xFFFFFF10] =	vst v42  }
0x31b: {  	v45 =	vld [tilespmem:s21+$0xFFFFFF80];
	[tilespmem:s21+$0xFFFFFF00] =	vst v1;
	v1 =	vmul.f32 v38, v3  }
0x31c: {  	v46 =	vmul.f32 v41, v3;
	v31 =	vld.idx.msk [tilespmem:v12+s15+$0x0], $0xffff;
	[tilespmem:s21+$0xFFFFFF30] =	vst v4  }
0x31d: {  	[tilespmem:s21+$0xFFFFFF20] =	vst v1;
	v1 =	vmul.f32 v2, v3;
	v2 =	vld [tilespmem:s21+$0xFFFFFF90]  }
0x31e: {  	v47 =	vld [tilespmem:s21+$0xFFFFFFA0];
	[tilespmem:s21+$0xFFFFFF50] =	vst v46;
	v40 =	vmul.f32 v34, v32  }
0x31f: {  	v48 =	vld [tilespmem:s21+$0xFFFFFFB0];
	[tilespmem:s21+$0xFFFFFF40] =	vst v1;
	v1 =	vmul.f32 v43, v3  }
0x320: {  	v49 =	vld [tilespmem:s21+$0xFFFFFFC0];
	[tilespmem:s21+$0x70] =	vst v40;
	v3 =	vmul.f32 v44, v3  }
0x321: {  	v50 =	vld [tilespmem:s21+$0xFFFFFFD0];
	[tilespmem:s21+$0xFFFFFF60] =	vst v1;
	v1 =	vmul.f32 v45, v31  }
0x322: {  	[tilespmem:s21+$0xFFFFFF70] =	vst v3;
	v3 =	vld [tilespmem:s21+$0xFFFFFFE0];
	v2 =	vmul.f32 v2, v31  }
0x323: {  	v51 =	vld [tilespmem:s21+$0xFFFFFFF0];
	[tilespmem:s21+$0xFFFFFF80] =	vst v1;
	v1 =	vmul.f32 v47, v31  }
0x324: {  	v52 =	vld [tilespmem:s21+$0x0];
	[tilespmem:s21+$0xFFFFFF90] =	vst v2;
	v2 =	vmul.f32 v48, v31  }
0x325: {  	v53 =	vld [tilespmem:s21+$0x10];
	[tilespmem:s21+$0xFFFFFFA0] =	vst v1;
	v1 =	vmul.f32 v49, v31  }
0x326: {  	v54 =	vld [tilespmem:s21+$0x20];
	[tilespmem:s21+$0xFFFFFFB0] =	vst v2;
	v2 =	vmul.f32 v50, v31  }
0x327: {  	[tilespmem:s21+$0xFFFFFFC0] =	vst v1;
	v1 =	vmul.f32 v3, v31;
	v3 =	vld [tilespmem:s21+$0x30]  }
0x328: {  	v55 =	vld [tilespmem:s21+$0x40];
	[tilespmem:s21+$0xFFFFFFD0] =	vst v2;
	v2 =	vmul.f32 v51, v31  }
0x329: {  	v56 =	vld [tilespmem:s21+$0x50];
	[tilespmem:s21+$0xFFFFFFE0] =	vst v1;
	v1 =	vmul.f32 v52, v32  }
0x32a: {  	v57 =	vld [tilespmem:s21+$0x60];
	[tilespmem:s21+$0xFFFFFFF0] =	vst v2;
	v2 =	vmul.f32 v53, v32  }
0x32b: {  	v58 =	vld [tilespmem:s21+$0x80];
	[tilespmem:s21+$0x0] =	vst v1;
	v1 =	vmul.f32 v54, v32  }
0x32c: {  	[tilespmem:s21+$0x10] =	vst v2;
	v2 =	vmul.f32 v3, v32;
	v3 =	vld [tilespmem:s21+$0x90]  }
0x32d: {  	v59 =	vld [tilespmem:s21+$0xA0];
	[tilespmem:s21+$0x20] =	vst v1;
	v1 =	vmul.f32 v55, v32  }
0x32e: {  	v60 =	vld [tilespmem:s21+$0xB0];
	[tilespmem:s21+$0x30] =	vst v2;
	v2 =	vmul.f32 v56, v32  }
0x32f: {  	v61 =	vld [tilespmem:s21+$0xC0];
	[tilespmem:s21+$0x40] =	vst v1;
	v1 =	vmul.f32 v57, v32  }
0x330: {  	v62 =	vld [tilespmem:s21+$0xD0];
	[tilespmem:s21+$0x50] =	vst v2;
	v2 =	vmul.f32 v58, v5  }
0x331: {  	[tilespmem:s21+$0x60] =	vst v1;
	v1 =	vmul.f32 v3, v5;
	v3 =	vld [tilespmem:s21+$0xE0]  }
0x332: {  	v63 =	vld [tilespmem:s21+$0xF0];
	[tilespmem:s21+$0x80] =	vst v2;
	v2 =	vmul.f32 v59, v5  }
0x333: {  	[tilespmem:s21+$0x90] =	vst v1;
	v1 =	vmul.f32 v60, v5  }
0x334: {  	[tilespmem:s21+$0xA0] =	vst v2;
	v2 =	vmul.f32 v61, v5  }
0x335: {  	[tilespmem:s21+$0xB0] =	vst v1;
	v1 =	vmul.f32 v62, v5  }
0x336: {  	[tilespmem:s21+$0xC0] =	vst v2;
	v2 =	vmul.f32 v3, v5  }
0x337: {  	[tilespmem:s21+$0xD0] =	vst v1;
	v1 =	vmul.f32 v63, v5  }
0x338: {  	[tilespmem:s21+$0xE0] =	vst v2  }
0x339: {  	s13 =	simm.s32 $0x1F100;
	s14 =	simm.s32 $0x9;
	[tilespmem:s21+$0xF0] =	vst v1  }
0x33a: {  	[spmem:s3] =	stream.indirect.scatter.add.f32 [tilespmem:s17], [sflag:$0x9], $0x80, s13, s20, $0xb8;
	[tilespmem:$0x1FE80] =	vst v63  }
0x33b: {  	_ =	swait.ge [sflag:s14], $0x2800  }
0x33c: {  	[sflag:s14] =	ssyncset.done $0x0  }
0x33d: {  	s21 =	simm.s32 $0xA;
	[sflag:s14] =	ssyncadd.s32 $0xFFFFD800  }
0x33e: {  	_ =	swait.ge [sflag:s21], $0x2800  }
0x33f: {  	[sflag:s21] =	ssyncset.done $0x0  }
0x340: {  	s22 =	simm.s32 $0xB;
	[sflag:s21] =	ssyncadd.s32 $0xFFFFD800  }
0x341: {  	_ =	swait.ge [sflag:s22], $0x2800  }
0x342: {  	[sflag:s22] =	ssyncset.done $0x0  }
0x343: {  	s23 =	simm.s32 $0xC;
	[sflag:s22] =	ssyncadd.s32 $0xFFFFD800  }
0x344: {  	_ =	swait.ge [sflag:s23], $0x2800  }
0x345: {  	[sflag:s23] =	ssyncset.done $0x0  }
0x346: {  	[sflag:s23] =	ssyncadd.s32 $0xFFFFD800  }
0x347: {  	[bflag:$0x0] =	sbarrier.arrive $0xFFFF  }
0x348: {  	s23 =	rddreg [dreg:$0x15]  }
0x349: {  	[tilespmem:s17], [sflag:$0xF] =	stream.linear.gather [spmem:s23], $0x2800, $0x38;
	[tilespmem:$0x1FE80] =	vst v63  }
0x34a: {  	_ =	swait.ge [sflag:s24], $0x2800  }
0x34b: {  	[sflag:s24] =	ssyncset.done $0x0  }
0x34c: {  	s5 =	rddreg [dreg:$0x11];
	[sflag:s24] =	ssyncadd.s32 $0xFFFFD800  }
0x34d: {  	[hbm4b:s5+s30] =	stream.linear.scatter [tilespmem:s17], [sflag:$0xE], $0x2800, $0x38;
	[tilespmem:$0x1FE80] =	vst v63  }
0x34e: {  	_ =	swait.ge [sflag:s16], $0x2800  }
0x34f: {  	[sflag:s16] =	ssyncset.done $0x0  }
0x350: {  	[sflag:s16] =	ssyncadd.s32 $0xFFFFD800  }
0x351: {  	[tilespmem:s17], [sflag:$0xF] =	stream.linear.gather [spmem:s28], $0x2800, $0x38;
	[tilespmem:$0x1FE80] =	vst v63  }
0x352: {  	_ =	swait.ge [sflag:s24], $0x2800  }
0x353: {  	[sflag:s24] =	ssyncset.done $0x0  }
0x354: {  	s12 =	rddreg [dreg:$0x12];
	[sflag:s24] =	ssyncadd.s32 $0xFFFFD800  }
0x355: {  	[hbm4b:s12+s30] =	stream.linear.scatter [tilespmem:s17], [sflag:$0xE], $0x2800, $0x38;
	[tilespmem:$0x1FE80] =	vst v63  }
0x356: {  	_ =	swait.ge [sflag:s16], $0x2800  }
0x357: {  	[sflag:s16] =	ssyncset.done $0x0  }
0x358: {  	[sflag:s16] =	ssyncadd.s32 $0xFFFFD800  }
0x359: {  	[tilespmem:s17], [sflag:$0xF] =	stream.linear.gather [spmem:s10], $0x2800, $0x38;
	[tilespmem:$0x1FE80] =	vst v63  }
0x35a: {  	_ =	swait.ge [sflag:s24], $0x2800  }
0x35b: {  	[sflag:s24] =	ssyncset.done $0x0  }
0x35c: {  	s13 =	rddreg [dreg:$0x16];
	[sflag:s24] =	ssyncadd.s32 $0xFFFFD800  }
0x35d: {  	[hbm4b:s13+s30] =	stream.linear.scatter [tilespmem:s17], [sflag:$0xE], $0x2800, $0x38;
	[tilespmem:$0x1FE80] =	vst v63  }
0x35e: {  	_ =	swait.ge [sflag:s16], $0x2800  }
0x35f: {  	[sflag:s16] =	ssyncset.done $0x0  }
0x360: {  	[sflag:s16] =	ssyncadd.s32 $0xFFFFD800  }
0x361: {  	[tilespmem:s17], [sflag:$0xF] =	stream.linear.gather [spmem:s19], $0x2800, $0x38;
	[tilespmem:$0x1FE80] =	vst v63  }
0x362: {  	_ =	swait.ge [sflag:s24], $0x2800  }
0x363: {  	[sflag:s24] =	ssyncset.done $0x0  }
0x364: {  	s14 =	rddreg [dreg:$0x17];
	[sflag:s24] =	ssyncadd.s32 $0xFFFFD800  }
0x365: {  	[hbm4b:s14+s30] =	stream.linear.scatter [tilespmem:s17], [sflag:$0xE], $0x2800, $0x38;
	[tilespmem:$0x1FE80] =	vst v63  }
0x366: {  	_ =	swait.ge [sflag:s16], $0x2800  }
0x367: {  	[sflag:s16] =	ssyncset.done $0x0  }
0x368: {  	[sflag:s16] =	ssyncadd.s32 $0xFFFFD800  }
0x369: {  	[tilespmem:s17], [sflag:$0xF] =	stream.linear.gather [spmem:s29], $0x2800, $0x38;
	[tilespmem:$0x1FE80] =	vst v63  }
0x36a: {  	_ =	swait.ge [sflag:s24], $0x2800  }
0x36b: {  	[sflag:s24] =	ssyncset.done $0x0  }
0x36c: {  	s21 =	rddreg [dreg:$0x18];
	[sflag:s24] =	ssyncadd.s32 $0xFFFFD800  }
0x36d: {  	[hbm4b:s21+s30] =	stream.linear.scatter [tilespmem:s17], [sflag:$0xE], $0x2800, $0x38;
	[tilespmem:$0x1FE80] =	vst v63  }
0x36e: {  	_ =	swait.ge [sflag:s16], $0x2800  }
0x36f: {  	[sflag:s16] =	ssyncset.done $0x0  }
0x370: {  	s0 =	simm.s32 @!p0 $0x14280;
	s5 =	simm.s32 @!p0 $0xF;
	[sflag:s16] =	ssyncadd.s32 $0xFFFFD800  }
0x371: {  	[tilespmem:s0], [sflag:$0xF] =	stream.linear.gather @!p0 [spmem:s6], $0x2800, $0x38;
	[tilespmem:$0x1FE80] =	vst v63  }
0x372: {  	_ =	swait.ge @!p0 [sflag:s5], $0x2800  }
0x373: {  	s12 =	simm.s32 @!p0 $0x0;
	[sflag:s5] =	ssyncset.done @!p0 $0x0  }
0x374: {  	s21 =	simm.s32 @!p0 $0xE;
	s13 =	rddreg [dreg:$0x19];
	[sflag:s5] =	ssyncadd.s32 @!p0 $0xFFFFD800  }
0x375: {  	[hbm4b:s13+s12] =	stream.linear.scatter @!p0 [tilespmem:s0], [sflag:$0xE], $0x2800, $0x38;
	[tilespmem:$0x1FE80] =	vst v63  }
0x376: {  	_ =	swait.ge @!p0 [sflag:s21], $0x2800  }
0x377: {  	[sflag:s21] =	ssyncset.done @!p0 $0x0;
	s13 =	rddreg [dreg:$0x1a]  }
0x378: {  	[sflag:s21] =	ssyncadd.s32 @!p0 $0xFFFFD800;
	s22 =	sadd.s32 @!p0 s13, s3  }
0x379: {  	[tilespmem:s0], [sflag:$0xF] =	stream.linear.gather @!p0 [spmem:s22], $0x2800, $0x38;
	[tilespmem:$0x1FE80] =	vst v63  }
0x37a: {  	_ =	swait.ge @!p0 [sflag:s5], $0x2800  }
0x37b: {  	s14 =	rddreg [dreg:$0x14]  }
0x37c: {  	s22 =	sadd.s32 @!p0 s14, s13  }
0x37d: {  	[sflag:s5] =	ssyncset.done @!p0 $0x0;
	s13 =	rddreg [dreg:$0x13];
	s22 =	sshrl.u32 @!p0 s22, $0x3  }
0x37e: {  	[sflag:s5] =	ssyncadd.s32 @!p0 $0xFFFFD800;
	s22 =	sadd.s32 @!p0 s13, s22  }
0x37f: {  	[hbm4b:s22+s12] =	stream.linear.scatter @!p0 [tilespmem:s0], [sflag:$0xE], $0x2800, $0x38;
	[tilespmem:$0x1FE80] =	vst v63  }
0x380: {  	_ =	swait.ge @!p0 [sflag:s21], $0x2800  }
0x381: {  	[sflag:s21] =	ssyncset.done @!p0 $0x0;
	s31 =	rddreg [dreg:$0x1b]  }
0x382: {  	[sflag:s21] =	ssyncadd.s32 @!p0 $0xFFFFD800;
	s22 =	sadd.s32 @!p0 s31, s3  }
0x383: {  	[tilespmem:s0], [sflag:$0xF] =	stream.linear.gather @!p0 [spmem:s22], $0x2800, $0x38;
	[tilespmem:$0x1FE80] =	vst v63  }
0x384: {  	s22 =	sadd.s32 @!p0 s14, s31;
	_ =	swait.ge @!p0 [sflag:s5], $0x2800  }
0x385: {  	s22 =	sshrl.u32 @!p0 s22, $0x3;
	[sflag:s5] =	ssyncset.done @!p0 $0x0  }
0x386: {  	[sflag:s5] =	ssyncadd.s32 @!p0 $0xFFFFD800;
	s5 =	sadd.s32 @!p0 s13, s22  }
0x387: {  	[hbm4b:s5+s12] =	stream.linear.scatter @!p0 [tilespmem:s0], [sflag:$0xE], $0x2800, $0x38;
	[tilespmem:$0x1FE80] =	vst v63  }
0x388: {  	_ =	swait.ge @!p0 [sflag:s21], $0x2800  }
0x389: {  	s11 =	sadd.s32 $0x1, s11;
	s22 =	rddreg [dreg:$0xe]  }
0x38a: {  	p1 =	sne.s32 s11, s22  }
.Ltmp7:
0x38b: {  	_ = 	snop;
	(pc) =	sbr.rel @p1 .LBB2_1-.Ltmp7, $3  }
0x38c: {  	_ =	sdelay $0x1  }
0x38d: {  	[sflag:s21] =	ssyncset.done @!p0 $0x0  }
0x38e: {  	s31 =	simm.s32 $0x16A80;
	[sflag:s21] =	ssyncadd.s32 @!p0 $0xFFFFD800  }
0x38f: {  	_ =	sfence.sel $0x180000  }
0x390: {  	[bflag:$0x0] =	sbarrier.arrive $0xFFFF  }
0x391: {  	_ =	strace $0x9000004A  }
0x392: {  	s0 =	stileid.u32;
	[bflag:$0x2] =	sbarrier.arrive $0xFFFF  }
0x393: {  	p0 =	sne.s32 s0, $0x0;
	s0 =	rddreg [dreg:$0x5]  }
0x394: {  	s0 =	sadd.s32 @!p0 $0x100000, s0  }
0x395: {  	[sflag:s0] =	ssyncadd.tile.s32 @!p0 $0x1;
	_ =	shalt  }
.Lfunc_end2:
_tile_overlayer_lowered:
.L_overlay_start_2:
0x396: {  	(tag) =	ssettag $0x2  }
0x397: {  	s0 =	rddreg [dreg:$0x0];
	s2 =	stileid.u32  }
0x398: {  	s1 =	rddreg [dreg:$0x1];
	p0 =	sne.s32 s2, $0x0  }
0x399: {  	s3 =	rddreg [dreg:$0x2];
	[bflag:$0x3] =	sbarrier.arrive $0xFFFF;
	s2 =	simm.s32 @!p0 $0x1C0E  }
0x39a: {  	[timem:s3], [sflag:s2] =	dma.local @!p0 [hbm:s0], s1  }
0x39b: {  	s0 =	simm.s32 @!p0 $0xE  }
0x39c: {  	_ =	swait.ge @!p0 [sflag:s0], s1  }
0x39d: {  	s1 =	ssub.s32 @!p0 $0x0, s1;
	[sflag:s0] =	ssyncset.done @!p0 $0x0  }
0x39e: {  	[sflag:s0] =	ssyncadd.s32 @!p0 s1  }
0x39f: {  	[bflag:$0x3] =	sbarrier.arrive $0xFFFF  }
0x3a0: {  	_ =	shalt  }

</sc_bundles>
